<compile_context>
chip_gen: v7x
topology: tpu7x:2x2x1
jax: 0.10.2.dev20260603
libtpu: 0.0.44.dev20260713+nightly
codegen_flags: <defaults>
</compile_context>

<pallas_src>
import functools

import jax
import jax.numpy as jnp
from jax import lax
from jax.experimental import pallas as pl
from jax.experimental.pallas import tpu as pltpu
from jax.experimental.pallas import tpu_sc as plsc

N_U = 5000
N_P = 5000
N = N_U + N_P
E = 320000
H = 128
EPS = 1e-5
HA = 144

NC = 2
NS = 16
NW = NC * NS
E2 = 2 * E
BE = 64
EP = 655360
NB = EP // (NW * BE)
CB = 32
NBUF = 4
DEPTH = 3
HW2 = 64
HC = 80
NB2 = EP // (NS * BE)
AGG_ROWS = 10112
ZROWS = AGG_ROWS // NS
ROWS_OUT = ZROWS


def _seg_sum_call(feat_split, src_r2, dst_r2, zeros_half, width, be=BE):
  out_type = [jax.ShapeDtypeStruct((NC, AGG_ROWS, width), jnp.float32)]
  scratch = (
      [pltpu.VMEM((CB, be), jnp.int32),
       pltpu.VMEM((CB, be), jnp.int32)]
      + [pltpu.VMEM((be, width), jnp.float32) for _ in range(NBUF)]
      + [pltpu.VMEM_SHARED((AGG_ROWS, width), jnp.float32),
         pltpu.VMEM_SHARED((AGG_ROWS, width), jnp.float32)]
      + [pltpu.SemaphoreType.DMA for _ in range(2 * NBUF)]
  )

  mesh = plsc.VectorSubcoreMesh(core_axis_name="c", subcore_axis_name="s",
                                num_cores=NC, num_subcores=NS)

  def body(fs_h, src_h, dst_h, zf_h, out_agg, sidx, didx, *rest):
    bufs = rest[:NBUF]
    xs = rest[NBUF]
    agg = rest[NBUF + 1]
    gsems = rest[NBUF + 2:NBUF + 2 + NBUF]
    ssems = rest[NBUF + 2 + NBUF:]
    c = lax.axis_index("c")
    s = lax.axis_index("s")

    pltpu.sync_copy(fs_h.at[c, pl.ds(s * ZROWS, ZROWS)],
                    xs.at[pl.ds(s * ZROWS, ZROWS)])
    pltpu.sync_copy(zf_h.at[pl.ds(s * ZROWS, ZROWS)],
                    agg.at[pl.ds(s * ZROWS, ZROWS)])
    plsc.subcore_barrier()

    def chunk(o, carry):
      pltpu.sync_copy(src_h.at[s, pl.ds(o * CB, CB)], sidx)
      pltpu.sync_copy(dst_h.at[s, pl.ds(o * CB, CB)], didx)
      gd = [None] * NBUF
      sd = [None] * NBUF
      for j in range(DEPTH):
        gd[j] = pltpu.async_copy(xs.at[sidx.at[j]], bufs[j], gsems[j])
      for j in range(CB):
        b = j % NBUF
        gd[b].wait()
        gd[b] = None
        jj = j + DEPTH
        if jj < CB:
          bb = jj % NBUF
          if sd[bb] is not None:
            sd[bb].wait()
            sd[bb] = None
          gd[bb] = pltpu.async_copy(xs.at[sidx.at[jj]], bufs[bb],
                                    gsems[bb])
        sd[b] = pltpu.async_copy(bufs[b], agg.at[didx.at[j]], ssems[b],
                                 add=True)
      for b in range(NBUF):
        if sd[b] is not None:
          sd[b].wait()
      return carry

    lax.fori_loop(0, EP // (NS * be) // CB, chunk, 0)
    plsc.subcore_barrier()

    pltpu.sync_copy(agg.at[pl.ds(s * ROWS_OUT, ROWS_OUT)],
                    out_agg.at[c, pl.ds(s * ROWS_OUT, ROWS_OUT)])

  fn = pl.kernel(body, out_type=out_type, mesh=mesh, scratch_types=scratch,
                 compiler_params=pltpu.CompilerParams(
                     use_tc_tiling_on_sc=False))
  return fn(feat_split, src_r2, dst_r2, zeros_half)[0]


def _enc_body(x_ref, wt_ref, b_ref, o_ref):
  o_ref[...] = jnp.maximum(
      jnp.dot(x_ref[0], wt_ref[0], preferred_element_type=jnp.float32)
      + b_ref[0], 0.0)[None]


def _encode(xs, wts, bs):
  return pl.pallas_call(
      _enc_body,
      grid=(2,),
      in_specs=[
          pl.BlockSpec((1, N_U, H), lambda g: (g, 0, 0)),
          pl.BlockSpec((1, H, H), lambda g: (g, 0, 0)),
          pl.BlockSpec((1, 1, H), lambda g: (g, 0, 0)),
      ],
      out_specs=pl.BlockSpec((1, N_U, H), lambda g: (g, 0, 0)),
      out_shape=jax.ShapeDtypeStruct((2, N_U, H), jnp.float32),
  )(xs, wts, bs)


def _mid_body(agg, cnt16, x_ref, wlt, bl, wrt, gs, be, o_ref):
  cnt = cnt16[:, :1]
  mean = agg[...] / jnp.maximum(cnt, 1.0)
  h = (jnp.dot(mean, wlt[...], preferred_element_type=jnp.float32) + bl[...]
       + jnp.dot(x_ref[...], wrt[...], preferred_element_type=jnp.float32))
  o_ref[...] = jnp.maximum(h * gs[...] + be[...], 0.0)


def _mid_layer(agg, cnt16, x, wlt, bl, wrt, gs, be):
  n = x.shape[0]
  args = (agg, cnt16, x, wlt, bl, wrt, gs, be)
  specs = [pl.BlockSpec(a.shape, lambda *_: tuple(0 for _ in a.shape))
           for a in args]
  return pl.pallas_call(
      _mid_body,
      in_specs=specs,
      out_specs=pl.BlockSpec((n, H), lambda *_: (0, 0)),
      out_shape=jax.ShapeDtypeStruct((n, H), jnp.float32),
  )(*args)


def _fin_body(agg, cnt16, h1, x0, wlt, bl, wrt, gs, be, wot, bo,
              o_ref):
  cnt = cnt16[:, :1]
  mean = agg[...] / jnp.maximum(cnt, 1.0)
  h = (jnp.dot(mean, wlt[...], preferred_element_type=jnp.float32) + bl[...]
       + jnp.dot(h1[...], wrt[...], preferred_element_type=jnp.float32))
  h = jnp.maximum(h * gs[...] + be[...], 0.0) + x0[...]
  o_ref[...] = jnp.dot(h, wot[...], preferred_element_type=jnp.float32) + bo[...]


def _fin_layer(agg, cnt16, h1, x0, wlt, bl, wrt, gs, be, wot, bo):
  args = (agg, cnt16, h1, x0, wlt, bl, wrt, gs, be, wot, bo)
  specs = [pl.BlockSpec(a.shape, lambda *_: tuple(0 for _ in a.shape))
           for a in args]
  return pl.pallas_call(
      _fin_body,
      in_specs=specs,
      out_specs=pl.BlockSpec((N_U, H), lambda *_: (0, 0)),
      out_shape=jax.ShapeDtypeStruct((N_U, H), jnp.float32),
  )(*args)


def _split_cols(feat, with_ones):
  fp = jnp.pad(feat, ((0, AGG_ROWS - N), (0, 0)))
  halves = fp.reshape(AGG_ROWS, NC, HW2).transpose(1, 0, 2)
  if not with_ones:
    return halves
  ones = (jnp.arange(AGG_ROWS) < N).astype(jnp.float32)[None, :, None]
  ones = jnp.broadcast_to(ones, (NC, AGG_ROWS, 1))
  zpad = jnp.zeros((NC, AGG_ROWS, HC - HW2 - 1), jnp.float32)
  return jnp.concatenate([halves, ones, zpad], axis=2)


def kernel(x_u, x_p, edge_index, W_u, b_u, W_p, b_p, W1_l, b1_l, W1_r, g1,
           be1, W2_l, b2_l, W2_r, g2, be2, W_out, b_out):
  s = 1.0 / jnp.sqrt(jnp.float32(1.0 + EPS))

  src = jnp.concatenate([edge_index[0], edge_index[1]]).astype(jnp.int32)
  dst = jnp.concatenate([edge_index[1], edge_index[0]]).astype(jnp.int32)
  pad = EP - E2
  src_p = jnp.concatenate([src, jnp.zeros((pad,), jnp.int32)])
  dst_p = jnp.concatenate([dst, jnp.full((pad,), N, jnp.int32)])
  src_r2 = src_p.reshape(NS, NB2, BE)
  dst_r2 = dst_p.reshape(NS, NB2, BE)
  zeros_cnt = jnp.zeros((AGG_ROWS, HC), jnp.float32)
  zeros_half = jnp.zeros((AGG_ROWS, HW2), jnp.float32)

  xs = jnp.stack([x_u, x_p])
  wts = jnp.stack([W_u.T, W_p.T])
  bs = jnp.stack([b_u[None], b_p[None]])
  x0 = _encode(xs, wts, bs).reshape(N, H)

  agg1 = _seg_sum_call(_split_cols(x0, True), src_r2, dst_r2, zeros_cnt,
                       width=HC)
  agg1f = jnp.concatenate([agg1[0, :N, :HW2], agg1[1, :N, :HW2]], axis=1)
  cnt16 = agg1[0, :, HW2:HW2 + 16]
  h1 = _mid_layer(agg1f, cnt16[:N], x0,
                  W1_l.T, b1_l[None], W1_r.T, (g1 * s)[None], be1[None])

  agg2 = _seg_sum_call(_split_cols(h1, False), src_r2, dst_r2, zeros_half,
                       width=HW2)
  agg2f = jnp.concatenate([agg2[0, :N_U], agg2[1, :N_U]], axis=1)
  wot = jnp.zeros((H, H), jnp.float32).at[:, 0].set(W_out[0])
  bo = jnp.zeros((1, H), jnp.float32).at[0, 0].set(b_out[0])
  out_full = _fin_layer(agg2f, cnt16[:N_U], h1[:N_U], x0[:N_U],
                        W2_l.T, b2_l[None], W2_r.T, (g2 * s)[None],
                        be2[None], wot, bo)
  return out_full[:, :1]

# --- scband reference (transcript-rebuilt; emitter-appended) ---
"""Pipeline reference for scband-bipartite-gnn-69904887709993 (READ-ONLY COPY).

The authoritative reference and input builder live on the scoring server;
editing this copy changes nothing except your own understanding.
"""

import jax, jax.numpy as jnp
import numpy as np

N_U = 5000
N_P = 5000
N = N_U + N_P
E = 320000
D_U = 128
D_P = 128
H = 128
OUT = 1
EPS = 1e-5


def setup_inputs(seed: int = 0):
    key = jax.random.key(seed)
    ks = jax.random.split(key, 16)
    s = 1.0 / np.sqrt(H)
    inp = {}
    inp["x_u"] = jax.random.normal(ks[0], (N_U, D_U), jnp.float32)
    inp["x_p"] = jax.random.normal(ks[1], (N_P, D_P), jnp.float32)
    inp["edge_index"] = jax.random.randint(ks[2], (2, E), 0, N)
    inp["W_u"] = jax.random.normal(ks[3], (H, D_U), jnp.float32) * (1.0 / np.sqrt(D_U))
    inp["b_u"] = jnp.zeros((H,), jnp.float32)
    inp["W_p"] = jax.random.normal(ks[4], (H, D_P), jnp.float32) * (1.0 / np.sqrt(D_P))
    inp["b_p"] = jnp.zeros((H,), jnp.float32)
    inp["W1_l"] = jax.random.normal(ks[5], (H, H), jnp.float32) * s
    inp["b1_l"] = jnp.zeros((H,), jnp.float32)
    inp["W1_r"] = jax.random.normal(ks[6], (H, H), jnp.float32) * s
    inp["g1"] = jnp.ones((H,), jnp.float32)
    inp["be1"] = jnp.zeros((H,), jnp.float32)
    inp["W2_l"] = jax.random.normal(ks[7], (H, H), jnp.float32) * s
    inp["b2_l"] = jnp.zeros((H,), jnp.float32)
    inp["W2_r"] = jax.random.normal(ks[8], (H, H), jnp.float32) * s
    inp["g2"] = jnp.ones((H,), jnp.float32)
    inp["be2"] = jnp.zeros((H,), jnp.float32)
    inp["W_out"] = jax.random.normal(ks[9], (OUT, H), jnp.float32) * s
    inp["b_out"] = jnp.zeros((OUT,), jnp.float32)
    return inp


def _bn_eval(h, gamma, beta):
    # BatchNorm1d in eval mode with running_mean=0, running_var=1
    return h / jnp.sqrt(1.0 + EPS) * gamma + beta


def _sage(x, src, dst, W_l, b_l, W_r):
    # PyG SAGEConv: lin_l(mean_agg(neighbors)) + lin_r(x)
    msgs = x[src]
    agg = jax.ops.segment_sum(msgs, dst, num_segments=N)
    cnt = jax.ops.segment_sum(jnp.ones((src.shape[0],), jnp.float32), dst, num_segments=N)
    mean = agg / jnp.maximum(cnt, 1.0)[:, None]
    return mean @ W_l.T + b_l + x @ W_r.T


def reference(x_u, x_p, edge_index, W_u, b_u, W_p, b_p, W1_l, b1_l, W1_r, g1, be1, W2_l, b2_l, W2_r, g2, be2, W_out, b_out):
    x_u0 = jax.nn.relu(x_u @ W_u.T + b_u)
    x_p0 = jax.nn.relu(x_p @ W_p.T + b_p)
    x = jnp.concatenate([x_u0, x_p0], axis=0)
    # to_undirected: add reverse edges (coalescing of rare duplicates omitted)
    src = jnp.concatenate([edge_index[0], edge_index[1]])
    dst = jnp.concatenate([edge_index[1], edge_index[0]])
    h1 = _sage(x, src, dst, W1_l, b1_l, W1_r)
    h1 = jax.nn.relu(_bn_eval(h1, g1, be1))
    # dropout is identity in eval mode
    h2 = _sage(h1, src, dst, W2_l, b2_l, W2_r)
    h2 = jax.nn.relu(_bn_eval(h2, g2, be2))
    h2 = h2 + x
    out = h2[:N_U] @ W_out.T + b_out
    return out

if __name__ == "__main__":
    import jax
    _d = setup_inputs()
    print(jax.jit(kernel)(*tuple(_d.values())))

</pallas_src>

<mosaic_0001>
#map = affine_map<(d0, d1) -> (0, 0, 0)>
#map1 = affine_map<(d0, d1) -> (0, 0)>
module attributes {stable_mosaic.version = 14 : i64} {
  func.func @body(%arg0: i32, %arg1: i32, %arg2: memref<2x10112x64xf32, #tpu.memory_space<hbm>>, %arg3: memref<16x640x64xi32, #tpu.memory_space<hbm>>, %arg4: memref<16x640x64xi32, #tpu.memory_space<hbm>>, %arg5: memref<10112x64xf32, #tpu.memory_space<hbm>>, %arg6: memref<2x10112x64xf32, #tpu.memory_space<hbm>>, %arg7: memref<32x64xi32, #tpu.memory_space<vmem>>, %arg8: memref<32x64xi32, #tpu.memory_space<vmem>>, %arg9: memref<64x64xf32, #tpu.memory_space<vmem>>, %arg10: memref<64x64xf32, #tpu.memory_space<vmem>>, %arg11: memref<64x64xf32, #tpu.memory_space<vmem>>, %arg12: memref<64x64xf32, #tpu.memory_space<vmem>>, %arg13: memref<10112x64xf32, #tpu.memory_space<vmem_shared>>, %arg14: memref<10112x64xf32, #tpu.memory_space<vmem_shared>>, %arg15: memref<!tpu.dma_semaphore, #tpu.memory_space<semaphore_mem>>, %arg16: memref<!tpu.dma_semaphore, #tpu.memory_space<semaphore_mem>>, %arg17: memref<!tpu.dma_semaphore, #tpu.memory_space<semaphore_mem>>, %arg18: memref<!tpu.dma_semaphore, #tpu.memory_space<semaphore_mem>>, %arg19: memref<!tpu.dma_semaphore, #tpu.memory_space<semaphore_mem>>, %arg20: memref<!tpu.dma_semaphore, #tpu.memory_space<semaphore_mem>>, %arg21: memref<!tpu.dma_semaphore, #tpu.memory_space<semaphore_mem>>, %arg22: memref<!tpu.dma_semaphore, #tpu.memory_space<semaphore_mem>>) attributes {dimension_semantics = [#tpu.dimension_semantics<core_parallel>, #tpu.dimension_semantics<subcore_parallel>], iteration_bounds = array<i64: 2, 16>, scalar_prefetch = 0 : i64, scratch_operands = 16 : i64, tpu.core_type = #tpu.core_type<sc_vector_subcore>, window_params = [{transform_indices = #map}, {transform_indices = #map}, {transform_indices = #map}, {transform_indices = #map1}, {transform_indices = #map}]} {
    %mul3A = arith.constant 632 : i32
    %mul3A_0 = arith.muli %arg1, %mul3A : i32
    %mul3A_1 = arith.constant 632 : i32
    %mul3A_2 = arith.muli %arg1, %mul3A_1 : i32
    "tpu.region"() ({
      %run_scoped3A = tpu.sem_alloc : memref<!tpu.dma_semaphore, #tpu.memory_space<semaphore_mem>>
      %dma_start3A = arith.constant 0 : i32
      %dma_start3A_17 = tpu.memref_slice %arg13[%mul3A_2, %dma_start3A] : memref<10112x64xf32, #tpu.memory_space<vmem_shared>> -> memref<632x64xf32, #tpu.memory_space<vmem_shared>>
      %dma_start3A_18 = arith.constant 0 : i32
      %dma_start3A_19 = tpu.memref_slice %arg2[%arg0, %mul3A_0, %dma_start3A_18] : memref<2x10112x64xf32, #tpu.memory_space<hbm>> -> memref<1x632x64xf32, #tpu.memory_space<hbm>>
      %dma_start3A_20 = tpu.memref_squeeze %dma_start3A_19 : memref<1x632x64xf32, #tpu.memory_space<hbm>> -> memref<632x64xf32, #tpu.memory_space<hbm>>
      tpu.enqueue_dma source(%dma_start3A_20 : memref<632x64xf32, #tpu.memory_space<hbm>>) target(%dma_start3A_17 : memref<632x64xf32, #tpu.memory_space<vmem_shared>>) target_semaphore(%run_scoped3A : memref<!tpu.dma_semaphore, #tpu.memory_space<semaphore_mem>>)
      %dma_wait3A = arith.constant 0 : i32
      %dma_wait3A_21 = tpu.memref_slice %arg13[%mul3A_2, %dma_wait3A] : memref<10112x64xf32, #tpu.memory_space<vmem_shared>> -> memref<632x64xf32, #tpu.memory_space<vmem_shared>>
      %dma_wait3A_22 = arith.constant 0 : i32
      %dma_wait3A_23 = tpu.memref_slice %arg2[%arg0, %mul3A_0, %dma_wait3A_22] : memref<2x10112x64xf32, #tpu.memory_space<hbm>> -> memref<1x632x64xf32, #tpu.memory_space<hbm>>
      %dma_wait3A_24 = tpu.memref_squeeze %dma_wait3A_23 : memref<1x632x64xf32, #tpu.memory_space<hbm>> -> memref<632x64xf32, #tpu.memory_space<hbm>>
      tpu.wait_dma2 semaphore(%run_scoped3A : memref<!tpu.dma_semaphore, #tpu.memory_space<semaphore_mem>>) src(%dma_wait3A_24 : memref<632x64xf32, #tpu.memory_space<hbm>>) dst(%dma_wait3A_21 : memref<632x64xf32, #tpu.memory_space<vmem_shared>>)
      tpu.yield
    }) : () -> ()
    %mul3A_3 = arith.constant 632 : i32
    %mul3A_4 = arith.muli %arg1, %mul3A_3 : i32
    %mul3A_5 = arith.constant 632 : i32
    %mul3A_6 = arith.muli %arg1, %mul3A_5 : i32
    "tpu.region"() ({
      %run_scoped3A = tpu.sem_alloc : memref<!tpu.dma_semaphore, #tpu.memory_space<semaphore_mem>>
      %dma_start3A = arith.constant 0 : i32
      %dma_start3A_17 = tpu.memref_slice %arg14[%mul3A_6, %dma_start3A] : memref<10112x64xf32, #tpu.memory_space<vmem_shared>> -> memref<632x64xf32, #tpu.memory_space<vmem_shared>>
      %dma_start3A_18 = arith.constant 0 : i32
      %dma_start3A_19 = tpu.memref_slice %arg5[%mul3A_4, %dma_start3A_18] : memref<10112x64xf32, #tpu.memory_space<hbm>> -> memref<632x64xf32, #tpu.memory_space<hbm>>
      tpu.enqueue_dma source(%dma_start3A_19 : memref<632x64xf32, #tpu.memory_space<hbm>>) target(%dma_start3A_17 : memref<632x64xf32, #tpu.memory_space<vmem_shared>>) target_semaphore(%run_scoped3A : memref<!tpu.dma_semaphore, #tpu.memory_space<semaphore_mem>>)
      %dma_wait3A = arith.constant 0 : i32
      %dma_wait3A_20 = tpu.memref_slice %arg14[%mul3A_6, %dma_wait3A] : memref<10112x64xf32, #tpu.memory_space<vmem_shared>> -> memref<632x64xf32, #tpu.memory_space<vmem_shared>>
      %dma_wait3A_21 = arith.constant 0 : i32
      %dma_wait3A_22 = tpu.memref_slice %arg5[%mul3A_4, %dma_wait3A_21] : memref<10112x64xf32, #tpu.memory_space<hbm>> -> memref<632x64xf32, #tpu.memory_space<hbm>>
      tpu.wait_dma2 semaphore(%run_scoped3A : memref<!tpu.dma_semaphore, #tpu.memory_space<semaphore_mem>>) src(%dma_wait3A_22 : memref<632x64xf32, #tpu.memory_space<hbm>>) dst(%dma_wait3A_20 : memref<632x64xf32, #tpu.memory_space<vmem_shared>>)
      tpu.yield
    }) : () -> ()
    %barrier3A = arith.constant 0 : index
    tpu.barrier barrier_id(%barrier3A)
    %scan3A = arith.constant 0 : i32
    %scan3A_7 = arith.constant 0 : i32
    %scan3A_8 = arith.constant 20 : i32
    %scan3A_9 = arith.addi %scan3A_7, %scan3A_8 : i32
    %scan3A_10 = arith.constant 1 : i32
    scf.for %scan3A_17 = %scan3A_7 to %scan3A_9 step %scan3A_10  : i32 {
      %mul3A_18 = arith.constant 32 : i32
      %mul3A_19 = arith.muli %scan3A_17, %mul3A_18 : i32
      "tpu.region"() ({
        %run_scoped3A = tpu.sem_alloc : memref<!tpu.dma_semaphore, #tpu.memory_space<semaphore_mem>>
        %dma_start3A_916 = arith.constant 0 : i32
        %dma_start3A_917 = tpu.memref_slice %arg3[%arg1, %mul3A_19, %dma_start3A_916] : memref<16x640x64xi32, #tpu.memory_space<hbm>> -> memref<1x32x64xi32, #tpu.memory_space<hbm>>
        %dma_start3A_918 = tpu.memref_squeeze %dma_start3A_917 : memref<1x32x64xi32, #tpu.memory_space<hbm>> -> memref<32x64xi32, #tpu.memory_space<hbm>>
        %dma_start3A_919 = arith.constant 0 : i32
        %dma_start3A_920 = tpu.memref_slice %arg3[%arg1, %mul3A_19, %dma_start3A_919] : memref<16x640x64xi32, #tpu.memory_space<hbm>> -> memref<1x32x64xi32, #tpu.memory_space<hbm>>
        %dma_start3A_921 = tpu.memref_squeeze %dma_start3A_920 : memref<1x32x64xi32, #tpu.memory_space<hbm>> -> memref<32x64xi32, #tpu.memory_space<hbm>>
        tpu.enqueue_dma source(%dma_start3A_921 : memref<32x64xi32, #tpu.memory_space<hbm>>) target(%arg7 : memref<32x64xi32, #tpu.memory_space<vmem>>) target_semaphore(%run_scoped3A : memref<!tpu.dma_semaphore, #tpu.memory_space<semaphore_mem>>)
        %dma_wait3A_922 = arith.constant 0 : i32
        %dma_wait3A_923 = tpu.memref_slice %arg3[%arg1, %mul3A_19, %dma_wait3A_922] : memref<16x640x64xi32, #tpu.memory_space<hbm>> -> memref<1x32x64xi32, #tpu.memory_space<hbm>>
        %dma_wait3A_924 = tpu.memref_squeeze %dma_wait3A_923 : memref<1x32x64xi32, #tpu.memory_space<hbm>> -> memref<32x64xi32, #tpu.memory_space<hbm>>
        %dma_wait3A_925 = arith.constant 0 : i32
        %dma_wait3A_926 = tpu.memref_slice %arg3[%arg1, %mul3A_19, %dma_wait3A_925] : memref<16x640x64xi32, #tpu.memory_space<hbm>> -> memref<1x32x64xi32, #tpu.memory_space<hbm>>
        %dma_wait3A_927 = tpu.memref_squeeze %dma_wait3A_926 : memref<1x32x64xi32, #tpu.memory_space<hbm>> -> memref<32x64xi32, #tpu.memory_space<hbm>>
        tpu.wait_dma2 semaphore(%run_scoped3A : memref<!tpu.dma_semaphore, #tpu.memory_space<semaphore_mem>>) src(%dma_wait3A_927 : memref<32x64xi32, #tpu.memory_space<hbm>>) dst(%arg7 : memref<32x64xi32, #tpu.memory_space<vmem>>)
        tpu.yield
      }) : () -> ()
      %mul3A_20 = arith.constant 32 : i32
      %mul3A_21 = arith.muli %scan3A_17, %mul3A_20 : i32
      "tpu.region"() ({
        %run_scoped3A = tpu.sem_alloc : memref<!tpu.dma_semaphore, #tpu.memory_space<semaphore_mem>>
        %dma_start3A_916 = arith.constant 0 : i32
        %dma_start3A_917 = tpu.memref_slice %arg4[%arg1, %mul3A_21, %dma_start3A_916] : memref<16x640x64xi32, #tpu.memory_space<hbm>> -> memref<1x32x64xi32, #tpu.memory_space<hbm>>
        %dma_start3A_918 = tpu.memref_squeeze %dma_start3A_917 : memref<1x32x64xi32, #tpu.memory_space<hbm>> -> memref<32x64xi32, #tpu.memory_space<hbm>>
        %dma_start3A_919 = arith.constant 0 : i32
        %dma_start3A_920 = tpu.memref_slice %arg4[%arg1, %mul3A_21, %dma_start3A_919] : memref<16x640x64xi32, #tpu.memory_space<hbm>> -> memref<1x32x64xi32, #tpu.memory_space<hbm>>
        %dma_start3A_921 = tpu.memref_squeeze %dma_start3A_920 : memref<1x32x64xi32, #tpu.memory_space<hbm>> -> memref<32x64xi32, #tpu.memory_space<hbm>>
        tpu.enqueue_dma source(%dma_start3A_921 : memref<32x64xi32, #tpu.memory_space<hbm>>) target(%arg8 : memref<32x64xi32, #tpu.memory_space<vmem>>) target_semaphore(%run_scoped3A : memref<!tpu.dma_semaphore, #tpu.memory_space<semaphore_mem>>)
        %dma_wait3A_922 = arith.constant 0 : i32
        %dma_wait3A_923 = tpu.memref_slice %arg4[%arg1, %mul3A_21, %dma_wait3A_922] : memref<16x640x64xi32, #tpu.memory_space<hbm>> -> memref<1x32x64xi32, #tpu.memory_space<hbm>>
        %dma_wait3A_924 = tpu.memref_squeeze %dma_wait3A_923 : memref<1x32x64xi32, #tpu.memory_space<hbm>> -> memref<32x64xi32, #tpu.memory_space<hbm>>
        %dma_wait3A_925 = arith.constant 0 : i32
        %dma_wait3A_926 = tpu.memref_slice %arg4[%arg1, %mul3A_21, %dma_wait3A_925] : memref<16x640x64xi32, #tpu.memory_space<hbm>> -> memref<1x32x64xi32, #tpu.memory_space<hbm>>
        %dma_wait3A_927 = tpu.memref_squeeze %dma_wait3A_926 : memref<1x32x64xi32, #tpu.memory_space<hbm>> -> memref<32x64xi32, #tpu.memory_space<hbm>>
        tpu.wait_dma2 semaphore(%run_scoped3A : memref<!tpu.dma_semaphore, #tpu.memory_space<semaphore_mem>>) src(%dma_wait3A_927 : memref<32x64xi32, #tpu.memory_space<hbm>>) dst(%arg8 : memref<32x64xi32, #tpu.memory_space<vmem>>)
        tpu.yield
      }) : () -> ()
      %dma_start3A = arith.constant 0 : i32
      %dma_start3A_22 = arith.constant 0 : i32
      %dma_start3A_23 = tpu.memref_slice %arg7[%dma_start3A, %dma_start3A_22] : memref<32x64xi32, #tpu.memory_space<vmem>> -> memref<1x64xi32, #tpu.memory_space<vmem>>
      %dma_start3A_24 = tpu.memref_squeeze %dma_start3A_23 : memref<1x64xi32, #tpu.memory_space<vmem>> -> memref<64xi32, #tpu.memory_space<vmem>>
      %dma_start3A_25 = arith.constant 0 : i32
      %dma_start3A_26 = arith.constant 0 : i32
      %dma_start3A_27 = tpu.memref_slice %arg13[%dma_start3A_25, %dma_start3A_26] : memref<10112x64xf32, #tpu.memory_space<vmem_shared>> -> memref<10112x64xf32, #tpu.memory_space<vmem_shared>>
      tpu.enqueue_indirect_dma source(%dma_start3A_27 : memref<10112x64xf32, #tpu.memory_space<vmem_shared>>) target(%arg9 : memref<64x64xf32, #tpu.memory_space<vmem>>) offsets(%dma_start3A_24 : memref<64xi32, #tpu.memory_space<vmem>>) semaphore(%arg15 : memref<!tpu.dma_semaphore, #tpu.memory_space<semaphore_mem>>)
      %dma_start3A_28 = arith.constant 1 : i32
      %dma_start3A_29 = arith.constant 0 : i32
      %dma_start3A_30 = tpu.memref_slice %arg7[%dma_start3A_28, %dma_start3A_29] : memref<32x64xi32, #tpu.memory_space<vmem>> -> memref<1x64xi32, #tpu.memory_space<vmem>>
      %dma_start3A_31 = tpu.memref_squeeze %dma_start3A_30 : memref<1x64xi32, #tpu.memory_space<vmem>> -> memref<64xi32, #tpu.memory_space<vmem>>
      %dma_start3A_32 = arith.constant 0 : i32
      %dma_start3A_33 = arith.constant 0 : i32
      %dma_start3A_34 = tpu.memref_slice %arg13[%dma_start3A_32, %dma_start3A_33] : memref<10112x64xf32, #tpu.memory_space<vmem_shared>> -> memref<10112x64xf32, #tpu.memory_space<vmem_shared>>
      tpu.enqueue_indirect_dma source(%dma_start3A_34 : memref<10112x64xf32, #tpu.memory_space<vmem_shared>>) target(%arg10 : memref<64x64xf32, #tpu.memory_space<vmem>>) offsets(%dma_start3A_31 : memref<64xi32, #tpu.memory_space<vmem>>) semaphore(%arg16 : memref<!tpu.dma_semaphore, #tpu.memory_space<semaphore_mem>>)
      %dma_start3A_35 = arith.constant 2 : i32
      %dma_start3A_36 = arith.constant 0 : i32
      %dma_start3A_37 = tpu.memref_slice %arg7[%dma_start3A_35, %dma_start3A_36] : memref<32x64xi32, #tpu.memory_space<vmem>> -> memref<1x64xi32, #tpu.memory_space<vmem>>
      %dma_start3A_38 = tpu.memref_squeeze %dma_start3A_37 : memref<1x64xi32, #tpu.memory_space<vmem>> -> memref<64xi32, #tpu.memory_space<vmem>>
      %dma_start3A_39 = arith.constant 0 : i32
      %dma_start3A_40 = arith.constant 0 : i32
      %dma_start3A_41 = tpu.memref_slice %arg13[%dma_start3A_39, %dma_start3A_40] : memref<10112x64xf32, #tpu.memory_space<vmem_shared>> -> memref<10112x64xf32, #tpu.memory_space<vmem_shared>>
      tpu.enqueue_indirect_dma source(%dma_start3A_41 : memref<10112x64xf32, #tpu.memory_space<vmem_shared>>) target(%arg11 : memref<64x64xf32, #tpu.memory_space<vmem>>) offsets(%dma_start3A_38 : memref<64xi32, #tpu.memory_space<vmem>>) semaphore(%arg17 : memref<!tpu.dma_semaphore, #tpu.memory_space<semaphore_mem>>)
      %dma_wait3A = arith.constant 0 : i32
      %dma_wait3A_42 = arith.constant 0 : i32
      %dma_wait3A_43 = tpu.memref_slice %arg7[%dma_wait3A, %dma_wait3A_42] : memref<32x64xi32, #tpu.memory_space<vmem>> -> memref<1x64xi32, #tpu.memory_space<vmem>>
      %dma_wait3A_44 = tpu.memref_squeeze %dma_wait3A_43 : memref<1x64xi32, #tpu.memory_space<vmem>> -> memref<64xi32, #tpu.memory_space<vmem>>
      %dma_wait3A_45 = arith.constant 0 : i32
      %dma_wait3A_46 = arith.constant 0 : i32
      %dma_wait3A_47 = tpu.memref_slice %arg13[%dma_wait3A_45, %dma_wait3A_46] : memref<10112x64xf32, #tpu.memory_space<vmem_shared>> -> memref<10112x64xf32, #tpu.memory_space<vmem_shared>>
      tpu.wait_indirect_dma semaphore(%arg15 : memref<!tpu.dma_semaphore, #tpu.memory_space<semaphore_mem>>) src(%dma_wait3A_47 : memref<10112x64xf32, #tpu.memory_space<vmem_shared>>) dst(%arg9 : memref<64x64xf32, #tpu.memory_space<vmem>>)
      %dma_start3A_48 = arith.constant 3 : i32
      %dma_start3A_49 = arith.constant 0 : i32
      %dma_start3A_50 = tpu.memref_slice %arg7[%dma_start3A_48, %dma_start3A_49] : memref<32x64xi32, #tpu.memory_space<vmem>> -> memref<1x64xi32, #tpu.memory_space<vmem>>
      %dma_start3A_51 = tpu.memref_squeeze %dma_start3A_50 : memref<1x64xi32, #tpu.memory_space<vmem>> -> memref<64xi32, #tpu.memory_space<vmem>>
      %dma_start3A_52 = arith.constant 0 : i32
      %dma_start3A_53 = arith.constant 0 : i32
      %dma_start3A_54 = tpu.memref_slice %arg13[%dma_start3A_52, %dma_start3A_53] : memref<10112x64xf32, #tpu.memory_space<vmem_shared>> -> memref<10112x64xf32, #tpu.memory_space<vmem_shared>>
      tpu.enqueue_indirect_dma source(%dma_start3A_54 : memref<10112x64xf32, #tpu.memory_space<vmem_shared>>) target(%arg12 : memref<64x64xf32, #tpu.memory_space<vmem>>) offsets(%dma_start3A_51 : memref<64xi32, #tpu.memory_space<vmem>>) semaphore(%arg18 : memref<!tpu.dma_semaphore, #tpu.memory_space<semaphore_mem>>)
      %dma_start3A_55 = arith.constant 0 : i32
      %dma_start3A_56 = arith.constant 0 : i32
      %dma_start3A_57 = tpu.memref_slice %arg8[%dma_start3A_55, %dma_start3A_56] : memref<32x64xi32, #tpu.memory_space<vmem>> -> memref<1x64xi32, #tpu.memory_space<vmem>>
      %dma_start3A_58 = tpu.memref_squeeze %dma_start3A_57 : memref<1x64xi32, #tpu.memory_space<vmem>> -> memref<64xi32, #tpu.memory_space<vmem>>
      %dma_start3A_59 = arith.constant 0 : i32
      %dma_start3A_60 = arith.constant 0 : i32
      %dma_start3A_61 = tpu.memref_slice %arg14[%dma_start3A_59, %dma_start3A_60] : memref<10112x64xf32, #tpu.memory_space<vmem_shared>> -> memref<10112x64xf32, #tpu.memory_space<vmem_shared>>
      tpu.enqueue_indirect_dma source(%arg9 : memref<64x64xf32, #tpu.memory_space<vmem>>) target(%dma_start3A_61 : memref<10112x64xf32, #tpu.memory_space<vmem_shared>>) offsets(%dma_start3A_58 : memref<64xi32, #tpu.memory_space<vmem>>) semaphore(%arg19 : memref<!tpu.dma_semaphore, #tpu.memory_space<semaphore_mem>>) {add = true}
      %dma_wait3A_62 = arith.constant 1 : i32
      %dma_wait3A_63 = arith.constant 0 : i32
      %dma_wait3A_64 = tpu.memref_slice %arg7[%dma_wait3A_62, %dma_wait3A_63] : memref<32x64xi32, #tpu.memory_space<vmem>> -> memref<1x64xi32, #tpu.memory_space<vmem>>
      %dma_wait3A_65 = tpu.memref_squeeze %dma_wait3A_64 : memref<1x64xi32, #tpu.memory_space<vmem>> -> memref<64xi32, #tpu.memory_space<vmem>>
      %dma_wait3A_66 = arith.constant 0 : i32
      %dma_wait3A_67 = arith.constant 0 : i32
      %dma_wait3A_68 = tpu.memref_slice %arg13[%dma_wait3A_66, %dma_wait3A_67] : memref<10112x64xf32, #tpu.memory_space<vmem_shared>> -> memref<10112x64xf32, #tpu.memory_space<vmem_shared>>
      tpu.wait_indirect_dma semaphore(%arg16 : memref<!tpu.dma_semaphore, #tpu.memory_space<semaphore_mem>>) src(%dma_wait3A_68 : memref<10112x64xf32, #tpu.memory_space<vmem_shared>>) dst(%arg10 : memref<64x64xf32, #tpu.memory_space<vmem>>)
      %dma_wait3A_69 = arith.constant 0 : i32
      %dma_wait3A_70 = arith.constant 0 : i32
      %dma_wait3A_71 = tpu.memref_slice %arg8[%dma_wait3A_69, %dma_wait3A_70] : memref<32x64xi32, #tpu.memory_space<vmem>> -> memref<1x64xi32, #tpu.memory_space<vmem>>
      %dma_wait3A_72 = tpu.memref_squeeze %dma_wait3A_71 : memref<1x64xi32, #tpu.memory_space<vmem>> -> memref<64xi32, #tpu.memory_space<vmem>>
      %dma_wait3A_73 = arith.constant 0 : i32
      %dma_wait3A_74 = arith.constant 0 : i32
      %dma_wait3A_75 = tpu.memref_slice %arg14[%dma_wait3A_73, %dma_wait3A_74] : memref<10112x64xf32, #tpu.memory_space<vmem_shared>> -> memref<10112x64xf32, #tpu.memory_space<vmem_shared>>
      tpu.wait_indirect_dma semaphore(%arg19 : memref<!tpu.dma_semaphore, #tpu.memory_space<semaphore_mem>>) src(%arg9 : memref<64x64xf32, #tpu.memory_space<vmem>>) dst(%dma_wait3A_75 : memref<10112x64xf32, #tpu.memory_space<vmem_shared>>)
      %dma_start3A_76 = arith.constant 4 : i32
      %dma_start3A_77 = arith.constant 0 : i32
      %dma_start3A_78 = tpu.memref_slice %arg7[%dma_start3A_76, %dma_start3A_77] : memref<32x64xi32, #tpu.memory_space<vmem>> -> memref<1x64xi32, #tpu.memory_space<vmem>>
      %dma_start3A_79 = tpu.memref_squeeze %dma_start3A_78 : memref<1x64xi32, #tpu.memory_space<vmem>> -> memref<64xi32, #tpu.memory_space<vmem>>
      %dma_start3A_80 = arith.constant 0 : i32
      %dma_start3A_81 = arith.constant 0 : i32
      %dma_start3A_82 = tpu.memref_slice %arg13[%dma_start3A_80, %dma_start3A_81] : memref<10112x64xf32, #tpu.memory_space<vmem_shared>> -> memref<10112x64xf32, #tpu.memory_space<vmem_shared>>
      tpu.enqueue_indirect_dma source(%dma_start3A_82 : memref<10112x64xf32, #tpu.memory_space<vmem_shared>>) target(%arg9 : memref<64x64xf32, #tpu.memory_space<vmem>>) offsets(%dma_start3A_79 : memref<64xi32, #tpu.memory_space<vmem>>) semaphore(%arg15 : memref<!tpu.dma_semaphore, #tpu.memory_space<semaphore_mem>>)
      %dma_start3A_83 = arith.constant 1 : i32
      %dma_start3A_84 = arith.constant 0 : i32
      %dma_start3A_85 = tpu.memref_slice %arg8[%dma_start3A_83, %dma_start3A_84] : memref<32x64xi32, #tpu.memory_space<vmem>> -> memref<1x64xi32, #tpu.memory_space<vmem>>
      %dma_start3A_86 = tpu.memref_squeeze %dma_start3A_85 : memref<1x64xi32, #tpu.memory_space<vmem>> -> memref<64xi32, #tpu.memory_space<vmem>>
      %dma_start3A_87 = arith.constant 0 : i32
      %dma_start3A_88 = arith.constant 0 : i32
      %dma_start3A_89 = tpu.memref_slice %arg14[%dma_start3A_87, %dma_start3A_88] : memref<10112x64xf32, #tpu.memory_space<vmem_shared>> -> memref<10112x64xf32, #tpu.memory_space<vmem_shared>>
      tpu.enqueue_indirect_dma source(%arg10 : memref<64x64xf32, #tpu.memory_space<vmem>>) target(%dma_start3A_89 : memref<10112x64xf32, #tpu.memory_space<vmem_shared>>) offsets(%dma_start3A_86 : memref<64xi32, #tpu.memory_space<vmem>>) semaphore(%arg20 : memref<!tpu.dma_semaphore, #tpu.memory_space<semaphore_mem>>) {add = true}
      %dma_wait3A_90 = arith.constant 2 : i32
      %dma_wait3A_91 = arith.constant 0 : i32
      %dma_wait3A_92 = tpu.memref_slice %arg7[%dma_wait3A_90, %dma_wait3A_91] : memref<32x64xi32, #tpu.memory_space<vmem>> -> memref<1x64xi32, #tpu.memory_space<vmem>>
      %dma_wait3A_93 = tpu.memref_squeeze %dma_wait3A_92 : memref<1x64xi32, #tpu.memory_space<vmem>> -> memref<64xi32, #tpu.memory_space<vmem>>
      %dma_wait3A_94 = arith.constant 0 : i32
      %dma_wait3A_95 = arith.constant 0 : i32
      %dma_wait3A_96 = tpu.memref_slice %arg13[%dma_wait3A_94, %dma_wait3A_95] : memref<10112x64xf32, #tpu.memory_space<vmem_shared>> -> memref<10112x64xf32, #tpu.memory_space<vmem_shared>>
      tpu.wait_indirect_dma semaphore(%arg17 : memref<!tpu.dma_semaphore, #tpu.memory_space<semaphore_mem>>) src(%dma_wait3A_96 : memref<10112x64xf32, #tpu.memory_space<vmem_shared>>) dst(%arg11 : memref<64x64xf32, #tpu.memory_space<vmem>>)
      %dma_wait3A_97 = arith.constant 1 : i32
      %dma_wait3A_98 = arith.constant 0 : i32
      %dma_wait3A_99 = tpu.memref_slice %arg8[%dma_wait3A_97, %dma_wait3A_98] : memref<32x64xi32, #tpu.memory_space<vmem>> -> memref<1x64xi32, #tpu.memory_space<vmem>>
      %dma_wait3A_100 = tpu.memref_squeeze %dma_wait3A_99 : memref<1x64xi32, #tpu.memory_space<vmem>> -> memref<64xi32, #tpu.memory_space<vmem>>
      %dma_wait3A_101 = arith.constant 0 : i32
      %dma_wait3A_102 = arith.constant 0 : i32
      %dma_wait3A_103 = tpu.memref_slice %arg14[%dma_wait3A_101, %dma_wait3A_102] : memref<10112x64xf32, #tpu.memory_space<vmem_shared>> -> memref<10112x64xf32, #tpu.memory_space<vmem_shared>>
      tpu.wait_indirect_dma semaphore(%arg20 : memref<!tpu.dma_semaphore, #tpu.memory_space<semaphore_mem>>) src(%arg10 : memref<64x64xf32, #tpu.memory_space<vmem>>) dst(%dma_wait3A_103 : memref<10112x64xf32, #tpu.memory_space<vmem_shared>>)
      %dma_start3A_104 = arith.constant 5 : i32
      %dma_start3A_105 = arith.constant 0 : i32
      %dma_start3A_106 = tpu.memref_slice %arg7[%dma_start3A_104, %dma_start3A_105] : memref<32x64xi32, #tpu.memory_space<vmem>> -> memref<1x64xi32, #tpu.memory_space<vmem>>
      %dma_start3A_107 = tpu.memref_squeeze %dma_start3A_106 : memref<1x64xi32, #tpu.memory_space<vmem>> -> memref<64xi32, #tpu.memory_space<vmem>>
      %dma_start3A_108 = arith.constant 0 : i32
      %dma_start3A_109 = arith.constant 0 : i32
      %dma_start3A_110 = tpu.memref_slice %arg13[%dma_start3A_108, %dma_start3A_109] : memref<10112x64xf32, #tpu.memory_space<vmem_shared>> -> memref<10112x64xf32, #tpu.memory_space<vmem_shared>>
      tpu.enqueue_indirect_dma source(%dma_start3A_110 : memref<10112x64xf32, #tpu.memory_space<vmem_shared>>) target(%arg10 : memref<64x64xf32, #tpu.memory_space<vmem>>) offsets(%dma_start3A_107 : memref<64xi32, #tpu.memory_space<vmem>>) semaphore(%arg16 : memref<!tpu.dma_semaphore, #tpu.memory_space<semaphore_mem>>)
      %dma_start3A_111 = arith.constant 2 : i32
      %dma_start3A_112 = arith.constant 0 : i32
      %dma_start3A_113 = tpu.memref_slice %arg8[%dma_start3A_111, %dma_start3A_112] : memref<32x64xi32, #tpu.memory_space<vmem>> -> memref<1x64xi32, #tpu.memory_space<vmem>>
      %dma_start3A_114 = tpu.memref_squeeze %dma_start3A_113 : memref<1x64xi32, #tpu.memory_space<vmem>> -> memref<64xi32, #tpu.memory_space<vmem>>
      %dma_start3A_115 = arith.constant 0 : i32
      %dma_start3A_116 = arith.constant 0 : i32
      %dma_start3A_117 = tpu.memref_slice %arg14[%dma_start3A_115, %dma_start3A_116] : memref<10112x64xf32, #tpu.memory_space<vmem_shared>> -> memref<10112x64xf32, #tpu.memory_space<vmem_shared>>
      tpu.enqueue_indirect_dma source(%arg11 : memref<64x64xf32, #tpu.memory_space<vmem>>) target(%dma_start3A_117 : memref<10112x64xf32, #tpu.memory_space<vmem_shared>>) offsets(%dma_start3A_114 : memref<64xi32, #tpu.memory_space<vmem>>) semaphore(%arg21 : memref<!tpu.dma_semaphore, #tpu.memory_space<semaphore_mem>>) {add = true}
      %dma_wait3A_118 = arith.constant 3 : i32
      %dma_wait3A_119 = arith.constant 0 : i32
      %dma_wait3A_120 = tpu.memref_slice %arg7[%dma_wait3A_118, %dma_wait3A_119] : memref<32x64xi32, #tpu.memory_space<vmem>> -> memref<1x64xi32, #tpu.memory_space<vmem>>
      %dma_wait3A_121 = tpu.memref_squeeze %dma_wait3A_120 : memref<1x64xi32, #tpu.memory_space<vmem>> -> memref<64xi32, #tpu.memory_space<vmem>>
      %dma_wait3A_122 = arith.constant 0 : i32
      %dma_wait3A_123 = arith.constant 0 : i32
      %dma_wait3A_124 = tpu.memref_slice %arg13[%dma_wait3A_122, %dma_wait3A_123] : memref<10112x64xf32, #tpu.memory_space<vmem_shared>> -> memref<10112x64xf32, #tpu.memory_space<vmem_shared>>
      tpu.wait_indirect_dma semaphore(%arg18 : memref<!tpu.dma_semaphore, #tpu.memory_space<semaphore_mem>>) src(%dma_wait3A_124 : memref<10112x64xf32, #tpu.memory_space<vmem_shared>>) dst(%arg12 : memref<64x64xf32, #tpu.memory_space<vmem>>)
      %dma_wait3A_125 = arith.constant 2 : i32
      %dma_wait3A_126 = arith.constant 0 : i32
      %dma_wait3A_127 = tpu.memref_slice %arg8[%dma_wait3A_125, %dma_wait3A_126] : memref<32x64xi32, #tpu.memory_space<vmem>> -> memref<1x64xi32, #tpu.memory_space<vmem>>
      %dma_wait3A_128 = tpu.memref_squeeze %dma_wait3A_127 : memref<1x64xi32, #tpu.memory_space<vmem>> -> memref<64xi32, #tpu.memory_space<vmem>>
      %dma_wait3A_129 = arith.constant 0 : i32
      %dma_wait3A_130 = arith.constant 0 : i32
      %dma_wait3A_131 = tpu.memref_slice %arg14[%dma_wait3A_129, %dma_wait3A_130] : memref<10112x64xf32, #tpu.memory_space<vmem_shared>> -> memref<10112x64xf32, #tpu.memory_space<vmem_shared>>
      tpu.wait_indirect_dma semaphore(%arg21 : memref<!tpu.dma_semaphore, #tpu.memory_space<semaphore_mem>>) src(%arg11 : memref<64x64xf32, #tpu.memory_space<vmem>>) dst(%dma_wait3A_131 : memref<10112x64xf32, #tpu.memory_space<vmem_shared>>)
      %dma_start3A_132 = arith.constant 6 : i32
      %dma_start3A_133 = arith.constant 0 : i32
      %dma_start3A_134 = tpu.memref_slice %arg7[%dma_start3A_132, %dma_start3A_133] : memref<32x64xi32, #tpu.memory_space<vmem>> -> memref<1x64xi32, #tpu.memory_space<vmem>>
      %dma_start3A_135 = tpu.memref_squeeze %dma_start3A_134 : memref<1x64xi32, #tpu.memory_space<vmem>> -> memref<64xi32, #tpu.memory_space<vmem>>
      %dma_start3A_136 = arith.constant 0 : i32
      %dma_start3A_137 = arith.constant 0 : i32
      %dma_start3A_138 = tpu.memref_slice %arg13[%dma_start3A_136, %dma_start3A_137] : memref<10112x64xf32, #tpu.memory_space<vmem_shared>> -> memref<10112x64xf32, #tpu.memory_space<vmem_shared>>
      tpu.enqueue_indirect_dma source(%dma_start3A_138 : memref<10112x64xf32, #tpu.memory_space<vmem_shared>>) target(%arg11 : memref<64x64xf32, #tpu.memory_space<vmem>>) offsets(%dma_start3A_135 : memref<64xi32, #tpu.memory_space<vmem>>) semaphore(%arg17 : memref<!tpu.dma_semaphore, #tpu.memory_space<semaphore_mem>>)
      %dma_start3A_139 = arith.constant 3 : i32
      %dma_start3A_140 = arith.constant 0 : i32
      %dma_start3A_141 = tpu.memref_slice %arg8[%dma_start3A_139, %dma_start3A_140] : memref<32x64xi32, #tpu.memory_space<vmem>> -> memref<1x64xi32, #tpu.memory_space<vmem>>
      %dma_start3A_142 = tpu.memref_squeeze %dma_start3A_141 : memref<1x64xi32, #tpu.memory_space<vmem>> -> memref<64xi32, #tpu.memory_space<vmem>>
      %dma_start3A_143 = arith.constant 0 : i32
      %dma_start3A_144 = arith.constant 0 : i32
      %dma_start3A_145 = tpu.memref_slice %arg14[%dma_start3A_143, %dma_start3A_144] : memref<10112x64xf32, #tpu.memory_space<vmem_shared>> -> memref<10112x64xf32, #tpu.memory_space<vmem_shared>>
      tpu.enqueue_indirect_dma source(%arg12 : memref<64x64xf32, #tpu.memory_space<vmem>>) target(%dma_start3A_145 : memref<10112x64xf32, #tpu.memory_space<vmem_shared>>) offsets(%dma_start3A_142 : memref<64xi32, #tpu.memory_space<vmem>>) semaphore(%arg22 : memref<!tpu.dma_semaphore, #tpu.memory_space<semaphore_mem>>) {add = true}
      %dma_wait3A_146 = arith.constant 4 : i32
      %dma_wait3A_147 = arith.constant 0 : i32
      %dma_wait3A_148 = tpu.memref_slice %arg7[%dma_wait3A_146, %dma_wait3A_147] : memref<32x64xi32, #tpu.memory_space<vmem>> -> memref<1x64xi32, #tpu.memory_space<vmem>>
      %dma_wait3A_149 = tpu.memref_squeeze %dma_wait3A_148 : memref<1x64xi32, #tpu.memory_space<vmem>> -> memref<64xi32, #tpu.memory_space<vmem>>
      %dma_wait3A_150 = arith.constant 0 : i32
      %dma_wait3A_151 = arith.constant 0 : i32
      %dma_wait3A_152 = tpu.memref_slice %arg13[%dma_wait3A_150, %dma_wait3A_151] : memref<10112x64xf32, #tpu.memory_space<vmem_shared>> -> memref<10112x64xf32, #tpu.memory_space<vmem_shared>>
      tpu.wait_indirect_dma semaphore(%arg15 : memref<!tpu.dma_semaphore, #tpu.memory_space<semaphore_mem>>) src(%dma_wait3A_152 : memref<10112x64xf32, #tpu.memory_space<vmem_shared>>) dst(%arg9 : memref<64x64xf32, #tpu.memory_space<vmem>>)
      %dma_wait3A_153 = arith.constant 3 : i32
      %dma_wait3A_154 = arith.constant 0 : i32
      %dma_wait3A_155 = tpu.memref_slice %arg8[%dma_wait3A_153, %dma_wait3A_154] : memref<32x64xi32, #tpu.memory_space<vmem>> -> memref<1x64xi32, #tpu.memory_space<vmem>>
      %dma_wait3A_156 = tpu.memref_squeeze %dma_wait3A_155 : memref<1x64xi32, #tpu.memory_space<vmem>> -> memref<64xi32, #tpu.memory_space<vmem>>
      %dma_wait3A_157 = arith.constant 0 : i32
      %dma_wait3A_158 = arith.constant 0 : i32
      %dma_wait3A_159 = tpu.memref_slice %arg14[%dma_wait3A_157, %dma_wait3A_158] : memref<10112x64xf32, #tpu.memory_space<vmem_shared>> -> memref<10112x64xf32, #tpu.memory_space<vmem_shared>>
      tpu.wait_indirect_dma semaphore(%arg22 : memref<!tpu.dma_semaphore, #tpu.memory_space<semaphore_mem>>) src(%arg12 : memref<64x64xf32, #tpu.memory_space<vmem>>) dst(%dma_wait3A_159 : memref<10112x64xf32, #tpu.memory_space<vmem_shared>>)
      %dma_start3A_160 = arith.constant 7 : i32
      %dma_start3A_161 = arith.constant 0 : i32
      %dma_start3A_162 = tpu.memref_slice %arg7[%dma_start3A_160, %dma_start3A_161] : memref<32x64xi32, #tpu.memory_space<vmem>> -> memref<1x64xi32, #tpu.memory_space<vmem>>
      %dma_start3A_163 = tpu.memref_squeeze %dma_start3A_162 : memref<1x64xi32, #tpu.memory_space<vmem>> -> memref<64xi32, #tpu.memory_space<vmem>>
      %dma_start3A_164 = arith.constant 0 : i32
      %dma_start3A_165 = arith.constant 0 : i32
      %dma_start3A_166 = tpu.memref_slice %arg13[%dma_start3A_164, %dma_start3A_165] : memref<10112x64xf32, #tpu.memory_space<vmem_shared>> -> memref<10112x64xf32, #tpu.memory_space<vmem_shared>>
      tpu.enqueue_indirect_dma source(%dma_start3A_166 : memref<10112x64xf32, #tpu.memory_space<vmem_shared>>) target(%arg12 : memref<64x64xf32, #tpu.memory_space<vmem>>) offsets(%dma_start3A_163 : memref<64xi32, #tpu.memory_space<vmem>>) semaphore(%arg18 : memref<!tpu.dma_semaphore, #tpu.memory_space<semaphore_mem>>)
      %dma_start3A_167 = arith.constant 4 : i32
      %dma_start3A_168 = arith.constant 0 : i32
      %dma_start3A_169 = tpu.memref_slice %arg8[%dma_start3A_167, %dma_start3A_168] : memref<32x64xi32, #tpu.memory_space<vmem>> -> memref<1x64xi32, #tpu.memory_space<vmem>>
      %dma_start3A_170 = tpu.memref_squeeze %dma_start3A_169 : memref<1x64xi32, #tpu.memory_space<vmem>> -> memref<64xi32, #tpu.memory_space<vmem>>
      %dma_start3A_171 = arith.constant 0 : i32
      %dma_start3A_172 = arith.constant 0 : i32
      %dma_start3A_173 = tpu.memref_slice %arg14[%dma_start3A_171, %dma_start3A_172] : memref<10112x64xf32, #tpu.memory_space<vmem_shared>> -> memref<10112x64xf32, #tpu.memory_space<vmem_shared>>
      tpu.enqueue_indirect_dma source(%arg9 : memref<64x64xf32, #tpu.memory_space<vmem>>) target(%dma_start3A_173 : memref<10112x64xf32, #tpu.memory_space<vmem_shared>>) offsets(%dma_start3A_170 : memref<64xi32, #tpu.memory_space<vmem>>) semaphore(%arg19 : memref<!tpu.dma_semaphore, #tpu.memory_space<semaphore_mem>>) {add = true}
      %dma_wait3A_174 = arith.constant 5 : i32
      %dma_wait3A_175 = arith.constant 0 : i32
      %dma_wait3A_176 = tpu.memref_slice %arg7[%dma_wait3A_174, %dma_wait3A_175] : memref<32x64xi32, #tpu.memory_space<vmem>> -> memref<1x64xi32, #tpu.memory_space<vmem>>
      %dma_wait3A_177 = tpu.memref_squeeze %dma_wait3A_176 : memref<1x64xi32, #tpu.memory_space<vmem>> -> memref<64xi32, #tpu.memory_space<vmem>>
      %dma_wait3A_178 = arith.constant 0 : i32
      %dma_wait3A_179 = arith.constant 0 : i32
      %dma_wait3A_180 = tpu.memref_slice %arg13[%dma_wait3A_178, %dma_wait3A_179] : memref<10112x64xf32, #tpu.memory_space<vmem_shared>> -> memref<10112x64xf32, #tpu.memory_space<vmem_shared>>
      tpu.wait_indirect_dma semaphore(%arg16 : memref<!tpu.dma_semaphore, #tpu.memory_space<semaphore_mem>>) src(%dma_wait3A_180 : memref<10112x64xf32, #tpu.memory_space<vmem_shared>>) dst(%arg10 : memref<64x64xf32, #tpu.memory_space<vmem>>)
      %dma_wait3A_181 = arith.constant 4 : i32
      %dma_wait3A_182 = arith.constant 0 : i32
      %dma_wait3A_183 = tpu.memref_slice %arg8[%dma_wait3A_181, %dma_wait3A_182] : memref<32x64xi32, #tpu.memory_space<vmem>> -> memref<1x64xi32, #tpu.memory_space<vmem>>
      %dma_wait3A_184 = tpu.memref_squeeze %dma_wait3A_183 : memref<1x64xi32, #tpu.memory_space<vmem>> -> memref<64xi32, #tpu.memory_space<vmem>>
      %dma_wait3A_185 = arith.constant 0 : i32
      %dma_wait3A_186 = arith.constant 0 : i32
      %dma_wait3A_187 = tpu.memref_slice %arg14[%dma_wait3A_185, %dma_wait3A_186] : memref<10112x64xf32, #tpu.memory_space<vmem_shared>> -> memref<10112x64xf32, #tpu.memory_space<vmem_shared>>
      tpu.wait_indirect_dma semaphore(%arg19 : memref<!tpu.dma_semaphore, #tpu.memory_space<semaphore_mem>>) src(%arg9 : memref<64x64xf32, #tpu.memory_space<vmem>>) dst(%dma_wait3A_187 : memref<10112x64xf32, #tpu.memory_space<vmem_shared>>)
      %dma_start3A_188 = arith.constant 8 : i32
      %dma_start3A_189 = arith.constant 0 : i32
      %dma_start3A_190 = tpu.memref_slice %arg7[%dma_start3A_188, %dma_start3A_189] : memref<32x64xi32, #tpu.memory_space<vmem>> -> memref<1x64xi32, #tpu.memory_space<vmem>>
      %dma_start3A_191 = tpu.memref_squeeze %dma_start3A_190 : memref<1x64xi32, #tpu.memory_space<vmem>> -> memref<64xi32, #tpu.memory_space<vmem>>
      %dma_start3A_192 = arith.constant 0 : i32
      %dma_start3A_193 = arith.constant 0 : i32
      %dma_start3A_194 = tpu.memref_slice %arg13[%dma_start3A_192, %dma_start3A_193] : memref<10112x64xf32, #tpu.memory_space<vmem_shared>> -> memref<10112x64xf32, #tpu.memory_space<vmem_shared>>
      tpu.enqueue_indirect_dma source(%dma_start3A_194 : memref<10112x64xf32, #tpu.memory_space<vmem_shared>>) target(%arg9 : memref<64x64xf32, #tpu.memory_space<vmem>>) offsets(%dma_start3A_191 : memref<64xi32, #tpu.memory_space<vmem>>) semaphore(%arg15 : memref<!tpu.dma_semaphore, #tpu.memory_space<semaphore_mem>>)
      %dma_start3A_195 = arith.constant 5 : i32
      %dma_start3A_196 = arith.constant 0 : i32
      %dma_start3A_197 = tpu.memref_slice %arg8[%dma_start3A_195, %dma_start3A_196] : memref<32x64xi32, #tpu.memory_space<vmem>> -> memref<1x64xi32, #tpu.memory_space<vmem>>
      %dma_start3A_198 = tpu.memref_squeeze %dma_start3A_197 : memref<1x64xi32, #tpu.memory_space<vmem>> -> memref<64xi32, #tpu.memory_space<vmem>>
      %dma_start3A_199 = arith.constant 0 : i32
      %dma_start3A_200 = arith.constant 0 : i32
      %dma_start3A_201 = tpu.memref_slice %arg14[%dma_start3A_199, %dma_start3A_200] : memref<10112x64xf32, #tpu.memory_space<vmem_shared>> -> memref<10112x64xf32, #tpu.memory_space<vmem_shared>>
      tpu.enqueue_indirect_dma source(%arg10 : memref<64x64xf32, #tpu.memory_space<vmem>>) target(%dma_start3A_201 : memref<10112x64xf32, #tpu.memory_space<vmem_shared>>) offsets(%dma_start3A_198 : memref<64xi32, #tpu.memory_space<vmem>>) semaphore(%arg20 : memref<!tpu.dma_semaphore, #tpu.memory_space<semaphore_mem>>) {add = true}
      %dma_wait3A_202 = arith.constant 6 : i32
      %dma_wait3A_203 = arith.constant 0 : i32
      %dma_wait3A_204 = tpu.memref_slice %arg7[%dma_wait3A_202, %dma_wait3A_203] : memref<32x64xi32, #tpu.memory_space<vmem>> -> memref<1x64xi32, #tpu.memory_space<vmem>>
      %dma_wait3A_205 = tpu.memref_squeeze %dma_wait3A_204 : memref<1x64xi32, #tpu.memory_space<vmem>> -> memref<64xi32, #tpu.memory_space<vmem>>
      %dma_wait3A_206 = arith.constant 0 : i32
      %dma_wait3A_207 = arith.constant 0 : i32
      %dma_wait3A_208 = tpu.memref_slice %arg13[%dma_wait3A_206, %dma_wait3A_207] : memref<10112x64xf32, #tpu.memory_space<vmem_shared>> -> memref<10112x64xf32, #tpu.memory_space<vmem_shared>>
      tpu.wait_indirect_dma semaphore(%arg17 : memref<!tpu.dma_semaphore, #tpu.memory_space<semaphore_mem>>) src(%dma_wait3A_208 : memref<10112x64xf32, #tpu.memory_space<vmem_shared>>) dst(%arg11 : memref<64x64xf32, #tpu.memory_space<vmem>>)
      %dma_wait3A_209 = arith.constant 5 : i32
      %dma_wait3A_210 = arith.constant 0 : i32
      %dma_wait3A_211 = tpu.memref_slice %arg8[%dma_wait3A_209, %dma_wait3A_210] : memref<32x64xi32, #tpu.memory_space<vmem>> -> memref<1x64xi32, #tpu.memory_space<vmem>>
      %dma_wait3A_212 = tpu.memref_squeeze %dma_wait3A_211 : memref<1x64xi32, #tpu.memory_space<vmem>> -> memref<64xi32, #tpu.memory_space<vmem>>
      %dma_wait3A_213 = arith.constant 0 : i32
      %dma_wait3A_214 = arith.constant 0 : i32
      %dma_wait3A_215 = tpu.memref_slice %arg14[%dma_wait3A_213, %dma_wait3A_214] : memref<10112x64xf32, #tpu.memory_space<vmem_shared>> -> memref<10112x64xf32, #tpu.memory_space<vmem_shared>>
      tpu.wait_indirect_dma semaphore(%arg20 : memref<!tpu.dma_semaphore, #tpu.memory_space<semaphore_mem>>) src(%arg10 : memref<64x64xf32, #tpu.memory_space<vmem>>) dst(%dma_wait3A_215 : memref<10112x64xf32, #tpu.memory_space<vmem_shared>>)
      %dma_start3A_216 = arith.constant 9 : i32
      %dma_start3A_217 = arith.constant 0 : i32
      %dma_start3A_218 = tpu.memref_slice %arg7[%dma_start3A_216, %dma_start3A_217] : memref<32x64xi32, #tpu.memory_space<vmem>> -> memref<1x64xi32, #tpu.memory_space<vmem>>
      %dma_start3A_219 = tpu.memref_squeeze %dma_start3A_218 : memref<1x64xi32, #tpu.memory_space<vmem>> -> memref<64xi32, #tpu.memory_space<vmem>>
      %dma_start3A_220 = arith.constant 0 : i32
      %dma_start3A_221 = arith.constant 0 : i32
      %dma_start3A_222 = tpu.memref_slice %arg13[%dma_start3A_220, %dma_start3A_221] : memref<10112x64xf32, #tpu.memory_space<vmem_shared>> -> memref<10112x64xf32, #tpu.memory_space<vmem_shared>>
      tpu.enqueue_indirect_dma source(%dma_start3A_222 : memref<10112x64xf32, #tpu.memory_space<vmem_shared>>) target(%arg10 : memref<64x64xf32, #tpu.memory_space<vmem>>) offsets(%dma_start3A_219 : memref<64xi32, #tpu.memory_space<vmem>>) semaphore(%arg16 : memref<!tpu.dma_semaphore, #tpu.memory_space<semaphore_mem>>)
      %dma_start3A_223 = arith.constant 6 : i32
      %dma_start3A_224 = arith.constant 0 : i32
      %dma_start3A_225 = tpu.memref_slice %arg8[%dma_start3A_223, %dma_start3A_224] : memref<32x64xi32, #tpu.memory_space<vmem>> -> memref<1x64xi32, #tpu.memory_space<vmem>>
      %dma_start3A_226 = tpu.memref_squeeze %dma_start3A_225 : memref<1x64xi32, #tpu.memory_space<vmem>> -> memref<64xi32, #tpu.memory_space<vmem>>
      %dma_start3A_227 = arith.constant 0 : i32
      %dma_start3A_228 = arith.constant 0 : i32
      %dma_start3A_229 = tpu.memref_slice %arg14[%dma_start3A_227, %dma_start3A_228] : memref<10112x64xf32, #tpu.memory_space<vmem_shared>> -> memref<10112x64xf32, #tpu.memory_space<vmem_shared>>
      tpu.enqueue_indirect_dma source(%arg11 : memref<64x64xf32, #tpu.memory_space<vmem>>) target(%dma_start3A_229 : memref<10112x64xf32, #tpu.memory_space<vmem_shared>>) offsets(%dma_start3A_226 : memref<64xi32, #tpu.memory_space<vmem>>) semaphore(%arg21 : memref<!tpu.dma_semaphore, #tpu.memory_space<semaphore_mem>>) {add = true}
      %dma_wait3A_230 = arith.constant 7 : i32
      %dma_wait3A_231 = arith.constant 0 : i32
      %dma_wait3A_232 = tpu.memref_slice %arg7[%dma_wait3A_230, %dma_wait3A_231] : memref<32x64xi32, #tpu.memory_space<vmem>> -> memref<1x64xi32, #tpu.memory_space<vmem>>
      %dma_wait3A_233 = tpu.memref_squeeze %dma_wait3A_232 : memref<1x64xi32, #tpu.memory_space<vmem>> -> memref<64xi32, #tpu.memory_space<vmem>>
      %dma_wait3A_234 = arith.constant 0 : i32
      %dma_wait3A_235 = arith.constant 0 : i32
      %dma_wait3A_236 = tpu.memref_slice %arg13[%dma_wait3A_234, %dma_wait3A_235] : memref<10112x64xf32, #tpu.memory_space<vmem_shared>> -> memref<10112x64xf32, #tpu.memory_space<vmem_shared>>
      tpu.wait_indirect_dma semaphore(%arg18 : memref<!tpu.dma_semaphore, #tpu.memory_space<semaphore_mem>>) src(%dma_wait3A_236 : memref<10112x64xf32, #tpu.memory_space<vmem_shared>>) dst(%arg12 : memref<64x64xf32, #tpu.memory_space<vmem>>)
      %dma_wait3A_237 = arith.constant 6 : i32
      %dma_wait3A_238 = arith.constant 0 : i32
      %dma_wait3A_239 = tpu.memref_slice %arg8[%dma_wait3A_237, %dma_wait3A_238] : memref<32x64xi32, #tpu.memory_space<vmem>> -> memref<1x64xi32, #tpu.memory_space<vmem>>
      %dma_wait3A_240 = tpu.memref_squeeze %dma_wait3A_239 : memref<1x64xi32, #tpu.memory_space<vmem>> -> memref<64xi32, #tpu.memory_space<vmem>>
      %dma_wait3A_241 = arith.constant 0 : i32
      %dma_wait3A_242 = arith.constant 0 : i32
      %dma_wait3A_243 = tpu.memref_slice %arg14[%dma_wait3A_241, %dma_wait3A_242] : memref<10112x64xf32, #tpu.memory_space<vmem_shared>> -> memref<10112x64xf32, #tpu.memory_space<vmem_shared>>
      tpu.wait_indirect_dma semaphore(%arg21 : memref<!tpu.dma_semaphore, #tpu.memory_space<semaphore_mem>>) src(%arg11 : memref<64x64xf32, #tpu.memory_space<vmem>>) dst(%dma_wait3A_243 : memref<10112x64xf32, #tpu.memory_space<vmem_shared>>)
      %dma_start3A_244 = arith.constant 10 : i32
      %dma_start3A_245 = arith.constant 0 : i32
      %dma_start3A_246 = tpu.memref_slice %arg7[%dma_start3A_244, %dma_start3A_245] : memref<32x64xi32, #tpu.memory_space<vmem>> -> memref<1x64xi32, #tpu.memory_space<vmem>>
      %dma_start3A_247 = tpu.memref_squeeze %dma_start3A_246 : memref<1x64xi32, #tpu.memory_space<vmem>> -> memref<64xi32, #tpu.memory_space<vmem>>
      %dma_start3A_248 = arith.constant 0 : i32
      %dma_start3A_249 = arith.constant 0 : i32
      %dma_start3A_250 = tpu.memref_slice %arg13[%dma_start3A_248, %dma_start3A_249] : memref<10112x64xf32, #tpu.memory_space<vmem_shared>> -> memref<10112x64xf32, #tpu.memory_space<vmem_shared>>
      tpu.enqueue_indirect_dma source(%dma_start3A_250 : memref<10112x64xf32, #tpu.memory_space<vmem_shared>>) target(%arg11 : memref<64x64xf32, #tpu.memory_space<vmem>>) offsets(%dma_start3A_247 : memref<64xi32, #tpu.memory_space<vmem>>) semaphore(%arg17 : memref<!tpu.dma_semaphore, #tpu.memory_space<semaphore_mem>>)
      %dma_start3A_251 = arith.constant 7 : i32
      %dma_start3A_252 = arith.constant 0 : i32
      %dma_start3A_253 = tpu.memref_slice %arg8[%dma_start3A_251, %dma_start3A_252] : memref<32x64xi32, #tpu.memory_space<vmem>> -> memref<1x64xi32, #tpu.memory_space<vmem>>
      %dma_start3A_254 = tpu.memref_squeeze %dma_start3A_253 : memref<1x64xi32, #tpu.memory_space<vmem>> -> memref<64xi32, #tpu.memory_space<vmem>>
      %dma_start3A_255 = arith.constant 0 : i32
      %dma_start3A_256 = arith.constant 0 : i32
      %dma_start3A_257 = tpu.memref_slice %arg14[%dma_start3A_255, %dma_start3A_256] : memref<10112x64xf32, #tpu.memory_space<vmem_shared>> -> memref<10112x64xf32, #tpu.memory_space<vmem_shared>>
      tpu.enqueue_indirect_dma source(%arg12 : memref<64x64xf32, #tpu.memory_space<vmem>>) target(%dma_start3A_257 : memref<10112x64xf32, #tpu.memory_space<vmem_shared>>) offsets(%dma_start3A_254 : memref<64xi32, #tpu.memory_space<vmem>>) semaphore(%arg22 : memref<!tpu.dma_semaphore, #tpu.memory_space<semaphore_mem>>) {add = true}
      %dma_wait3A_258 = arith.constant 8 : i32
      %dma_wait3A_259 = arith.constant 0 : i32
      %dma_wait3A_260 = tpu.memref_slice %arg7[%dma_wait3A_258, %dma_wait3A_259] : memref<32x64xi32, #tpu.memory_space<vmem>> -> memref<1x64xi32, #tpu.memory_space<vmem>>
      %dma_wait3A_261 = tpu.memref_squeeze %dma_wait3A_260 : memref<1x64xi32, #tpu.memory_space<vmem>> -> memref<64xi32, #tpu.memory_space<vmem>>
      %dma_wait3A_262 = arith.constant 0 : i32
      %dma_wait3A_263 = arith.constant 0 : i32
      %dma_wait3A_264 = tpu.memref_slice %arg13[%dma_wait3A_262, %dma_wait3A_263] : memref<10112x64xf32, #tpu.memory_space<vmem_shared>> -> memref<10112x64xf32, #tpu.memory_space<vmem_shared>>
      tpu.wait_indirect_dma semaphore(%arg15 : memref<!tpu.dma_semaphore, #tpu.memory_space<semaphore_mem>>) src(%dma_wait3A_264 : memref<10112x64xf32, #tpu.memory_space<vmem_shared>>) dst(%arg9 : memref<64x64xf32, #tpu.memory_space<vmem>>)
      %dma_wait3A_265 = arith.constant 7 : i32
      %dma_wait3A_266 = arith.constant 0 : i32
      %dma_wait3A_267 = tpu.memref_slice %arg8[%dma_wait3A_265, %dma_wait3A_266] : memref<32x64xi32, #tpu.memory_space<vmem>> -> memref<1x64xi32, #tpu.memory_space<vmem>>
      %dma_wait3A_268 = tpu.memref_squeeze %dma_wait3A_267 : memref<1x64xi32, #tpu.memory_space<vmem>> -> memref<64xi32, #tpu.memory_space<vmem>>
      %dma_wait3A_269 = arith.constant 0 : i32
      %dma_wait3A_270 = arith.constant 0 : i32
      %dma_wait3A_271 = tpu.memref_slice %arg14[%dma_wait3A_269, %dma_wait3A_270] : memref<10112x64xf32, #tpu.memory_space<vmem_shared>> -> memref<10112x64xf32, #tpu.memory_space<vmem_shared>>
      tpu.wait_indirect_dma semaphore(%arg22 : memref<!tpu.dma_semaphore, #tpu.memory_space<semaphore_mem>>) src(%arg12 : memref<64x64xf32, #tpu.memory_space<vmem>>) dst(%dma_wait3A_271 : memref<10112x64xf32, #tpu.memory_space<vmem_shared>>)
      %dma_start3A_272 = arith.constant 11 : i32
      %dma_start3A_273 = arith.constant 0 : i32
      %dma_start3A_274 = tpu.memref_slice %arg7[%dma_start3A_272, %dma_start3A_273] : memref<32x64xi32, #tpu.memory_space<vmem>> -> memref<1x64xi32, #tpu.memory_space<vmem>>
      %dma_start3A_275 = tpu.memref_squeeze %dma_start3A_274 : memref<1x64xi32, #tpu.memory_space<vmem>> -> memref<64xi32, #tpu.memory_space<vmem>>
      %dma_start3A_276 = arith.constant 0 : i32
      %dma_start3A_277 = arith.constant 0 : i32
      %dma_start3A_278 = tpu.memref_slice %arg13[%dma_start3A_276, %dma_start3A_277] : memref<10112x64xf32, #tpu.memory_space<vmem_shared>> -> memref<10112x64xf32, #tpu.memory_space<vmem_shared>>
      tpu.enqueue_indirect_dma source(%dma_start3A_278 : memref<10112x64xf32, #tpu.memory_space<vmem_shared>>) target(%arg12 : memref<64x64xf32, #tpu.memory_space<vmem>>) offsets(%dma_start3A_275 : memref<64xi32, #tpu.memory_space<vmem>>) semaphore(%arg18 : memref<!tpu.dma_semaphore, #tpu.memory_space<semaphore_mem>>)
      %dma_start3A_279 = arith.constant 8 : i32
      %dma_start3A_280 = arith.constant 0 : i32
      %dma_start3A_281 = tpu.memref_slice %arg8[%dma_start3A_279, %dma_start3A_280] : memref<32x64xi32, #tpu.memory_space<vmem>> -> memref<1x64xi32, #tpu.memory_space<vmem>>
      %dma_start3A_282 = tpu.memref_squeeze %dma_start3A_281 : memref<1x64xi32, #tpu.memory_space<vmem>> -> memref<64xi32, #tpu.memory_space<vmem>>
      %dma_start3A_283 = arith.constant 0 : i32
      %dma_start3A_284 = arith.constant 0 : i32
      %dma_start3A_285 = tpu.memref_slice %arg14[%dma_start3A_283, %dma_start3A_284] : memref<10112x64xf32, #tpu.memory_space<vmem_shared>> -> memref<10112x64xf32, #tpu.memory_space<vmem_shared>>
      tpu.enqueue_indirect_dma source(%arg9 : memref<64x64xf32, #tpu.memory_space<vmem>>) target(%dma_start3A_285 : memref<10112x64xf32, #tpu.memory_space<vmem_shared>>) offsets(%dma_start3A_282 : memref<64xi32, #tpu.memory_space<vmem>>) semaphore(%arg19 : memref<!tpu.dma_semaphore, #tpu.memory_space<semaphore_mem>>) {add = true}
      %dma_wait3A_286 = arith.constant 9 : i32
      %dma_wait3A_287 = arith.constant 0 : i32
      %dma_wait3A_288 = tpu.memref_slice %arg7[%dma_wait3A_286, %dma_wait3A_287] : memref<32x64xi32, #tpu.memory_space<vmem>> -> memref<1x64xi32, #tpu.memory_space<vmem>>
      %dma_wait3A_289 = tpu.memref_squeeze %dma_wait3A_288 : memref<1x64xi32, #tpu.memory_space<vmem>> -> memref<64xi32, #tpu.memory_space<vmem>>
      %dma_wait3A_290 = arith.constant 0 : i32
      %dma_wait3A_291 = arith.constant 0 : i32
      %dma_wait3A_292 = tpu.memref_slice %arg13[%dma_wait3A_290, %dma_wait3A_291] : memref<10112x64xf32, #tpu.memory_space<vmem_shared>> -> memref<10112x64xf32, #tpu.memory_space<vmem_shared>>
      tpu.wait_indirect_dma semaphore(%arg16 : memref<!tpu.dma_semaphore, #tpu.memory_space<semaphore_mem>>) src(%dma_wait3A_292 : memref<10112x64xf32, #tpu.memory_space<vmem_shared>>) dst(%arg10 : memref<64x64xf32, #tpu.memory_space<vmem>>)
      %dma_wait3A_293 = arith.constant 8 : i32
      %dma_wait3A_294 = arith.constant 0 : i32
      %dma_wait3A_295 = tpu.memref_slice %arg8[%dma_wait3A_293, %dma_wait3A_294] : memref<32x64xi32, #tpu.memory_space<vmem>> -> memref<1x64xi32, #tpu.memory_space<vmem>>
      %dma_wait3A_296 = tpu.memref_squeeze %dma_wait3A_295 : memref<1x64xi32, #tpu.memory_space<vmem>> -> memref<64xi32, #tpu.memory_space<vmem>>
      %dma_wait3A_297 = arith.constant 0 : i32
      %dma_wait3A_298 = arith.constant 0 : i32
      %dma_wait3A_299 = tpu.memref_slice %arg14[%dma_wait3A_297, %dma_wait3A_298] : memref<10112x64xf32, #tpu.memory_space<vmem_shared>> -> memref<10112x64xf32, #tpu.memory_space<vmem_shared>>
      tpu.wait_indirect_dma semaphore(%arg19 : memref<!tpu.dma_semaphore, #tpu.memory_space<semaphore_mem>>) src(%arg9 : memref<64x64xf32, #tpu.memory_space<vmem>>) dst(%dma_wait3A_299 : memref<10112x64xf32, #tpu.memory_space<vmem_shared>>)
      %dma_start3A_300 = arith.constant 12 : i32
      %dma_start3A_301 = arith.constant 0 : i32
      %dma_start3A_302 = tpu.memref_slice %arg7[%dma_start3A_300, %dma_start3A_301] : memref<32x64xi32, #tpu.memory_space<vmem>> -> memref<1x64xi32, #tpu.memory_space<vmem>>
      %dma_start3A_303 = tpu.memref_squeeze %dma_start3A_302 : memref<1x64xi32, #tpu.memory_space<vmem>> -> memref<64xi32, #tpu.memory_space<vmem>>
      %dma_start3A_304 = arith.constant 0 : i32
      %dma_start3A_305 = arith.constant 0 : i32
      %dma_start3A_306 = tpu.memref_slice %arg13[%dma_start3A_304, %dma_start3A_305] : memref<10112x64xf32, #tpu.memory_space<vmem_shared>> -> memref<10112x64xf32, #tpu.memory_space<vmem_shared>>
      tpu.enqueue_indirect_dma source(%dma_start3A_306 : memref<10112x64xf32, #tpu.memory_space<vmem_shared>>) target(%arg9 : memref<64x64xf32, #tpu.memory_space<vmem>>) offsets(%dma_start3A_303 : memref<64xi32, #tpu.memory_space<vmem>>) semaphore(%arg15 : memref<!tpu.dma_semaphore, #tpu.memory_space<semaphore_mem>>)
      %dma_start3A_307 = arith.constant 9 : i32
      %dma_start3A_308 = arith.constant 0 : i32
      %dma_start3A_309 = tpu.memref_slice %arg8[%dma_start3A_307, %dma_start3A_308] : memref<32x64xi32, #tpu.memory_space<vmem>> -> memref<1x64xi32, #tpu.memory_space<vmem>>
      %dma_start3A_310 = tpu.memref_squeeze %dma_start3A_309 : memref<1x64xi32, #tpu.memory_space<vmem>> -> memref<64xi32, #tpu.memory_space<vmem>>
      %dma_start3A_311 = arith.constant 0 : i32
      %dma_start3A_312 = arith.constant 0 : i32
      %dma_start3A_313 = tpu.memref_slice %arg14[%dma_start3A_311, %dma_start3A_312] : memref<10112x64xf32, #tpu.memory_space<vmem_shared>> -> memref<10112x64xf32, #tpu.memory_space<vmem_shared>>
      tpu.enqueue_indirect_dma source(%arg10 : memref<64x64xf32, #tpu.memory_space<vmem>>) target(%dma_start3A_313 : memref<10112x64xf32, #tpu.memory_space<vmem_shared>>) offsets(%dma_start3A_310 : memref<64xi32, #tpu.memory_space<vmem>>) semaphore(%arg20 : memref<!tpu.dma_semaphore, #tpu.memory_space<semaphore_mem>>) {add = true}
      %dma_wait3A_314 = arith.constant 10 : i32
      %dma_wait3A_315 = arith.constant 0 : i32
      %dma_wait3A_316 = tpu.memref_slice %arg7[%dma_wait3A_314, %dma_wait3A_315] : memref<32x64xi32, #tpu.memory_space<vmem>> -> memref<1x64xi32, #tpu.memory_space<vmem>>
      %dma_wait3A_317 = tpu.memref_squeeze %dma_wait3A_316 : memref<1x64xi32, #tpu.memory_space<vmem>> -> memref<64xi32, #tpu.memory_space<vmem>>
      %dma_wait3A_318 = arith.constant 0 : i32
      %dma_wait3A_319 = arith.constant 0 : i32
      %dma_wait3A_320 = tpu.memref_slice %arg13[%dma_wait3A_318, %dma_wait3A_319] : memref<10112x64xf32, #tpu.memory_space<vmem_shared>> -> memref<10112x64xf32, #tpu.memory_space<vmem_shared>>
      tpu.wait_indirect_dma semaphore(%arg17 : memref<!tpu.dma_semaphore, #tpu.memory_space<semaphore_mem>>) src(%dma_wait3A_320 : memref<10112x64xf32, #tpu.memory_space<vmem_shared>>) dst(%arg11 : memref<64x64xf32, #tpu.memory_space<vmem>>)
      %dma_wait3A_321 = arith.constant 9 : i32
      %dma_wait3A_322 = arith.constant 0 : i32
      %dma_wait3A_323 = tpu.memref_slice %arg8[%dma_wait3A_321, %dma_wait3A_322] : memref<32x64xi32, #tpu.memory_space<vmem>> -> memref<1x64xi32, #tpu.memory_space<vmem>>
      %dma_wait3A_324 = tpu.memref_squeeze %dma_wait3A_323 : memref<1x64xi32, #tpu.memory_space<vmem>> -> memref<64xi32, #tpu.memory_space<vmem>>
      %dma_wait3A_325 = arith.constant 0 : i32
      %dma_wait3A_326 = arith.constant 0 : i32
      %dma_wait3A_327 = tpu.memref_slice %arg14[%dma_wait3A_325, %dma_wait3A_326] : memref<10112x64xf32, #tpu.memory_space<vmem_shared>> -> memref<10112x64xf32, #tpu.memory_space<vmem_shared>>
      tpu.wait_indirect_dma semaphore(%arg20 : memref<!tpu.dma_semaphore, #tpu.memory_space<semaphore_mem>>) src(%arg10 : memref<64x64xf32, #tpu.memory_space<vmem>>) dst(%dma_wait3A_327 : memref<10112x64xf32, #tpu.memory_space<vmem_shared>>)
      %dma_start3A_328 = arith.constant 13 : i32
      %dma_start3A_329 = arith.constant 0 : i32
      %dma_start3A_330 = tpu.memref_slice %arg7[%dma_start3A_328, %dma_start3A_329] : memref<32x64xi32, #tpu.memory_space<vmem>> -> memref<1x64xi32, #tpu.memory_space<vmem>>
      %dma_start3A_331 = tpu.memref_squeeze %dma_start3A_330 : memref<1x64xi32, #tpu.memory_space<vmem>> -> memref<64xi32, #tpu.memory_space<vmem>>
      %dma_start3A_332 = arith.constant 0 : i32
      %dma_start3A_333 = arith.constant 0 : i32
      %dma_start3A_334 = tpu.memref_slice %arg13[%dma_start3A_332, %dma_start3A_333] : memref<10112x64xf32, #tpu.memory_space<vmem_shared>> -> memref<10112x64xf32, #tpu.memory_space<vmem_shared>>
      tpu.enqueue_indirect_dma source(%dma_start3A_334 : memref<10112x64xf32, #tpu.memory_space<vmem_shared>>) target(%arg10 : memref<64x64xf32, #tpu.memory_space<vmem>>) offsets(%dma_start3A_331 : memref<64xi32, #tpu.memory_space<vmem>>) semaphore(%arg16 : memref<!tpu.dma_semaphore, #tpu.memory_space<semaphore_mem>>)
      %dma_start3A_335 = arith.constant 10 : i32
      %dma_start3A_336 = arith.constant 0 : i32
      %dma_start3A_337 = tpu.memref_slice %arg8[%dma_start3A_335, %dma_start3A_336] : memref<32x64xi32, #tpu.memory_space<vmem>> -> memref<1x64xi32, #tpu.memory_space<vmem>>
      %dma_start3A_338 = tpu.memref_squeeze %dma_start3A_337 : memref<1x64xi32, #tpu.memory_space<vmem>> -> memref<64xi32, #tpu.memory_space<vmem>>
      %dma_start3A_339 = arith.constant 0 : i32
      %dma_start3A_340 = arith.constant 0 : i32
      %dma_start3A_341 = tpu.memref_slice %arg14[%dma_start3A_339, %dma_start3A_340] : memref<10112x64xf32, #tpu.memory_space<vmem_shared>> -> memref<10112x64xf32, #tpu.memory_space<vmem_shared>>
      tpu.enqueue_indirect_dma source(%arg11 : memref<64x64xf32, #tpu.memory_space<vmem>>) target(%dma_start3A_341 : memref<10112x64xf32, #tpu.memory_space<vmem_shared>>) offsets(%dma_start3A_338 : memref<64xi32, #tpu.memory_space<vmem>>) semaphore(%arg21 : memref<!tpu.dma_semaphore, #tpu.memory_space<semaphore_mem>>) {add = true}
      %dma_wait3A_342 = arith.constant 11 : i32
      %dma_wait3A_343 = arith.constant 0 : i32
      %dma_wait3A_344 = tpu.memref_slice %arg7[%dma_wait3A_342, %dma_wait3A_343] : memref<32x64xi32, #tpu.memory_space<vmem>> -> memref<1x64xi32, #tpu.memory_space<vmem>>
      %dma_wait3A_345 = tpu.memref_squeeze %dma_wait3A_344 : memref<1x64xi32, #tpu.memory_space<vmem>> -> memref<64xi32, #tpu.memory_space<vmem>>
      %dma_wait3A_346 = arith.constant 0 : i32
      %dma_wait3A_347 = arith.constant 0 : i32
      %dma_wait3A_348 = tpu.memref_slice %arg13[%dma_wait3A_346, %dma_wait3A_347] : memref<10112x64xf32, #tpu.memory_space<vmem_shared>> -> memref<10112x64xf32, #tpu.memory_space<vmem_shared>>
      tpu.wait_indirect_dma semaphore(%arg18 : memref<!tpu.dma_semaphore, #tpu.memory_space<semaphore_mem>>) src(%dma_wait3A_348 : memref<10112x64xf32, #tpu.memory_space<vmem_shared>>) dst(%arg12 : memref<64x64xf32, #tpu.memory_space<vmem>>)
      %dma_wait3A_349 = arith.constant 10 : i32
      %dma_wait3A_350 = arith.constant 0 : i32
      %dma_wait3A_351 = tpu.memref_slice %arg8[%dma_wait3A_349, %dma_wait3A_350] : memref<32x64xi32, #tpu.memory_space<vmem>> -> memref<1x64xi32, #tpu.memory_space<vmem>>
      %dma_wait3A_352 = tpu.memref_squeeze %dma_wait3A_351 : memref<1x64xi32, #tpu.memory_space<vmem>> -> memref<64xi32, #tpu.memory_space<vmem>>
      %dma_wait3A_353 = arith.constant 0 : i32
      %dma_wait3A_354 = arith.constant 0 : i32
      %dma_wait3A_355 = tpu.memref_slice %arg14[%dma_wait3A_353, %dma_wait3A_354] : memref<10112x64xf32, #tpu.memory_space<vmem_shared>> -> memref<10112x64xf32, #tpu.memory_space<vmem_shared>>
      tpu.wait_indirect_dma semaphore(%arg21 : memref<!tpu.dma_semaphore, #tpu.memory_space<semaphore_mem>>) src(%arg11 : memref<64x64xf32, #tpu.memory_space<vmem>>) dst(%dma_wait3A_355 : memref<10112x64xf32, #tpu.memory_space<vmem_shared>>)
      %dma_start3A_356 = arith.constant 14 : i32
      %dma_start3A_357 = arith.constant 0 : i32
      %dma_start3A_358 = tpu.memref_slice %arg7[%dma_start3A_356, %dma_start3A_357] : memref<32x64xi32, #tpu.memory_space<vmem>> -> memref<1x64xi32, #tpu.memory_space<vmem>>
      %dma_start3A_359 = tpu.memref_squeeze %dma_start3A_358 : memref<1x64xi32, #tpu.memory_space<vmem>> -> memref<64xi32, #tpu.memory_space<vmem>>
      %dma_start3A_360 = arith.constant 0 : i32
      %dma_start3A_361 = arith.constant 0 : i32
      %dma_start3A_362 = tpu.memref_slice %arg13[%dma_start3A_360, %dma_start3A_361] : memref<10112x64xf32, #tpu.memory_space<vmem_shared>> -> memref<10112x64xf32, #tpu.memory_space<vmem_shared>>
      tpu.enqueue_indirect_dma source(%dma_start3A_362 : memref<10112x64xf32, #tpu.memory_space<vmem_shared>>) target(%arg11 : memref<64x64xf32, #tpu.memory_space<vmem>>) offsets(%dma_start3A_359 : memref<64xi32, #tpu.memory_space<vmem>>) semaphore(%arg17 : memref<!tpu.dma_semaphore, #tpu.memory_space<semaphore_mem>>)
      %dma_start3A_363 = arith.constant 11 : i32
      %dma_start3A_364 = arith.constant 0 : i32
      %dma_start3A_365 = tpu.memref_slice %arg8[%dma_start3A_363, %dma_start3A_364] : memref<32x64xi32, #tpu.memory_space<vmem>> -> memref<1x64xi32, #tpu.memory_space<vmem>>
      %dma_start3A_366 = tpu.memref_squeeze %dma_start3A_365 : memref<1x64xi32, #tpu.memory_space<vmem>> -> memref<64xi32, #tpu.memory_space<vmem>>
      %dma_start3A_367 = arith.constant 0 : i32
      %dma_start3A_368 = arith.constant 0 : i32
      %dma_start3A_369 = tpu.memref_slice %arg14[%dma_start3A_367, %dma_start3A_368] : memref<10112x64xf32, #tpu.memory_space<vmem_shared>> -> memref<10112x64xf32, #tpu.memory_space<vmem_shared>>
      tpu.enqueue_indirect_dma source(%arg12 : memref<64x64xf32, #tpu.memory_space<vmem>>) target(%dma_start3A_369 : memref<10112x64xf32, #tpu.memory_space<vmem_shared>>) offsets(%dma_start3A_366 : memref<64xi32, #tpu.memory_space<vmem>>) semaphore(%arg22 : memref<!tpu.dma_semaphore, #tpu.memory_space<semaphore_mem>>) {add = true}
      %dma_wait3A_370 = arith.constant 12 : i32
      %dma_wait3A_371 = arith.constant 0 : i32
      %dma_wait3A_372 = tpu.memref_slice %arg7[%dma_wait3A_370, %dma_wait3A_371] : memref<32x64xi32, #tpu.memory_space<vmem>> -> memref<1x64xi32, #tpu.memory_space<vmem>>
      %dma_wait3A_373 = tpu.memref_squeeze %dma_wait3A_372 : memref<1x64xi32, #tpu.memory_space<vmem>> -> memref<64xi32, #tpu.memory_space<vmem>>
      %dma_wait3A_374 = arith.constant 0 : i32
      %dma_wait3A_375 = arith.constant 0 : i32
      %dma_wait3A_376 = tpu.memref_slice %arg13[%dma_wait3A_374, %dma_wait3A_375] : memref<10112x64xf32, #tpu.memory_space<vmem_shared>> -> memref<10112x64xf32, #tpu.memory_space<vmem_shared>>
      tpu.wait_indirect_dma semaphore(%arg15 : memref<!tpu.dma_semaphore, #tpu.memory_space<semaphore_mem>>) src(%dma_wait3A_376 : memref<10112x64xf32, #tpu.memory_space<vmem_shared>>) dst(%arg9 : memref<64x64xf32, #tpu.memory_space<vmem>>)
      %dma_wait3A_377 = arith.constant 11 : i32
      %dma_wait3A_378 = arith.constant 0 : i32
      %dma_wait3A_379 = tpu.memref_slice %arg8[%dma_wait3A_377, %dma_wait3A_378] : memref<32x64xi32, #tpu.memory_space<vmem>> -> memref<1x64xi32, #tpu.memory_space<vmem>>
      %dma_wait3A_380 = tpu.memref_squeeze %dma_wait3A_379 : memref<1x64xi32, #tpu.memory_space<vmem>> -> memref<64xi32, #tpu.memory_space<vmem>>
      %dma_wait3A_381 = arith.constant 0 : i32
      %dma_wait3A_382 = arith.constant 0 : i32
      %dma_wait3A_383 = tpu.memref_slice %arg14[%dma_wait3A_381, %dma_wait3A_382] : memref<10112x64xf32, #tpu.memory_space<vmem_shared>> -> memref<10112x64xf32, #tpu.memory_space<vmem_shared>>
      tpu.wait_indirect_dma semaphore(%arg22 : memref<!tpu.dma_semaphore, #tpu.memory_space<semaphore_mem>>) src(%arg12 : memref<64x64xf32, #tpu.memory_space<vmem>>) dst(%dma_wait3A_383 : memref<10112x64xf32, #tpu.memory_space<vmem_shared>>)
      %dma_start3A_384 = arith.constant 15 : i32
      %dma_start3A_385 = arith.constant 0 : i32
      %dma_start3A_386 = tpu.memref_slice %arg7[%dma_start3A_384, %dma_start3A_385] : memref<32x64xi32, #tpu.memory_space<vmem>> -> memref<1x64xi32, #tpu.memory_space<vmem>>
      %dma_start3A_387 = tpu.memref_squeeze %dma_start3A_386 : memref<1x64xi32, #tpu.memory_space<vmem>> -> memref<64xi32, #tpu.memory_space<vmem>>
      %dma_start3A_388 = arith.constant 0 : i32
      %dma_start3A_389 = arith.constant 0 : i32
      %dma_start3A_390 = tpu.memref_slice %arg13[%dma_start3A_388, %dma_start3A_389] : memref<10112x64xf32, #tpu.memory_space<vmem_shared>> -> memref<10112x64xf32, #tpu.memory_space<vmem_shared>>
      tpu.enqueue_indirect_dma source(%dma_start3A_390 : memref<10112x64xf32, #tpu.memory_space<vmem_shared>>) target(%arg12 : memref<64x64xf32, #tpu.memory_space<vmem>>) offsets(%dma_start3A_387 : memref<64xi32, #tpu.memory_space<vmem>>) semaphore(%arg18 : memref<!tpu.dma_semaphore, #tpu.memory_space<semaphore_mem>>)
      %dma_start3A_391 = arith.constant 12 : i32
      %dma_start3A_392 = arith.constant 0 : i32
      %dma_start3A_393 = tpu.memref_slice %arg8[%dma_start3A_391, %dma_start3A_392] : memref<32x64xi32, #tpu.memory_space<vmem>> -> memref<1x64xi32, #tpu.memory_space<vmem>>
      %dma_start3A_394 = tpu.memref_squeeze %dma_start3A_393 : memref<1x64xi32, #tpu.memory_space<vmem>> -> memref<64xi32, #tpu.memory_space<vmem>>
      %dma_start3A_395 = arith.constant 0 : i32
      %dma_start3A_396 = arith.constant 0 : i32
      %dma_start3A_397 = tpu.memref_slice %arg14[%dma_start3A_395, %dma_start3A_396] : memref<10112x64xf32, #tpu.memory_space<vmem_shared>> -> memref<10112x64xf32, #tpu.memory_space<vmem_shared>>
      tpu.enqueue_indirect_dma source(%arg9 : memref<64x64xf32, #tpu.memory_space<vmem>>) target(%dma_start3A_397 : memref<10112x64xf32, #tpu.memory_space<vmem_shared>>) offsets(%dma_start3A_394 : memref<64xi32, #tpu.memory_space<vmem>>) semaphore(%arg19 : memref<!tpu.dma_semaphore, #tpu.memory_space<semaphore_mem>>) {add = true}
      %dma_wait3A_398 = arith.constant 13 : i32
      %dma_wait3A_399 = arith.constant 0 : i32
      %dma_wait3A_400 = tpu.memref_slice %arg7[%dma_wait3A_398, %dma_wait3A_399] : memref<32x64xi32, #tpu.memory_space<vmem>> -> memref<1x64xi32, #tpu.memory_space<vmem>>
      %dma_wait3A_401 = tpu.memref_squeeze %dma_wait3A_400 : memref<1x64xi32, #tpu.memory_space<vmem>> -> memref<64xi32, #tpu.memory_space<vmem>>
      %dma_wait3A_402 = arith.constant 0 : i32
      %dma_wait3A_403 = arith.constant 0 : i32
      %dma_wait3A_404 = tpu.memref_slice %arg13[%dma_wait3A_402, %dma_wait3A_403] : memref<10112x64xf32, #tpu.memory_space<vmem_shared>> -> memref<10112x64xf32, #tpu.memory_space<vmem_shared>>
      tpu.wait_indirect_dma semaphore(%arg16 : memref<!tpu.dma_semaphore, #tpu.memory_space<semaphore_mem>>) src(%dma_wait3A_404 : memref<10112x64xf32, #tpu.memory_space<vmem_shared>>) dst(%arg10 : memref<64x64xf32, #tpu.memory_space<vmem>>)
      %dma_wait3A_405 = arith.constant 12 : i32
      %dma_wait3A_406 = arith.constant 0 : i32
      %dma_wait3A_407 = tpu.memref_slice %arg8[%dma_wait3A_405, %dma_wait3A_406] : memref<32x64xi32, #tpu.memory_space<vmem>> -> memref<1x64xi32, #tpu.memory_space<vmem>>
      %dma_wait3A_408 = tpu.memref_squeeze %dma_wait3A_407 : memref<1x64xi32, #tpu.memory_space<vmem>> -> memref<64xi32, #tpu.memory_space<vmem>>
      %dma_wait3A_409 = arith.constant 0 : i32
      %dma_wait3A_410 = arith.constant 0 : i32
      %dma_wait3A_411 = tpu.memref_slice %arg14[%dma_wait3A_409, %dma_wait3A_410] : memref<10112x64xf32, #tpu.memory_space<vmem_shared>> -> memref<10112x64xf32, #tpu.memory_space<vmem_shared>>
      tpu.wait_indirect_dma semaphore(%arg19 : memref<!tpu.dma_semaphore, #tpu.memory_space<semaphore_mem>>) src(%arg9 : memref<64x64xf32, #tpu.memory_space<vmem>>) dst(%dma_wait3A_411 : memref<10112x64xf32, #tpu.memory_space<vmem_shared>>)
      %dma_start3A_412 = arith.constant 16 : i32
      %dma_start3A_413 = arith.constant 0 : i32
      %dma_start3A_414 = tpu.memref_slice %arg7[%dma_start3A_412, %dma_start3A_413] : memref<32x64xi32, #tpu.memory_space<vmem>> -> memref<1x64xi32, #tpu.memory_space<vmem>>
      %dma_start3A_415 = tpu.memref_squeeze %dma_start3A_414 : memref<1x64xi32, #tpu.memory_space<vmem>> -> memref<64xi32, #tpu.memory_space<vmem>>
      %dma_start3A_416 = arith.constant 0 : i32
      %dma_start3A_417 = arith.constant 0 : i32
      %dma_start3A_418 = tpu.memref_slice %arg13[%dma_start3A_416, %dma_start3A_417] : memref<10112x64xf32, #tpu.memory_space<vmem_shared>> -> memref<10112x64xf32, #tpu.memory_space<vmem_shared>>
      tpu.enqueue_indirect_dma source(%dma_start3A_418 : memref<10112x64xf32, #tpu.memory_space<vmem_shared>>) target(%arg9 : memref<64x64xf32, #tpu.memory_space<vmem>>) offsets(%dma_start3A_415 : memref<64xi32, #tpu.memory_space<vmem>>) semaphore(%arg15 : memref<!tpu.dma_semaphore, #tpu.memory_space<semaphore_mem>>)
      %dma_start3A_419 = arith.constant 13 : i32
      %dma_start3A_420 = arith.constant 0 : i32
      %dma_start3A_421 = tpu.memref_slice %arg8[%dma_start3A_419, %dma_start3A_420] : memref<32x64xi32, #tpu.memory_space<vmem>> -> memref<1x64xi32, #tpu.memory_space<vmem>>
      %dma_start3A_422 = tpu.memref_squeeze %dma_start3A_421 : memref<1x64xi32, #tpu.memory_space<vmem>> -> memref<64xi32, #tpu.memory_space<vmem>>
      %dma_start3A_423 = arith.constant 0 : i32
      %dma_start3A_424 = arith.constant 0 : i32
      %dma_start3A_425 = tpu.memref_slice %arg14[%dma_start3A_423, %dma_start3A_424] : memref<10112x64xf32, #tpu.memory_space<vmem_shared>> -> memref<10112x64xf32, #tpu.memory_space<vmem_shared>>
      tpu.enqueue_indirect_dma source(%arg10 : memref<64x64xf32, #tpu.memory_space<vmem>>) target(%dma_start3A_425 : memref<10112x64xf32, #tpu.memory_space<vmem_shared>>) offsets(%dma_start3A_422 : memref<64xi32, #tpu.memory_space<vmem>>) semaphore(%arg20 : memref<!tpu.dma_semaphore, #tpu.memory_space<semaphore_mem>>) {add = true}
      %dma_wait3A_426 = arith.constant 14 : i32
      %dma_wait3A_427 = arith.constant 0 : i32
      %dma_wait3A_428 = tpu.memref_slice %arg7[%dma_wait3A_426, %dma_wait3A_427] : memref<32x64xi32, #tpu.memory_space<vmem>> -> memref<1x64xi32, #tpu.memory_space<vmem>>
      %dma_wait3A_429 = tpu.memref_squeeze %dma_wait3A_428 : memref<1x64xi32, #tpu.memory_space<vmem>> -> memref<64xi32, #tpu.memory_space<vmem>>
      %dma_wait3A_430 = arith.constant 0 : i32
      %dma_wait3A_431 = arith.constant 0 : i32
      %dma_wait3A_432 = tpu.memref_slice %arg13[%dma_wait3A_430, %dma_wait3A_431] : memref<10112x64xf32, #tpu.memory_space<vmem_shared>> -> memref<10112x64xf32, #tpu.memory_space<vmem_shared>>
      tpu.wait_indirect_dma semaphore(%arg17 : memref<!tpu.dma_semaphore, #tpu.memory_space<semaphore_mem>>) src(%dma_wait3A_432 : memref<10112x64xf32, #tpu.memory_space<vmem_shared>>) dst(%arg11 : memref<64x64xf32, #tpu.memory_space<vmem>>)
      %dma_wait3A_433 = arith.constant 13 : i32
      %dma_wait3A_434 = arith.constant 0 : i32
      %dma_wait3A_435 = tpu.memref_slice %arg8[%dma_wait3A_433, %dma_wait3A_434] : memref<32x64xi32, #tpu.memory_space<vmem>> -> memref<1x64xi32, #tpu.memory_space<vmem>>
      %dma_wait3A_436 = tpu.memref_squeeze %dma_wait3A_435 : memref<1x64xi32, #tpu.memory_space<vmem>> -> memref<64xi32, #tpu.memory_space<vmem>>
      %dma_wait3A_437 = arith.constant 0 : i32
      %dma_wait3A_438 = arith.constant 0 : i32
      %dma_wait3A_439 = tpu.memref_slice %arg14[%dma_wait3A_437, %dma_wait3A_438] : memref<10112x64xf32, #tpu.memory_space<vmem_shared>> -> memref<10112x64xf32, #tpu.memory_space<vmem_shared>>
      tpu.wait_indirect_dma semaphore(%arg20 : memref<!tpu.dma_semaphore, #tpu.memory_space<semaphore_mem>>) src(%arg10 : memref<64x64xf32, #tpu.memory_space<vmem>>) dst(%dma_wait3A_439 : memref<10112x64xf32, #tpu.memory_space<vmem_shared>>)
      %dma_start3A_440 = arith.constant 17 : i32
      %dma_start3A_441 = arith.constant 0 : i32
      %dma_start3A_442 = tpu.memref_slice %arg7[%dma_start3A_440, %dma_start3A_441] : memref<32x64xi32, #tpu.memory_space<vmem>> -> memref<1x64xi32, #tpu.memory_space<vmem>>
      %dma_start3A_443 = tpu.memref_squeeze %dma_start3A_442 : memref<1x64xi32, #tpu.memory_space<vmem>> -> memref<64xi32, #tpu.memory_space<vmem>>
      %dma_start3A_444 = arith.constant 0 : i32
      %dma_start3A_445 = arith.constant 0 : i32
      %dma_start3A_446 = tpu.memref_slice %arg13[%dma_start3A_444, %dma_start3A_445] : memref<10112x64xf32, #tpu.memory_space<vmem_shared>> -> memref<10112x64xf32, #tpu.memory_space<vmem_shared>>
      tpu.enqueue_indirect_dma source(%dma_start3A_446 : memref<10112x64xf32, #tpu.memory_space<vmem_shared>>) target(%arg10 : memref<64x64xf32, #tpu.memory_space<vmem>>) offsets(%dma_start3A_443 : memref<64xi32, #tpu.memory_space<vmem>>) semaphore(%arg16 : memref<!tpu.dma_semaphore, #tpu.memory_space<semaphore_mem>>)
      %dma_start3A_447 = arith.constant 14 : i32
      %dma_start3A_448 = arith.constant 0 : i32
      %dma_start3A_449 = tpu.memref_slice %arg8[%dma_start3A_447, %dma_start3A_448] : memref<32x64xi32, #tpu.memory_space<vmem>> -> memref<1x64xi32, #tpu.memory_space<vmem>>
      %dma_start3A_450 = tpu.memref_squeeze %dma_start3A_449 : memref<1x64xi32, #tpu.memory_space<vmem>> -> memref<64xi32, #tpu.memory_space<vmem>>
      %dma_start3A_451 = arith.constant 0 : i32
      %dma_start3A_452 = arith.constant 0 : i32
      %dma_start3A_453 = tpu.memref_slice %arg14[%dma_start3A_451, %dma_start3A_452] : memref<10112x64xf32, #tpu.memory_space<vmem_shared>> -> memref<10112x64xf32, #tpu.memory_space<vmem_shared>>
      tpu.enqueue_indirect_dma source(%arg11 : memref<64x64xf32, #tpu.memory_space<vmem>>) target(%dma_start3A_453 : memref<10112x64xf32, #tpu.memory_space<vmem_shared>>) offsets(%dma_start3A_450 : memref<64xi32, #tpu.memory_space<vmem>>) semaphore(%arg21 : memref<!tpu.dma_semaphore, #tpu.memory_space<semaphore_mem>>) {add = true}
      %dma_wait3A_454 = arith.constant 15 : i32
      %dma_wait3A_455 = arith.constant 0 : i32
      %dma_wait3A_456 = tpu.memref_slice %arg7[%dma_wait3A_454, %dma_wait3A_455] : memref<32x64xi32, #tpu.memory_space<vmem>> -> memref<1x64xi32, #tpu.memory_space<vmem>>
      %dma_wait3A_457 = tpu.memref_squeeze %dma_wait3A_456 : memref<1x64xi32, #tpu.memory_space<vmem>> -> memref<64xi32, #tpu.memory_space<vmem>>
      %dma_wait3A_458 = arith.constant 0 : i32
      %dma_wait3A_459 = arith.constant 0 : i32
      %dma_wait3A_460 = tpu.memref_slice %arg13[%dma_wait3A_458, %dma_wait3A_459] : memref<10112x64xf32, #tpu.memory_space<vmem_shared>> -> memref<10112x64xf32, #tpu.memory_space<vmem_shared>>
      tpu.wait_indirect_dma semaphore(%arg18 : memref<!tpu.dma_semaphore, #tpu.memory_space<semaphore_mem>>) src(%dma_wait3A_460 : memref<10112x64xf32, #tpu.memory_space<vmem_shared>>) dst(%arg12 : memref<64x64xf32, #tpu.memory_space<vmem>>)
      %dma_wait3A_461 = arith.constant 14 : i32
      %dma_wait3A_462 = arith.constant 0 : i32
      %dma_wait3A_463 = tpu.memref_slice %arg8[%dma_wait3A_461, %dma_wait3A_462] : memref<32x64xi32, #tpu.memory_space<vmem>> -> memref<1x64xi32, #tpu.memory_space<vmem>>
      %dma_wait3A_464 = tpu.memref_squeeze %dma_wait3A_463 : memref<1x64xi32, #tpu.memory_space<vmem>> -> memref<64xi32, #tpu.memory_space<vmem>>
      %dma_wait3A_465 = arith.constant 0 : i32
      %dma_wait3A_466 = arith.constant 0 : i32
      %dma_wait3A_467 = tpu.memref_slice %arg14[%dma_wait3A_465, %dma_wait3A_466] : memref<10112x64xf32, #tpu.memory_space<vmem_shared>> -> memref<10112x64xf32, #tpu.memory_space<vmem_shared>>
      tpu.wait_indirect_dma semaphore(%arg21 : memref<!tpu.dma_semaphore, #tpu.memory_space<semaphore_mem>>) src(%arg11 : memref<64x64xf32, #tpu.memory_space<vmem>>) dst(%dma_wait3A_467 : memref<10112x64xf32, #tpu.memory_space<vmem_shared>>)
      %dma_start3A_468 = arith.constant 18 : i32
      %dma_start3A_469 = arith.constant 0 : i32
      %dma_start3A_470 = tpu.memref_slice %arg7[%dma_start3A_468, %dma_start3A_469] : memref<32x64xi32, #tpu.memory_space<vmem>> -> memref<1x64xi32, #tpu.memory_space<vmem>>
      %dma_start3A_471 = tpu.memref_squeeze %dma_start3A_470 : memref<1x64xi32, #tpu.memory_space<vmem>> -> memref<64xi32, #tpu.memory_space<vmem>>
      %dma_start3A_472 = arith.constant 0 : i32
      %dma_start3A_473 = arith.constant 0 : i32
      %dma_start3A_474 = tpu.memref_slice %arg13[%dma_start3A_472, %dma_start3A_473] : memref<10112x64xf32, #tpu.memory_space<vmem_shared>> -> memref<10112x64xf32, #tpu.memory_space<vmem_shared>>
      tpu.enqueue_indirect_dma source(%dma_start3A_474 : memref<10112x64xf32, #tpu.memory_space<vmem_shared>>) target(%arg11 : memref<64x64xf32, #tpu.memory_space<vmem>>) offsets(%dma_start3A_471 : memref<64xi32, #tpu.memory_space<vmem>>) semaphore(%arg17 : memref<!tpu.dma_semaphore, #tpu.memory_space<semaphore_mem>>)
      %dma_start3A_475 = arith.constant 15 : i32
      %dma_start3A_476 = arith.constant 0 : i32
      %dma_start3A_477 = tpu.memref_slice %arg8[%dma_start3A_475, %dma_start3A_476] : memref<32x64xi32, #tpu.memory_space<vmem>> -> memref<1x64xi32, #tpu.memory_space<vmem>>
      %dma_start3A_478 = tpu.memref_squeeze %dma_start3A_477 : memref<1x64xi32, #tpu.memory_space<vmem>> -> memref<64xi32, #tpu.memory_space<vmem>>
      %dma_start3A_479 = arith.constant 0 : i32
      %dma_start3A_480 = arith.constant 0 : i32
      %dma_start3A_481 = tpu.memref_slice %arg14[%dma_start3A_479, %dma_start3A_480] : memref<10112x64xf32, #tpu.memory_space<vmem_shared>> -> memref<10112x64xf32, #tpu.memory_space<vmem_shared>>
      tpu.enqueue_indirect_dma source(%arg12 : memref<64x64xf32, #tpu.memory_space<vmem>>) target(%dma_start3A_481 : memref<10112x64xf32, #tpu.memory_space<vmem_shared>>) offsets(%dma_start3A_478 : memref<64xi32, #tpu.memory_space<vmem>>) semaphore(%arg22 : memref<!tpu.dma_semaphore, #tpu.memory_space<semaphore_mem>>) {add = true}
      %dma_wait3A_482 = arith.constant 16 : i32
      %dma_wait3A_483 = arith.constant 0 : i32
      %dma_wait3A_484 = tpu.memref_slice %arg7[%dma_wait3A_482, %dma_wait3A_483] : memref<32x64xi32, #tpu.memory_space<vmem>> -> memref<1x64xi32, #tpu.memory_space<vmem>>
      %dma_wait3A_485 = tpu.memref_squeeze %dma_wait3A_484 : memref<1x64xi32, #tpu.memory_space<vmem>> -> memref<64xi32, #tpu.memory_space<vmem>>
      %dma_wait3A_486 = arith.constant 0 : i32
      %dma_wait3A_487 = arith.constant 0 : i32
      %dma_wait3A_488 = tpu.memref_slice %arg13[%dma_wait3A_486, %dma_wait3A_487] : memref<10112x64xf32, #tpu.memory_space<vmem_shared>> -> memref<10112x64xf32, #tpu.memory_space<vmem_shared>>
      tpu.wait_indirect_dma semaphore(%arg15 : memref<!tpu.dma_semaphore, #tpu.memory_space<semaphore_mem>>) src(%dma_wait3A_488 : memref<10112x64xf32, #tpu.memory_space<vmem_shared>>) dst(%arg9 : memref<64x64xf32, #tpu.memory_space<vmem>>)
      %dma_wait3A_489 = arith.constant 15 : i32
      %dma_wait3A_490 = arith.constant 0 : i32
      %dma_wait3A_491 = tpu.memref_slice %arg8[%dma_wait3A_489, %dma_wait3A_490] : memref<32x64xi32, #tpu.memory_space<vmem>> -> memref<1x64xi32, #tpu.memory_space<vmem>>
      %dma_wait3A_492 = tpu.memref_squeeze %dma_wait3A_491 : memref<1x64xi32, #tpu.memory_space<vmem>> -> memref<64xi32, #tpu.memory_space<vmem>>
      %dma_wait3A_493 = arith.constant 0 : i32
      %dma_wait3A_494 = arith.constant 0 : i32
      %dma_wait3A_495 = tpu.memref_slice %arg14[%dma_wait3A_493, %dma_wait3A_494] : memref<10112x64xf32, #tpu.memory_space<vmem_shared>> -> memref<10112x64xf32, #tpu.memory_space<vmem_shared>>
      tpu.wait_indirect_dma semaphore(%arg22 : memref<!tpu.dma_semaphore, #tpu.memory_space<semaphore_mem>>) src(%arg12 : memref<64x64xf32, #tpu.memory_space<vmem>>) dst(%dma_wait3A_495 : memref<10112x64xf32, #tpu.memory_space<vmem_shared>>)
      %dma_start3A_496 = arith.constant 19 : i32
      %dma_start3A_497 = arith.constant 0 : i32
      %dma_start3A_498 = tpu.memref_slice %arg7[%dma_start3A_496, %dma_start3A_497] : memref<32x64xi32, #tpu.memory_space<vmem>> -> memref<1x64xi32, #tpu.memory_space<vmem>>
      %dma_start3A_499 = tpu.memref_squeeze %dma_start3A_498 : memref<1x64xi32, #tpu.memory_space<vmem>> -> memref<64xi32, #tpu.memory_space<vmem>>
      %dma_start3A_500 = arith.constant 0 : i32
      %dma_start3A_501 = arith.constant 0 : i32
      %dma_start3A_502 = tpu.memref_slice %arg13[%dma_start3A_500, %dma_start3A_501] : memref<10112x64xf32, #tpu.memory_space<vmem_shared>> -> memref<10112x64xf32, #tpu.memory_space<vmem_shared>>
      tpu.enqueue_indirect_dma source(%dma_start3A_502 : memref<10112x64xf32, #tpu.memory_space<vmem_shared>>) target(%arg12 : memref<64x64xf32, #tpu.memory_space<vmem>>) offsets(%dma_start3A_499 : memref<64xi32, #tpu.memory_space<vmem>>) semaphore(%arg18 : memref<!tpu.dma_semaphore, #tpu.memory_space<semaphore_mem>>)
      %dma_start3A_503 = arith.constant 16 : i32
      %dma_start3A_504 = arith.constant 0 : i32
      %dma_start3A_505 = tpu.memref_slice %arg8[%dma_start3A_503, %dma_start3A_504] : memref<32x64xi32, #tpu.memory_space<vmem>> -> memref<1x64xi32, #tpu.memory_space<vmem>>
      %dma_start3A_506 = tpu.memref_squeeze %dma_start3A_505 : memref<1x64xi32, #tpu.memory_space<vmem>> -> memref<64xi32, #tpu.memory_space<vmem>>
      %dma_start3A_507 = arith.constant 0 : i32
      %dma_start3A_508 = arith.constant 0 : i32
      %dma_start3A_509 = tpu.memref_slice %arg14[%dma_start3A_507, %dma_start3A_508] : memref<10112x64xf32, #tpu.memory_space<vmem_shared>> -> memref<10112x64xf32, #tpu.memory_space<vmem_shared>>
      tpu.enqueue_indirect_dma source(%arg9 : memref<64x64xf32, #tpu.memory_space<vmem>>) target(%dma_start3A_509 : memref<10112x64xf32, #tpu.memory_space<vmem_shared>>) offsets(%dma_start3A_506 : memref<64xi32, #tpu.memory_space<vmem>>) semaphore(%arg19 : memref<!tpu.dma_semaphore, #tpu.memory_space<semaphore_mem>>) {add = true}
      %dma_wait3A_510 = arith.constant 17 : i32
      %dma_wait3A_511 = arith.constant 0 : i32
      %dma_wait3A_512 = tpu.memref_slice %arg7[%dma_wait3A_510, %dma_wait3A_511] : memref<32x64xi32, #tpu.memory_space<vmem>> -> memref<1x64xi32, #tpu.memory_space<vmem>>
      %dma_wait3A_513 = tpu.memref_squeeze %dma_wait3A_512 : memref<1x64xi32, #tpu.memory_space<vmem>> -> memref<64xi32, #tpu.memory_space<vmem>>
      %dma_wait3A_514 = arith.constant 0 : i32
      %dma_wait3A_515 = arith.constant 0 : i32
      %dma_wait3A_516 = tpu.memref_slice %arg13[%dma_wait3A_514, %dma_wait3A_515] : memref<10112x64xf32, #tpu.memory_space<vmem_shared>> -> memref<10112x64xf32, #tpu.memory_space<vmem_shared>>
      tpu.wait_indirect_dma semaphore(%arg16 : memref<!tpu.dma_semaphore, #tpu.memory_space<semaphore_mem>>) src(%dma_wait3A_516 : memref<10112x64xf32, #tpu.memory_space<vmem_shared>>) dst(%arg10 : memref<64x64xf32, #tpu.memory_space<vmem>>)
      %dma_wait3A_517 = arith.constant 16 : i32
      %dma_wait3A_518 = arith.constant 0 : i32
      %dma_wait3A_519 = tpu.memref_slice %arg8[%dma_wait3A_517, %dma_wait3A_518] : memref<32x64xi32, #tpu.memory_space<vmem>> -> memref<1x64xi32, #tpu.memory_space<vmem>>
      %dma_wait3A_520 = tpu.memref_squeeze %dma_wait3A_519 : memref<1x64xi32, #tpu.memory_space<vmem>> -> memref<64xi32, #tpu.memory_space<vmem>>
      %dma_wait3A_521 = arith.constant 0 : i32
      %dma_wait3A_522 = arith.constant 0 : i32
      %dma_wait3A_523 = tpu.memref_slice %arg14[%dma_wait3A_521, %dma_wait3A_522] : memref<10112x64xf32, #tpu.memory_space<vmem_shared>> -> memref<10112x64xf32, #tpu.memory_space<vmem_shared>>
      tpu.wait_indirect_dma semaphore(%arg19 : memref<!tpu.dma_semaphore, #tpu.memory_space<semaphore_mem>>) src(%arg9 : memref<64x64xf32, #tpu.memory_space<vmem>>) dst(%dma_wait3A_523 : memref<10112x64xf32, #tpu.memory_space<vmem_shared>>)
      %dma_start3A_524 = arith.constant 20 : i32
      %dma_start3A_525 = arith.constant 0 : i32
      %dma_start3A_526 = tpu.memref_slice %arg7[%dma_start3A_524, %dma_start3A_525] : memref<32x64xi32, #tpu.memory_space<vmem>> -> memref<1x64xi32, #tpu.memory_space<vmem>>
      %dma_start3A_527 = tpu.memref_squeeze %dma_start3A_526 : memref<1x64xi32, #tpu.memory_space<vmem>> -> memref<64xi32, #tpu.memory_space<vmem>>
      %dma_start3A_528 = arith.constant 0 : i32
      %dma_start3A_529 = arith.constant 0 : i32
      %dma_start3A_530 = tpu.memref_slice %arg13[%dma_start3A_528, %dma_start3A_529] : memref<10112x64xf32, #tpu.memory_space<vmem_shared>> -> memref<10112x64xf32, #tpu.memory_space<vmem_shared>>
      tpu.enqueue_indirect_dma source(%dma_start3A_530 : memref<10112x64xf32, #tpu.memory_space<vmem_shared>>) target(%arg9 : memref<64x64xf32, #tpu.memory_space<vmem>>) offsets(%dma_start3A_527 : memref<64xi32, #tpu.memory_space<vmem>>) semaphore(%arg15 : memref<!tpu.dma_semaphore, #tpu.memory_space<semaphore_mem>>)
      %dma_start3A_531 = arith.constant 17 : i32
      %dma_start3A_532 = arith.constant 0 : i32
      %dma_start3A_533 = tpu.memref_slice %arg8[%dma_start3A_531, %dma_start3A_532] : memref<32x64xi32, #tpu.memory_space<vmem>> -> memref<1x64xi32, #tpu.memory_space<vmem>>
      %dma_start3A_534 = tpu.memref_squeeze %dma_start3A_533 : memref<1x64xi32, #tpu.memory_space<vmem>> -> memref<64xi32, #tpu.memory_space<vmem>>
      %dma_start3A_535 = arith.constant 0 : i32
      %dma_start3A_536 = arith.constant 0 : i32
      %dma_start3A_537 = tpu.memref_slice %arg14[%dma_start3A_535, %dma_start3A_536] : memref<10112x64xf32, #tpu.memory_space<vmem_shared>> -> memref<10112x64xf32, #tpu.memory_space<vmem_shared>>
      tpu.enqueue_indirect_dma source(%arg10 : memref<64x64xf32, #tpu.memory_space<vmem>>) target(%dma_start3A_537 : memref<10112x64xf32, #tpu.memory_space<vmem_shared>>) offsets(%dma_start3A_534 : memref<64xi32, #tpu.memory_space<vmem>>) semaphore(%arg20 : memref<!tpu.dma_semaphore, #tpu.memory_space<semaphore_mem>>) {add = true}
      %dma_wait3A_538 = arith.constant 18 : i32
      %dma_wait3A_539 = arith.constant 0 : i32
      %dma_wait3A_540 = tpu.memref_slice %arg7[%dma_wait3A_538, %dma_wait3A_539] : memref<32x64xi32, #tpu.memory_space<vmem>> -> memref<1x64xi32, #tpu.memory_space<vmem>>
      %dma_wait3A_541 = tpu.memref_squeeze %dma_wait3A_540 : memref<1x64xi32, #tpu.memory_space<vmem>> -> memref<64xi32, #tpu.memory_space<vmem>>
      %dma_wait3A_542 = arith.constant 0 : i32
      %dma_wait3A_543 = arith.constant 0 : i32
      %dma_wait3A_544 = tpu.memref_slice %arg13[%dma_wait3A_542, %dma_wait3A_543] : memref<10112x64xf32, #tpu.memory_space<vmem_shared>> -> memref<10112x64xf32, #tpu.memory_space<vmem_shared>>
      tpu.wait_indirect_dma semaphore(%arg17 : memref<!tpu.dma_semaphore, #tpu.memory_space<semaphore_mem>>) src(%dma_wait3A_544 : memref<10112x64xf32, #tpu.memory_space<vmem_shared>>) dst(%arg11 : memref<64x64xf32, #tpu.memory_space<vmem>>)
      %dma_wait3A_545 = arith.constant 17 : i32
      %dma_wait3A_546 = arith.constant 0 : i32
      %dma_wait3A_547 = tpu.memref_slice %arg8[%dma_wait3A_545, %dma_wait3A_546] : memref<32x64xi32, #tpu.memory_space<vmem>> -> memref<1x64xi32, #tpu.memory_space<vmem>>
      %dma_wait3A_548 = tpu.memref_squeeze %dma_wait3A_547 : memref<1x64xi32, #tpu.memory_space<vmem>> -> memref<64xi32, #tpu.memory_space<vmem>>
      %dma_wait3A_549 = arith.constant 0 : i32
      %dma_wait3A_550 = arith.constant 0 : i32
      %dma_wait3A_551 = tpu.memref_slice %arg14[%dma_wait3A_549, %dma_wait3A_550] : memref<10112x64xf32, #tpu.memory_space<vmem_shared>> -> memref<10112x64xf32, #tpu.memory_space<vmem_shared>>
      tpu.wait_indirect_dma semaphore(%arg20 : memref<!tpu.dma_semaphore, #tpu.memory_space<semaphore_mem>>) src(%arg10 : memref<64x64xf32, #tpu.memory_space<vmem>>) dst(%dma_wait3A_551 : memref<10112x64xf32, #tpu.memory_space<vmem_shared>>)
      %dma_start3A_552 = arith.constant 21 : i32
      %dma_start3A_553 = arith.constant 0 : i32
      %dma_start3A_554 = tpu.memref_slice %arg7[%dma_start3A_552, %dma_start3A_553] : memref<32x64xi32, #tpu.memory_space<vmem>> -> memref<1x64xi32, #tpu.memory_space<vmem>>
      %dma_start3A_555 = tpu.memref_squeeze %dma_start3A_554 : memref<1x64xi32, #tpu.memory_space<vmem>> -> memref<64xi32, #tpu.memory_space<vmem>>
      %dma_start3A_556 = arith.constant 0 : i32
      %dma_start3A_557 = arith.constant 0 : i32
      %dma_start3A_558 = tpu.memref_slice %arg13[%dma_start3A_556, %dma_start3A_557] : memref<10112x64xf32, #tpu.memory_space<vmem_shared>> -> memref<10112x64xf32, #tpu.memory_space<vmem_shared>>
      tpu.enqueue_indirect_dma source(%dma_start3A_558 : memref<10112x64xf32, #tpu.memory_space<vmem_shared>>) target(%arg10 : memref<64x64xf32, #tpu.memory_space<vmem>>) offsets(%dma_start3A_555 : memref<64xi32, #tpu.memory_space<vmem>>) semaphore(%arg16 : memref<!tpu.dma_semaphore, #tpu.memory_space<semaphore_mem>>)
      %dma_start3A_559 = arith.constant 18 : i32
      %dma_start3A_560 = arith.constant 0 : i32
      %dma_start3A_561 = tpu.memref_slice %arg8[%dma_start3A_559, %dma_start3A_560] : memref<32x64xi32, #tpu.memory_space<vmem>> -> memref<1x64xi32, #tpu.memory_space<vmem>>
      %dma_start3A_562 = tpu.memref_squeeze %dma_start3A_561 : memref<1x64xi32, #tpu.memory_space<vmem>> -> memref<64xi32, #tpu.memory_space<vmem>>
      %dma_start3A_563 = arith.constant 0 : i32
      %dma_start3A_564 = arith.constant 0 : i32
      %dma_start3A_565 = tpu.memref_slice %arg14[%dma_start3A_563, %dma_start3A_564] : memref<10112x64xf32, #tpu.memory_space<vmem_shared>> -> memref<10112x64xf32, #tpu.memory_space<vmem_shared>>
      tpu.enqueue_indirect_dma source(%arg11 : memref<64x64xf32, #tpu.memory_space<vmem>>) target(%dma_start3A_565 : memref<10112x64xf32, #tpu.memory_space<vmem_shared>>) offsets(%dma_start3A_562 : memref<64xi32, #tpu.memory_space<vmem>>) semaphore(%arg21 : memref<!tpu.dma_semaphore, #tpu.memory_space<semaphore_mem>>) {add = true}
      %dma_wait3A_566 = arith.constant 19 : i32
      %dma_wait3A_567 = arith.constant 0 : i32
      %dma_wait3A_568 = tpu.memref_slice %arg7[%dma_wait3A_566, %dma_wait3A_567] : memref<32x64xi32, #tpu.memory_space<vmem>> -> memref<1x64xi32, #tpu.memory_space<vmem>>
      %dma_wait3A_569 = tpu.memref_squeeze %dma_wait3A_568 : memref<1x64xi32, #tpu.memory_space<vmem>> -> memref<64xi32, #tpu.memory_space<vmem>>
      %dma_wait3A_570 = arith.constant 0 : i32
      %dma_wait3A_571 = arith.constant 0 : i32
      %dma_wait3A_572 = tpu.memref_slice %arg13[%dma_wait3A_570, %dma_wait3A_571] : memref<10112x64xf32, #tpu.memory_space<vmem_shared>> -> memref<10112x64xf32, #tpu.memory_space<vmem_shared>>
      tpu.wait_indirect_dma semaphore(%arg18 : memref<!tpu.dma_semaphore, #tpu.memory_space<semaphore_mem>>) src(%dma_wait3A_572 : memref<10112x64xf32, #tpu.memory_space<vmem_shared>>) dst(%arg12 : memref<64x64xf32, #tpu.memory_space<vmem>>)
      %dma_wait3A_573 = arith.constant 18 : i32
      %dma_wait3A_574 = arith.constant 0 : i32
      %dma_wait3A_575 = tpu.memref_slice %arg8[%dma_wait3A_573, %dma_wait3A_574] : memref<32x64xi32, #tpu.memory_space<vmem>> -> memref<1x64xi32, #tpu.memory_space<vmem>>
      %dma_wait3A_576 = tpu.memref_squeeze %dma_wait3A_575 : memref<1x64xi32, #tpu.memory_space<vmem>> -> memref<64xi32, #tpu.memory_space<vmem>>
      %dma_wait3A_577 = arith.constant 0 : i32
      %dma_wait3A_578 = arith.constant 0 : i32
      %dma_wait3A_579 = tpu.memref_slice %arg14[%dma_wait3A_577, %dma_wait3A_578] : memref<10112x64xf32, #tpu.memory_space<vmem_shared>> -> memref<10112x64xf32, #tpu.memory_space<vmem_shared>>
      tpu.wait_indirect_dma semaphore(%arg21 : memref<!tpu.dma_semaphore, #tpu.memory_space<semaphore_mem>>) src(%arg11 : memref<64x64xf32, #tpu.memory_space<vmem>>) dst(%dma_wait3A_579 : memref<10112x64xf32, #tpu.memory_space<vmem_shared>>)
      %dma_start3A_580 = arith.constant 22 : i32
      %dma_start3A_581 = arith.constant 0 : i32
      %dma_start3A_582 = tpu.memref_slice %arg7[%dma_start3A_580, %dma_start3A_581] : memref<32x64xi32, #tpu.memory_space<vmem>> -> memref<1x64xi32, #tpu.memory_space<vmem>>
      %dma_start3A_583 = tpu.memref_squeeze %dma_start3A_582 : memref<1x64xi32, #tpu.memory_space<vmem>> -> memref<64xi32, #tpu.memory_space<vmem>>
      %dma_start3A_584 = arith.constant 0 : i32
      %dma_start3A_585 = arith.constant 0 : i32
      %dma_start3A_586 = tpu.memref_slice %arg13[%dma_start3A_584, %dma_start3A_585] : memref<10112x64xf32, #tpu.memory_space<vmem_shared>> -> memref<10112x64xf32, #tpu.memory_space<vmem_shared>>
      tpu.enqueue_indirect_dma source(%dma_start3A_586 : memref<10112x64xf32, #tpu.memory_space<vmem_shared>>) target(%arg11 : memref<64x64xf32, #tpu.memory_space<vmem>>) offsets(%dma_start3A_583 : memref<64xi32, #tpu.memory_space<vmem>>) semaphore(%arg17 : memref<!tpu.dma_semaphore, #tpu.memory_space<semaphore_mem>>)
      %dma_start3A_587 = arith.constant 19 : i32
      %dma_start3A_588 = arith.constant 0 : i32
      %dma_start3A_589 = tpu.memref_slice %arg8[%dma_start3A_587, %dma_start3A_588] : memref<32x64xi32, #tpu.memory_space<vmem>> -> memref<1x64xi32, #tpu.memory_space<vmem>>
      %dma_start3A_590 = tpu.memref_squeeze %dma_start3A_589 : memref<1x64xi32, #tpu.memory_space<vmem>> -> memref<64xi32, #tpu.memory_space<vmem>>
      %dma_start3A_591 = arith.constant 0 : i32
      %dma_start3A_592 = arith.constant 0 : i32
      %dma_start3A_593 = tpu.memref_slice %arg14[%dma_start3A_591, %dma_start3A_592] : memref<10112x64xf32, #tpu.memory_space<vmem_shared>> -> memref<10112x64xf32, #tpu.memory_space<vmem_shared>>
      tpu.enqueue_indirect_dma source(%arg12 : memref<64x64xf32, #tpu.memory_space<vmem>>) target(%dma_start3A_593 : memref<10112x64xf32, #tpu.memory_space<vmem_shared>>) offsets(%dma_start3A_590 : memref<64xi32, #tpu.memory_space<vmem>>) semaphore(%arg22 : memref<!tpu.dma_semaphore, #tpu.memory_space<semaphore_mem>>) {add = true}
      %dma_wait3A_594 = arith.constant 20 : i32
      %dma_wait3A_595 = arith.constant 0 : i32
      %dma_wait3A_596 = tpu.memref_slice %arg7[%dma_wait3A_594, %dma_wait3A_595] : memref<32x64xi32, #tpu.memory_space<vmem>> -> memref<1x64xi32, #tpu.memory_space<vmem>>
      %dma_wait3A_597 = tpu.memref_squeeze %dma_wait3A_596 : memref<1x64xi32, #tpu.memory_space<vmem>> -> memref<64xi32, #tpu.memory_space<vmem>>
      %dma_wait3A_598 = arith.constant 0 : i32
      %dma_wait3A_599 = arith.constant 0 : i32
      %dma_wait3A_600 = tpu.memref_slice %arg13[%dma_wait3A_598, %dma_wait3A_599] : memref<10112x64xf32, #tpu.memory_space<vmem_shared>> -> memref<10112x64xf32, #tpu.memory_space<vmem_shared>>
      tpu.wait_indirect_dma semaphore(%arg15 : memref<!tpu.dma_semaphore, #tpu.memory_space<semaphore_mem>>) src(%dma_wait3A_600 : memref<10112x64xf32, #tpu.memory_space<vmem_shared>>) dst(%arg9 : memref<64x64xf32, #tpu.memory_space<vmem>>)
      %dma_wait3A_601 = arith.constant 19 : i32
      %dma_wait3A_602 = arith.constant 0 : i32
      %dma_wait3A_603 = tpu.memref_slice %arg8[%dma_wait3A_601, %dma_wait3A_602] : memref<32x64xi32, #tpu.memory_space<vmem>> -> memref<1x64xi32, #tpu.memory_space<vmem>>
      %dma_wait3A_604 = tpu.memref_squeeze %dma_wait3A_603 : memref<1x64xi32, #tpu.memory_space<vmem>> -> memref<64xi32, #tpu.memory_space<vmem>>
      %dma_wait3A_605 = arith.constant 0 : i32
      %dma_wait3A_606 = arith.constant 0 : i32
      %dma_wait3A_607 = tpu.memref_slice %arg14[%dma_wait3A_605, %dma_wait3A_606] : memref<10112x64xf32, #tpu.memory_space<vmem_shared>> -> memref<10112x64xf32, #tpu.memory_space<vmem_shared>>
      tpu.wait_indirect_dma semaphore(%arg22 : memref<!tpu.dma_semaphore, #tpu.memory_space<semaphore_mem>>) src(%arg12 : memref<64x64xf32, #tpu.memory_space<vmem>>) dst(%dma_wait3A_607 : memref<10112x64xf32, #tpu.memory_space<vmem_shared>>)
      %dma_start3A_608 = arith.constant 23 : i32
      %dma_start3A_609 = arith.constant 0 : i32
      %dma_start3A_610 = tpu.memref_slice %arg7[%dma_start3A_608, %dma_start3A_609] : memref<32x64xi32, #tpu.memory_space<vmem>> -> memref<1x64xi32, #tpu.memory_space<vmem>>
      %dma_start3A_611 = tpu.memref_squeeze %dma_start3A_610 : memref<1x64xi32, #tpu.memory_space<vmem>> -> memref<64xi32, #tpu.memory_space<vmem>>
      %dma_start3A_612 = arith.constant 0 : i32
      %dma_start3A_613 = arith.constant 0 : i32
      %dma_start3A_614 = tpu.memref_slice %arg13[%dma_start3A_612, %dma_start3A_613] : memref<10112x64xf32, #tpu.memory_space<vmem_shared>> -> memref<10112x64xf32, #tpu.memory_space<vmem_shared>>
      tpu.enqueue_indirect_dma source(%dma_start3A_614 : memref<10112x64xf32, #tpu.memory_space<vmem_shared>>) target(%arg12 : memref<64x64xf32, #tpu.memory_space<vmem>>) offsets(%dma_start3A_611 : memref<64xi32, #tpu.memory_space<vmem>>) semaphore(%arg18 : memref<!tpu.dma_semaphore, #tpu.memory_space<semaphore_mem>>)
      %dma_start3A_615 = arith.constant 20 : i32
      %dma_start3A_616 = arith.constant 0 : i32
      %dma_start3A_617 = tpu.memref_slice %arg8[%dma_start3A_615, %dma_start3A_616] : memref<32x64xi32, #tpu.memory_space<vmem>> -> memref<1x64xi32, #tpu.memory_space<vmem>>
      %dma_start3A_618 = tpu.memref_squeeze %dma_start3A_617 : memref<1x64xi32, #tpu.memory_space<vmem>> -> memref<64xi32, #tpu.memory_space<vmem>>
      %dma_start3A_619 = arith.constant 0 : i32
      %dma_start3A_620 = arith.constant 0 : i32
      %dma_start3A_621 = tpu.memref_slice %arg14[%dma_start3A_619, %dma_start3A_620] : memref<10112x64xf32, #tpu.memory_space<vmem_shared>> -> memref<10112x64xf32, #tpu.memory_space<vmem_shared>>
      tpu.enqueue_indirect_dma source(%arg9 : memref<64x64xf32, #tpu.memory_space<vmem>>) target(%dma_start3A_621 : memref<10112x64xf32, #tpu.memory_space<vmem_shared>>) offsets(%dma_start3A_618 : memref<64xi32, #tpu.memory_space<vmem>>) semaphore(%arg19 : memref<!tpu.dma_semaphore, #tpu.memory_space<semaphore_mem>>) {add = true}
      %dma_wait3A_622 = arith.constant 21 : i32
      %dma_wait3A_623 = arith.constant 0 : i32
      %dma_wait3A_624 = tpu.memref_slice %arg7[%dma_wait3A_622, %dma_wait3A_623] : memref<32x64xi32, #tpu.memory_space<vmem>> -> memref<1x64xi32, #tpu.memory_space<vmem>>
      %dma_wait3A_625 = tpu.memref_squeeze %dma_wait3A_624 : memref<1x64xi32, #tpu.memory_space<vmem>> -> memref<64xi32, #tpu.memory_space<vmem>>
      %dma_wait3A_626 = arith.constant 0 : i32
      %dma_wait3A_627 = arith.constant 0 : i32
      %dma_wait3A_628 = tpu.memref_slice %arg13[%dma_wait3A_626, %dma_wait3A_627] : memref<10112x64xf32, #tpu.memory_space<vmem_shared>> -> memref<10112x64xf32, #tpu.memory_space<vmem_shared>>
      tpu.wait_indirect_dma semaphore(%arg16 : memref<!tpu.dma_semaphore, #tpu.memory_space<semaphore_mem>>) src(%dma_wait3A_628 : memref<10112x64xf32, #tpu.memory_space<vmem_shared>>) dst(%arg10 : memref<64x64xf32, #tpu.memory_space<vmem>>)
      %dma_wait3A_629 = arith.constant 20 : i32
      %dma_wait3A_630 = arith.constant 0 : i32
      %dma_wait3A_631 = tpu.memref_slice %arg8[%dma_wait3A_629, %dma_wait3A_630] : memref<32x64xi32, #tpu.memory_space<vmem>> -> memref<1x64xi32, #tpu.memory_space<vmem>>
      %dma_wait3A_632 = tpu.memref_squeeze %dma_wait3A_631 : memref<1x64xi32, #tpu.memory_space<vmem>> -> memref<64xi32, #tpu.memory_space<vmem>>
      %dma_wait3A_633 = arith.constant 0 : i32
      %dma_wait3A_634 = arith.constant 0 : i32
      %dma_wait3A_635 = tpu.memref_slice %arg14[%dma_wait3A_633, %dma_wait3A_634] : memref<10112x64xf32, #tpu.memory_space<vmem_shared>> -> memref<10112x64xf32, #tpu.memory_space<vmem_shared>>
      tpu.wait_indirect_dma semaphore(%arg19 : memref<!tpu.dma_semaphore, #tpu.memory_space<semaphore_mem>>) src(%arg9 : memref<64x64xf32, #tpu.memory_space<vmem>>) dst(%dma_wait3A_635 : memref<10112x64xf32, #tpu.memory_space<vmem_shared>>)
      %dma_start3A_636 = arith.constant 24 : i32
      %dma_start3A_637 = arith.constant 0 : i32
      %dma_start3A_638 = tpu.memref_slice %arg7[%dma_start3A_636, %dma_start3A_637] : memref<32x64xi32, #tpu.memory_space<vmem>> -> memref<1x64xi32, #tpu.memory_space<vmem>>
      %dma_start3A_639 = tpu.memref_squeeze %dma_start3A_638 : memref<1x64xi32, #tpu.memory_space<vmem>> -> memref<64xi32, #tpu.memory_space<vmem>>
      %dma_start3A_640 = arith.constant 0 : i32
      %dma_start3A_641 = arith.constant 0 : i32
      %dma_start3A_642 = tpu.memref_slice %arg13[%dma_start3A_640, %dma_start3A_641] : memref<10112x64xf32, #tpu.memory_space<vmem_shared>> -> memref<10112x64xf32, #tpu.memory_space<vmem_shared>>
      tpu.enqueue_indirect_dma source(%dma_start3A_642 : memref<10112x64xf32, #tpu.memory_space<vmem_shared>>) target(%arg9 : memref<64x64xf32, #tpu.memory_space<vmem>>) offsets(%dma_start3A_639 : memref<64xi32, #tpu.memory_space<vmem>>) semaphore(%arg15 : memref<!tpu.dma_semaphore, #tpu.memory_space<semaphore_mem>>)
      %dma_start3A_643 = arith.constant 21 : i32
      %dma_start3A_644 = arith.constant 0 : i32
      %dma_start3A_645 = tpu.memref_slice %arg8[%dma_start3A_643, %dma_start3A_644] : memref<32x64xi32, #tpu.memory_space<vmem>> -> memref<1x64xi32, #tpu.memory_space<vmem>>
      %dma_start3A_646 = tpu.memref_squeeze %dma_start3A_645 : memref<1x64xi32, #tpu.memory_space<vmem>> -> memref<64xi32, #tpu.memory_space<vmem>>
      %dma_start3A_647 = arith.constant 0 : i32
      %dma_start3A_648 = arith.constant 0 : i32
      %dma_start3A_649 = tpu.memref_slice %arg14[%dma_start3A_647, %dma_start3A_648] : memref<10112x64xf32, #tpu.memory_space<vmem_shared>> -> memref<10112x64xf32, #tpu.memory_space<vmem_shared>>
      tpu.enqueue_indirect_dma source(%arg10 : memref<64x64xf32, #tpu.memory_space<vmem>>) target(%dma_start3A_649 : memref<10112x64xf32, #tpu.memory_space<vmem_shared>>) offsets(%dma_start3A_646 : memref<64xi32, #tpu.memory_space<vmem>>) semaphore(%arg20 : memref<!tpu.dma_semaphore, #tpu.memory_space<semaphore_mem>>) {add = true}
      %dma_wait3A_650 = arith.constant 22 : i32
      %dma_wait3A_651 = arith.constant 0 : i32
      %dma_wait3A_652 = tpu.memref_slice %arg7[%dma_wait3A_650, %dma_wait3A_651] : memref<32x64xi32, #tpu.memory_space<vmem>> -> memref<1x64xi32, #tpu.memory_space<vmem>>
      %dma_wait3A_653 = tpu.memref_squeeze %dma_wait3A_652 : memref<1x64xi32, #tpu.memory_space<vmem>> -> memref<64xi32, #tpu.memory_space<vmem>>
      %dma_wait3A_654 = arith.constant 0 : i32
      %dma_wait3A_655 = arith.constant 0 : i32
      %dma_wait3A_656 = tpu.memref_slice %arg13[%dma_wait3A_654, %dma_wait3A_655] : memref<10112x64xf32, #tpu.memory_space<vmem_shared>> -> memref<10112x64xf32, #tpu.memory_space<vmem_shared>>
      tpu.wait_indirect_dma semaphore(%arg17 : memref<!tpu.dma_semaphore, #tpu.memory_space<semaphore_mem>>) src(%dma_wait3A_656 : memref<10112x64xf32, #tpu.memory_space<vmem_shared>>) dst(%arg11 : memref<64x64xf32, #tpu.memory_space<vmem>>)
      %dma_wait3A_657 = arith.constant 21 : i32
      %dma_wait3A_658 = arith.constant 0 : i32
      %dma_wait3A_659 = tpu.memref_slice %arg8[%dma_wait3A_657, %dma_wait3A_658] : memref<32x64xi32, #tpu.memory_space<vmem>> -> memref<1x64xi32, #tpu.memory_space<vmem>>
      %dma_wait3A_660 = tpu.memref_squeeze %dma_wait3A_659 : memref<1x64xi32, #tpu.memory_space<vmem>> -> memref<64xi32, #tpu.memory_space<vmem>>
      %dma_wait3A_661 = arith.constant 0 : i32
      %dma_wait3A_662 = arith.constant 0 : i32
      %dma_wait3A_663 = tpu.memref_slice %arg14[%dma_wait3A_661, %dma_wait3A_662] : memref<10112x64xf32, #tpu.memory_space<vmem_shared>> -> memref<10112x64xf32, #tpu.memory_space<vmem_shared>>
      tpu.wait_indirect_dma semaphore(%arg20 : memref<!tpu.dma_semaphore, #tpu.memory_space<semaphore_mem>>) src(%arg10 : memref<64x64xf32, #tpu.memory_space<vmem>>) dst(%dma_wait3A_663 : memref<10112x64xf32, #tpu.memory_space<vmem_shared>>)
      %dma_start3A_664 = arith.constant 25 : i32
      %dma_start3A_665 = arith.constant 0 : i32
      %dma_start3A_666 = tpu.memref_slice %arg7[%dma_start3A_664, %dma_start3A_665] : memref<32x64xi32, #tpu.memory_space<vmem>> -> memref<1x64xi32, #tpu.memory_space<vmem>>
      %dma_start3A_667 = tpu.memref_squeeze %dma_start3A_666 : memref<1x64xi32, #tpu.memory_space<vmem>> -> memref<64xi32, #tpu.memory_space<vmem>>
      %dma_start3A_668 = arith.constant 0 : i32
      %dma_start3A_669 = arith.constant 0 : i32
      %dma_start3A_670 = tpu.memref_slice %arg13[%dma_start3A_668, %dma_start3A_669] : memref<10112x64xf32, #tpu.memory_space<vmem_shared>> -> memref<10112x64xf32, #tpu.memory_space<vmem_shared>>
      tpu.enqueue_indirect_dma source(%dma_start3A_670 : memref<10112x64xf32, #tpu.memory_space<vmem_shared>>) target(%arg10 : memref<64x64xf32, #tpu.memory_space<vmem>>) offsets(%dma_start3A_667 : memref<64xi32, #tpu.memory_space<vmem>>) semaphore(%arg16 : memref<!tpu.dma_semaphore, #tpu.memory_space<semaphore_mem>>)
      %dma_start3A_671 = arith.constant 22 : i32
      %dma_start3A_672 = arith.constant 0 : i32
      %dma_start3A_673 = tpu.memref_slice %arg8[%dma_start3A_671, %dma_start3A_672] : memref<32x64xi32, #tpu.memory_space<vmem>> -> memref<1x64xi32, #tpu.memory_space<vmem>>
      %dma_start3A_674 = tpu.memref_squeeze %dma_start3A_673 : memref<1x64xi32, #tpu.memory_space<vmem>> -> memref<64xi32, #tpu.memory_space<vmem>>
      %dma_start3A_675 = arith.constant 0 : i32
      %dma_start3A_676 = arith.constant 0 : i32
      %dma_start3A_677 = tpu.memref_slice %arg14[%dma_start3A_675, %dma_start3A_676] : memref<10112x64xf32, #tpu.memory_space<vmem_shared>> -> memref<10112x64xf32, #tpu.memory_space<vmem_shared>>
      tpu.enqueue_indirect_dma source(%arg11 : memref<64x64xf32, #tpu.memory_space<vmem>>) target(%dma_start3A_677 : memref<10112x64xf32, #tpu.memory_space<vmem_shared>>) offsets(%dma_start3A_674 : memref<64xi32, #tpu.memory_space<vmem>>) semaphore(%arg21 : memref<!tpu.dma_semaphore, #tpu.memory_space<semaphore_mem>>) {add = true}
      %dma_wait3A_678 = arith.constant 23 : i32
      %dma_wait3A_679 = arith.constant 0 : i32
      %dma_wait3A_680 = tpu.memref_slice %arg7[%dma_wait3A_678, %dma_wait3A_679] : memref<32x64xi32, #tpu.memory_space<vmem>> -> memref<1x64xi32, #tpu.memory_space<vmem>>
      %dma_wait3A_681 = tpu.memref_squeeze %dma_wait3A_680 : memref<1x64xi32, #tpu.memory_space<vmem>> -> memref<64xi32, #tpu.memory_space<vmem>>
      %dma_wait3A_682 = arith.constant 0 : i32
      %dma_wait3A_683 = arith.constant 0 : i32
      %dma_wait3A_684 = tpu.memref_slice %arg13[%dma_wait3A_682, %dma_wait3A_683] : memref<10112x64xf32, #tpu.memory_space<vmem_shared>> -> memref<10112x64xf32, #tpu.memory_space<vmem_shared>>
      tpu.wait_indirect_dma semaphore(%arg18 : memref<!tpu.dma_semaphore, #tpu.memory_space<semaphore_mem>>) src(%dma_wait3A_684 : memref<10112x64xf32, #tpu.memory_space<vmem_shared>>) dst(%arg12 : memref<64x64xf32, #tpu.memory_space<vmem>>)
      %dma_wait3A_685 = arith.constant 22 : i32
      %dma_wait3A_686 = arith.constant 0 : i32
      %dma_wait3A_687 = tpu.memref_slice %arg8[%dma_wait3A_685, %dma_wait3A_686] : memref<32x64xi32, #tpu.memory_space<vmem>> -> memref<1x64xi32, #tpu.memory_space<vmem>>
      %dma_wait3A_688 = tpu.memref_squeeze %dma_wait3A_687 : memref<1x64xi32, #tpu.memory_space<vmem>> -> memref<64xi32, #tpu.memory_space<vmem>>
      %dma_wait3A_689 = arith.constant 0 : i32
      %dma_wait3A_690 = arith.constant 0 : i32
      %dma_wait3A_691 = tpu.memref_slice %arg14[%dma_wait3A_689, %dma_wait3A_690] : memref<10112x64xf32, #tpu.memory_space<vmem_shared>> -> memref<10112x64xf32, #tpu.memory_space<vmem_shared>>
      tpu.wait_indirect_dma semaphore(%arg21 : memref<!tpu.dma_semaphore, #tpu.memory_space<semaphore_mem>>) src(%arg11 : memref<64x64xf32, #tpu.memory_space<vmem>>) dst(%dma_wait3A_691 : memref<10112x64xf32, #tpu.memory_space<vmem_shared>>)
      %dma_start3A_692 = arith.constant 26 : i32
      %dma_start3A_693 = arith.constant 0 : i32
      %dma_start3A_694 = tpu.memref_slice %arg7[%dma_start3A_692, %dma_start3A_693] : memref<32x64xi32, #tpu.memory_space<vmem>> -> memref<1x64xi32, #tpu.memory_space<vmem>>
      %dma_start3A_695 = tpu.memref_squeeze %dma_start3A_694 : memref<1x64xi32, #tpu.memory_space<vmem>> -> memref<64xi32, #tpu.memory_space<vmem>>
      %dma_start3A_696 = arith.constant 0 : i32
      %dma_start3A_697 = arith.constant 0 : i32
      %dma_start3A_698 = tpu.memref_slice %arg13[%dma_start3A_696, %dma_start3A_697] : memref<10112x64xf32, #tpu.memory_space<vmem_shared>> -> memref<10112x64xf32, #tpu.memory_space<vmem_shared>>
      tpu.enqueue_indirect_dma source(%dma_start3A_698 : memref<10112x64xf32, #tpu.memory_space<vmem_shared>>) target(%arg11 : memref<64x64xf32, #tpu.memory_space<vmem>>) offsets(%dma_start3A_695 : memref<64xi32, #tpu.memory_space<vmem>>) semaphore(%arg17 : memref<!tpu.dma_semaphore, #tpu.memory_space<semaphore_mem>>)
      %dma_start3A_699 = arith.constant 23 : i32
      %dma_start3A_700 = arith.constant 0 : i32
      %dma_start3A_701 = tpu.memref_slice %arg8[%dma_start3A_699, %dma_start3A_700] : memref<32x64xi32, #tpu.memory_space<vmem>> -> memref<1x64xi32, #tpu.memory_space<vmem>>
      %dma_start3A_702 = tpu.memref_squeeze %dma_start3A_701 : memref<1x64xi32, #tpu.memory_space<vmem>> -> memref<64xi32, #tpu.memory_space<vmem>>
      %dma_start3A_703 = arith.constant 0 : i32
      %dma_start3A_704 = arith.constant 0 : i32
      %dma_start3A_705 = tpu.memref_slice %arg14[%dma_start3A_703, %dma_start3A_704] : memref<10112x64xf32, #tpu.memory_space<vmem_shared>> -> memref<10112x64xf32, #tpu.memory_space<vmem_shared>>
      tpu.enqueue_indirect_dma source(%arg12 : memref<64x64xf32, #tpu.memory_space<vmem>>) target(%dma_start3A_705 : memref<10112x64xf32, #tpu.memory_space<vmem_shared>>) offsets(%dma_start3A_702 : memref<64xi32, #tpu.memory_space<vmem>>) semaphore(%arg22 : memref<!tpu.dma_semaphore, #tpu.memory_space<semaphore_mem>>) {add = true}
      %dma_wait3A_706 = arith.constant 24 : i32
      %dma_wait3A_707 = arith.constant 0 : i32
      %dma_wait3A_708 = tpu.memref_slice %arg7[%dma_wait3A_706, %dma_wait3A_707] : memref<32x64xi32, #tpu.memory_space<vmem>> -> memref<1x64xi32, #tpu.memory_space<vmem>>
      %dma_wait3A_709 = tpu.memref_squeeze %dma_wait3A_708 : memref<1x64xi32, #tpu.memory_space<vmem>> -> memref<64xi32, #tpu.memory_space<vmem>>
      %dma_wait3A_710 = arith.constant 0 : i32
      %dma_wait3A_711 = arith.constant 0 : i32
      %dma_wait3A_712 = tpu.memref_slice %arg13[%dma_wait3A_710, %dma_wait3A_711] : memref<10112x64xf32, #tpu.memory_space<vmem_shared>> -> memref<10112x64xf32, #tpu.memory_space<vmem_shared>>
      tpu.wait_indirect_dma semaphore(%arg15 : memref<!tpu.dma_semaphore, #tpu.memory_space<semaphore_mem>>) src(%dma_wait3A_712 : memref<10112x64xf32, #tpu.memory_space<vmem_shared>>) dst(%arg9 : memref<64x64xf32, #tpu.memory_space<vmem>>)
      %dma_wait3A_713 = arith.constant 23 : i32
      %dma_wait3A_714 = arith.constant 0 : i32
      %dma_wait3A_715 = tpu.memref_slice %arg8[%dma_wait3A_713, %dma_wait3A_714] : memref<32x64xi32, #tpu.memory_space<vmem>> -> memref<1x64xi32, #tpu.memory_space<vmem>>
      %dma_wait3A_716 = tpu.memref_squeeze %dma_wait3A_715 : memref<1x64xi32, #tpu.memory_space<vmem>> -> memref<64xi32, #tpu.memory_space<vmem>>
      %dma_wait3A_717 = arith.constant 0 : i32
      %dma_wait3A_718 = arith.constant 0 : i32
      %dma_wait3A_719 = tpu.memref_slice %arg14[%dma_wait3A_717, %dma_wait3A_718] : memref<10112x64xf32, #tpu.memory_space<vmem_shared>> -> memref<10112x64xf32, #tpu.memory_space<vmem_shared>>
      tpu.wait_indirect_dma semaphore(%arg22 : memref<!tpu.dma_semaphore, #tpu.memory_space<semaphore_mem>>) src(%arg12 : memref<64x64xf32, #tpu.memory_space<vmem>>) dst(%dma_wait3A_719 : memref<10112x64xf32, #tpu.memory_space<vmem_shared>>)
      %dma_start3A_720 = arith.constant 27 : i32
      %dma_start3A_721 = arith.constant 0 : i32
      %dma_start3A_722 = tpu.memref_slice %arg7[%dma_start3A_720, %dma_start3A_721] : memref<32x64xi32, #tpu.memory_space<vmem>> -> memref<1x64xi32, #tpu.memory_space<vmem>>
      %dma_start3A_723 = tpu.memref_squeeze %dma_start3A_722 : memref<1x64xi32, #tpu.memory_space<vmem>> -> memref<64xi32, #tpu.memory_space<vmem>>
      %dma_start3A_724 = arith.constant 0 : i32
      %dma_start3A_725 = arith.constant 0 : i32
      %dma_start3A_726 = tpu.memref_slice %arg13[%dma_start3A_724, %dma_start3A_725] : memref<10112x64xf32, #tpu.memory_space<vmem_shared>> -> memref<10112x64xf32, #tpu.memory_space<vmem_shared>>
      tpu.enqueue_indirect_dma source(%dma_start3A_726 : memref<10112x64xf32, #tpu.memory_space<vmem_shared>>) target(%arg12 : memref<64x64xf32, #tpu.memory_space<vmem>>) offsets(%dma_start3A_723 : memref<64xi32, #tpu.memory_space<vmem>>) semaphore(%arg18 : memref<!tpu.dma_semaphore, #tpu.memory_space<semaphore_mem>>)
      %dma_start3A_727 = arith.constant 24 : i32
      %dma_start3A_728 = arith.constant 0 : i32
      %dma_start3A_729 = tpu.memref_slice %arg8[%dma_start3A_727, %dma_start3A_728] : memref<32x64xi32, #tpu.memory_space<vmem>> -> memref<1x64xi32, #tpu.memory_space<vmem>>
      %dma_start3A_730 = tpu.memref_squeeze %dma_start3A_729 : memref<1x64xi32, #tpu.memory_space<vmem>> -> memref<64xi32, #tpu.memory_space<vmem>>
      %dma_start3A_731 = arith.constant 0 : i32
      %dma_start3A_732 = arith.constant 0 : i32
      %dma_start3A_733 = tpu.memref_slice %arg14[%dma_start3A_731, %dma_start3A_732] : memref<10112x64xf32, #tpu.memory_space<vmem_shared>> -> memref<10112x64xf32, #tpu.memory_space<vmem_shared>>
      tpu.enqueue_indirect_dma source(%arg9 : memref<64x64xf32, #tpu.memory_space<vmem>>) target(%dma_start3A_733 : memref<10112x64xf32, #tpu.memory_space<vmem_shared>>) offsets(%dma_start3A_730 : memref<64xi32, #tpu.memory_space<vmem>>) semaphore(%arg19 : memref<!tpu.dma_semaphore, #tpu.memory_space<semaphore_mem>>) {add = true}
      %dma_wait3A_734 = arith.constant 25 : i32
      %dma_wait3A_735 = arith.constant 0 : i32
      %dma_wait3A_736 = tpu.memref_slice %arg7[%dma_wait3A_734, %dma_wait3A_735] : memref<32x64xi32, #tpu.memory_space<vmem>> -> memref<1x64xi32, #tpu.memory_space<vmem>>
      %dma_wait3A_737 = tpu.memref_squeeze %dma_wait3A_736 : memref<1x64xi32, #tpu.memory_space<vmem>> -> memref<64xi32, #tpu.memory_space<vmem>>
      %dma_wait3A_738 = arith.constant 0 : i32
      %dma_wait3A_739 = arith.constant 0 : i32
      %dma_wait3A_740 = tpu.memref_slice %arg13[%dma_wait3A_738, %dma_wait3A_739] : memref<10112x64xf32, #tpu.memory_space<vmem_shared>> -> memref<10112x64xf32, #tpu.memory_space<vmem_shared>>
      tpu.wait_indirect_dma semaphore(%arg16 : memref<!tpu.dma_semaphore, #tpu.memory_space<semaphore_mem>>) src(%dma_wait3A_740 : memref<10112x64xf32, #tpu.memory_space<vmem_shared>>) dst(%arg10 : memref<64x64xf32, #tpu.memory_space<vmem>>)
      %dma_wait3A_741 = arith.constant 24 : i32
      %dma_wait3A_742 = arith.constant 0 : i32
      %dma_wait3A_743 = tpu.memref_slice %arg8[%dma_wait3A_741, %dma_wait3A_742] : memref<32x64xi32, #tpu.memory_space<vmem>> -> memref<1x64xi32, #tpu.memory_space<vmem>>
      %dma_wait3A_744 = tpu.memref_squeeze %dma_wait3A_743 : memref<1x64xi32, #tpu.memory_space<vmem>> -> memref<64xi32, #tpu.memory_space<vmem>>
      %dma_wait3A_745 = arith.constant 0 : i32
      %dma_wait3A_746 = arith.constant 0 : i32
      %dma_wait3A_747 = tpu.memref_slice %arg14[%dma_wait3A_745, %dma_wait3A_746] : memref<10112x64xf32, #tpu.memory_space<vmem_shared>> -> memref<10112x64xf32, #tpu.memory_space<vmem_shared>>
      tpu.wait_indirect_dma semaphore(%arg19 : memref<!tpu.dma_semaphore, #tpu.memory_space<semaphore_mem>>) src(%arg9 : memref<64x64xf32, #tpu.memory_space<vmem>>) dst(%dma_wait3A_747 : memref<10112x64xf32, #tpu.memory_space<vmem_shared>>)
      %dma_start3A_748 = arith.constant 28 : i32
      %dma_start3A_749 = arith.constant 0 : i32
      %dma_start3A_750 = tpu.memref_slice %arg7[%dma_start3A_748, %dma_start3A_749] : memref<32x64xi32, #tpu.memory_space<vmem>> -> memref<1x64xi32, #tpu.memory_space<vmem>>
      %dma_start3A_751 = tpu.memref_squeeze %dma_start3A_750 : memref<1x64xi32, #tpu.memory_space<vmem>> -> memref<64xi32, #tpu.memory_space<vmem>>
      %dma_start3A_752 = arith.constant 0 : i32
      %dma_start3A_753 = arith.constant 0 : i32
      %dma_start3A_754 = tpu.memref_slice %arg13[%dma_start3A_752, %dma_start3A_753] : memref<10112x64xf32, #tpu.memory_space<vmem_shared>> -> memref<10112x64xf32, #tpu.memory_space<vmem_shared>>
      tpu.enqueue_indirect_dma source(%dma_start3A_754 : memref<10112x64xf32, #tpu.memory_space<vmem_shared>>) target(%arg9 : memref<64x64xf32, #tpu.memory_space<vmem>>) offsets(%dma_start3A_751 : memref<64xi32, #tpu.memory_space<vmem>>) semaphore(%arg15 : memref<!tpu.dma_semaphore, #tpu.memory_space<semaphore_mem>>)
      %dma_start3A_755 = arith.constant 25 : i32
      %dma_start3A_756 = arith.constant 0 : i32
      %dma_start3A_757 = tpu.memref_slice %arg8[%dma_start3A_755, %dma_start3A_756] : memref<32x64xi32, #tpu.memory_space<vmem>> -> memref<1x64xi32, #tpu.memory_space<vmem>>
      %dma_start3A_758 = tpu.memref_squeeze %dma_start3A_757 : memref<1x64xi32, #tpu.memory_space<vmem>> -> memref<64xi32, #tpu.memory_space<vmem>>
      %dma_start3A_759 = arith.constant 0 : i32
      %dma_start3A_760 = arith.constant 0 : i32
      %dma_start3A_761 = tpu.memref_slice %arg14[%dma_start3A_759, %dma_start3A_760] : memref<10112x64xf32, #tpu.memory_space<vmem_shared>> -> memref<10112x64xf32, #tpu.memory_space<vmem_shared>>
      tpu.enqueue_indirect_dma source(%arg10 : memref<64x64xf32, #tpu.memory_space<vmem>>) target(%dma_start3A_761 : memref<10112x64xf32, #tpu.memory_space<vmem_shared>>) offsets(%dma_start3A_758 : memref<64xi32, #tpu.memory_space<vmem>>) semaphore(%arg20 : memref<!tpu.dma_semaphore, #tpu.memory_space<semaphore_mem>>) {add = true}
      %dma_wait3A_762 = arith.constant 26 : i32
      %dma_wait3A_763 = arith.constant 0 : i32
      %dma_wait3A_764 = tpu.memref_slice %arg7[%dma_wait3A_762, %dma_wait3A_763] : memref<32x64xi32, #tpu.memory_space<vmem>> -> memref<1x64xi32, #tpu.memory_space<vmem>>
      %dma_wait3A_765 = tpu.memref_squeeze %dma_wait3A_764 : memref<1x64xi32, #tpu.memory_space<vmem>> -> memref<64xi32, #tpu.memory_space<vmem>>
      %dma_wait3A_766 = arith.constant 0 : i32
      %dma_wait3A_767 = arith.constant 0 : i32
      %dma_wait3A_768 = tpu.memref_slice %arg13[%dma_wait3A_766, %dma_wait3A_767] : memref<10112x64xf32, #tpu.memory_space<vmem_shared>> -> memref<10112x64xf32, #tpu.memory_space<vmem_shared>>
      tpu.wait_indirect_dma semaphore(%arg17 : memref<!tpu.dma_semaphore, #tpu.memory_space<semaphore_mem>>) src(%dma_wait3A_768 : memref<10112x64xf32, #tpu.memory_space<vmem_shared>>) dst(%arg11 : memref<64x64xf32, #tpu.memory_space<vmem>>)
      %dma_wait3A_769 = arith.constant 25 : i32
      %dma_wait3A_770 = arith.constant 0 : i32
      %dma_wait3A_771 = tpu.memref_slice %arg8[%dma_wait3A_769, %dma_wait3A_770] : memref<32x64xi32, #tpu.memory_space<vmem>> -> memref<1x64xi32, #tpu.memory_space<vmem>>
      %dma_wait3A_772 = tpu.memref_squeeze %dma_wait3A_771 : memref<1x64xi32, #tpu.memory_space<vmem>> -> memref<64xi32, #tpu.memory_space<vmem>>
      %dma_wait3A_773 = arith.constant 0 : i32
      %dma_wait3A_774 = arith.constant 0 : i32
      %dma_wait3A_775 = tpu.memref_slice %arg14[%dma_wait3A_773, %dma_wait3A_774] : memref<10112x64xf32, #tpu.memory_space<vmem_shared>> -> memref<10112x64xf32, #tpu.memory_space<vmem_shared>>
      tpu.wait_indirect_dma semaphore(%arg20 : memref<!tpu.dma_semaphore, #tpu.memory_space<semaphore_mem>>) src(%arg10 : memref<64x64xf32, #tpu.memory_space<vmem>>) dst(%dma_wait3A_775 : memref<10112x64xf32, #tpu.memory_space<vmem_shared>>)
      %dma_start3A_776 = arith.constant 29 : i32
      %dma_start3A_777 = arith.constant 0 : i32
      %dma_start3A_778 = tpu.memref_slice %arg7[%dma_start3A_776, %dma_start3A_777] : memref<32x64xi32, #tpu.memory_space<vmem>> -> memref<1x64xi32, #tpu.memory_space<vmem>>
      %dma_start3A_779 = tpu.memref_squeeze %dma_start3A_778 : memref<1x64xi32, #tpu.memory_space<vmem>> -> memref<64xi32, #tpu.memory_space<vmem>>
      %dma_start3A_780 = arith.constant 0 : i32
      %dma_start3A_781 = arith.constant 0 : i32
      %dma_start3A_782 = tpu.memref_slice %arg13[%dma_start3A_780, %dma_start3A_781] : memref<10112x64xf32, #tpu.memory_space<vmem_shared>> -> memref<10112x64xf32, #tpu.memory_space<vmem_shared>>
      tpu.enqueue_indirect_dma source(%dma_start3A_782 : memref<10112x64xf32, #tpu.memory_space<vmem_shared>>) target(%arg10 : memref<64x64xf32, #tpu.memory_space<vmem>>) offsets(%dma_start3A_779 : memref<64xi32, #tpu.memory_space<vmem>>) semaphore(%arg16 : memref<!tpu.dma_semaphore, #tpu.memory_space<semaphore_mem>>)
      %dma_start3A_783 = arith.constant 26 : i32
      %dma_start3A_784 = arith.constant 0 : i32
      %dma_start3A_785 = tpu.memref_slice %arg8[%dma_start3A_783, %dma_start3A_784] : memref<32x64xi32, #tpu.memory_space<vmem>> -> memref<1x64xi32, #tpu.memory_space<vmem>>
      %dma_start3A_786 = tpu.memref_squeeze %dma_start3A_785 : memref<1x64xi32, #tpu.memory_space<vmem>> -> memref<64xi32, #tpu.memory_space<vmem>>
      %dma_start3A_787 = arith.constant 0 : i32
      %dma_start3A_788 = arith.constant 0 : i32
      %dma_start3A_789 = tpu.memref_slice %arg14[%dma_start3A_787, %dma_start3A_788] : memref<10112x64xf32, #tpu.memory_space<vmem_shared>> -> memref<10112x64xf32, #tpu.memory_space<vmem_shared>>
      tpu.enqueue_indirect_dma source(%arg11 : memref<64x64xf32, #tpu.memory_space<vmem>>) target(%dma_start3A_789 : memref<10112x64xf32, #tpu.memory_space<vmem_shared>>) offsets(%dma_start3A_786 : memref<64xi32, #tpu.memory_space<vmem>>) semaphore(%arg21 : memref<!tpu.dma_semaphore, #tpu.memory_space<semaphore_mem>>) {add = true}
      %dma_wait3A_790 = arith.constant 27 : i32
      %dma_wait3A_791 = arith.constant 0 : i32
      %dma_wait3A_792 = tpu.memref_slice %arg7[%dma_wait3A_790, %dma_wait3A_791] : memref<32x64xi32, #tpu.memory_space<vmem>> -> memref<1x64xi32, #tpu.memory_space<vmem>>
      %dma_wait3A_793 = tpu.memref_squeeze %dma_wait3A_792 : memref<1x64xi32, #tpu.memory_space<vmem>> -> memref<64xi32, #tpu.memory_space<vmem>>
      %dma_wait3A_794 = arith.constant 0 : i32
      %dma_wait3A_795 = arith.constant 0 : i32
      %dma_wait3A_796 = tpu.memref_slice %arg13[%dma_wait3A_794, %dma_wait3A_795] : memref<10112x64xf32, #tpu.memory_space<vmem_shared>> -> memref<10112x64xf32, #tpu.memory_space<vmem_shared>>
      tpu.wait_indirect_dma semaphore(%arg18 : memref<!tpu.dma_semaphore, #tpu.memory_space<semaphore_mem>>) src(%dma_wait3A_796 : memref<10112x64xf32, #tpu.memory_space<vmem_shared>>) dst(%arg12 : memref<64x64xf32, #tpu.memory_space<vmem>>)
      %dma_wait3A_797 = arith.constant 26 : i32
      %dma_wait3A_798 = arith.constant 0 : i32
      %dma_wait3A_799 = tpu.memref_slice %arg8[%dma_wait3A_797, %dma_wait3A_798] : memref<32x64xi32, #tpu.memory_space<vmem>> -> memref<1x64xi32, #tpu.memory_space<vmem>>
      %dma_wait3A_800 = tpu.memref_squeeze %dma_wait3A_799 : memref<1x64xi32, #tpu.memory_space<vmem>> -> memref<64xi32, #tpu.memory_space<vmem>>
      %dma_wait3A_801 = arith.constant 0 : i32
      %dma_wait3A_802 = arith.constant 0 : i32
      %dma_wait3A_803 = tpu.memref_slice %arg14[%dma_wait3A_801, %dma_wait3A_802] : memref<10112x64xf32, #tpu.memory_space<vmem_shared>> -> memref<10112x64xf32, #tpu.memory_space<vmem_shared>>
      tpu.wait_indirect_dma semaphore(%arg21 : memref<!tpu.dma_semaphore, #tpu.memory_space<semaphore_mem>>) src(%arg11 : memref<64x64xf32, #tpu.memory_space<vmem>>) dst(%dma_wait3A_803 : memref<10112x64xf32, #tpu.memory_space<vmem_shared>>)
      %dma_start3A_804 = arith.constant 30 : i32
      %dma_start3A_805 = arith.constant 0 : i32
      %dma_start3A_806 = tpu.memref_slice %arg7[%dma_start3A_804, %dma_start3A_805] : memref<32x64xi32, #tpu.memory_space<vmem>> -> memref<1x64xi32, #tpu.memory_space<vmem>>
      %dma_start3A_807 = tpu.memref_squeeze %dma_start3A_806 : memref<1x64xi32, #tpu.memory_space<vmem>> -> memref<64xi32, #tpu.memory_space<vmem>>
      %dma_start3A_808 = arith.constant 0 : i32
      %dma_start3A_809 = arith.constant 0 : i32
      %dma_start3A_810 = tpu.memref_slice %arg13[%dma_start3A_808, %dma_start3A_809] : memref<10112x64xf32, #tpu.memory_space<vmem_shared>> -> memref<10112x64xf32, #tpu.memory_space<vmem_shared>>
      tpu.enqueue_indirect_dma source(%dma_start3A_810 : memref<10112x64xf32, #tpu.memory_space<vmem_shared>>) target(%arg11 : memref<64x64xf32, #tpu.memory_space<vmem>>) offsets(%dma_start3A_807 : memref<64xi32, #tpu.memory_space<vmem>>) semaphore(%arg17 : memref<!tpu.dma_semaphore, #tpu.memory_space<semaphore_mem>>)
      %dma_start3A_811 = arith.constant 27 : i32
      %dma_start3A_812 = arith.constant 0 : i32
      %dma_start3A_813 = tpu.memref_slice %arg8[%dma_start3A_811, %dma_start3A_812] : memref<32x64xi32, #tpu.memory_space<vmem>> -> memref<1x64xi32, #tpu.memory_space<vmem>>
      %dma_start3A_814 = tpu.memref_squeeze %dma_start3A_813 : memref<1x64xi32, #tpu.memory_space<vmem>> -> memref<64xi32, #tpu.memory_space<vmem>>
      %dma_start3A_815 = arith.constant 0 : i32
      %dma_start3A_816 = arith.constant 0 : i32
      %dma_start3A_817 = tpu.memref_slice %arg14[%dma_start3A_815, %dma_start3A_816] : memref<10112x64xf32, #tpu.memory_space<vmem_shared>> -> memref<10112x64xf32, #tpu.memory_space<vmem_shared>>
      tpu.enqueue_indirect_dma source(%arg12 : memref<64x64xf32, #tpu.memory_space<vmem>>) target(%dma_start3A_817 : memref<10112x64xf32, #tpu.memory_space<vmem_shared>>) offsets(%dma_start3A_814 : memref<64xi32, #tpu.memory_space<vmem>>) semaphore(%arg22 : memref<!tpu.dma_semaphore, #tpu.memory_space<semaphore_mem>>) {add = true}
      %dma_wait3A_818 = arith.constant 28 : i32
      %dma_wait3A_819 = arith.constant 0 : i32
      %dma_wait3A_820 = tpu.memref_slice %arg7[%dma_wait3A_818, %dma_wait3A_819] : memref<32x64xi32, #tpu.memory_space<vmem>> -> memref<1x64xi32, #tpu.memory_space<vmem>>
      %dma_wait3A_821 = tpu.memref_squeeze %dma_wait3A_820 : memref<1x64xi32, #tpu.memory_space<vmem>> -> memref<64xi32, #tpu.memory_space<vmem>>
      %dma_wait3A_822 = arith.constant 0 : i32
      %dma_wait3A_823 = arith.constant 0 : i32
      %dma_wait3A_824 = tpu.memref_slice %arg13[%dma_wait3A_822, %dma_wait3A_823] : memref<10112x64xf32, #tpu.memory_space<vmem_shared>> -> memref<10112x64xf32, #tpu.memory_space<vmem_shared>>
      tpu.wait_indirect_dma semaphore(%arg15 : memref<!tpu.dma_semaphore, #tpu.memory_space<semaphore_mem>>) src(%dma_wait3A_824 : memref<10112x64xf32, #tpu.memory_space<vmem_shared>>) dst(%arg9 : memref<64x64xf32, #tpu.memory_space<vmem>>)
      %dma_wait3A_825 = arith.constant 27 : i32
      %dma_wait3A_826 = arith.constant 0 : i32
      %dma_wait3A_827 = tpu.memref_slice %arg8[%dma_wait3A_825, %dma_wait3A_826] : memref<32x64xi32, #tpu.memory_space<vmem>> -> memref<1x64xi32, #tpu.memory_space<vmem>>
      %dma_wait3A_828 = tpu.memref_squeeze %dma_wait3A_827 : memref<1x64xi32, #tpu.memory_space<vmem>> -> memref<64xi32, #tpu.memory_space<vmem>>
      %dma_wait3A_829 = arith.constant 0 : i32
      %dma_wait3A_830 = arith.constant 0 : i32
      %dma_wait3A_831 = tpu.memref_slice %arg14[%dma_wait3A_829, %dma_wait3A_830] : memref<10112x64xf32, #tpu.memory_space<vmem_shared>> -> memref<10112x64xf32, #tpu.memory_space<vmem_shared>>
      tpu.wait_indirect_dma semaphore(%arg22 : memref<!tpu.dma_semaphore, #tpu.memory_space<semaphore_mem>>) src(%arg12 : memref<64x64xf32, #tpu.memory_space<vmem>>) dst(%dma_wait3A_831 : memref<10112x64xf32, #tpu.memory_space<vmem_shared>>)
      %dma_start3A_832 = arith.constant 31 : i32
      %dma_start3A_833 = arith.constant 0 : i32
      %dma_start3A_834 = tpu.memref_slice %arg7[%dma_start3A_832, %dma_start3A_833] : memref<32x64xi32, #tpu.memory_space<vmem>> -> memref<1x64xi32, #tpu.memory_space<vmem>>
      %dma_start3A_835 = tpu.memref_squeeze %dma_start3A_834 : memref<1x64xi32, #tpu.memory_space<vmem>> -> memref<64xi32, #tpu.memory_space<vmem>>
      %dma_start3A_836 = arith.constant 0 : i32
      %dma_start3A_837 = arith.constant 0 : i32
      %dma_start3A_838 = tpu.memref_slice %arg13[%dma_start3A_836, %dma_start3A_837] : memref<10112x64xf32, #tpu.memory_space<vmem_shared>> -> memref<10112x64xf32, #tpu.memory_space<vmem_shared>>
      tpu.enqueue_indirect_dma source(%dma_start3A_838 : memref<10112x64xf32, #tpu.memory_space<vmem_shared>>) target(%arg12 : memref<64x64xf32, #tpu.memory_space<vmem>>) offsets(%dma_start3A_835 : memref<64xi32, #tpu.memory_space<vmem>>) semaphore(%arg18 : memref<!tpu.dma_semaphore, #tpu.memory_space<semaphore_mem>>)
      %dma_start3A_839 = arith.constant 28 : i32
      %dma_start3A_840 = arith.constant 0 : i32
      %dma_start3A_841 = tpu.memref_slice %arg8[%dma_start3A_839, %dma_start3A_840] : memref<32x64xi32, #tpu.memory_space<vmem>> -> memref<1x64xi32, #tpu.memory_space<vmem>>
      %dma_start3A_842 = tpu.memref_squeeze %dma_start3A_841 : memref<1x64xi32, #tpu.memory_space<vmem>> -> memref<64xi32, #tpu.memory_space<vmem>>
      %dma_start3A_843 = arith.constant 0 : i32
      %dma_start3A_844 = arith.constant 0 : i32
      %dma_start3A_845 = tpu.memref_slice %arg14[%dma_start3A_843, %dma_start3A_844] : memref<10112x64xf32, #tpu.memory_space<vmem_shared>> -> memref<10112x64xf32, #tpu.memory_space<vmem_shared>>
      tpu.enqueue_indirect_dma source(%arg9 : memref<64x64xf32, #tpu.memory_space<vmem>>) target(%dma_start3A_845 : memref<10112x64xf32, #tpu.memory_space<vmem_shared>>) offsets(%dma_start3A_842 : memref<64xi32, #tpu.memory_space<vmem>>) semaphore(%arg19 : memref<!tpu.dma_semaphore, #tpu.memory_space<semaphore_mem>>) {add = true}
      %dma_wait3A_846 = arith.constant 29 : i32
      %dma_wait3A_847 = arith.constant 0 : i32
      %dma_wait3A_848 = tpu.memref_slice %arg7[%dma_wait3A_846, %dma_wait3A_847] : memref<32x64xi32, #tpu.memory_space<vmem>> -> memref<1x64xi32, #tpu.memory_space<vmem>>
      %dma_wait3A_849 = tpu.memref_squeeze %dma_wait3A_848 : memref<1x64xi32, #tpu.memory_space<vmem>> -> memref<64xi32, #tpu.memory_space<vmem>>
      %dma_wait3A_850 = arith.constant 0 : i32
      %dma_wait3A_851 = arith.constant 0 : i32
      %dma_wait3A_852 = tpu.memref_slice %arg13[%dma_wait3A_850, %dma_wait3A_851] : memref<10112x64xf32, #tpu.memory_space<vmem_shared>> -> memref<10112x64xf32, #tpu.memory_space<vmem_shared>>
      tpu.wait_indirect_dma semaphore(%arg16 : memref<!tpu.dma_semaphore, #tpu.memory_space<semaphore_mem>>) src(%dma_wait3A_852 : memref<10112x64xf32, #tpu.memory_space<vmem_shared>>) dst(%arg10 : memref<64x64xf32, #tpu.memory_space<vmem>>)
      %dma_start3A_853 = arith.constant 29 : i32
      %dma_start3A_854 = arith.constant 0 : i32
      %dma_start3A_855 = tpu.memref_slice %arg8[%dma_start3A_853, %dma_start3A_854] : memref<32x64xi32, #tpu.memory_space<vmem>> -> memref<1x64xi32, #tpu.memory_space<vmem>>
      %dma_start3A_856 = tpu.memref_squeeze %dma_start3A_855 : memref<1x64xi32, #tpu.memory_space<vmem>> -> memref<64xi32, #tpu.memory_space<vmem>>
      %dma_start3A_857 = arith.constant 0 : i32
      %dma_start3A_858 = arith.constant 0 : i32
      %dma_start3A_859 = tpu.memref_slice %arg14[%dma_start3A_857, %dma_start3A_858] : memref<10112x64xf32, #tpu.memory_space<vmem_shared>> -> memref<10112x64xf32, #tpu.memory_space<vmem_shared>>
      tpu.enqueue_indirect_dma source(%arg10 : memref<64x64xf32, #tpu.memory_space<vmem>>) target(%dma_start3A_859 : memref<10112x64xf32, #tpu.memory_space<vmem_shared>>) offsets(%dma_start3A_856 : memref<64xi32, #tpu.memory_space<vmem>>) semaphore(%arg20 : memref<!tpu.dma_semaphore, #tpu.memory_space<semaphore_mem>>) {add = true}
      %dma_wait3A_860 = arith.constant 30 : i32
      %dma_wait3A_861 = arith.constant 0 : i32
      %dma_wait3A_862 = tpu.memref_slice %arg7[%dma_wait3A_860, %dma_wait3A_861] : memref<32x64xi32, #tpu.memory_space<vmem>> -> memref<1x64xi32, #tpu.memory_space<vmem>>
      %dma_wait3A_863 = tpu.memref_squeeze %dma_wait3A_862 : memref<1x64xi32, #tpu.memory_space<vmem>> -> memref<64xi32, #tpu.memory_space<vmem>>
      %dma_wait3A_864 = arith.constant 0 : i32
      %dma_wait3A_865 = arith.constant 0 : i32
      %dma_wait3A_866 = tpu.memref_slice %arg13[%dma_wait3A_864, %dma_wait3A_865] : memref<10112x64xf32, #tpu.memory_space<vmem_shared>> -> memref<10112x64xf32, #tpu.memory_space<vmem_shared>>
      tpu.wait_indirect_dma semaphore(%arg17 : memref<!tpu.dma_semaphore, #tpu.memory_space<semaphore_mem>>) src(%dma_wait3A_866 : memref<10112x64xf32, #tpu.memory_space<vmem_shared>>) dst(%arg11 : memref<64x64xf32, #tpu.memory_space<vmem>>)
      %dma_start3A_867 = arith.constant 30 : i32
      %dma_start3A_868 = arith.constant 0 : i32
      %dma_start3A_869 = tpu.memref_slice %arg8[%dma_start3A_867, %dma_start3A_868] : memref<32x64xi32, #tpu.memory_space<vmem>> -> memref<1x64xi32, #tpu.memory_space<vmem>>
      %dma_start3A_870 = tpu.memref_squeeze %dma_start3A_869 : memref<1x64xi32, #tpu.memory_space<vmem>> -> memref<64xi32, #tpu.memory_space<vmem>>
      %dma_start3A_871 = arith.constant 0 : i32
      %dma_start3A_872 = arith.constant 0 : i32
      %dma_start3A_873 = tpu.memref_slice %arg14[%dma_start3A_871, %dma_start3A_872] : memref<10112x64xf32, #tpu.memory_space<vmem_shared>> -> memref<10112x64xf32, #tpu.memory_space<vmem_shared>>
      tpu.enqueue_indirect_dma source(%arg11 : memref<64x64xf32, #tpu.memory_space<vmem>>) target(%dma_start3A_873 : memref<10112x64xf32, #tpu.memory_space<vmem_shared>>) offsets(%dma_start3A_870 : memref<64xi32, #tpu.memory_space<vmem>>) semaphore(%arg21 : memref<!tpu.dma_semaphore, #tpu.memory_space<semaphore_mem>>) {add = true}
      %dma_wait3A_874 = arith.constant 31 : i32
      %dma_wait3A_875 = arith.constant 0 : i32
      %dma_wait3A_876 = tpu.memref_slice %arg7[%dma_wait3A_874, %dma_wait3A_875] : memref<32x64xi32, #tpu.memory_space<vmem>> -> memref<1x64xi32, #tpu.memory_space<vmem>>
      %dma_wait3A_877 = tpu.memref_squeeze %dma_wait3A_876 : memref<1x64xi32, #tpu.memory_space<vmem>> -> memref<64xi32, #tpu.memory_space<vmem>>
      %dma_wait3A_878 = arith.constant 0 : i32
      %dma_wait3A_879 = arith.constant 0 : i32
      %dma_wait3A_880 = tpu.memref_slice %arg13[%dma_wait3A_878, %dma_wait3A_879] : memref<10112x64xf32, #tpu.memory_space<vmem_shared>> -> memref<10112x64xf32, #tpu.memory_space<vmem_shared>>
      tpu.wait_indirect_dma semaphore(%arg18 : memref<!tpu.dma_semaphore, #tpu.memory_space<semaphore_mem>>) src(%dma_wait3A_880 : memref<10112x64xf32, #tpu.memory_space<vmem_shared>>) dst(%arg12 : memref<64x64xf32, #tpu.memory_space<vmem>>)
      %dma_start3A_881 = arith.constant 31 : i32
      %dma_start3A_882 = arith.constant 0 : i32
      %dma_start3A_883 = tpu.memref_slice %arg8[%dma_start3A_881, %dma_start3A_882] : memref<32x64xi32, #tpu.memory_space<vmem>> -> memref<1x64xi32, #tpu.memory_space<vmem>>
      %dma_start3A_884 = tpu.memref_squeeze %dma_start3A_883 : memref<1x64xi32, #tpu.memory_space<vmem>> -> memref<64xi32, #tpu.memory_space<vmem>>
      %dma_start3A_885 = arith.constant 0 : i32
      %dma_start3A_886 = arith.constant 0 : i32
      %dma_start3A_887 = tpu.memref_slice %arg14[%dma_start3A_885, %dma_start3A_886] : memref<10112x64xf32, #tpu.memory_space<vmem_shared>> -> memref<10112x64xf32, #tpu.memory_space<vmem_shared>>
      tpu.enqueue_indirect_dma source(%arg12 : memref<64x64xf32, #tpu.memory_space<vmem>>) target(%dma_start3A_887 : memref<10112x64xf32, #tpu.memory_space<vmem_shared>>) offsets(%dma_start3A_884 : memref<64xi32, #tpu.memory_space<vmem>>) semaphore(%arg22 : memref<!tpu.dma_semaphore, #tpu.memory_space<semaphore_mem>>) {add = true}
      %dma_wait3A_888 = arith.constant 28 : i32
      %dma_wait3A_889 = arith.constant 0 : i32
      %dma_wait3A_890 = tpu.memref_slice %arg8[%dma_wait3A_888, %dma_wait3A_889] : memref<32x64xi32, #tpu.memory_space<vmem>> -> memref<1x64xi32, #tpu.memory_space<vmem>>
      %dma_wait3A_891 = tpu.memref_squeeze %dma_wait3A_890 : memref<1x64xi32, #tpu.memory_space<vmem>> -> memref<64xi32, #tpu.memory_space<vmem>>
      %dma_wait3A_892 = arith.constant 0 : i32
      %dma_wait3A_893 = arith.constant 0 : i32
      %dma_wait3A_894 = tpu.memref_slice %arg14[%dma_wait3A_892, %dma_wait3A_893] : memref<10112x64xf32, #tpu.memory_space<vmem_shared>> -> memref<10112x64xf32, #tpu.memory_space<vmem_shared>>
      tpu.wait_indirect_dma semaphore(%arg19 : memref<!tpu.dma_semaphore, #tpu.memory_space<semaphore_mem>>) src(%arg9 : memref<64x64xf32, #tpu.memory_space<vmem>>) dst(%dma_wait3A_894 : memref<10112x64xf32, #tpu.memory_space<vmem_shared>>)
      %dma_wait3A_895 = arith.constant 29 : i32
      %dma_wait3A_896 = arith.constant 0 : i32
      %dma_wait3A_897 = tpu.memref_slice %arg8[%dma_wait3A_895, %dma_wait3A_896] : memref<32x64xi32, #tpu.memory_space<vmem>> -> memref<1x64xi32, #tpu.memory_space<vmem>>
      %dma_wait3A_898 = tpu.memref_squeeze %dma_wait3A_897 : memref<1x64xi32, #tpu.memory_space<vmem>> -> memref<64xi32, #tpu.memory_space<vmem>>
      %dma_wait3A_899 = arith.constant 0 : i32
      %dma_wait3A_900 = arith.constant 0 : i32
      %dma_wait3A_901 = tpu.memref_slice %arg14[%dma_wait3A_899, %dma_wait3A_900] : memref<10112x64xf32, #tpu.memory_space<vmem_shared>> -> memref<10112x64xf32, #tpu.memory_space<vmem_shared>>
      tpu.wait_indirect_dma semaphore(%arg20 : memref<!tpu.dma_semaphore, #tpu.memory_space<semaphore_mem>>) src(%arg10 : memref<64x64xf32, #tpu.memory_space<vmem>>) dst(%dma_wait3A_901 : memref<10112x64xf32, #tpu.memory_space<vmem_shared>>)
      %dma_wait3A_902 = arith.constant 30 : i32
      %dma_wait3A_903 = arith.constant 0 : i32
      %dma_wait3A_904 = tpu.memref_slice %arg8[%dma_wait3A_902, %dma_wait3A_903] : memref<32x64xi32, #tpu.memory_space<vmem>> -> memref<1x64xi32, #tpu.memory_space<vmem>>
      %dma_wait3A_905 = tpu.memref_squeeze %dma_wait3A_904 : memref<1x64xi32, #tpu.memory_space<vmem>> -> memref<64xi32, #tpu.memory_space<vmem>>
      %dma_wait3A_906 = arith.constant 0 : i32
      %dma_wait3A_907 = arith.constant 0 : i32
      %dma_wait3A_908 = tpu.memref_slice %arg14[%dma_wait3A_906, %dma_wait3A_907] : memref<10112x64xf32, #tpu.memory_space<vmem_shared>> -> memref<10112x64xf32, #tpu.memory_space<vmem_shared>>
      tpu.wait_indirect_dma semaphore(%arg21 : memref<!tpu.dma_semaphore, #tpu.memory_space<semaphore_mem>>) src(%arg11 : memref<64x64xf32, #tpu.memory_space<vmem>>) dst(%dma_wait3A_908 : memref<10112x64xf32, #tpu.memory_space<vmem_shared>>)
      %dma_wait3A_909 = arith.constant 31 : i32
      %dma_wait3A_910 = arith.constant 0 : i32
      %dma_wait3A_911 = tpu.memref_slice %arg8[%dma_wait3A_909, %dma_wait3A_910] : memref<32x64xi32, #tpu.memory_space<vmem>> -> memref<1x64xi32, #tpu.memory_space<vmem>>
      %dma_wait3A_912 = tpu.memref_squeeze %dma_wait3A_911 : memref<1x64xi32, #tpu.memory_space<vmem>> -> memref<64xi32, #tpu.memory_space<vmem>>
      %dma_wait3A_913 = arith.constant 0 : i32
      %dma_wait3A_914 = arith.constant 0 : i32
      %dma_wait3A_915 = tpu.memref_slice %arg14[%dma_wait3A_913, %dma_wait3A_914] : memref<10112x64xf32, #tpu.memory_space<vmem_shared>> -> memref<10112x64xf32, #tpu.memory_space<vmem_shared>>
      tpu.wait_indirect_dma semaphore(%arg22 : memref<!tpu.dma_semaphore, #tpu.memory_space<semaphore_mem>>) src(%arg12 : memref<64x64xf32, #tpu.memory_space<vmem>>) dst(%dma_wait3A_915 : memref<10112x64xf32, #tpu.memory_space<vmem_shared>>)
    }
    %scan3A_11 = arith.constant 20 : i32
    %barrier3A_12 = arith.constant 0 : index
    tpu.barrier barrier_id(%barrier3A_12)
    %mul3A_13 = arith.constant 632 : i32
    %mul3A_14 = arith.muli %arg1, %mul3A_13 : i32
    %mul3A_15 = arith.constant 632 : i32
    %mul3A_16 = arith.muli %arg1, %mul3A_15 : i32
    "tpu.region"() ({
      %run_scoped3A = tpu.sem_alloc : memref<!tpu.dma_semaphore, #tpu.memory_space<semaphore_mem>>
      %dma_start3A = arith.constant 0 : i32
      %dma_start3A_17 = tpu.memref_slice %arg6[%arg0, %mul3A_16, %dma_start3A] : memref<2x10112x64xf32, #tpu.memory_space<hbm>> -> memref<1x632x64xf32, #tpu.memory_space<hbm>>
      %dma_start3A_18 = tpu.memref_squeeze %dma_start3A_17 : memref<1x632x64xf32, #tpu.memory_space<hbm>> -> memref<632x64xf32, #tpu.memory_space<hbm>>
      %dma_start3A_19 = arith.constant 0 : i32
      %dma_start3A_20 = tpu.memref_slice %arg14[%mul3A_14, %dma_start3A_19] : memref<10112x64xf32, #tpu.memory_space<vmem_shared>> -> memref<632x64xf32, #tpu.memory_space<vmem_shared>>
      tpu.enqueue_dma source(%dma_start3A_20 : memref<632x64xf32, #tpu.memory_space<vmem_shared>>) target(%dma_start3A_18 : memref<632x64xf32, #tpu.memory_space<hbm>>) target_semaphore(%run_scoped3A : memref<!tpu.dma_semaphore, #tpu.memory_space<semaphore_mem>>)
      %dma_wait3A = arith.constant 0 : i32
      %dma_wait3A_21 = tpu.memref_slice %arg6[%arg0, %mul3A_16, %dma_wait3A] : memref<2x10112x64xf32, #tpu.memory_space<hbm>> -> memref<1x632x64xf32, #tpu.memory_space<hbm>>
      %dma_wait3A_22 = tpu.memref_squeeze %dma_wait3A_21 : memref<1x632x64xf32, #tpu.memory_space<hbm>> -> memref<632x64xf32, #tpu.memory_space<hbm>>
      %dma_wait3A_23 = arith.constant 0 : i32
      %dma_wait3A_24 = tpu.memref_slice %arg14[%mul3A_14, %dma_wait3A_23] : memref<10112x64xf32, #tpu.memory_space<vmem_shared>> -> memref<632x64xf32, #tpu.memory_space<vmem_shared>>
      tpu.wait_dma2 semaphore(%run_scoped3A : memref<!tpu.dma_semaphore, #tpu.memory_space<semaphore_mem>>) src(%dma_wait3A_24 : memref<632x64xf32, #tpu.memory_space<vmem_shared>>) dst(%dma_wait3A_22 : memref<632x64xf32, #tpu.memory_space<hbm>>)
      tpu.yield
    }) : () -> ()
    return
  }
}

#map = affine_map<(d0, d1) -> (0, 0, 0)>
#map1 = affine_map<(d0, d1) -> (0, 0)>
module attributes {stable_mosaic.version = 14 : i64} {
  func.func @body(%arg0: i32, %arg1: i32, %arg2: memref<2x10112x80xf32, #tpu.memory_space<hbm>>, %arg3: memref<16x640x64xi32, #tpu.memory_space<hbm>>, %arg4: memref<16x640x64xi32, #tpu.memory_space<hbm>>, %arg5: memref<10112x80xf32, #tpu.memory_space<hbm>>, %arg6: memref<2x10112x80xf32, #tpu.memory_space<hbm>>, %arg7: memref<32x64xi32, #tpu.memory_space<vmem>>, %arg8: memref<32x64xi32, #tpu.memory_space<vmem>>, %arg9: memref<64x80xf32, #tpu.memory_space<vmem>>, %arg10: memref<64x80xf32, #tpu.memory_space<vmem>>, %arg11: memref<64x80xf32, #tpu.memory_space<vmem>>, %arg12: memref<64x80xf32, #tpu.memory_space<vmem>>, %arg13: memref<10112x80xf32, #tpu.memory_space<vmem_shared>>, %arg14: memref<10112x80xf32, #tpu.memory_space<vmem_shared>>, %arg15: memref<!tpu.dma_semaphore, #tpu.memory_space<semaphore_mem>>, %arg16: memref<!tpu.dma_semaphore, #tpu.memory_space<semaphore_mem>>, %arg17: memref<!tpu.dma_semaphore, #tpu.memory_space<semaphore_mem>>, %arg18: memref<!tpu.dma_semaphore, #tpu.memory_space<semaphore_mem>>, %arg19: memref<!tpu.dma_semaphore, #tpu.memory_space<semaphore_mem>>, %arg20: memref<!tpu.dma_semaphore, #tpu.memory_space<semaphore_mem>>, %arg21: memref<!tpu.dma_semaphore, #tpu.memory_space<semaphore_mem>>, %arg22: memref<!tpu.dma_semaphore, #tpu.memory_space<semaphore_mem>>) attributes {dimension_semantics = [#tpu.dimension_semantics<core_parallel>, #tpu.dimension_semantics<subcore_parallel>], iteration_bounds = array<i64: 2, 16>, scalar_prefetch = 0 : i64, scratch_operands = 16 : i64, tpu.core_type = #tpu.core_type<sc_vector_subcore>, window_params = [{transform_indices = #map}, {transform_indices = #map}, {transform_indices = #map}, {transform_indices = #map1}, {transform_indices = #map}]} {
    %mul3A = arith.constant 632 : i32
    %mul3A_0 = arith.muli %arg1, %mul3A : i32
    %mul3A_1 = arith.constant 632 : i32
    %mul3A_2 = arith.muli %arg1, %mul3A_1 : i32
    "tpu.region"() ({
      %run_scoped3A = tpu.sem_alloc : memref<!tpu.dma_semaphore, #tpu.memory_space<semaphore_mem>>
      %dma_start3A = arith.constant 0 : i32
      %dma_start3A_17 = tpu.memref_slice %arg13[%mul3A_2, %dma_start3A] : memref<10112x80xf32, #tpu.memory_space<vmem_shared>> -> memref<632x80xf32, #tpu.memory_space<vmem_shared>>
      %dma_start3A_18 = arith.constant 0 : i32
      %dma_start3A_19 = tpu.memref_slice %arg2[%arg0, %mul3A_0, %dma_start3A_18] : memref<2x10112x80xf32, #tpu.memory_space<hbm>> -> memref<1x632x80xf32, #tpu.memory_space<hbm>>
      %dma_start3A_20 = tpu.memref_squeeze %dma_start3A_19 : memref<1x632x80xf32, #tpu.memory_space<hbm>> -> memref<632x80xf32, #tpu.memory_space<hbm>>
      tpu.enqueue_dma source(%dma_start3A_20 : memref<632x80xf32, #tpu.memory_space<hbm>>) target(%dma_start3A_17 : memref<632x80xf32, #tpu.memory_space<vmem_shared>>) target_semaphore(%run_scoped3A : memref<!tpu.dma_semaphore, #tpu.memory_space<semaphore_mem>>)
      %dma_wait3A = arith.constant 0 : i32
      %dma_wait3A_21 = tpu.memref_slice %arg13[%mul3A_2, %dma_wait3A] : memref<10112x80xf32, #tpu.memory_space<vmem_shared>> -> memref<632x80xf32, #tpu.memory_space<vmem_shared>>
      %dma_wait3A_22 = arith.constant 0 : i32
      %dma_wait3A_23 = tpu.memref_slice %arg2[%arg0, %mul3A_0, %dma_wait3A_22] : memref<2x10112x80xf32, #tpu.memory_space<hbm>> -> memref<1x632x80xf32, #tpu.memory_space<hbm>>
      %dma_wait3A_24 = tpu.memref_squeeze %dma_wait3A_23 : memref<1x632x80xf32, #tpu.memory_space<hbm>> -> memref<632x80xf32, #tpu.memory_space<hbm>>
      tpu.wait_dma2 semaphore(%run_scoped3A : memref<!tpu.dma_semaphore, #tpu.memory_space<semaphore_mem>>) src(%dma_wait3A_24 : memref<632x80xf32, #tpu.memory_space<hbm>>) dst(%dma_wait3A_21 : memref<632x80xf32, #tpu.memory_space<vmem_shared>>)
      tpu.yield
    }) : () -> ()
    %mul3A_3 = arith.constant 632 : i32
    %mul3A_4 = arith.muli %arg1, %mul3A_3 : i32
    %mul3A_5 = arith.constant 632 : i32
    %mul3A_6 = arith.muli %arg1, %mul3A_5 : i32
    "tpu.region"() ({
      %run_scoped3A = tpu.sem_alloc : memref<!tpu.dma_semaphore, #tpu.memory_space<semaphore_mem>>
      %dma_start3A = arith.constant 0 : i32
      %dma_start3A_17 = tpu.memref_slice %arg14[%mul3A_6, %dma_start3A] : memref<10112x80xf32, #tpu.memory_space<vmem_shared>> -> memref<632x80xf32, #tpu.memory_space<vmem_shared>>
      %dma_start3A_18 = arith.constant 0 : i32
      %dma_start3A_19 = tpu.memref_slice %arg5[%mul3A_4, %dma_start3A_18] : memref<10112x80xf32, #tpu.memory_space<hbm>> -> memref<632x80xf32, #tpu.memory_space<hbm>>
      tpu.enqueue_dma source(%dma_start3A_19 : memref<632x80xf32, #tpu.memory_space<hbm>>) target(%dma_start3A_17 : memref<632x80xf32, #tpu.memory_space<vmem_shared>>) target_semaphore(%run_scoped3A : memref<!tpu.dma_semaphore, #tpu.memory_space<semaphore_mem>>)
      %dma_wait3A = arith.constant 0 : i32
      %dma_wait3A_20 = tpu.memref_slice %arg14[%mul3A_6, %dma_wait3A] : memref<10112x80xf32, #tpu.memory_space<vmem_shared>> -> memref<632x80xf32, #tpu.memory_space<vmem_shared>>
      %dma_wait3A_21 = arith.constant 0 : i32
      %dma_wait3A_22 = tpu.memref_slice %arg5[%mul3A_4, %dma_wait3A_21] : memref<10112x80xf32, #tpu.memory_space<hbm>> -> memref<632x80xf32, #tpu.memory_space<hbm>>
      tpu.wait_dma2 semaphore(%run_scoped3A : memref<!tpu.dma_semaphore, #tpu.memory_space<semaphore_mem>>) src(%dma_wait3A_22 : memref<632x80xf32, #tpu.memory_space<hbm>>) dst(%dma_wait3A_20 : memref<632x80xf32, #tpu.memory_space<vmem_shared>>)
      tpu.yield
    }) : () -> ()
    %barrier3A = arith.constant 0 : index
    tpu.barrier barrier_id(%barrier3A)
    %scan3A = arith.constant 0 : i32
    %scan3A_7 = arith.constant 0 : i32
    %scan3A_8 = arith.constant 20 : i32
    %scan3A_9 = arith.addi %scan3A_7, %scan3A_8 : i32
    %scan3A_10 = arith.constant 1 : i32
    scf.for %scan3A_17 = %scan3A_7 to %scan3A_9 step %scan3A_10  : i32 {
      %mul3A_18 = arith.constant 32 : i32
      %mul3A_19 = arith.muli %scan3A_17, %mul3A_18 : i32
      "tpu.region"() ({
        %run_scoped3A = tpu.sem_alloc : memref<!tpu.dma_semaphore, #tpu.memory_space<semaphore_mem>>
        %dma_start3A_916 = arith.constant 0 : i32
        %dma_start3A_917 = tpu.memref_slice %arg3[%arg1, %mul3A_19, %dma_start3A_916] : memref<16x640x64xi32, #tpu.memory_space<hbm>> -> memref<1x32x64xi32, #tpu.memory_space<hbm>>
        %dma_start3A_918 = tpu.memref_squeeze %dma_start3A_917 : memref<1x32x64xi32, #tpu.memory_space<hbm>> -> memref<32x64xi32, #tpu.memory_space<hbm>>
        %dma_start3A_919 = arith.constant 0 : i32
        %dma_start3A_920 = tpu.memref_slice %arg3[%arg1, %mul3A_19, %dma_start3A_919] : memref<16x640x64xi32, #tpu.memory_space<hbm>> -> memref<1x32x64xi32, #tpu.memory_space<hbm>>
        %dma_start3A_921 = tpu.memref_squeeze %dma_start3A_920 : memref<1x32x64xi32, #tpu.memory_space<hbm>> -> memref<32x64xi32, #tpu.memory_space<hbm>>
        tpu.enqueue_dma source(%dma_start3A_921 : memref<32x64xi32, #tpu.memory_space<hbm>>) target(%arg7 : memref<32x64xi32, #tpu.memory_space<vmem>>) target_semaphore(%run_scoped3A : memref<!tpu.dma_semaphore, #tpu.memory_space<semaphore_mem>>)
        %dma_wait3A_922 = arith.constant 0 : i32
        %dma_wait3A_923 = tpu.memref_slice %arg3[%arg1, %mul3A_19, %dma_wait3A_922] : memref<16x640x64xi32, #tpu.memory_space<hbm>> -> memref<1x32x64xi32, #tpu.memory_space<hbm>>
        %dma_wait3A_924 = tpu.memref_squeeze %dma_wait3A_923 : memref<1x32x64xi32, #tpu.memory_space<hbm>> -> memref<32x64xi32, #tpu.memory_space<hbm>>
        %dma_wait3A_925 = arith.constant 0 : i32
        %dma_wait3A_926 = tpu.memref_slice %arg3[%arg1, %mul3A_19, %dma_wait3A_925] : memref<16x640x64xi32, #tpu.memory_space<hbm>> -> memref<1x32x64xi32, #tpu.memory_space<hbm>>
        %dma_wait3A_927 = tpu.memref_squeeze %dma_wait3A_926 : memref<1x32x64xi32, #tpu.memory_space<hbm>> -> memref<32x64xi32, #tpu.memory_space<hbm>>
        tpu.wait_dma2 semaphore(%run_scoped3A : memref<!tpu.dma_semaphore, #tpu.memory_space<semaphore_mem>>) src(%dma_wait3A_927 : memref<32x64xi32, #tpu.memory_space<hbm>>) dst(%arg7 : memref<32x64xi32, #tpu.memory_space<vmem>>)
        tpu.yield
      }) : () -> ()
      %mul3A_20 = arith.constant 32 : i32
      %mul3A_21 = arith.muli %scan3A_17, %mul3A_20 : i32
      "tpu.region"() ({
        %run_scoped3A = tpu.sem_alloc : memref<!tpu.dma_semaphore, #tpu.memory_space<semaphore_mem>>
        %dma_start3A_916 = arith.constant 0 : i32
        %dma_start3A_917 = tpu.memref_slice %arg4[%arg1, %mul3A_21, %dma_start3A_916] : memref<16x640x64xi32, #tpu.memory_space<hbm>> -> memref<1x32x64xi32, #tpu.memory_space<hbm>>
        %dma_start3A_918 = tpu.memref_squeeze %dma_start3A_917 : memref<1x32x64xi32, #tpu.memory_space<hbm>> -> memref<32x64xi32, #tpu.memory_space<hbm>>
        %dma_start3A_919 = arith.constant 0 : i32
        %dma_start3A_920 = tpu.memref_slice %arg4[%arg1, %mul3A_21, %dma_start3A_919] : memref<16x640x64xi32, #tpu.memory_space<hbm>> -> memref<1x32x64xi32, #tpu.memory_space<hbm>>
        %dma_start3A_921 = tpu.memref_squeeze %dma_start3A_920 : memref<1x32x64xi32, #tpu.memory_space<hbm>> -> memref<32x64xi32, #tpu.memory_space<hbm>>
        tpu.enqueue_dma source(%dma_start3A_921 : memref<32x64xi32, #tpu.memory_space<hbm>>) target(%arg8 : memref<32x64xi32, #tpu.memory_space<vmem>>) target_semaphore(%run_scoped3A : memref<!tpu.dma_semaphore, #tpu.memory_space<semaphore_mem>>)
        %dma_wait3A_922 = arith.constant 0 : i32
        %dma_wait3A_923 = tpu.memref_slice %arg4[%arg1, %mul3A_21, %dma_wait3A_922] : memref<16x640x64xi32, #tpu.memory_space<hbm>> -> memref<1x32x64xi32, #tpu.memory_space<hbm>>
        %dma_wait3A_924 = tpu.memref_squeeze %dma_wait3A_923 : memref<1x32x64xi32, #tpu.memory_space<hbm>> -> memref<32x64xi32, #tpu.memory_space<hbm>>
        %dma_wait3A_925 = arith.constant 0 : i32
        %dma_wait3A_926 = tpu.memref_slice %arg4[%arg1, %mul3A_21, %dma_wait3A_925] : memref<16x640x64xi32, #tpu.memory_space<hbm>> -> memref<1x32x64xi32, #tpu.memory_space<hbm>>
        %dma_wait3A_927 = tpu.memref_squeeze %dma_wait3A_926 : memref<1x32x64xi32, #tpu.memory_space<hbm>> -> memref<32x64xi32, #tpu.memory_space<hbm>>
        tpu.wait_dma2 semaphore(%run_scoped3A : memref<!tpu.dma_semaphore, #tpu.memory_space<semaphore_mem>>) src(%dma_wait3A_927 : memref<32x64xi32, #tpu.memory_space<hbm>>) dst(%arg8 : memref<32x64xi32, #tpu.memory_space<vmem>>)
        tpu.yield
      }) : () -> ()
      %dma_start3A = arith.constant 0 : i32
      %dma_start3A_22 = arith.constant 0 : i32
      %dma_start3A_23 = tpu.memref_slice %arg7[%dma_start3A, %dma_start3A_22] : memref<32x64xi32, #tpu.memory_space<vmem>> -> memref<1x64xi32, #tpu.memory_space<vmem>>
      %dma_start3A_24 = tpu.memref_squeeze %dma_start3A_23 : memref<1x64xi32, #tpu.memory_space<vmem>> -> memref<64xi32, #tpu.memory_space<vmem>>
      %dma_start3A_25 = arith.constant 0 : i32
      %dma_start3A_26 = arith.constant 0 : i32
      %dma_start3A_27 = tpu.memref_slice %arg13[%dma_start3A_25, %dma_start3A_26] : memref<10112x80xf32, #tpu.memory_space<vmem_shared>> -> memref<10112x80xf32, #tpu.memory_space<vmem_shared>>
      tpu.enqueue_indirect_dma source(%dma_start3A_27 : memref<10112x80xf32, #tpu.memory_space<vmem_shared>>) target(%arg9 : memref<64x80xf32, #tpu.memory_space<vmem>>) offsets(%dma_start3A_24 : memref<64xi32, #tpu.memory_space<vmem>>) semaphore(%arg15 : memref<!tpu.dma_semaphore, #tpu.memory_space<semaphore_mem>>)
      %dma_start3A_28 = arith.constant 1 : i32
      %dma_start3A_29 = arith.constant 0 : i32
      %dma_start3A_30 = tpu.memref_slice %arg7[%dma_start3A_28, %dma_start3A_29] : memref<32x64xi32, #tpu.memory_space<vmem>> -> memref<1x64xi32, #tpu.memory_space<vmem>>
      %dma_start3A_31 = tpu.memref_squeeze %dma_start3A_30 : memref<1x64xi32, #tpu.memory_space<vmem>> -> memref<64xi32, #tpu.memory_space<vmem>>
      %dma_start3A_32 = arith.constant 0 : i32
      %dma_start3A_33 = arith.constant 0 : i32
      %dma_start3A_34 = tpu.memref_slice %arg13[%dma_start3A_32, %dma_start3A_33] : memref<10112x80xf32, #tpu.memory_space<vmem_shared>> -> memref<10112x80xf32, #tpu.memory_space<vmem_shared>>
      tpu.enqueue_indirect_dma source(%dma_start3A_34 : memref<10112x80xf32, #tpu.memory_space<vmem_shared>>) target(%arg10 : memref<64x80xf32, #tpu.memory_space<vmem>>) offsets(%dma_start3A_31 : memref<64xi32, #tpu.memory_space<vmem>>) semaphore(%arg16 : memref<!tpu.dma_semaphore, #tpu.memory_space<semaphore_mem>>)
      %dma_start3A_35 = arith.constant 2 : i32
      %dma_start3A_36 = arith.constant 0 : i32
      %dma_start3A_37 = tpu.memref_slice %arg7[%dma_start3A_35, %dma_start3A_36] : memref<32x64xi32, #tpu.memory_space<vmem>> -> memref<1x64xi32, #tpu.memory_space<vmem>>
      %dma_start3A_38 = tpu.memref_squeeze %dma_start3A_37 : memref<1x64xi32, #tpu.memory_space<vmem>> -> memref<64xi32, #tpu.memory_space<vmem>>
      %dma_start3A_39 = arith.constant 0 : i32
      %dma_start3A_40 = arith.constant 0 : i32
      %dma_start3A_41 = tpu.memref_slice %arg13[%dma_start3A_39, %dma_start3A_40] : memref<10112x80xf32, #tpu.memory_space<vmem_shared>> -> memref<10112x80xf32, #tpu.memory_space<vmem_shared>>
      tpu.enqueue_indirect_dma source(%dma_start3A_41 : memref<10112x80xf32, #tpu.memory_space<vmem_shared>>) target(%arg11 : memref<64x80xf32, #tpu.memory_space<vmem>>) offsets(%dma_start3A_38 : memref<64xi32, #tpu.memory_space<vmem>>) semaphore(%arg17 : memref<!tpu.dma_semaphore, #tpu.memory_space<semaphore_mem>>)
      %dma_wait3A = arith.constant 0 : i32
      %dma_wait3A_42 = arith.constant 0 : i32
      %dma_wait3A_43 = tpu.memref_slice %arg7[%dma_wait3A, %dma_wait3A_42] : memref<32x64xi32, #tpu.memory_space<vmem>> -> memref<1x64xi32, #tpu.memory_space<vmem>>
      %dma_wait3A_44 = tpu.memref_squeeze %dma_wait3A_43 : memref<1x64xi32, #tpu.memory_space<vmem>> -> memref<64xi32, #tpu.memory_space<vmem>>
      %dma_wait3A_45 = arith.constant 0 : i32
      %dma_wait3A_46 = arith.constant 0 : i32
      %dma_wait3A_47 = tpu.memref_slice %arg13[%dma_wait3A_45, %dma_wait3A_46] : memref<10112x80xf32, #tpu.memory_space<vmem_shared>> -> memref<10112x80xf32, #tpu.memory_space<vmem_shared>>
      tpu.wait_indirect_dma semaphore(%arg15 : memref<!tpu.dma_semaphore, #tpu.memory_space<semaphore_mem>>) src(%dma_wait3A_47 : memref<10112x80xf32, #tpu.memory_space<vmem_shared>>) dst(%arg9 : memref<64x80xf32, #tpu.memory_space<vmem>>)
      %dma_start3A_48 = arith.constant 3 : i32
      %dma_start3A_49 = arith.constant 0 : i32
      %dma_start3A_50 = tpu.memref_slice %arg7[%dma_start3A_48, %dma_start3A_49] : memref<32x64xi32, #tpu.memory_space<vmem>> -> memref<1x64xi32, #tpu.memory_space<vmem>>
      %dma_start3A_51 = tpu.memref_squeeze %dma_start3A_50 : memref<1x64xi32, #tpu.memory_space<vmem>> -> memref<64xi32, #tpu.memory_space<vmem>>
      %dma_start3A_52 = arith.constant 0 : i32
      %dma_start3A_53 = arith.constant 0 : i32
      %dma_start3A_54 = tpu.memref_slice %arg13[%dma_start3A_52, %dma_start3A_53] : memref<10112x80xf32, #tpu.memory_space<vmem_shared>> -> memref<10112x80xf32, #tpu.memory_space<vmem_shared>>
      tpu.enqueue_indirect_dma source(%dma_start3A_54 : memref<10112x80xf32, #tpu.memory_space<vmem_shared>>) target(%arg12 : memref<64x80xf32, #tpu.memory_space<vmem>>) offsets(%dma_start3A_51 : memref<64xi32, #tpu.memory_space<vmem>>) semaphore(%arg18 : memref<!tpu.dma_semaphore, #tpu.memory_space<semaphore_mem>>)
      %dma_start3A_55 = arith.constant 0 : i32
      %dma_start3A_56 = arith.constant 0 : i32
      %dma_start3A_57 = tpu.memref_slice %arg8[%dma_start3A_55, %dma_start3A_56] : memref<32x64xi32, #tpu.memory_space<vmem>> -> memref<1x64xi32, #tpu.memory_space<vmem>>
      %dma_start3A_58 = tpu.memref_squeeze %dma_start3A_57 : memref<1x64xi32, #tpu.memory_space<vmem>> -> memref<64xi32, #tpu.memory_space<vmem>>
      %dma_start3A_59 = arith.constant 0 : i32
      %dma_start3A_60 = arith.constant 0 : i32
      %dma_start3A_61 = tpu.memref_slice %arg14[%dma_start3A_59, %dma_start3A_60] : memref<10112x80xf32, #tpu.memory_space<vmem_shared>> -> memref<10112x80xf32, #tpu.memory_space<vmem_shared>>
      tpu.enqueue_indirect_dma source(%arg9 : memref<64x80xf32, #tpu.memory_space<vmem>>) target(%dma_start3A_61 : memref<10112x80xf32, #tpu.memory_space<vmem_shared>>) offsets(%dma_start3A_58 : memref<64xi32, #tpu.memory_space<vmem>>) semaphore(%arg19 : memref<!tpu.dma_semaphore, #tpu.memory_space<semaphore_mem>>) {add = true}
      %dma_wait3A_62 = arith.constant 1 : i32
      %dma_wait3A_63 = arith.constant 0 : i32
      %dma_wait3A_64 = tpu.memref_slice %arg7[%dma_wait3A_62, %dma_wait3A_63] : memref<32x64xi32, #tpu.memory_space<vmem>> -> memref<1x64xi32, #tpu.memory_space<vmem>>
      %dma_wait3A_65 = tpu.memref_squeeze %dma_wait3A_64 : memref<1x64xi32, #tpu.memory_space<vmem>> -> memref<64xi32, #tpu.memory_space<vmem>>
      %dma_wait3A_66 = arith.constant 0 : i32
      %dma_wait3A_67 = arith.constant 0 : i32
      %dma_wait3A_68 = tpu.memref_slice %arg13[%dma_wait3A_66, %dma_wait3A_67] : memref<10112x80xf32, #tpu.memory_space<vmem_shared>> -> memref<10112x80xf32, #tpu.memory_space<vmem_shared>>
      tpu.wait_indirect_dma semaphore(%arg16 : memref<!tpu.dma_semaphore, #tpu.memory_space<semaphore_mem>>) src(%dma_wait3A_68 : memref<10112x80xf32, #tpu.memory_space<vmem_shared>>) dst(%arg10 : memref<64x80xf32, #tpu.memory_space<vmem>>)
      %dma_wait3A_69 = arith.constant 0 : i32
      %dma_wait3A_70 = arith.constant 0 : i32
      %dma_wait3A_71 = tpu.memref_slice %arg8[%dma_wait3A_69, %dma_wait3A_70] : memref<32x64xi32, #tpu.memory_space<vmem>> -> memref<1x64xi32, #tpu.memory_space<vmem>>
      %dma_wait3A_72 = tpu.memref_squeeze %dma_wait3A_71 : memref<1x64xi32, #tpu.memory_space<vmem>> -> memref<64xi32, #tpu.memory_space<vmem>>
      %dma_wait3A_73 = arith.constant 0 : i32
      %dma_wait3A_74 = arith.constant 0 : i32
      %dma_wait3A_75 = tpu.memref_slice %arg14[%dma_wait3A_73, %dma_wait3A_74] : memref<10112x80xf32, #tpu.memory_space<vmem_shared>> -> memref<10112x80xf32, #tpu.memory_space<vmem_shared>>
      tpu.wait_indirect_dma semaphore(%arg19 : memref<!tpu.dma_semaphore, #tpu.memory_space<semaphore_mem>>) src(%arg9 : memref<64x80xf32, #tpu.memory_space<vmem>>) dst(%dma_wait3A_75 : memref<10112x80xf32, #tpu.memory_space<vmem_shared>>)
      %dma_start3A_76 = arith.constant 4 : i32
      %dma_start3A_77 = arith.constant 0 : i32
      %dma_start3A_78 = tpu.memref_slice %arg7[%dma_start3A_76, %dma_start3A_77] : memref<32x64xi32, #tpu.memory_space<vmem>> -> memref<1x64xi32, #tpu.memory_space<vmem>>
      %dma_start3A_79 = tpu.memref_squeeze %dma_start3A_78 : memref<1x64xi32, #tpu.memory_space<vmem>> -> memref<64xi32, #tpu.memory_space<vmem>>
      %dma_start3A_80 = arith.constant 0 : i32
      %dma_start3A_81 = arith.constant 0 : i32
      %dma_start3A_82 = tpu.memref_slice %arg13[%dma_start3A_80, %dma_start3A_81] : memref<10112x80xf32, #tpu.memory_space<vmem_shared>> -> memref<10112x80xf32, #tpu.memory_space<vmem_shared>>
      tpu.enqueue_indirect_dma source(%dma_start3A_82 : memref<10112x80xf32, #tpu.memory_space<vmem_shared>>) target(%arg9 : memref<64x80xf32, #tpu.memory_space<vmem>>) offsets(%dma_start3A_79 : memref<64xi32, #tpu.memory_space<vmem>>) semaphore(%arg15 : memref<!tpu.dma_semaphore, #tpu.memory_space<semaphore_mem>>)
      %dma_start3A_83 = arith.constant 1 : i32
      %dma_start3A_84 = arith.constant 0 : i32
      %dma_start3A_85 = tpu.memref_slice %arg8[%dma_start3A_83, %dma_start3A_84] : memref<32x64xi32, #tpu.memory_space<vmem>> -> memref<1x64xi32, #tpu.memory_space<vmem>>
      %dma_start3A_86 = tpu.memref_squeeze %dma_start3A_85 : memref<1x64xi32, #tpu.memory_space<vmem>> -> memref<64xi32, #tpu.memory_space<vmem>>
      %dma_start3A_87 = arith.constant 0 : i32
      %dma_start3A_88 = arith.constant 0 : i32
      %dma_start3A_89 = tpu.memref_slice %arg14[%dma_start3A_87, %dma_start3A_88] : memref<10112x80xf32, #tpu.memory_space<vmem_shared>> -> memref<10112x80xf32, #tpu.memory_space<vmem_shared>>
      tpu.enqueue_indirect_dma source(%arg10 : memref<64x80xf32, #tpu.memory_space<vmem>>) target(%dma_start3A_89 : memref<10112x80xf32, #tpu.memory_space<vmem_shared>>) offsets(%dma_start3A_86 : memref<64xi32, #tpu.memory_space<vmem>>) semaphore(%arg20 : memref<!tpu.dma_semaphore, #tpu.memory_space<semaphore_mem>>) {add = true}
      %dma_wait3A_90 = arith.constant 2 : i32
      %dma_wait3A_91 = arith.constant 0 : i32
      %dma_wait3A_92 = tpu.memref_slice %arg7[%dma_wait3A_90, %dma_wait3A_91] : memref<32x64xi32, #tpu.memory_space<vmem>> -> memref<1x64xi32, #tpu.memory_space<vmem>>
      %dma_wait3A_93 = tpu.memref_squeeze %dma_wait3A_92 : memref<1x64xi32, #tpu.memory_space<vmem>> -> memref<64xi32, #tpu.memory_space<vmem>>
      %dma_wait3A_94 = arith.constant 0 : i32
      %dma_wait3A_95 = arith.constant 0 : i32
      %dma_wait3A_96 = tpu.memref_slice %arg13[%dma_wait3A_94, %dma_wait3A_95] : memref<10112x80xf32, #tpu.memory_space<vmem_shared>> -> memref<10112x80xf32, #tpu.memory_space<vmem_shared>>
      tpu.wait_indirect_dma semaphore(%arg17 : memref<!tpu.dma_semaphore, #tpu.memory_space<semaphore_mem>>) src(%dma_wait3A_96 : memref<10112x80xf32, #tpu.memory_space<vmem_shared>>) dst(%arg11 : memref<64x80xf32, #tpu.memory_space<vmem>>)
      %dma_wait3A_97 = arith.constant 1 : i32
      %dma_wait3A_98 = arith.constant 0 : i32
      %dma_wait3A_99 = tpu.memref_slice %arg8[%dma_wait3A_97, %dma_wait3A_98] : memref<32x64xi32, #tpu.memory_space<vmem>> -> memref<1x64xi32, #tpu.memory_space<vmem>>
      %dma_wait3A_100 = tpu.memref_squeeze %dma_wait3A_99 : memref<1x64xi32, #tpu.memory_space<vmem>> -> memref<64xi32, #tpu.memory_space<vmem>>
      %dma_wait3A_101 = arith.constant 0 : i32
      %dma_wait3A_102 = arith.constant 0 : i32
      %dma_wait3A_103 = tpu.memref_slice %arg14[%dma_wait3A_101, %dma_wait3A_102] : memref<10112x80xf32, #tpu.memory_space<vmem_shared>> -> memref<10112x80xf32, #tpu.memory_space<vmem_shared>>
      tpu.wait_indirect_dma semaphore(%arg20 : memref<!tpu.dma_semaphore, #tpu.memory_space<semaphore_mem>>) src(%arg10 : memref<64x80xf32, #tpu.memory_space<vmem>>) dst(%dma_wait3A_103 : memref<10112x80xf32, #tpu.memory_space<vmem_shared>>)
      %dma_start3A_104 = arith.constant 5 : i32
      %dma_start3A_105 = arith.constant 0 : i32
      %dma_start3A_106 = tpu.memref_slice %arg7[%dma_start3A_104, %dma_start3A_105] : memref<32x64xi32, #tpu.memory_space<vmem>> -> memref<1x64xi32, #tpu.memory_space<vmem>>
      %dma_start3A_107 = tpu.memref_squeeze %dma_start3A_106 : memref<1x64xi32, #tpu.memory_space<vmem>> -> memref<64xi32, #tpu.memory_space<vmem>>
      %dma_start3A_108 = arith.constant 0 : i32
      %dma_start3A_109 = arith.constant 0 : i32
      %dma_start3A_110 = tpu.memref_slice %arg13[%dma_start3A_108, %dma_start3A_109] : memref<10112x80xf32, #tpu.memory_space<vmem_shared>> -> memref<10112x80xf32, #tpu.memory_space<vmem_shared>>
      tpu.enqueue_indirect_dma source(%dma_start3A_110 : memref<10112x80xf32, #tpu.memory_space<vmem_shared>>) target(%arg10 : memref<64x80xf32, #tpu.memory_space<vmem>>) offsets(%dma_start3A_107 : memref<64xi32, #tpu.memory_space<vmem>>) semaphore(%arg16 : memref<!tpu.dma_semaphore, #tpu.memory_space<semaphore_mem>>)
      %dma_start3A_111 = arith.constant 2 : i32
      %dma_start3A_112 = arith.constant 0 : i32
      %dma_start3A_113 = tpu.memref_slice %arg8[%dma_start3A_111, %dma_start3A_112] : memref<32x64xi32, #tpu.memory_space<vmem>> -> memref<1x64xi32, #tpu.memory_space<vmem>>
      %dma_start3A_114 = tpu.memref_squeeze %dma_start3A_113 : memref<1x64xi32, #tpu.memory_space<vmem>> -> memref<64xi32, #tpu.memory_space<vmem>>
      %dma_start3A_115 = arith.constant 0 : i32
      %dma_start3A_116 = arith.constant 0 : i32
      %dma_start3A_117 = tpu.memref_slice %arg14[%dma_start3A_115, %dma_start3A_116] : memref<10112x80xf32, #tpu.memory_space<vmem_shared>> -> memref<10112x80xf32, #tpu.memory_space<vmem_shared>>
      tpu.enqueue_indirect_dma source(%arg11 : memref<64x80xf32, #tpu.memory_space<vmem>>) target(%dma_start3A_117 : memref<10112x80xf32, #tpu.memory_space<vmem_shared>>) offsets(%dma_start3A_114 : memref<64xi32, #tpu.memory_space<vmem>>) semaphore(%arg21 : memref<!tpu.dma_semaphore, #tpu.memory_space<semaphore_mem>>) {add = true}
      %dma_wait3A_118 = arith.constant 3 : i32
      %dma_wait3A_119 = arith.constant 0 : i32
      %dma_wait3A_120 = tpu.memref_slice %arg7[%dma_wait3A_118, %dma_wait3A_119] : memref<32x64xi32, #tpu.memory_space<vmem>> -> memref<1x64xi32, #tpu.memory_space<vmem>>
      %dma_wait3A_121 = tpu.memref_squeeze %dma_wait3A_120 : memref<1x64xi32, #tpu.memory_space<vmem>> -> memref<64xi32, #tpu.memory_space<vmem>>
      %dma_wait3A_122 = arith.constant 0 : i32
      %dma_wait3A_123 = arith.constant 0 : i32
      %dma_wait3A_124 = tpu.memref_slice %arg13[%dma_wait3A_122, %dma_wait3A_123] : memref<10112x80xf32, #tpu.memory_space<vmem_shared>> -> memref<10112x80xf32, #tpu.memory_space<vmem_shared>>
      tpu.wait_indirect_dma semaphore(%arg18 : memref<!tpu.dma_semaphore, #tpu.memory_space<semaphore_mem>>) src(%dma_wait3A_124 : memref<10112x80xf32, #tpu.memory_space<vmem_shared>>) dst(%arg12 : memref<64x80xf32, #tpu.memory_space<vmem>>)
      %dma_wait3A_125 = arith.constant 2 : i32
      %dma_wait3A_126 = arith.constant 0 : i32
      %dma_wait3A_127 = tpu.memref_slice %arg8[%dma_wait3A_125, %dma_wait3A_126] : memref<32x64xi32, #tpu.memory_space<vmem>> -> memref<1x64xi32, #tpu.memory_space<vmem>>
      %dma_wait3A_128 = tpu.memref_squeeze %dma_wait3A_127 : memref<1x64xi32, #tpu.memory_space<vmem>> -> memref<64xi32, #tpu.memory_space<vmem>>
      %dma_wait3A_129 = arith.constant 0 : i32
      %dma_wait3A_130 = arith.constant 0 : i32
      %dma_wait3A_131 = tpu.memref_slice %arg14[%dma_wait3A_129, %dma_wait3A_130] : memref<10112x80xf32, #tpu.memory_space<vmem_shared>> -> memref<10112x80xf32, #tpu.memory_space<vmem_shared>>
      tpu.wait_indirect_dma semaphore(%arg21 : memref<!tpu.dma_semaphore, #tpu.memory_space<semaphore_mem>>) src(%arg11 : memref<64x80xf32, #tpu.memory_space<vmem>>) dst(%dma_wait3A_131 : memref<10112x80xf32, #tpu.memory_space<vmem_shared>>)
      %dma_start3A_132 = arith.constant 6 : i32
      %dma_start3A_133 = arith.constant 0 : i32
      %dma_start3A_134 = tpu.memref_slice %arg7[%dma_start3A_132, %dma_start3A_133] : memref<32x64xi32, #tpu.memory_space<vmem>> -> memref<1x64xi32, #tpu.memory_space<vmem>>
      %dma_start3A_135 = tpu.memref_squeeze %dma_start3A_134 : memref<1x64xi32, #tpu.memory_space<vmem>> -> memref<64xi32, #tpu.memory_space<vmem>>
      %dma_start3A_136 = arith.constant 0 : i32
      %dma_start3A_137 = arith.constant 0 : i32
      %dma_start3A_138 = tpu.memref_slice %arg13[%dma_start3A_136, %dma_start3A_137] : memref<10112x80xf32, #tpu.memory_space<vmem_shared>> -> memref<10112x80xf32, #tpu.memory_space<vmem_shared>>
      tpu.enqueue_indirect_dma source(%dma_start3A_138 : memref<10112x80xf32, #tpu.memory_space<vmem_shared>>) target(%arg11 : memref<64x80xf32, #tpu.memory_space<vmem>>) offsets(%dma_start3A_135 : memref<64xi32, #tpu.memory_space<vmem>>) semaphore(%arg17 : memref<!tpu.dma_semaphore, #tpu.memory_space<semaphore_mem>>)
      %dma_start3A_139 = arith.constant 3 : i32
      %dma_start3A_140 = arith.constant 0 : i32
      %dma_start3A_141 = tpu.memref_slice %arg8[%dma_start3A_139, %dma_start3A_140] : memref<32x64xi32, #tpu.memory_space<vmem>> -> memref<1x64xi32, #tpu.memory_space<vmem>>
      %dma_start3A_142 = tpu.memref_squeeze %dma_start3A_141 : memref<1x64xi32, #tpu.memory_space<vmem>> -> memref<64xi32, #tpu.memory_space<vmem>>
      %dma_start3A_143 = arith.constant 0 : i32
      %dma_start3A_144 = arith.constant 0 : i32
      %dma_start3A_145 = tpu.memref_slice %arg14[%dma_start3A_143, %dma_start3A_144] : memref<10112x80xf32, #tpu.memory_space<vmem_shared>> -> memref<10112x80xf32, #tpu.memory_space<vmem_shared>>
      tpu.enqueue_indirect_dma source(%arg12 : memref<64x80xf32, #tpu.memory_space<vmem>>) target(%dma_start3A_145 : memref<10112x80xf32, #tpu.memory_space<vmem_shared>>) offsets(%dma_start3A_142 : memref<64xi32, #tpu.memory_space<vmem>>) semaphore(%arg22 : memref<!tpu.dma_semaphore, #tpu.memory_space<semaphore_mem>>) {add = true}
      %dma_wait3A_146 = arith.constant 4 : i32
      %dma_wait3A_147 = arith.constant 0 : i32
      %dma_wait3A_148 = tpu.memref_slice %arg7[%dma_wait3A_146, %dma_wait3A_147] : memref<32x64xi32, #tpu.memory_space<vmem>> -> memref<1x64xi32, #tpu.memory_space<vmem>>
      %dma_wait3A_149 = tpu.memref_squeeze %dma_wait3A_148 : memref<1x64xi32, #tpu.memory_space<vmem>> -> memref<64xi32, #tpu.memory_space<vmem>>
      %dma_wait3A_150 = arith.constant 0 : i32
      %dma_wait3A_151 = arith.constant 0 : i32
      %dma_wait3A_152 = tpu.memref_slice %arg13[%dma_wait3A_150, %dma_wait3A_151] : memref<10112x80xf32, #tpu.memory_space<vmem_shared>> -> memref<10112x80xf32, #tpu.memory_space<vmem_shared>>
      tpu.wait_indirect_dma semaphore(%arg15 : memref<!tpu.dma_semaphore, #tpu.memory_space<semaphore_mem>>) src(%dma_wait3A_152 : memref<10112x80xf32, #tpu.memory_space<vmem_shared>>) dst(%arg9 : memref<64x80xf32, #tpu.memory_space<vmem>>)
      %dma_wait3A_153 = arith.constant 3 : i32
      %dma_wait3A_154 = arith.constant 0 : i32
      %dma_wait3A_155 = tpu.memref_slice %arg8[%dma_wait3A_153, %dma_wait3A_154] : memref<32x64xi32, #tpu.memory_space<vmem>> -> memref<1x64xi32, #tpu.memory_space<vmem>>
      %dma_wait3A_156 = tpu.memref_squeeze %dma_wait3A_155 : memref<1x64xi32, #tpu.memory_space<vmem>> -> memref<64xi32, #tpu.memory_space<vmem>>
      %dma_wait3A_157 = arith.constant 0 : i32
      %dma_wait3A_158 = arith.constant 0 : i32
      %dma_wait3A_159 = tpu.memref_slice %arg14[%dma_wait3A_157, %dma_wait3A_158] : memref<10112x80xf32, #tpu.memory_space<vmem_shared>> -> memref<10112x80xf32, #tpu.memory_space<vmem_shared>>
      tpu.wait_indirect_dma semaphore(%arg22 : memref<!tpu.dma_semaphore, #tpu.memory_space<semaphore_mem>>) src(%arg12 : memref<64x80xf32, #tpu.memory_space<vmem>>) dst(%dma_wait3A_159 : memref<10112x80xf32, #tpu.memory_space<vmem_shared>>)
      %dma_start3A_160 = arith.constant 7 : i32
      %dma_start3A_161 = arith.constant 0 : i32
      %dma_start3A_162 = tpu.memref_slice %arg7[%dma_start3A_160, %dma_start3A_161] : memref<32x64xi32, #tpu.memory_space<vmem>> -> memref<1x64xi32, #tpu.memory_space<vmem>>
      %dma_start3A_163 = tpu.memref_squeeze %dma_start3A_162 : memref<1x64xi32, #tpu.memory_space<vmem>> -> memref<64xi32, #tpu.memory_space<vmem>>
      %dma_start3A_164 = arith.constant 0 : i32
      %dma_start3A_165 = arith.constant 0 : i32
      %dma_start3A_166 = tpu.memref_slice %arg13[%dma_start3A_164, %dma_start3A_165] : memref<10112x80xf32, #tpu.memory_space<vmem_shared>> -> memref<10112x80xf32, #tpu.memory_space<vmem_shared>>
      tpu.enqueue_indirect_dma source(%dma_start3A_166 : memref<10112x80xf32, #tpu.memory_space<vmem_shared>>) target(%arg12 : memref<64x80xf32, #tpu.memory_space<vmem>>) offsets(%dma_start3A_163 : memref<64xi32, #tpu.memory_space<vmem>>) semaphore(%arg18 : memref<!tpu.dma_semaphore, #tpu.memory_space<semaphore_mem>>)
      %dma_start3A_167 = arith.constant 4 : i32
      %dma_start3A_168 = arith.constant 0 : i32
      %dma_start3A_169 = tpu.memref_slice %arg8[%dma_start3A_167, %dma_start3A_168] : memref<32x64xi32, #tpu.memory_space<vmem>> -> memref<1x64xi32, #tpu.memory_space<vmem>>
      %dma_start3A_170 = tpu.memref_squeeze %dma_start3A_169 : memref<1x64xi32, #tpu.memory_space<vmem>> -> memref<64xi32, #tpu.memory_space<vmem>>
      %dma_start3A_171 = arith.constant 0 : i32
      %dma_start3A_172 = arith.constant 0 : i32
      %dma_start3A_173 = tpu.memref_slice %arg14[%dma_start3A_171, %dma_start3A_172] : memref<10112x80xf32, #tpu.memory_space<vmem_shared>> -> memref<10112x80xf32, #tpu.memory_space<vmem_shared>>
      tpu.enqueue_indirect_dma source(%arg9 : memref<64x80xf32, #tpu.memory_space<vmem>>) target(%dma_start3A_173 : memref<10112x80xf32, #tpu.memory_space<vmem_shared>>) offsets(%dma_start3A_170 : memref<64xi32, #tpu.memory_space<vmem>>) semaphore(%arg19 : memref<!tpu.dma_semaphore, #tpu.memory_space<semaphore_mem>>) {add = true}
      %dma_wait3A_174 = arith.constant 5 : i32
      %dma_wait3A_175 = arith.constant 0 : i32
      %dma_wait3A_176 = tpu.memref_slice %arg7[%dma_wait3A_174, %dma_wait3A_175] : memref<32x64xi32, #tpu.memory_space<vmem>> -> memref<1x64xi32, #tpu.memory_space<vmem>>
      %dma_wait3A_177 = tpu.memref_squeeze %dma_wait3A_176 : memref<1x64xi32, #tpu.memory_space<vmem>> -> memref<64xi32, #tpu.memory_space<vmem>>
      %dma_wait3A_178 = arith.constant 0 : i32
      %dma_wait3A_179 = arith.constant 0 : i32
      %dma_wait3A_180 = tpu.memref_slice %arg13[%dma_wait3A_178, %dma_wait3A_179] : memref<10112x80xf32, #tpu.memory_space<vmem_shared>> -> memref<10112x80xf32, #tpu.memory_space<vmem_shared>>
      tpu.wait_indirect_dma semaphore(%arg16 : memref<!tpu.dma_semaphore, #tpu.memory_space<semaphore_mem>>) src(%dma_wait3A_180 : memref<10112x80xf32, #tpu.memory_space<vmem_shared>>) dst(%arg10 : memref<64x80xf32, #tpu.memory_space<vmem>>)
      %dma_wait3A_181 = arith.constant 4 : i32
      %dma_wait3A_182 = arith.constant 0 : i32
      %dma_wait3A_183 = tpu.memref_slice %arg8[%dma_wait3A_181, %dma_wait3A_182] : memref<32x64xi32, #tpu.memory_space<vmem>> -> memref<1x64xi32, #tpu.memory_space<vmem>>
      %dma_wait3A_184 = tpu.memref_squeeze %dma_wait3A_183 : memref<1x64xi32, #tpu.memory_space<vmem>> -> memref<64xi32, #tpu.memory_space<vmem>>
      %dma_wait3A_185 = arith.constant 0 : i32
      %dma_wait3A_186 = arith.constant 0 : i32
      %dma_wait3A_187 = tpu.memref_slice %arg14[%dma_wait3A_185, %dma_wait3A_186] : memref<10112x80xf32, #tpu.memory_space<vmem_shared>> -> memref<10112x80xf32, #tpu.memory_space<vmem_shared>>
      tpu.wait_indirect_dma semaphore(%arg19 : memref<!tpu.dma_semaphore, #tpu.memory_space<semaphore_mem>>) src(%arg9 : memref<64x80xf32, #tpu.memory_space<vmem>>) dst(%dma_wait3A_187 : memref<10112x80xf32, #tpu.memory_space<vmem_shared>>)
      %dma_start3A_188 = arith.constant 8 : i32
      %dma_start3A_189 = arith.constant 0 : i32
      %dma_start3A_190 = tpu.memref_slice %arg7[%dma_start3A_188, %dma_start3A_189] : memref<32x64xi32, #tpu.memory_space<vmem>> -> memref<1x64xi32, #tpu.memory_space<vmem>>
      %dma_start3A_191 = tpu.memref_squeeze %dma_start3A_190 : memref<1x64xi32, #tpu.memory_space<vmem>> -> memref<64xi32, #tpu.memory_space<vmem>>
      %dma_start3A_192 = arith.constant 0 : i32
      %dma_start3A_193 = arith.constant 0 : i32
      %dma_start3A_194 = tpu.memref_slice %arg13[%dma_start3A_192, %dma_start3A_193] : memref<10112x80xf32, #tpu.memory_space<vmem_shared>> -> memref<10112x80xf32, #tpu.memory_space<vmem_shared>>
      tpu.enqueue_indirect_dma source(%dma_start3A_194 : memref<10112x80xf32, #tpu.memory_space<vmem_shared>>) target(%arg9 : memref<64x80xf32, #tpu.memory_space<vmem>>) offsets(%dma_start3A_191 : memref<64xi32, #tpu.memory_space<vmem>>) semaphore(%arg15 : memref<!tpu.dma_semaphore, #tpu.memory_space<semaphore_mem>>)
      %dma_start3A_195 = arith.constant 5 : i32
      %dma_start3A_196 = arith.constant 0 : i32
      %dma_start3A_197 = tpu.memref_slice %arg8[%dma_start3A_195, %dma_start3A_196] : memref<32x64xi32, #tpu.memory_space<vmem>> -> memref<1x64xi32, #tpu.memory_space<vmem>>
      %dma_start3A_198 = tpu.memref_squeeze %dma_start3A_197 : memref<1x64xi32, #tpu.memory_space<vmem>> -> memref<64xi32, #tpu.memory_space<vmem>>
      %dma_start3A_199 = arith.constant 0 : i32
      %dma_start3A_200 = arith.constant 0 : i32
      %dma_start3A_201 = tpu.memref_slice %arg14[%dma_start3A_199, %dma_start3A_200] : memref<10112x80xf32, #tpu.memory_space<vmem_shared>> -> memref<10112x80xf32, #tpu.memory_space<vmem_shared>>
      tpu.enqueue_indirect_dma source(%arg10 : memref<64x80xf32, #tpu.memory_space<vmem>>) target(%dma_start3A_201 : memref<10112x80xf32, #tpu.memory_space<vmem_shared>>) offsets(%dma_start3A_198 : memref<64xi32, #tpu.memory_space<vmem>>) semaphore(%arg20 : memref<!tpu.dma_semaphore, #tpu.memory_space<semaphore_mem>>) {add = true}
      %dma_wait3A_202 = arith.constant 6 : i32
      %dma_wait3A_203 = arith.constant 0 : i32
      %dma_wait3A_204 = tpu.memref_slice %arg7[%dma_wait3A_202, %dma_wait3A_203] : memref<32x64xi32, #tpu.memory_space<vmem>> -> memref<1x64xi32, #tpu.memory_space<vmem>>
      %dma_wait3A_205 = tpu.memref_squeeze %dma_wait3A_204 : memref<1x64xi32, #tpu.memory_space<vmem>> -> memref<64xi32, #tpu.memory_space<vmem>>
      %dma_wait3A_206 = arith.constant 0 : i32
      %dma_wait3A_207 = arith.constant 0 : i32
      %dma_wait3A_208 = tpu.memref_slice %arg13[%dma_wait3A_206, %dma_wait3A_207] : memref<10112x80xf32, #tpu.memory_space<vmem_shared>> -> memref<10112x80xf32, #tpu.memory_space<vmem_shared>>
      tpu.wait_indirect_dma semaphore(%arg17 : memref<!tpu.dma_semaphore, #tpu.memory_space<semaphore_mem>>) src(%dma_wait3A_208 : memref<10112x80xf32, #tpu.memory_space<vmem_shared>>) dst(%arg11 : memref<64x80xf32, #tpu.memory_space<vmem>>)
      %dma_wait3A_209 = arith.constant 5 : i32
      %dma_wait3A_210 = arith.constant 0 : i32
      %dma_wait3A_211 = tpu.memref_slice %arg8[%dma_wait3A_209, %dma_wait3A_210] : memref<32x64xi32, #tpu.memory_space<vmem>> -> memref<1x64xi32, #tpu.memory_space<vmem>>
      %dma_wait3A_212 = tpu.memref_squeeze %dma_wait3A_211 : memref<1x64xi32, #tpu.memory_space<vmem>> -> memref<64xi32, #tpu.memory_space<vmem>>
      %dma_wait3A_213 = arith.constant 0 : i32
      %dma_wait3A_214 = arith.constant 0 : i32
      %dma_wait3A_215 = tpu.memref_slice %arg14[%dma_wait3A_213, %dma_wait3A_214] : memref<10112x80xf32, #tpu.memory_space<vmem_shared>> -> memref<10112x80xf32, #tpu.memory_space<vmem_shared>>
      tpu.wait_indirect_dma semaphore(%arg20 : memref<!tpu.dma_semaphore, #tpu.memory_space<semaphore_mem>>) src(%arg10 : memref<64x80xf32, #tpu.memory_space<vmem>>) dst(%dma_wait3A_215 : memref<10112x80xf32, #tpu.memory_space<vmem_shared>>)
      %dma_start3A_216 = arith.constant 9 : i32
      %dma_start3A_217 = arith.constant 0 : i32
      %dma_start3A_218 = tpu.memref_slice %arg7[%dma_start3A_216, %dma_start3A_217] : memref<32x64xi32, #tpu.memory_space<vmem>> -> memref<1x64xi32, #tpu.memory_space<vmem>>
      %dma_start3A_219 = tpu.memref_squeeze %dma_start3A_218 : memref<1x64xi32, #tpu.memory_space<vmem>> -> memref<64xi32, #tpu.memory_space<vmem>>
      %dma_start3A_220 = arith.constant 0 : i32
      %dma_start3A_221 = arith.constant 0 : i32
      %dma_start3A_222 = tpu.memref_slice %arg13[%dma_start3A_220, %dma_start3A_221] : memref<10112x80xf32, #tpu.memory_space<vmem_shared>> -> memref<10112x80xf32, #tpu.memory_space<vmem_shared>>
      tpu.enqueue_indirect_dma source(%dma_start3A_222 : memref<10112x80xf32, #tpu.memory_space<vmem_shared>>) target(%arg10 : memref<64x80xf32, #tpu.memory_space<vmem>>) offsets(%dma_start3A_219 : memref<64xi32, #tpu.memory_space<vmem>>) semaphore(%arg16 : memref<!tpu.dma_semaphore, #tpu.memory_space<semaphore_mem>>)
      %dma_start3A_223 = arith.constant 6 : i32
      %dma_start3A_224 = arith.constant 0 : i32
      %dma_start3A_225 = tpu.memref_slice %arg8[%dma_start3A_223, %dma_start3A_224] : memref<32x64xi32, #tpu.memory_space<vmem>> -> memref<1x64xi32, #tpu.memory_space<vmem>>
      %dma_start3A_226 = tpu.memref_squeeze %dma_start3A_225 : memref<1x64xi32, #tpu.memory_space<vmem>> -> memref<64xi32, #tpu.memory_space<vmem>>
      %dma_start3A_227 = arith.constant 0 : i32
      %dma_start3A_228 = arith.constant 0 : i32
      %dma_start3A_229 = tpu.memref_slice %arg14[%dma_start3A_227, %dma_start3A_228] : memref<10112x80xf32, #tpu.memory_space<vmem_shared>> -> memref<10112x80xf32, #tpu.memory_space<vmem_shared>>
      tpu.enqueue_indirect_dma source(%arg11 : memref<64x80xf32, #tpu.memory_space<vmem>>) target(%dma_start3A_229 : memref<10112x80xf32, #tpu.memory_space<vmem_shared>>) offsets(%dma_start3A_226 : memref<64xi32, #tpu.memory_space<vmem>>) semaphore(%arg21 : memref<!tpu.dma_semaphore, #tpu.memory_space<semaphore_mem>>) {add = true}
      %dma_wait3A_230 = arith.constant 7 : i32
      %dma_wait3A_231 = arith.constant 0 : i32
      %dma_wait3A_232 = tpu.memref_slice %arg7[%dma_wait3A_230, %dma_wait3A_231] : memref<32x64xi32, #tpu.memory_space<vmem>> -> memref<1x64xi32, #tpu.memory_space<vmem>>
      %dma_wait3A_233 = tpu.memref_squeeze %dma_wait3A_232 : memref<1x64xi32, #tpu.memory_space<vmem>> -> memref<64xi32, #tpu.memory_space<vmem>>
      %dma_wait3A_234 = arith.constant 0 : i32
      %dma_wait3A_235 = arith.constant 0 : i32
      %dma_wait3A_236 = tpu.memref_slice %arg13[%dma_wait3A_234, %dma_wait3A_235] : memref<10112x80xf32, #tpu.memory_space<vmem_shared>> -> memref<10112x80xf32, #tpu.memory_space<vmem_shared>>
      tpu.wait_indirect_dma semaphore(%arg18 : memref<!tpu.dma_semaphore, #tpu.memory_space<semaphore_mem>>) src(%dma_wait3A_236 : memref<10112x80xf32, #tpu.memory_space<vmem_shared>>) dst(%arg12 : memref<64x80xf32, #tpu.memory_space<vmem>>)
      %dma_wait3A_237 = arith.constant 6 : i32
      %dma_wait3A_238 = arith.constant 0 : i32
      %dma_wait3A_239 = tpu.memref_slice %arg8[%dma_wait3A_237, %dma_wait3A_238] : memref<32x64xi32, #tpu.memory_space<vmem>> -> memref<1x64xi32, #tpu.memory_space<vmem>>
      %dma_wait3A_240 = tpu.memref_squeeze %dma_wait3A_239 : memref<1x64xi32, #tpu.memory_space<vmem>> -> memref<64xi32, #tpu.memory_space<vmem>>
      %dma_wait3A_241 = arith.constant 0 : i32
      %dma_wait3A_242 = arith.constant 0 : i32
      %dma_wait3A_243 = tpu.memref_slice %arg14[%dma_wait3A_241, %dma_wait3A_242] : memref<10112x80xf32, #tpu.memory_space<vmem_shared>> -> memref<10112x80xf32, #tpu.memory_space<vmem_shared>>
      tpu.wait_indirect_dma semaphore(%arg21 : memref<!tpu.dma_semaphore, #tpu.memory_space<semaphore_mem>>) src(%arg11 : memref<64x80xf32, #tpu.memory_space<vmem>>) dst(%dma_wait3A_243 : memref<10112x80xf32, #tpu.memory_space<vmem_shared>>)
      %dma_start3A_244 = arith.constant 10 : i32
      %dma_start3A_245 = arith.constant 0 : i32
      %dma_start3A_246 = tpu.memref_slice %arg7[%dma_start3A_244, %dma_start3A_245] : memref<32x64xi32, #tpu.memory_space<vmem>> -> memref<1x64xi32, #tpu.memory_space<vmem>>
      %dma_start3A_247 = tpu.memref_squeeze %dma_start3A_246 : memref<1x64xi32, #tpu.memory_space<vmem>> -> memref<64xi32, #tpu.memory_space<vmem>>
      %dma_start3A_248 = arith.constant 0 : i32
      %dma_start3A_249 = arith.constant 0 : i32
      %dma_start3A_250 = tpu.memref_slice %arg13[%dma_start3A_248, %dma_start3A_249] : memref<10112x80xf32, #tpu.memory_space<vmem_shared>> -> memref<10112x80xf32, #tpu.memory_space<vmem_shared>>
      tpu.enqueue_indirect_dma source(%dma_start3A_250 : memref<10112x80xf32, #tpu.memory_space<vmem_shared>>) target(%arg11 : memref<64x80xf32, #tpu.memory_space<vmem>>) offsets(%dma_start3A_247 : memref<64xi32, #tpu.memory_space<vmem>>) semaphore(%arg17 : memref<!tpu.dma_semaphore, #tpu.memory_space<semaphore_mem>>)
      %dma_start3A_251 = arith.constant 7 : i32
      %dma_start3A_252 = arith.constant 0 : i32
      %dma_start3A_253 = tpu.memref_slice %arg8[%dma_start3A_251, %dma_start3A_252] : memref<32x64xi32, #tpu.memory_space<vmem>> -> memref<1x64xi32, #tpu.memory_space<vmem>>
      %dma_start3A_254 = tpu.memref_squeeze %dma_start3A_253 : memref<1x64xi32, #tpu.memory_space<vmem>> -> memref<64xi32, #tpu.memory_space<vmem>>
      %dma_start3A_255 = arith.constant 0 : i32
      %dma_start3A_256 = arith.constant 0 : i32
      %dma_start3A_257 = tpu.memref_slice %arg14[%dma_start3A_255, %dma_start3A_256] : memref<10112x80xf32, #tpu.memory_space<vmem_shared>> -> memref<10112x80xf32, #tpu.memory_space<vmem_shared>>
      tpu.enqueue_indirect_dma source(%arg12 : memref<64x80xf32, #tpu.memory_space<vmem>>) target(%dma_start3A_257 : memref<10112x80xf32, #tpu.memory_space<vmem_shared>>) offsets(%dma_start3A_254 : memref<64xi32, #tpu.memory_space<vmem>>) semaphore(%arg22 : memref<!tpu.dma_semaphore, #tpu.memory_space<semaphore_mem>>) {add = true}
      %dma_wait3A_258 = arith.constant 8 : i32
      %dma_wait3A_259 = arith.constant 0 : i32
      %dma_wait3A_260 = tpu.memref_slice %arg7[%dma_wait3A_258, %dma_wait3A_259] : memref<32x64xi32, #tpu.memory_space<vmem>> -> memref<1x64xi32, #tpu.memory_space<vmem>>
      %dma_wait3A_261 = tpu.memref_squeeze %dma_wait3A_260 : memref<1x64xi32, #tpu.memory_space<vmem>> -> memref<64xi32, #tpu.memory_space<vmem>>
      %dma_wait3A_262 = arith.constant 0 : i32
      %dma_wait3A_263 = arith.constant 0 : i32
      %dma_wait3A_264 = tpu.memref_slice %arg13[%dma_wait3A_262, %dma_wait3A_263] : memref<10112x80xf32, #tpu.memory_space<vmem_shared>> -> memref<10112x80xf32, #tpu.memory_space<vmem_shared>>
      tpu.wait_indirect_dma semaphore(%arg15 : memref<!tpu.dma_semaphore, #tpu.memory_space<semaphore_mem>>) src(%dma_wait3A_264 : memref<10112x80xf32, #tpu.memory_space<vmem_shared>>) dst(%arg9 : memref<64x80xf32, #tpu.memory_space<vmem>>)
      %dma_wait3A_265 = arith.constant 7 : i32
      %dma_wait3A_266 = arith.constant 0 : i32
      %dma_wait3A_267 = tpu.memref_slice %arg8[%dma_wait3A_265, %dma_wait3A_266] : memref<32x64xi32, #tpu.memory_space<vmem>> -> memref<1x64xi32, #tpu.memory_space<vmem>>
      %dma_wait3A_268 = tpu.memref_squeeze %dma_wait3A_267 : memref<1x64xi32, #tpu.memory_space<vmem>> -> memref<64xi32, #tpu.memory_space<vmem>>
      %dma_wait3A_269 = arith.constant 0 : i32
      %dma_wait3A_270 = arith.constant 0 : i32
      %dma_wait3A_271 = tpu.memref_slice %arg14[%dma_wait3A_269, %dma_wait3A_270] : memref<10112x80xf32, #tpu.memory_space<vmem_shared>> -> memref<10112x80xf32, #tpu.memory_space<vmem_shared>>
      tpu.wait_indirect_dma semaphore(%arg22 : memref<!tpu.dma_semaphore, #tpu.memory_space<semaphore_mem>>) src(%arg12 : memref<64x80xf32, #tpu.memory_space<vmem>>) dst(%dma_wait3A_271 : memref<10112x80xf32, #tpu.memory_space<vmem_shared>>)
      %dma_start3A_272 = arith.constant 11 : i32
      %dma_start3A_273 = arith.constant 0 : i32
      %dma_start3A_274 = tpu.memref_slice %arg7[%dma_start3A_272, %dma_start3A_273] : memref<32x64xi32, #tpu.memory_space<vmem>> -> memref<1x64xi32, #tpu.memory_space<vmem>>
      %dma_start3A_275 = tpu.memref_squeeze %dma_start3A_274 : memref<1x64xi32, #tpu.memory_space<vmem>> -> memref<64xi32, #tpu.memory_space<vmem>>
      %dma_start3A_276 = arith.constant 0 : i32
      %dma_start3A_277 = arith.constant 0 : i32
      %dma_start3A_278 = tpu.memref_slice %arg13[%dma_start3A_276, %dma_start3A_277] : memref<10112x80xf32, #tpu.memory_space<vmem_shared>> -> memref<10112x80xf32, #tpu.memory_space<vmem_shared>>
      tpu.enqueue_indirect_dma source(%dma_start3A_278 : memref<10112x80xf32, #tpu.memory_space<vmem_shared>>) target(%arg12 : memref<64x80xf32, #tpu.memory_space<vmem>>) offsets(%dma_start3A_275 : memref<64xi32, #tpu.memory_space<vmem>>) semaphore(%arg18 : memref<!tpu.dma_semaphore, #tpu.memory_space<semaphore_mem>>)
      %dma_start3A_279 = arith.constant 8 : i32
      %dma_start3A_280 = arith.constant 0 : i32
      %dma_start3A_281 = tpu.memref_slice %arg8[%dma_start3A_279, %dma_start3A_280] : memref<32x64xi32, #tpu.memory_space<vmem>> -> memref<1x64xi32, #tpu.memory_space<vmem>>
      %dma_start3A_282 = tpu.memref_squeeze %dma_start3A_281 : memref<1x64xi32, #tpu.memory_space<vmem>> -> memref<64xi32, #tpu.memory_space<vmem>>
      %dma_start3A_283 = arith.constant 0 : i32
      %dma_start3A_284 = arith.constant 0 : i32
      %dma_start3A_285 = tpu.memref_slice %arg14[%dma_start3A_283, %dma_start3A_284] : memref<10112x80xf32, #tpu.memory_space<vmem_shared>> -> memref<10112x80xf32, #tpu.memory_space<vmem_shared>>
      tpu.enqueue_indirect_dma source(%arg9 : memref<64x80xf32, #tpu.memory_space<vmem>>) target(%dma_start3A_285 : memref<10112x80xf32, #tpu.memory_space<vmem_shared>>) offsets(%dma_start3A_282 : memref<64xi32, #tpu.memory_space<vmem>>) semaphore(%arg19 : memref<!tpu.dma_semaphore, #tpu.memory_space<semaphore_mem>>) {add = true}
      %dma_wait3A_286 = arith.constant 9 : i32
      %dma_wait3A_287 = arith.constant 0 : i32
      %dma_wait3A_288 = tpu.memref_slice %arg7[%dma_wait3A_286, %dma_wait3A_287] : memref<32x64xi32, #tpu.memory_space<vmem>> -> memref<1x64xi32, #tpu.memory_space<vmem>>
      %dma_wait3A_289 = tpu.memref_squeeze %dma_wait3A_288 : memref<1x64xi32, #tpu.memory_space<vmem>> -> memref<64xi32, #tpu.memory_space<vmem>>
      %dma_wait3A_290 = arith.constant 0 : i32
      %dma_wait3A_291 = arith.constant 0 : i32
      %dma_wait3A_292 = tpu.memref_slice %arg13[%dma_wait3A_290, %dma_wait3A_291] : memref<10112x80xf32, #tpu.memory_space<vmem_shared>> -> memref<10112x80xf32, #tpu.memory_space<vmem_shared>>
      tpu.wait_indirect_dma semaphore(%arg16 : memref<!tpu.dma_semaphore, #tpu.memory_space<semaphore_mem>>) src(%dma_wait3A_292 : memref<10112x80xf32, #tpu.memory_space<vmem_shared>>) dst(%arg10 : memref<64x80xf32, #tpu.memory_space<vmem>>)
      %dma_wait3A_293 = arith.constant 8 : i32
      %dma_wait3A_294 = arith.constant 0 : i32
      %dma_wait3A_295 = tpu.memref_slice %arg8[%dma_wait3A_293, %dma_wait3A_294] : memref<32x64xi32, #tpu.memory_space<vmem>> -> memref<1x64xi32, #tpu.memory_space<vmem>>
      %dma_wait3A_296 = tpu.memref_squeeze %dma_wait3A_295 : memref<1x64xi32, #tpu.memory_space<vmem>> -> memref<64xi32, #tpu.memory_space<vmem>>
      %dma_wait3A_297 = arith.constant 0 : i32
      %dma_wait3A_298 = arith.constant 0 : i32
      %dma_wait3A_299 = tpu.memref_slice %arg14[%dma_wait3A_297, %dma_wait3A_298] : memref<10112x80xf32, #tpu.memory_space<vmem_shared>> -> memref<10112x80xf32, #tpu.memory_space<vmem_shared>>
      tpu.wait_indirect_dma semaphore(%arg19 : memref<!tpu.dma_semaphore, #tpu.memory_space<semaphore_mem>>) src(%arg9 : memref<64x80xf32, #tpu.memory_space<vmem>>) dst(%dma_wait3A_299 : memref<10112x80xf32, #tpu.memory_space<vmem_shared>>)
      %dma_start3A_300 = arith.constant 12 : i32
      %dma_start3A_301 = arith.constant 0 : i32
      %dma_start3A_302 = tpu.memref_slice %arg7[%dma_start3A_300, %dma_start3A_301] : memref<32x64xi32, #tpu.memory_space<vmem>> -> memref<1x64xi32, #tpu.memory_space<vmem>>
      %dma_start3A_303 = tpu.memref_squeeze %dma_start3A_302 : memref<1x64xi32, #tpu.memory_space<vmem>> -> memref<64xi32, #tpu.memory_space<vmem>>
      %dma_start3A_304 = arith.constant 0 : i32
      %dma_start3A_305 = arith.constant 0 : i32
      %dma_start3A_306 = tpu.memref_slice %arg13[%dma_start3A_304, %dma_start3A_305] : memref<10112x80xf32, #tpu.memory_space<vmem_shared>> -> memref<10112x80xf32, #tpu.memory_space<vmem_shared>>
      tpu.enqueue_indirect_dma source(%dma_start3A_306 : memref<10112x80xf32, #tpu.memory_space<vmem_shared>>) target(%arg9 : memref<64x80xf32, #tpu.memory_space<vmem>>) offsets(%dma_start3A_303 : memref<64xi32, #tpu.memory_space<vmem>>) semaphore(%arg15 : memref<!tpu.dma_semaphore, #tpu.memory_space<semaphore_mem>>)
      %dma_start3A_307 = arith.constant 9 : i32
      %dma_start3A_308 = arith.constant 0 : i32
      %dma_start3A_309 = tpu.memref_slice %arg8[%dma_start3A_307, %dma_start3A_308] : memref<32x64xi32, #tpu.memory_space<vmem>> -> memref<1x64xi32, #tpu.memory_space<vmem>>
      %dma_start3A_310 = tpu.memref_squeeze %dma_start3A_309 : memref<1x64xi32, #tpu.memory_space<vmem>> -> memref<64xi32, #tpu.memory_space<vmem>>
      %dma_start3A_311 = arith.constant 0 : i32
      %dma_start3A_312 = arith.constant 0 : i32
      %dma_start3A_313 = tpu.memref_slice %arg14[%dma_start3A_311, %dma_start3A_312] : memref<10112x80xf32, #tpu.memory_space<vmem_shared>> -> memref<10112x80xf32, #tpu.memory_space<vmem_shared>>
      tpu.enqueue_indirect_dma source(%arg10 : memref<64x80xf32, #tpu.memory_space<vmem>>) target(%dma_start3A_313 : memref<10112x80xf32, #tpu.memory_space<vmem_shared>>) offsets(%dma_start3A_310 : memref<64xi32, #tpu.memory_space<vmem>>) semaphore(%arg20 : memref<!tpu.dma_semaphore, #tpu.memory_space<semaphore_mem>>) {add = true}
      %dma_wait3A_314 = arith.constant 10 : i32
      %dma_wait3A_315 = arith.constant 0 : i32
      %dma_wait3A_316 = tpu.memref_slice %arg7[%dma_wait3A_314, %dma_wait3A_315] : memref<32x64xi32, #tpu.memory_space<vmem>> -> memref<1x64xi32, #tpu.memory_space<vmem>>
      %dma_wait3A_317 = tpu.memref_squeeze %dma_wait3A_316 : memref<1x64xi32, #tpu.memory_space<vmem>> -> memref<64xi32, #tpu.memory_space<vmem>>
      %dma_wait3A_318 = arith.constant 0 : i32
      %dma_wait3A_319 = arith.constant 0 : i32
      %dma_wait3A_320 = tpu.memref_slice %arg13[%dma_wait3A_318, %dma_wait3A_319] : memref<10112x80xf32, #tpu.memory_space<vmem_shared>> -> memref<10112x80xf32, #tpu.memory_space<vmem_shared>>
      tpu.wait_indirect_dma semaphore(%arg17 : memref<!tpu.dma_semaphore, #tpu.memory_space<semaphore_mem>>) src(%dma_wait3A_320 : memref<10112x80xf32, #tpu.memory_space<vmem_shared>>) dst(%arg11 : memref<64x80xf32, #tpu.memory_space<vmem>>)
      %dma_wait3A_321 = arith.constant 9 : i32
      %dma_wait3A_322 = arith.constant 0 : i32
      %dma_wait3A_323 = tpu.memref_slice %arg8[%dma_wait3A_321, %dma_wait3A_322] : memref<32x64xi32, #tpu.memory_space<vmem>> -> memref<1x64xi32, #tpu.memory_space<vmem>>
      %dma_wait3A_324 = tpu.memref_squeeze %dma_wait3A_323 : memref<1x64xi32, #tpu.memory_space<vmem>> -> memref<64xi32, #tpu.memory_space<vmem>>
      %dma_wait3A_325 = arith.constant 0 : i32
      %dma_wait3A_326 = arith.constant 0 : i32
      %dma_wait3A_327 = tpu.memref_slice %arg14[%dma_wait3A_325, %dma_wait3A_326] : memref<10112x80xf32, #tpu.memory_space<vmem_shared>> -> memref<10112x80xf32, #tpu.memory_space<vmem_shared>>
      tpu.wait_indirect_dma semaphore(%arg20 : memref<!tpu.dma_semaphore, #tpu.memory_space<semaphore_mem>>) src(%arg10 : memref<64x80xf32, #tpu.memory_space<vmem>>) dst(%dma_wait3A_327 : memref<10112x80xf32, #tpu.memory_space<vmem_shared>>)
      %dma_start3A_328 = arith.constant 13 : i32
      %dma_start3A_329 = arith.constant 0 : i32
      %dma_start3A_330 = tpu.memref_slice %arg7[%dma_start3A_328, %dma_start3A_329] : memref<32x64xi32, #tpu.memory_space<vmem>> -> memref<1x64xi32, #tpu.memory_space<vmem>>
      %dma_start3A_331 = tpu.memref_squeeze %dma_start3A_330 : memref<1x64xi32, #tpu.memory_space<vmem>> -> memref<64xi32, #tpu.memory_space<vmem>>
      %dma_start3A_332 = arith.constant 0 : i32
      %dma_start3A_333 = arith.constant 0 : i32
      %dma_start3A_334 = tpu.memref_slice %arg13[%dma_start3A_332, %dma_start3A_333] : memref<10112x80xf32, #tpu.memory_space<vmem_shared>> -> memref<10112x80xf32, #tpu.memory_space<vmem_shared>>
      tpu.enqueue_indirect_dma source(%dma_start3A_334 : memref<10112x80xf32, #tpu.memory_space<vmem_shared>>) target(%arg10 : memref<64x80xf32, #tpu.memory_space<vmem>>) offsets(%dma_start3A_331 : memref<64xi32, #tpu.memory_space<vmem>>) semaphore(%arg16 : memref<!tpu.dma_semaphore, #tpu.memory_space<semaphore_mem>>)
      %dma_start3A_335 = arith.constant 10 : i32
      %dma_start3A_336 = arith.constant 0 : i32
      %dma_start3A_337 = tpu.memref_slice %arg8[%dma_start3A_335, %dma_start3A_336] : memref<32x64xi32, #tpu.memory_space<vmem>> -> memref<1x64xi32, #tpu.memory_space<vmem>>
      %dma_start3A_338 = tpu.memref_squeeze %dma_start3A_337 : memref<1x64xi32, #tpu.memory_space<vmem>> -> memref<64xi32, #tpu.memory_space<vmem>>
      %dma_start3A_339 = arith.constant 0 : i32
      %dma_start3A_340 = arith.constant 0 : i32
      %dma_start3A_341 = tpu.memref_slice %arg14[%dma_start3A_339, %dma_start3A_340] : memref<10112x80xf32, #tpu.memory_space<vmem_shared>> -> memref<10112x80xf32, #tpu.memory_space<vmem_shared>>
      tpu.enqueue_indirect_dma source(%arg11 : memref<64x80xf32, #tpu.memory_space<vmem>>) target(%dma_start3A_341 : memref<10112x80xf32, #tpu.memory_space<vmem_shared>>) offsets(%dma_start3A_338 : memref<64xi32, #tpu.memory_space<vmem>>) semaphore(%arg21 : memref<!tpu.dma_semaphore, #tpu.memory_space<semaphore_mem>>) {add = true}
      %dma_wait3A_342 = arith.constant 11 : i32
      %dma_wait3A_343 = arith.constant 0 : i32
      %dma_wait3A_344 = tpu.memref_slice %arg7[%dma_wait3A_342, %dma_wait3A_343] : memref<32x64xi32, #tpu.memory_space<vmem>> -> memref<1x64xi32, #tpu.memory_space<vmem>>
      %dma_wait3A_345 = tpu.memref_squeeze %dma_wait3A_344 : memref<1x64xi32, #tpu.memory_space<vmem>> -> memref<64xi32, #tpu.memory_space<vmem>>
      %dma_wait3A_346 = arith.constant 0 : i32
      %dma_wait3A_347 = arith.constant 0 : i32
      %dma_wait3A_348 = tpu.memref_slice %arg13[%dma_wait3A_346, %dma_wait3A_347] : memref<10112x80xf32, #tpu.memory_space<vmem_shared>> -> memref<10112x80xf32, #tpu.memory_space<vmem_shared>>
      tpu.wait_indirect_dma semaphore(%arg18 : memref<!tpu.dma_semaphore, #tpu.memory_space<semaphore_mem>>) src(%dma_wait3A_348 : memref<10112x80xf32, #tpu.memory_space<vmem_shared>>) dst(%arg12 : memref<64x80xf32, #tpu.memory_space<vmem>>)
      %dma_wait3A_349 = arith.constant 10 : i32
      %dma_wait3A_350 = arith.constant 0 : i32
      %dma_wait3A_351 = tpu.memref_slice %arg8[%dma_wait3A_349, %dma_wait3A_350] : memref<32x64xi32, #tpu.memory_space<vmem>> -> memref<1x64xi32, #tpu.memory_space<vmem>>
      %dma_wait3A_352 = tpu.memref_squeeze %dma_wait3A_351 : memref<1x64xi32, #tpu.memory_space<vmem>> -> memref<64xi32, #tpu.memory_space<vmem>>
      %dma_wait3A_353 = arith.constant 0 : i32
      %dma_wait3A_354 = arith.constant 0 : i32
      %dma_wait3A_355 = tpu.memref_slice %arg14[%dma_wait3A_353, %dma_wait3A_354] : memref<10112x80xf32, #tpu.memory_space<vmem_shared>> -> memref<10112x80xf32, #tpu.memory_space<vmem_shared>>
      tpu.wait_indirect_dma semaphore(%arg21 : memref<!tpu.dma_semaphore, #tpu.memory_space<semaphore_mem>>) src(%arg11 : memref<64x80xf32, #tpu.memory_space<vmem>>) dst(%dma_wait3A_355 : memref<10112x80xf32, #tpu.memory_space<vmem_shared>>)
      %dma_start3A_356 = arith.constant 14 : i32
      %dma_start3A_357 = arith.constant 0 : i32
      %dma_start3A_358 = tpu.memref_slice %arg7[%dma_start3A_356, %dma_start3A_357] : memref<32x64xi32, #tpu.memory_space<vmem>> -> memref<1x64xi32, #tpu.memory_space<vmem>>
      %dma_start3A_359 = tpu.memref_squeeze %dma_start3A_358 : memref<1x64xi32, #tpu.memory_space<vmem>> -> memref<64xi32, #tpu.memory_space<vmem>>
      %dma_start3A_360 = arith.constant 0 : i32
      %dma_start3A_361 = arith.constant 0 : i32
      %dma_start3A_362 = tpu.memref_slice %arg13[%dma_start3A_360, %dma_start3A_361] : memref<10112x80xf32, #tpu.memory_space<vmem_shared>> -> memref<10112x80xf32, #tpu.memory_space<vmem_shared>>
      tpu.enqueue_indirect_dma source(%dma_start3A_362 : memref<10112x80xf32, #tpu.memory_space<vmem_shared>>) target(%arg11 : memref<64x80xf32, #tpu.memory_space<vmem>>) offsets(%dma_start3A_359 : memref<64xi32, #tpu.memory_space<vmem>>) semaphore(%arg17 : memref<!tpu.dma_semaphore, #tpu.memory_space<semaphore_mem>>)
      %dma_start3A_363 = arith.constant 11 : i32
      %dma_start3A_364 = arith.constant 0 : i32
      %dma_start3A_365 = tpu.memref_slice %arg8[%dma_start3A_363, %dma_start3A_364] : memref<32x64xi32, #tpu.memory_space<vmem>> -> memref<1x64xi32, #tpu.memory_space<vmem>>
      %dma_start3A_366 = tpu.memref_squeeze %dma_start3A_365 : memref<1x64xi32, #tpu.memory_space<vmem>> -> memref<64xi32, #tpu.memory_space<vmem>>
      %dma_start3A_367 = arith.constant 0 : i32
      %dma_start3A_368 = arith.constant 0 : i32
      %dma_start3A_369 = tpu.memref_slice %arg14[%dma_start3A_367, %dma_start3A_368] : memref<10112x80xf32, #tpu.memory_space<vmem_shared>> -> memref<10112x80xf32, #tpu.memory_space<vmem_shared>>
      tpu.enqueue_indirect_dma source(%arg12 : memref<64x80xf32, #tpu.memory_space<vmem>>) target(%dma_start3A_369 : memref<10112x80xf32, #tpu.memory_space<vmem_shared>>) offsets(%dma_start3A_366 : memref<64xi32, #tpu.memory_space<vmem>>) semaphore(%arg22 : memref<!tpu.dma_semaphore, #tpu.memory_space<semaphore_mem>>) {add = true}
      %dma_wait3A_370 = arith.constant 12 : i32
      %dma_wait3A_371 = arith.constant 0 : i32
      %dma_wait3A_372 = tpu.memref_slice %arg7[%dma_wait3A_370, %dma_wait3A_371] : memref<32x64xi32, #tpu.memory_space<vmem>> -> memref<1x64xi32, #tpu.memory_space<vmem>>
      %dma_wait3A_373 = tpu.memref_squeeze %dma_wait3A_372 : memref<1x64xi32, #tpu.memory_space<vmem>> -> memref<64xi32, #tpu.memory_space<vmem>>
      %dma_wait3A_374 = arith.constant 0 : i32
      %dma_wait3A_375 = arith.constant 0 : i32
      %dma_wait3A_376 = tpu.memref_slice %arg13[%dma_wait3A_374, %dma_wait3A_375] : memref<10112x80xf32, #tpu.memory_space<vmem_shared>> -> memref<10112x80xf32, #tpu.memory_space<vmem_shared>>
      tpu.wait_indirect_dma semaphore(%arg15 : memref<!tpu.dma_semaphore, #tpu.memory_space<semaphore_mem>>) src(%dma_wait3A_376 : memref<10112x80xf32, #tpu.memory_space<vmem_shared>>) dst(%arg9 : memref<64x80xf32, #tpu.memory_space<vmem>>)
      %dma_wait3A_377 = arith.constant 11 : i32
      %dma_wait3A_378 = arith.constant 0 : i32
      %dma_wait3A_379 = tpu.memref_slice %arg8[%dma_wait3A_377, %dma_wait3A_378] : memref<32x64xi32, #tpu.memory_space<vmem>> -> memref<1x64xi32, #tpu.memory_space<vmem>>
      %dma_wait3A_380 = tpu.memref_squeeze %dma_wait3A_379 : memref<1x64xi32, #tpu.memory_space<vmem>> -> memref<64xi32, #tpu.memory_space<vmem>>
      %dma_wait3A_381 = arith.constant 0 : i32
      %dma_wait3A_382 = arith.constant 0 : i32
      %dma_wait3A_383 = tpu.memref_slice %arg14[%dma_wait3A_381, %dma_wait3A_382] : memref<10112x80xf32, #tpu.memory_space<vmem_shared>> -> memref<10112x80xf32, #tpu.memory_space<vmem_shared>>
      tpu.wait_indirect_dma semaphore(%arg22 : memref<!tpu.dma_semaphore, #tpu.memory_space<semaphore_mem>>) src(%arg12 : memref<64x80xf32, #tpu.memory_space<vmem>>) dst(%dma_wait3A_383 : memref<10112x80xf32, #tpu.memory_space<vmem_shared>>)
      %dma_start3A_384 = arith.constant 15 : i32
      %dma_start3A_385 = arith.constant 0 : i32
      %dma_start3A_386 = tpu.memref_slice %arg7[%dma_start3A_384, %dma_start3A_385] : memref<32x64xi32, #tpu.memory_space<vmem>> -> memref<1x64xi32, #tpu.memory_space<vmem>>
      %dma_start3A_387 = tpu.memref_squeeze %dma_start3A_386 : memref<1x64xi32, #tpu.memory_space<vmem>> -> memref<64xi32, #tpu.memory_space<vmem>>
      %dma_start3A_388 = arith.constant 0 : i32
      %dma_start3A_389 = arith.constant 0 : i32
      %dma_start3A_390 = tpu.memref_slice %arg13[%dma_start3A_388, %dma_start3A_389] : memref<10112x80xf32, #tpu.memory_space<vmem_shared>> -> memref<10112x80xf32, #tpu.memory_space<vmem_shared>>
      tpu.enqueue_indirect_dma source(%dma_start3A_390 : memref<10112x80xf32, #tpu.memory_space<vmem_shared>>) target(%arg12 : memref<64x80xf32, #tpu.memory_space<vmem>>) offsets(%dma_start3A_387 : memref<64xi32, #tpu.memory_space<vmem>>) semaphore(%arg18 : memref<!tpu.dma_semaphore, #tpu.memory_space<semaphore_mem>>)
      %dma_start3A_391 = arith.constant 12 : i32
      %dma_start3A_392 = arith.constant 0 : i32
      %dma_start3A_393 = tpu.memref_slice %arg8[%dma_start3A_391, %dma_start3A_392] : memref<32x64xi32, #tpu.memory_space<vmem>> -> memref<1x64xi32, #tpu.memory_space<vmem>>
      %dma_start3A_394 = tpu.memref_squeeze %dma_start3A_393 : memref<1x64xi32, #tpu.memory_space<vmem>> -> memref<64xi32, #tpu.memory_space<vmem>>
      %dma_start3A_395 = arith.constant 0 : i32
      %dma_start3A_396 = arith.constant 0 : i32
      %dma_start3A_397 = tpu.memref_slice %arg14[%dma_start3A_395, %dma_start3A_396] : memref<10112x80xf32, #tpu.memory_space<vmem_shared>> -> memref<10112x80xf32, #tpu.memory_space<vmem_shared>>
      tpu.enqueue_indirect_dma source(%arg9 : memref<64x80xf32, #tpu.memory_space<vmem>>) target(%dma_start3A_397 : memref<10112x80xf32, #tpu.memory_space<vmem_shared>>) offsets(%dma_start3A_394 : memref<64xi32, #tpu.memory_space<vmem>>) semaphore(%arg19 : memref<!tpu.dma_semaphore, #tpu.memory_space<semaphore_mem>>) {add = true}
      %dma_wait3A_398 = arith.constant 13 : i32
      %dma_wait3A_399 = arith.constant 0 : i32
      %dma_wait3A_400 = tpu.memref_slice %arg7[%dma_wait3A_398, %dma_wait3A_399] : memref<32x64xi32, #tpu.memory_space<vmem>> -> memref<1x64xi32, #tpu.memory_space<vmem>>
      %dma_wait3A_401 = tpu.memref_squeeze %dma_wait3A_400 : memref<1x64xi32, #tpu.memory_space<vmem>> -> memref<64xi32, #tpu.memory_space<vmem>>
      %dma_wait3A_402 = arith.constant 0 : i32
      %dma_wait3A_403 = arith.constant 0 : i32
      %dma_wait3A_404 = tpu.memref_slice %arg13[%dma_wait3A_402, %dma_wait3A_403] : memref<10112x80xf32, #tpu.memory_space<vmem_shared>> -> memref<10112x80xf32, #tpu.memory_space<vmem_shared>>
      tpu.wait_indirect_dma semaphore(%arg16 : memref<!tpu.dma_semaphore, #tpu.memory_space<semaphore_mem>>) src(%dma_wait3A_404 : memref<10112x80xf32, #tpu.memory_space<vmem_shared>>) dst(%arg10 : memref<64x80xf32, #tpu.memory_space<vmem>>)
      %dma_wait3A_405 = arith.constant 12 : i32
      %dma_wait3A_406 = arith.constant 0 : i32
      %dma_wait3A_407 = tpu.memref_slice %arg8[%dma_wait3A_405, %dma_wait3A_406] : memref<32x64xi32, #tpu.memory_space<vmem>> -> memref<1x64xi32, #tpu.memory_space<vmem>>
      %dma_wait3A_408 = tpu.memref_squeeze %dma_wait3A_407 : memref<1x64xi32, #tpu.memory_space<vmem>> -> memref<64xi32, #tpu.memory_space<vmem>>
      %dma_wait3A_409 = arith.constant 0 : i32
      %dma_wait3A_410 = arith.constant 0 : i32
      %dma_wait3A_411 = tpu.memref_slice %arg14[%dma_wait3A_409, %dma_wait3A_410] : memref<10112x80xf32, #tpu.memory_space<vmem_shared>> -> memref<10112x80xf32, #tpu.memory_space<vmem_shared>>
      tpu.wait_indirect_dma semaphore(%arg19 : memref<!tpu.dma_semaphore, #tpu.memory_space<semaphore_mem>>) src(%arg9 : memref<64x80xf32, #tpu.memory_space<vmem>>) dst(%dma_wait3A_411 : memref<10112x80xf32, #tpu.memory_space<vmem_shared>>)
      %dma_start3A_412 = arith.constant 16 : i32
      %dma_start3A_413 = arith.constant 0 : i32
      %dma_start3A_414 = tpu.memref_slice %arg7[%dma_start3A_412, %dma_start3A_413] : memref<32x64xi32, #tpu.memory_space<vmem>> -> memref<1x64xi32, #tpu.memory_space<vmem>>
      %dma_start3A_415 = tpu.memref_squeeze %dma_start3A_414 : memref<1x64xi32, #tpu.memory_space<vmem>> -> memref<64xi32, #tpu.memory_space<vmem>>
      %dma_start3A_416 = arith.constant 0 : i32
      %dma_start3A_417 = arith.constant 0 : i32
      %dma_start3A_418 = tpu.memref_slice %arg13[%dma_start3A_416, %dma_start3A_417] : memref<10112x80xf32, #tpu.memory_space<vmem_shared>> -> memref<10112x80xf32, #tpu.memory_space<vmem_shared>>
      tpu.enqueue_indirect_dma source(%dma_start3A_418 : memref<10112x80xf32, #tpu.memory_space<vmem_shared>>) target(%arg9 : memref<64x80xf32, #tpu.memory_space<vmem>>) offsets(%dma_start3A_415 : memref<64xi32, #tpu.memory_space<vmem>>) semaphore(%arg15 : memref<!tpu.dma_semaphore, #tpu.memory_space<semaphore_mem>>)
      %dma_start3A_419 = arith.constant 13 : i32
      %dma_start3A_420 = arith.constant 0 : i32
      %dma_start3A_421 = tpu.memref_slice %arg8[%dma_start3A_419, %dma_start3A_420] : memref<32x64xi32, #tpu.memory_space<vmem>> -> memref<1x64xi32, #tpu.memory_space<vmem>>
      %dma_start3A_422 = tpu.memref_squeeze %dma_start3A_421 : memref<1x64xi32, #tpu.memory_space<vmem>> -> memref<64xi32, #tpu.memory_space<vmem>>
      %dma_start3A_423 = arith.constant 0 : i32
      %dma_start3A_424 = arith.constant 0 : i32
      %dma_start3A_425 = tpu.memref_slice %arg14[%dma_start3A_423, %dma_start3A_424] : memref<10112x80xf32, #tpu.memory_space<vmem_shared>> -> memref<10112x80xf32, #tpu.memory_space<vmem_shared>>
      tpu.enqueue_indirect_dma source(%arg10 : memref<64x80xf32, #tpu.memory_space<vmem>>) target(%dma_start3A_425 : memref<10112x80xf32, #tpu.memory_space<vmem_shared>>) offsets(%dma_start3A_422 : memref<64xi32, #tpu.memory_space<vmem>>) semaphore(%arg20 : memref<!tpu.dma_semaphore, #tpu.memory_space<semaphore_mem>>) {add = true}
      %dma_wait3A_426 = arith.constant 14 : i32
      %dma_wait3A_427 = arith.constant 0 : i32
      %dma_wait3A_428 = tpu.memref_slice %arg7[%dma_wait3A_426, %dma_wait3A_427] : memref<32x64xi32, #tpu.memory_space<vmem>> -> memref<1x64xi32, #tpu.memory_space<vmem>>
      %dma_wait3A_429 = tpu.memref_squeeze %dma_wait3A_428 : memref<1x64xi32, #tpu.memory_space<vmem>> -> memref<64xi32, #tpu.memory_space<vmem>>
      %dma_wait3A_430 = arith.constant 0 : i32
      %dma_wait3A_431 = arith.constant 0 : i32
      %dma_wait3A_432 = tpu.memref_slice %arg13[%dma_wait3A_430, %dma_wait3A_431] : memref<10112x80xf32, #tpu.memory_space<vmem_shared>> -> memref<10112x80xf32, #tpu.memory_space<vmem_shared>>
      tpu.wait_indirect_dma semaphore(%arg17 : memref<!tpu.dma_semaphore, #tpu.memory_space<semaphore_mem>>) src(%dma_wait3A_432 : memref<10112x80xf32, #tpu.memory_space<vmem_shared>>) dst(%arg11 : memref<64x80xf32, #tpu.memory_space<vmem>>)
      %dma_wait3A_433 = arith.constant 13 : i32
      %dma_wait3A_434 = arith.constant 0 : i32
      %dma_wait3A_435 = tpu.memref_slice %arg8[%dma_wait3A_433, %dma_wait3A_434] : memref<32x64xi32, #tpu.memory_space<vmem>> -> memref<1x64xi32, #tpu.memory_space<vmem>>
      %dma_wait3A_436 = tpu.memref_squeeze %dma_wait3A_435 : memref<1x64xi32, #tpu.memory_space<vmem>> -> memref<64xi32, #tpu.memory_space<vmem>>
      %dma_wait3A_437 = arith.constant 0 : i32
      %dma_wait3A_438 = arith.constant 0 : i32
      %dma_wait3A_439 = tpu.memref_slice %arg14[%dma_wait3A_437, %dma_wait3A_438] : memref<10112x80xf32, #tpu.memory_space<vmem_shared>> -> memref<10112x80xf32, #tpu.memory_space<vmem_shared>>
      tpu.wait_indirect_dma semaphore(%arg20 : memref<!tpu.dma_semaphore, #tpu.memory_space<semaphore_mem>>) src(%arg10 : memref<64x80xf32, #tpu.memory_space<vmem>>) dst(%dma_wait3A_439 : memref<10112x80xf32, #tpu.memory_space<vmem_shared>>)
      %dma_start3A_440 = arith.constant 17 : i32
      %dma_start3A_441 = arith.constant 0 : i32
      %dma_start3A_442 = tpu.memref_slice %arg7[%dma_start3A_440, %dma_start3A_441] : memref<32x64xi32, #tpu.memory_space<vmem>> -> memref<1x64xi32, #tpu.memory_space<vmem>>
      %dma_start3A_443 = tpu.memref_squeeze %dma_start3A_442 : memref<1x64xi32, #tpu.memory_space<vmem>> -> memref<64xi32, #tpu.memory_space<vmem>>
      %dma_start3A_444 = arith.constant 0 : i32
      %dma_start3A_445 = arith.constant 0 : i32
      %dma_start3A_446 = tpu.memref_slice %arg13[%dma_start3A_444, %dma_start3A_445] : memref<10112x80xf32, #tpu.memory_space<vmem_shared>> -> memref<10112x80xf32, #tpu.memory_space<vmem_shared>>
      tpu.enqueue_indirect_dma source(%dma_start3A_446 : memref<10112x80xf32, #tpu.memory_space<vmem_shared>>) target(%arg10 : memref<64x80xf32, #tpu.memory_space<vmem>>) offsets(%dma_start3A_443 : memref<64xi32, #tpu.memory_space<vmem>>) semaphore(%arg16 : memref<!tpu.dma_semaphore, #tpu.memory_space<semaphore_mem>>)
      %dma_start3A_447 = arith.constant 14 : i32
      %dma_start3A_448 = arith.constant 0 : i32
      %dma_start3A_449 = tpu.memref_slice %arg8[%dma_start3A_447, %dma_start3A_448] : memref<32x64xi32, #tpu.memory_space<vmem>> -> memref<1x64xi32, #tpu.memory_space<vmem>>
      %dma_start3A_450 = tpu.memref_squeeze %dma_start3A_449 : memref<1x64xi32, #tpu.memory_space<vmem>> -> memref<64xi32, #tpu.memory_space<vmem>>
      %dma_start3A_451 = arith.constant 0 : i32
      %dma_start3A_452 = arith.constant 0 : i32
      %dma_start3A_453 = tpu.memref_slice %arg14[%dma_start3A_451, %dma_start3A_452] : memref<10112x80xf32, #tpu.memory_space<vmem_shared>> -> memref<10112x80xf32, #tpu.memory_space<vmem_shared>>
      tpu.enqueue_indirect_dma source(%arg11 : memref<64x80xf32, #tpu.memory_space<vmem>>) target(%dma_start3A_453 : memref<10112x80xf32, #tpu.memory_space<vmem_shared>>) offsets(%dma_start3A_450 : memref<64xi32, #tpu.memory_space<vmem>>) semaphore(%arg21 : memref<!tpu.dma_semaphore, #tpu.memory_space<semaphore_mem>>) {add = true}
      %dma_wait3A_454 = arith.constant 15 : i32
      %dma_wait3A_455 = arith.constant 0 : i32
      %dma_wait3A_456 = tpu.memref_slice %arg7[%dma_wait3A_454, %dma_wait3A_455] : memref<32x64xi32, #tpu.memory_space<vmem>> -> memref<1x64xi32, #tpu.memory_space<vmem>>
      %dma_wait3A_457 = tpu.memref_squeeze %dma_wait3A_456 : memref<1x64xi32, #tpu.memory_space<vmem>> -> memref<64xi32, #tpu.memory_space<vmem>>
      %dma_wait3A_458 = arith.constant 0 : i32
      %dma_wait3A_459 = arith.constant 0 : i32
      %dma_wait3A_460 = tpu.memref_slice %arg13[%dma_wait3A_458, %dma_wait3A_459] : memref<10112x80xf32, #tpu.memory_space<vmem_shared>> -> memref<10112x80xf32, #tpu.memory_space<vmem_shared>>
      tpu.wait_indirect_dma semaphore(%arg18 : memref<!tpu.dma_semaphore, #tpu.memory_space<semaphore_mem>>) src(%dma_wait3A_460 : memref<10112x80xf32, #tpu.memory_space<vmem_shared>>) dst(%arg12 : memref<64x80xf32, #tpu.memory_space<vmem>>)
      %dma_wait3A_461 = arith.constant 14 : i32
      %dma_wait3A_462 = arith.constant 0 : i32
      %dma_wait3A_463 = tpu.memref_slice %arg8[%dma_wait3A_461, %dma_wait3A_462] : memref<32x64xi32, #tpu.memory_space<vmem>> -> memref<1x64xi32, #tpu.memory_space<vmem>>
      %dma_wait3A_464 = tpu.memref_squeeze %dma_wait3A_463 : memref<1x64xi32, #tpu.memory_space<vmem>> -> memref<64xi32, #tpu.memory_space<vmem>>
      %dma_wait3A_465 = arith.constant 0 : i32
      %dma_wait3A_466 = arith.constant 0 : i32
      %dma_wait3A_467 = tpu.memref_slice %arg14[%dma_wait3A_465, %dma_wait3A_466] : memref<10112x80xf32, #tpu.memory_space<vmem_shared>> -> memref<10112x80xf32, #tpu.memory_space<vmem_shared>>
      tpu.wait_indirect_dma semaphore(%arg21 : memref<!tpu.dma_semaphore, #tpu.memory_space<semaphore_mem>>) src(%arg11 : memref<64x80xf32, #tpu.memory_space<vmem>>) dst(%dma_wait3A_467 : memref<10112x80xf32, #tpu.memory_space<vmem_shared>>)
      %dma_start3A_468 = arith.constant 18 : i32
      %dma_start3A_469 = arith.constant 0 : i32
      %dma_start3A_470 = tpu.memref_slice %arg7[%dma_start3A_468, %dma_start3A_469] : memref<32x64xi32, #tpu.memory_space<vmem>> -> memref<1x64xi32, #tpu.memory_space<vmem>>
      %dma_start3A_471 = tpu.memref_squeeze %dma_start3A_470 : memref<1x64xi32, #tpu.memory_space<vmem>> -> memref<64xi32, #tpu.memory_space<vmem>>
      %dma_start3A_472 = arith.constant 0 : i32
      %dma_start3A_473 = arith.constant 0 : i32
      %dma_start3A_474 = tpu.memref_slice %arg13[%dma_start3A_472, %dma_start3A_473] : memref<10112x80xf32, #tpu.memory_space<vmem_shared>> -> memref<10112x80xf32, #tpu.memory_space<vmem_shared>>
      tpu.enqueue_indirect_dma source(%dma_start3A_474 : memref<10112x80xf32, #tpu.memory_space<vmem_shared>>) target(%arg11 : memref<64x80xf32, #tpu.memory_space<vmem>>) offsets(%dma_start3A_471 : memref<64xi32, #tpu.memory_space<vmem>>) semaphore(%arg17 : memref<!tpu.dma_semaphore, #tpu.memory_space<semaphore_mem>>)
      %dma_start3A_475 = arith.constant 15 : i32
      %dma_start3A_476 = arith.constant 0 : i32
      %dma_start3A_477 = tpu.memref_slice %arg8[%dma_start3A_475, %dma_start3A_476] : memref<32x64xi32, #tpu.memory_space<vmem>> -> memref<1x64xi32, #tpu.memory_space<vmem>>
      %dma_start3A_478 = tpu.memref_squeeze %dma_start3A_477 : memref<1x64xi32, #tpu.memory_space<vmem>> -> memref<64xi32, #tpu.memory_space<vmem>>
      %dma_start3A_479 = arith.constant 0 : i32
      %dma_start3A_480 = arith.constant 0 : i32
      %dma_start3A_481 = tpu.memref_slice %arg14[%dma_start3A_479, %dma_start3A_480] : memref<10112x80xf32, #tpu.memory_space<vmem_shared>> -> memref<10112x80xf32, #tpu.memory_space<vmem_shared>>
      tpu.enqueue_indirect_dma source(%arg12 : memref<64x80xf32, #tpu.memory_space<vmem>>) target(%dma_start3A_481 : memref<10112x80xf32, #tpu.memory_space<vmem_shared>>) offsets(%dma_start3A_478 : memref<64xi32, #tpu.memory_space<vmem>>) semaphore(%arg22 : memref<!tpu.dma_semaphore, #tpu.memory_space<semaphore_mem>>) {add = true}
      %dma_wait3A_482 = arith.constant 16 : i32
      %dma_wait3A_483 = arith.constant 0 : i32
      %dma_wait3A_484 = tpu.memref_slice %arg7[%dma_wait3A_482, %dma_wait3A_483] : memref<32x64xi32, #tpu.memory_space<vmem>> -> memref<1x64xi32, #tpu.memory_space<vmem>>
      %dma_wait3A_485 = tpu.memref_squeeze %dma_wait3A_484 : memref<1x64xi32, #tpu.memory_space<vmem>> -> memref<64xi32, #tpu.memory_space<vmem>>
      %dma_wait3A_486 = arith.constant 0 : i32
      %dma_wait3A_487 = arith.constant 0 : i32
      %dma_wait3A_488 = tpu.memref_slice %arg13[%dma_wait3A_486, %dma_wait3A_487] : memref<10112x80xf32, #tpu.memory_space<vmem_shared>> -> memref<10112x80xf32, #tpu.memory_space<vmem_shared>>
      tpu.wait_indirect_dma semaphore(%arg15 : memref<!tpu.dma_semaphore, #tpu.memory_space<semaphore_mem>>) src(%dma_wait3A_488 : memref<10112x80xf32, #tpu.memory_space<vmem_shared>>) dst(%arg9 : memref<64x80xf32, #tpu.memory_space<vmem>>)
      %dma_wait3A_489 = arith.constant 15 : i32
      %dma_wait3A_490 = arith.constant 0 : i32
      %dma_wait3A_491 = tpu.memref_slice %arg8[%dma_wait3A_489, %dma_wait3A_490] : memref<32x64xi32, #tpu.memory_space<vmem>> -> memref<1x64xi32, #tpu.memory_space<vmem>>
      %dma_wait3A_492 = tpu.memref_squeeze %dma_wait3A_491 : memref<1x64xi32, #tpu.memory_space<vmem>> -> memref<64xi32, #tpu.memory_space<vmem>>
      %dma_wait3A_493 = arith.constant 0 : i32
      %dma_wait3A_494 = arith.constant 0 : i32
      %dma_wait3A_495 = tpu.memref_slice %arg14[%dma_wait3A_493, %dma_wait3A_494] : memref<10112x80xf32, #tpu.memory_space<vmem_shared>> -> memref<10112x80xf32, #tpu.memory_space<vmem_shared>>
      tpu.wait_indirect_dma semaphore(%arg22 : memref<!tpu.dma_semaphore, #tpu.memory_space<semaphore_mem>>) src(%arg12 : memref<64x80xf32, #tpu.memory_space<vmem>>) dst(%dma_wait3A_495 : memref<10112x80xf32, #tpu.memory_space<vmem_shared>>)
      %dma_start3A_496 = arith.constant 19 : i32
      %dma_start3A_497 = arith.constant 0 : i32
      %dma_start3A_498 = tpu.memref_slice %arg7[%dma_start3A_496, %dma_start3A_497] : memref<32x64xi32, #tpu.memory_space<vmem>> -> memref<1x64xi32, #tpu.memory_space<vmem>>
      %dma_start3A_499 = tpu.memref_squeeze %dma_start3A_498 : memref<1x64xi32, #tpu.memory_space<vmem>> -> memref<64xi32, #tpu.memory_space<vmem>>
      %dma_start3A_500 = arith.constant 0 : i32
      %dma_start3A_501 = arith.constant 0 : i32
      %dma_start3A_502 = tpu.memref_slice %arg13[%dma_start3A_500, %dma_start3A_501] : memref<10112x80xf32, #tpu.memory_space<vmem_shared>> -> memref<10112x80xf32, #tpu.memory_space<vmem_shared>>
      tpu.enqueue_indirect_dma source(%dma_start3A_502 : memref<10112x80xf32, #tpu.memory_space<vmem_shared>>) target(%arg12 : memref<64x80xf32, #tpu.memory_space<vmem>>) offsets(%dma_start3A_499 : memref<64xi32, #tpu.memory_space<vmem>>) semaphore(%arg18 : memref<!tpu.dma_semaphore, #tpu.memory_space<semaphore_mem>>)
      %dma_start3A_503 = arith.constant 16 : i32
      %dma_start3A_504 = arith.constant 0 : i32
      %dma_start3A_505 = tpu.memref_slice %arg8[%dma_start3A_503, %dma_start3A_504] : memref<32x64xi32, #tpu.memory_space<vmem>> -> memref<1x64xi32, #tpu.memory_space<vmem>>
      %dma_start3A_506 = tpu.memref_squeeze %dma_start3A_505 : memref<1x64xi32, #tpu.memory_space<vmem>> -> memref<64xi32, #tpu.memory_space<vmem>>
      %dma_start3A_507 = arith.constant 0 : i32
      %dma_start3A_508 = arith.constant 0 : i32
      %dma_start3A_509 = tpu.memref_slice %arg14[%dma_start3A_507, %dma_start3A_508] : memref<10112x80xf32, #tpu.memory_space<vmem_shared>> -> memref<10112x80xf32, #tpu.memory_space<vmem_shared>>
      tpu.enqueue_indirect_dma source(%arg9 : memref<64x80xf32, #tpu.memory_space<vmem>>) target(%dma_start3A_509 : memref<10112x80xf32, #tpu.memory_space<vmem_shared>>) offsets(%dma_start3A_506 : memref<64xi32, #tpu.memory_space<vmem>>) semaphore(%arg19 : memref<!tpu.dma_semaphore, #tpu.memory_space<semaphore_mem>>) {add = true}
      %dma_wait3A_510 = arith.constant 17 : i32
      %dma_wait3A_511 = arith.constant 0 : i32
      %dma_wait3A_512 = tpu.memref_slice %arg7[%dma_wait3A_510, %dma_wait3A_511] : memref<32x64xi32, #tpu.memory_space<vmem>> -> memref<1x64xi32, #tpu.memory_space<vmem>>
      %dma_wait3A_513 = tpu.memref_squeeze %dma_wait3A_512 : memref<1x64xi32, #tpu.memory_space<vmem>> -> memref<64xi32, #tpu.memory_space<vmem>>
      %dma_wait3A_514 = arith.constant 0 : i32
      %dma_wait3A_515 = arith.constant 0 : i32
      %dma_wait3A_516 = tpu.memref_slice %arg13[%dma_wait3A_514, %dma_wait3A_515] : memref<10112x80xf32, #tpu.memory_space<vmem_shared>> -> memref<10112x80xf32, #tpu.memory_space<vmem_shared>>
      tpu.wait_indirect_dma semaphore(%arg16 : memref<!tpu.dma_semaphore, #tpu.memory_space<semaphore_mem>>) src(%dma_wait3A_516 : memref<10112x80xf32, #tpu.memory_space<vmem_shared>>) dst(%arg10 : memref<64x80xf32, #tpu.memory_space<vmem>>)
      %dma_wait3A_517 = arith.constant 16 : i32
      %dma_wait3A_518 = arith.constant 0 : i32
      %dma_wait3A_519 = tpu.memref_slice %arg8[%dma_wait3A_517, %dma_wait3A_518] : memref<32x64xi32, #tpu.memory_space<vmem>> -> memref<1x64xi32, #tpu.memory_space<vmem>>
      %dma_wait3A_520 = tpu.memref_squeeze %dma_wait3A_519 : memref<1x64xi32, #tpu.memory_space<vmem>> -> memref<64xi32, #tpu.memory_space<vmem>>
      %dma_wait3A_521 = arith.constant 0 : i32
      %dma_wait3A_522 = arith.constant 0 : i32
      %dma_wait3A_523 = tpu.memref_slice %arg14[%dma_wait3A_521, %dma_wait3A_522] : memref<10112x80xf32, #tpu.memory_space<vmem_shared>> -> memref<10112x80xf32, #tpu.memory_space<vmem_shared>>
      tpu.wait_indirect_dma semaphore(%arg19 : memref<!tpu.dma_semaphore, #tpu.memory_space<semaphore_mem>>) src(%arg9 : memref<64x80xf32, #tpu.memory_space<vmem>>) dst(%dma_wait3A_523 : memref<10112x80xf32, #tpu.memory_space<vmem_shared>>)
      %dma_start3A_524 = arith.constant 20 : i32
      %dma_start3A_525 = arith.constant 0 : i32
      %dma_start3A_526 = tpu.memref_slice %arg7[%dma_start3A_524, %dma_start3A_525] : memref<32x64xi32, #tpu.memory_space<vmem>> -> memref<1x64xi32, #tpu.memory_space<vmem>>
      %dma_start3A_527 = tpu.memref_squeeze %dma_start3A_526 : memref<1x64xi32, #tpu.memory_space<vmem>> -> memref<64xi32, #tpu.memory_space<vmem>>
      %dma_start3A_528 = arith.constant 0 : i32
      %dma_start3A_529 = arith.constant 0 : i32
      %dma_start3A_530 = tpu.memref_slice %arg13[%dma_start3A_528, %dma_start3A_529] : memref<10112x80xf32, #tpu.memory_space<vmem_shared>> -> memref<10112x80xf32, #tpu.memory_space<vmem_shared>>
      tpu.enqueue_indirect_dma source(%dma_start3A_530 : memref<10112x80xf32, #tpu.memory_space<vmem_shared>>) target(%arg9 : memref<64x80xf32, #tpu.memory_space<vmem>>) offsets(%dma_start3A_527 : memref<64xi32, #tpu.memory_space<vmem>>) semaphore(%arg15 : memref<!tpu.dma_semaphore, #tpu.memory_space<semaphore_mem>>)
      %dma_start3A_531 = arith.constant 17 : i32
      %dma_start3A_532 = arith.constant 0 : i32
      %dma_start3A_533 = tpu.memref_slice %arg8[%dma_start3A_531, %dma_start3A_532] : memref<32x64xi32, #tpu.memory_space<vmem>> -> memref<1x64xi32, #tpu.memory_space<vmem>>
      %dma_start3A_534 = tpu.memref_squeeze %dma_start3A_533 : memref<1x64xi32, #tpu.memory_space<vmem>> -> memref<64xi32, #tpu.memory_space<vmem>>
      %dma_start3A_535 = arith.constant 0 : i32
      %dma_start3A_536 = arith.constant 0 : i32
      %dma_start3A_537 = tpu.memref_slice %arg14[%dma_start3A_535, %dma_start3A_536] : memref<10112x80xf32, #tpu.memory_space<vmem_shared>> -> memref<10112x80xf32, #tpu.memory_space<vmem_shared>>
      tpu.enqueue_indirect_dma source(%arg10 : memref<64x80xf32, #tpu.memory_space<vmem>>) target(%dma_start3A_537 : memref<10112x80xf32, #tpu.memory_space<vmem_shared>>) offsets(%dma_start3A_534 : memref<64xi32, #tpu.memory_space<vmem>>) semaphore(%arg20 : memref<!tpu.dma_semaphore, #tpu.memory_space<semaphore_mem>>) {add = true}
      %dma_wait3A_538 = arith.constant 18 : i32
      %dma_wait3A_539 = arith.constant 0 : i32
      %dma_wait3A_540 = tpu.memref_slice %arg7[%dma_wait3A_538, %dma_wait3A_539] : memref<32x64xi32, #tpu.memory_space<vmem>> -> memref<1x64xi32, #tpu.memory_space<vmem>>
      %dma_wait3A_541 = tpu.memref_squeeze %dma_wait3A_540 : memref<1x64xi32, #tpu.memory_space<vmem>> -> memref<64xi32, #tpu.memory_space<vmem>>
      %dma_wait3A_542 = arith.constant 0 : i32
      %dma_wait3A_543 = arith.constant 0 : i32
      %dma_wait3A_544 = tpu.memref_slice %arg13[%dma_wait3A_542, %dma_wait3A_543] : memref<10112x80xf32, #tpu.memory_space<vmem_shared>> -> memref<10112x80xf32, #tpu.memory_space<vmem_shared>>
      tpu.wait_indirect_dma semaphore(%arg17 : memref<!tpu.dma_semaphore, #tpu.memory_space<semaphore_mem>>) src(%dma_wait3A_544 : memref<10112x80xf32, #tpu.memory_space<vmem_shared>>) dst(%arg11 : memref<64x80xf32, #tpu.memory_space<vmem>>)
      %dma_wait3A_545 = arith.constant 17 : i32
      %dma_wait3A_546 = arith.constant 0 : i32
      %dma_wait3A_547 = tpu.memref_slice %arg8[%dma_wait3A_545, %dma_wait3A_546] : memref<32x64xi32, #tpu.memory_space<vmem>> -> memref<1x64xi32, #tpu.memory_space<vmem>>
      %dma_wait3A_548 = tpu.memref_squeeze %dma_wait3A_547 : memref<1x64xi32, #tpu.memory_space<vmem>> -> memref<64xi32, #tpu.memory_space<vmem>>
      %dma_wait3A_549 = arith.constant 0 : i32
      %dma_wait3A_550 = arith.constant 0 : i32
      %dma_wait3A_551 = tpu.memref_slice %arg14[%dma_wait3A_549, %dma_wait3A_550] : memref<10112x80xf32, #tpu.memory_space<vmem_shared>> -> memref<10112x80xf32, #tpu.memory_space<vmem_shared>>
      tpu.wait_indirect_dma semaphore(%arg20 : memref<!tpu.dma_semaphore, #tpu.memory_space<semaphore_mem>>) src(%arg10 : memref<64x80xf32, #tpu.memory_space<vmem>>) dst(%dma_wait3A_551 : memref<10112x80xf32, #tpu.memory_space<vmem_shared>>)
      %dma_start3A_552 = arith.constant 21 : i32
      %dma_start3A_553 = arith.constant 0 : i32
      %dma_start3A_554 = tpu.memref_slice %arg7[%dma_start3A_552, %dma_start3A_553] : memref<32x64xi32, #tpu.memory_space<vmem>> -> memref<1x64xi32, #tpu.memory_space<vmem>>
      %dma_start3A_555 = tpu.memref_squeeze %dma_start3A_554 : memref<1x64xi32, #tpu.memory_space<vmem>> -> memref<64xi32, #tpu.memory_space<vmem>>
      %dma_start3A_556 = arith.constant 0 : i32
      %dma_start3A_557 = arith.constant 0 : i32
      %dma_start3A_558 = tpu.memref_slice %arg13[%dma_start3A_556, %dma_start3A_557] : memref<10112x80xf32, #tpu.memory_space<vmem_shared>> -> memref<10112x80xf32, #tpu.memory_space<vmem_shared>>
      tpu.enqueue_indirect_dma source(%dma_start3A_558 : memref<10112x80xf32, #tpu.memory_space<vmem_shared>>) target(%arg10 : memref<64x80xf32, #tpu.memory_space<vmem>>) offsets(%dma_start3A_555 : memref<64xi32, #tpu.memory_space<vmem>>) semaphore(%arg16 : memref<!tpu.dma_semaphore, #tpu.memory_space<semaphore_mem>>)
      %dma_start3A_559 = arith.constant 18 : i32
      %dma_start3A_560 = arith.constant 0 : i32
      %dma_start3A_561 = tpu.memref_slice %arg8[%dma_start3A_559, %dma_start3A_560] : memref<32x64xi32, #tpu.memory_space<vmem>> -> memref<1x64xi32, #tpu.memory_space<vmem>>
      %dma_start3A_562 = tpu.memref_squeeze %dma_start3A_561 : memref<1x64xi32, #tpu.memory_space<vmem>> -> memref<64xi32, #tpu.memory_space<vmem>>
      %dma_start3A_563 = arith.constant 0 : i32
      %dma_start3A_564 = arith.constant 0 : i32
      %dma_start3A_565 = tpu.memref_slice %arg14[%dma_start3A_563, %dma_start3A_564] : memref<10112x80xf32, #tpu.memory_space<vmem_shared>> -> memref<10112x80xf32, #tpu.memory_space<vmem_shared>>
      tpu.enqueue_indirect_dma source(%arg11 : memref<64x80xf32, #tpu.memory_space<vmem>>) target(%dma_start3A_565 : memref<10112x80xf32, #tpu.memory_space<vmem_shared>>) offsets(%dma_start3A_562 : memref<64xi32, #tpu.memory_space<vmem>>) semaphore(%arg21 : memref<!tpu.dma_semaphore, #tpu.memory_space<semaphore_mem>>) {add = true}
      %dma_wait3A_566 = arith.constant 19 : i32
      %dma_wait3A_567 = arith.constant 0 : i32
      %dma_wait3A_568 = tpu.memref_slice %arg7[%dma_wait3A_566, %dma_wait3A_567] : memref<32x64xi32, #tpu.memory_space<vmem>> -> memref<1x64xi32, #tpu.memory_space<vmem>>
      %dma_wait3A_569 = tpu.memref_squeeze %dma_wait3A_568 : memref<1x64xi32, #tpu.memory_space<vmem>> -> memref<64xi32, #tpu.memory_space<vmem>>
      %dma_wait3A_570 = arith.constant 0 : i32
      %dma_wait3A_571 = arith.constant 0 : i32
      %dma_wait3A_572 = tpu.memref_slice %arg13[%dma_wait3A_570, %dma_wait3A_571] : memref<10112x80xf32, #tpu.memory_space<vmem_shared>> -> memref<10112x80xf32, #tpu.memory_space<vmem_shared>>
      tpu.wait_indirect_dma semaphore(%arg18 : memref<!tpu.dma_semaphore, #tpu.memory_space<semaphore_mem>>) src(%dma_wait3A_572 : memref<10112x80xf32, #tpu.memory_space<vmem_shared>>) dst(%arg12 : memref<64x80xf32, #tpu.memory_space<vmem>>)
      %dma_wait3A_573 = arith.constant 18 : i32
      %dma_wait3A_574 = arith.constant 0 : i32
      %dma_wait3A_575 = tpu.memref_slice %arg8[%dma_wait3A_573, %dma_wait3A_574] : memref<32x64xi32, #tpu.memory_space<vmem>> -> memref<1x64xi32, #tpu.memory_space<vmem>>
      %dma_wait3A_576 = tpu.memref_squeeze %dma_wait3A_575 : memref<1x64xi32, #tpu.memory_space<vmem>> -> memref<64xi32, #tpu.memory_space<vmem>>
      %dma_wait3A_577 = arith.constant 0 : i32
      %dma_wait3A_578 = arith.constant 0 : i32
      %dma_wait3A_579 = tpu.memref_slice %arg14[%dma_wait3A_577, %dma_wait3A_578] : memref<10112x80xf32, #tpu.memory_space<vmem_shared>> -> memref<10112x80xf32, #tpu.memory_space<vmem_shared>>
      tpu.wait_indirect_dma semaphore(%arg21 : memref<!tpu.dma_semaphore, #tpu.memory_space<semaphore_mem>>) src(%arg11 : memref<64x80xf32, #tpu.memory_space<vmem>>) dst(%dma_wait3A_579 : memref<10112x80xf32, #tpu.memory_space<vmem_shared>>)
      %dma_start3A_580 = arith.constant 22 : i32
      %dma_start3A_581 = arith.constant 0 : i32
      %dma_start3A_582 = tpu.memref_slice %arg7[%dma_start3A_580, %dma_start3A_581] : memref<32x64xi32, #tpu.memory_space<vmem>> -> memref<1x64xi32, #tpu.memory_space<vmem>>
      %dma_start3A_583 = tpu.memref_squeeze %dma_start3A_582 : memref<1x64xi32, #tpu.memory_space<vmem>> -> memref<64xi32, #tpu.memory_space<vmem>>
      %dma_start3A_584 = arith.constant 0 : i32
      %dma_start3A_585 = arith.constant 0 : i32
      %dma_start3A_586 = tpu.memref_slice %arg13[%dma_start3A_584, %dma_start3A_585] : memref<10112x80xf32, #tpu.memory_space<vmem_shared>> -> memref<10112x80xf32, #tpu.memory_space<vmem_shared>>
      tpu.enqueue_indirect_dma source(%dma_start3A_586 : memref<10112x80xf32, #tpu.memory_space<vmem_shared>>) target(%arg11 : memref<64x80xf32, #tpu.memory_space<vmem>>) offsets(%dma_start3A_583 : memref<64xi32, #tpu.memory_space<vmem>>) semaphore(%arg17 : memref<!tpu.dma_semaphore, #tpu.memory_space<semaphore_mem>>)
      %dma_start3A_587 = arith.constant 19 : i32
      %dma_start3A_588 = arith.constant 0 : i32
      %dma_start3A_589 = tpu.memref_slice %arg8[%dma_start3A_587, %dma_start3A_588] : memref<32x64xi32, #tpu.memory_space<vmem>> -> memref<1x64xi32, #tpu.memory_space<vmem>>
      %dma_start3A_590 = tpu.memref_squeeze %dma_start3A_589 : memref<1x64xi32, #tpu.memory_space<vmem>> -> memref<64xi32, #tpu.memory_space<vmem>>
      %dma_start3A_591 = arith.constant 0 : i32
      %dma_start3A_592 = arith.constant 0 : i32
      %dma_start3A_593 = tpu.memref_slice %arg14[%dma_start3A_591, %dma_start3A_592] : memref<10112x80xf32, #tpu.memory_space<vmem_shared>> -> memref<10112x80xf32, #tpu.memory_space<vmem_shared>>
      tpu.enqueue_indirect_dma source(%arg12 : memref<64x80xf32, #tpu.memory_space<vmem>>) target(%dma_start3A_593 : memref<10112x80xf32, #tpu.memory_space<vmem_shared>>) offsets(%dma_start3A_590 : memref<64xi32, #tpu.memory_space<vmem>>) semaphore(%arg22 : memref<!tpu.dma_semaphore, #tpu.memory_space<semaphore_mem>>) {add = true}
      %dma_wait3A_594 = arith.constant 20 : i32
      %dma_wait3A_595 = arith.constant 0 : i32
      %dma_wait3A_596 = tpu.memref_slice %arg7[%dma_wait3A_594, %dma_wait3A_595] : memref<32x64xi32, #tpu.memory_space<vmem>> -> memref<1x64xi32, #tpu.memory_space<vmem>>
      %dma_wait3A_597 = tpu.memref_squeeze %dma_wait3A_596 : memref<1x64xi32, #tpu.memory_space<vmem>> -> memref<64xi32, #tpu.memory_space<vmem>>
      %dma_wait3A_598 = arith.constant 0 : i32
      %dma_wait3A_599 = arith.constant 0 : i32
      %dma_wait3A_600 = tpu.memref_slice %arg13[%dma_wait3A_598, %dma_wait3A_599] : memref<10112x80xf32, #tpu.memory_space<vmem_shared>> -> memref<10112x80xf32, #tpu.memory_space<vmem_shared>>
      tpu.wait_indirect_dma semaphore(%arg15 : memref<!tpu.dma_semaphore, #tpu.memory_space<semaphore_mem>>) src(%dma_wait3A_600 : memref<10112x80xf32, #tpu.memory_space<vmem_shared>>) dst(%arg9 : memref<64x80xf32, #tpu.memory_space<vmem>>)
      %dma_wait3A_601 = arith.constant 19 : i32
      %dma_wait3A_602 = arith.constant 0 : i32
      %dma_wait3A_603 = tpu.memref_slice %arg8[%dma_wait3A_601, %dma_wait3A_602] : memref<32x64xi32, #tpu.memory_space<vmem>> -> memref<1x64xi32, #tpu.memory_space<vmem>>
      %dma_wait3A_604 = tpu.memref_squeeze %dma_wait3A_603 : memref<1x64xi32, #tpu.memory_space<vmem>> -> memref<64xi32, #tpu.memory_space<vmem>>
      %dma_wait3A_605 = arith.constant 0 : i32
      %dma_wait3A_606 = arith.constant 0 : i32
      %dma_wait3A_607 = tpu.memref_slice %arg14[%dma_wait3A_605, %dma_wait3A_606] : memref<10112x80xf32, #tpu.memory_space<vmem_shared>> -> memref<10112x80xf32, #tpu.memory_space<vmem_shared>>
      tpu.wait_indirect_dma semaphore(%arg22 : memref<!tpu.dma_semaphore, #tpu.memory_space<semaphore_mem>>) src(%arg12 : memref<64x80xf32, #tpu.memory_space<vmem>>) dst(%dma_wait3A_607 : memref<10112x80xf32, #tpu.memory_space<vmem_shared>>)
      %dma_start3A_608 = arith.constant 23 : i32
      %dma_start3A_609 = arith.constant 0 : i32
      %dma_start3A_610 = tpu.memref_slice %arg7[%dma_start3A_608, %dma_start3A_609] : memref<32x64xi32, #tpu.memory_space<vmem>> -> memref<1x64xi32, #tpu.memory_space<vmem>>
      %dma_start3A_611 = tpu.memref_squeeze %dma_start3A_610 : memref<1x64xi32, #tpu.memory_space<vmem>> -> memref<64xi32, #tpu.memory_space<vmem>>
      %dma_start3A_612 = arith.constant 0 : i32
      %dma_start3A_613 = arith.constant 0 : i32
      %dma_start3A_614 = tpu.memref_slice %arg13[%dma_start3A_612, %dma_start3A_613] : memref<10112x80xf32, #tpu.memory_space<vmem_shared>> -> memref<10112x80xf32, #tpu.memory_space<vmem_shared>>
      tpu.enqueue_indirect_dma source(%dma_start3A_614 : memref<10112x80xf32, #tpu.memory_space<vmem_shared>>) target(%arg12 : memref<64x80xf32, #tpu.memory_space<vmem>>) offsets(%dma_start3A_611 : memref<64xi32, #tpu.memory_space<vmem>>) semaphore(%arg18 : memref<!tpu.dma_semaphore, #tpu.memory_space<semaphore_mem>>)
      %dma_start3A_615 = arith.constant 20 : i32
      %dma_start3A_616 = arith.constant 0 : i32
      %dma_start3A_617 = tpu.memref_slice %arg8[%dma_start3A_615, %dma_start3A_616] : memref<32x64xi32, #tpu.memory_space<vmem>> -> memref<1x64xi32, #tpu.memory_space<vmem>>
      %dma_start3A_618 = tpu.memref_squeeze %dma_start3A_617 : memref<1x64xi32, #tpu.memory_space<vmem>> -> memref<64xi32, #tpu.memory_space<vmem>>
      %dma_start3A_619 = arith.constant 0 : i32
      %dma_start3A_620 = arith.constant 0 : i32
      %dma_start3A_621 = tpu.memref_slice %arg14[%dma_start3A_619, %dma_start3A_620] : memref<10112x80xf32, #tpu.memory_space<vmem_shared>> -> memref<10112x80xf32, #tpu.memory_space<vmem_shared>>
      tpu.enqueue_indirect_dma source(%arg9 : memref<64x80xf32, #tpu.memory_space<vmem>>) target(%dma_start3A_621 : memref<10112x80xf32, #tpu.memory_space<vmem_shared>>) offsets(%dma_start3A_618 : memref<64xi32, #tpu.memory_space<vmem>>) semaphore(%arg19 : memref<!tpu.dma_semaphore, #tpu.memory_space<semaphore_mem>>) {add = true}
      %dma_wait3A_622 = arith.constant 21 : i32
      %dma_wait3A_623 = arith.constant 0 : i32
      %dma_wait3A_624 = tpu.memref_slice %arg7[%dma_wait3A_622, %dma_wait3A_623] : memref<32x64xi32, #tpu.memory_space<vmem>> -> memref<1x64xi32, #tpu.memory_space<vmem>>
      %dma_wait3A_625 = tpu.memref_squeeze %dma_wait3A_624 : memref<1x64xi32, #tpu.memory_space<vmem>> -> memref<64xi32, #tpu.memory_space<vmem>>
      %dma_wait3A_626 = arith.constant 0 : i32
      %dma_wait3A_627 = arith.constant 0 : i32
      %dma_wait3A_628 = tpu.memref_slice %arg13[%dma_wait3A_626, %dma_wait3A_627] : memref<10112x80xf32, #tpu.memory_space<vmem_shared>> -> memref<10112x80xf32, #tpu.memory_space<vmem_shared>>
      tpu.wait_indirect_dma semaphore(%arg16 : memref<!tpu.dma_semaphore, #tpu.memory_space<semaphore_mem>>) src(%dma_wait3A_628 : memref<10112x80xf32, #tpu.memory_space<vmem_shared>>) dst(%arg10 : memref<64x80xf32, #tpu.memory_space<vmem>>)
      %dma_wait3A_629 = arith.constant 20 : i32
      %dma_wait3A_630 = arith.constant 0 : i32
      %dma_wait3A_631 = tpu.memref_slice %arg8[%dma_wait3A_629, %dma_wait3A_630] : memref<32x64xi32, #tpu.memory_space<vmem>> -> memref<1x64xi32, #tpu.memory_space<vmem>>
      %dma_wait3A_632 = tpu.memref_squeeze %dma_wait3A_631 : memref<1x64xi32, #tpu.memory_space<vmem>> -> memref<64xi32, #tpu.memory_space<vmem>>
      %dma_wait3A_633 = arith.constant 0 : i32
      %dma_wait3A_634 = arith.constant 0 : i32
      %dma_wait3A_635 = tpu.memref_slice %arg14[%dma_wait3A_633, %dma_wait3A_634] : memref<10112x80xf32, #tpu.memory_space<vmem_shared>> -> memref<10112x80xf32, #tpu.memory_space<vmem_shared>>
      tpu.wait_indirect_dma semaphore(%arg19 : memref<!tpu.dma_semaphore, #tpu.memory_space<semaphore_mem>>) src(%arg9 : memref<64x80xf32, #tpu.memory_space<vmem>>) dst(%dma_wait3A_635 : memref<10112x80xf32, #tpu.memory_space<vmem_shared>>)
      %dma_start3A_636 = arith.constant 24 : i32
      %dma_start3A_637 = arith.constant 0 : i32
      %dma_start3A_638 = tpu.memref_slice %arg7[%dma_start3A_636, %dma_start3A_637] : memref<32x64xi32, #tpu.memory_space<vmem>> -> memref<1x64xi32, #tpu.memory_space<vmem>>
      %dma_start3A_639 = tpu.memref_squeeze %dma_start3A_638 : memref<1x64xi32, #tpu.memory_space<vmem>> -> memref<64xi32, #tpu.memory_space<vmem>>
      %dma_start3A_640 = arith.constant 0 : i32
      %dma_start3A_641 = arith.constant 0 : i32
      %dma_start3A_642 = tpu.memref_slice %arg13[%dma_start3A_640, %dma_start3A_641] : memref<10112x80xf32, #tpu.memory_space<vmem_shared>> -> memref<10112x80xf32, #tpu.memory_space<vmem_shared>>
      tpu.enqueue_indirect_dma source(%dma_start3A_642 : memref<10112x80xf32, #tpu.memory_space<vmem_shared>>) target(%arg9 : memref<64x80xf32, #tpu.memory_space<vmem>>) offsets(%dma_start3A_639 : memref<64xi32, #tpu.memory_space<vmem>>) semaphore(%arg15 : memref<!tpu.dma_semaphore, #tpu.memory_space<semaphore_mem>>)
      %dma_start3A_643 = arith.constant 21 : i32
      %dma_start3A_644 = arith.constant 0 : i32
      %dma_start3A_645 = tpu.memref_slice %arg8[%dma_start3A_643, %dma_start3A_644] : memref<32x64xi32, #tpu.memory_space<vmem>> -> memref<1x64xi32, #tpu.memory_space<vmem>>
      %dma_start3A_646 = tpu.memref_squeeze %dma_start3A_645 : memref<1x64xi32, #tpu.memory_space<vmem>> -> memref<64xi32, #tpu.memory_space<vmem>>
      %dma_start3A_647 = arith.constant 0 : i32
      %dma_start3A_648 = arith.constant 0 : i32
      %dma_start3A_649 = tpu.memref_slice %arg14[%dma_start3A_647, %dma_start3A_648] : memref<10112x80xf32, #tpu.memory_space<vmem_shared>> -> memref<10112x80xf32, #tpu.memory_space<vmem_shared>>
      tpu.enqueue_indirect_dma source(%arg10 : memref<64x80xf32, #tpu.memory_space<vmem>>) target(%dma_start3A_649 : memref<10112x80xf32, #tpu.memory_space<vmem_shared>>) offsets(%dma_start3A_646 : memref<64xi32, #tpu.memory_space<vmem>>) semaphore(%arg20 : memref<!tpu.dma_semaphore, #tpu.memory_space<semaphore_mem>>) {add = true}
      %dma_wait3A_650 = arith.constant 22 : i32
      %dma_wait3A_651 = arith.constant 0 : i32
      %dma_wait3A_652 = tpu.memref_slice %arg7[%dma_wait3A_650, %dma_wait3A_651] : memref<32x64xi32, #tpu.memory_space<vmem>> -> memref<1x64xi32, #tpu.memory_space<vmem>>
      %dma_wait3A_653 = tpu.memref_squeeze %dma_wait3A_652 : memref<1x64xi32, #tpu.memory_space<vmem>> -> memref<64xi32, #tpu.memory_space<vmem>>
      %dma_wait3A_654 = arith.constant 0 : i32
      %dma_wait3A_655 = arith.constant 0 : i32
      %dma_wait3A_656 = tpu.memref_slice %arg13[%dma_wait3A_654, %dma_wait3A_655] : memref<10112x80xf32, #tpu.memory_space<vmem_shared>> -> memref<10112x80xf32, #tpu.memory_space<vmem_shared>>
      tpu.wait_indirect_dma semaphore(%arg17 : memref<!tpu.dma_semaphore, #tpu.memory_space<semaphore_mem>>) src(%dma_wait3A_656 : memref<10112x80xf32, #tpu.memory_space<vmem_shared>>) dst(%arg11 : memref<64x80xf32, #tpu.memory_space<vmem>>)
      %dma_wait3A_657 = arith.constant 21 : i32
      %dma_wait3A_658 = arith.constant 0 : i32
      %dma_wait3A_659 = tpu.memref_slice %arg8[%dma_wait3A_657, %dma_wait3A_658] : memref<32x64xi32, #tpu.memory_space<vmem>> -> memref<1x64xi32, #tpu.memory_space<vmem>>
      %dma_wait3A_660 = tpu.memref_squeeze %dma_wait3A_659 : memref<1x64xi32, #tpu.memory_space<vmem>> -> memref<64xi32, #tpu.memory_space<vmem>>
      %dma_wait3A_661 = arith.constant 0 : i32
      %dma_wait3A_662 = arith.constant 0 : i32
      %dma_wait3A_663 = tpu.memref_slice %arg14[%dma_wait3A_661, %dma_wait3A_662] : memref<10112x80xf32, #tpu.memory_space<vmem_shared>> -> memref<10112x80xf32, #tpu.memory_space<vmem_shared>>
      tpu.wait_indirect_dma semaphore(%arg20 : memref<!tpu.dma_semaphore, #tpu.memory_space<semaphore_mem>>) src(%arg10 : memref<64x80xf32, #tpu.memory_space<vmem>>) dst(%dma_wait3A_663 : memref<10112x80xf32, #tpu.memory_space<vmem_shared>>)
      %dma_start3A_664 = arith.constant 25 : i32
      %dma_start3A_665 = arith.constant 0 : i32
      %dma_start3A_666 = tpu.memref_slice %arg7[%dma_start3A_664, %dma_start3A_665] : memref<32x64xi32, #tpu.memory_space<vmem>> -> memref<1x64xi32, #tpu.memory_space<vmem>>
      %dma_start3A_667 = tpu.memref_squeeze %dma_start3A_666 : memref<1x64xi32, #tpu.memory_space<vmem>> -> memref<64xi32, #tpu.memory_space<vmem>>
      %dma_start3A_668 = arith.constant 0 : i32
      %dma_start3A_669 = arith.constant 0 : i32
      %dma_start3A_670 = tpu.memref_slice %arg13[%dma_start3A_668, %dma_start3A_669] : memref<10112x80xf32, #tpu.memory_space<vmem_shared>> -> memref<10112x80xf32, #tpu.memory_space<vmem_shared>>
      tpu.enqueue_indirect_dma source(%dma_start3A_670 : memref<10112x80xf32, #tpu.memory_space<vmem_shared>>) target(%arg10 : memref<64x80xf32, #tpu.memory_space<vmem>>) offsets(%dma_start3A_667 : memref<64xi32, #tpu.memory_space<vmem>>) semaphore(%arg16 : memref<!tpu.dma_semaphore, #tpu.memory_space<semaphore_mem>>)
      %dma_start3A_671 = arith.constant 22 : i32
      %dma_start3A_672 = arith.constant 0 : i32
      %dma_start3A_673 = tpu.memref_slice %arg8[%dma_start3A_671, %dma_start3A_672] : memref<32x64xi32, #tpu.memory_space<vmem>> -> memref<1x64xi32, #tpu.memory_space<vmem>>
      %dma_start3A_674 = tpu.memref_squeeze %dma_start3A_673 : memref<1x64xi32, #tpu.memory_space<vmem>> -> memref<64xi32, #tpu.memory_space<vmem>>
      %dma_start3A_675 = arith.constant 0 : i32
      %dma_start3A_676 = arith.constant 0 : i32
      %dma_start3A_677 = tpu.memref_slice %arg14[%dma_start3A_675, %dma_start3A_676] : memref<10112x80xf32, #tpu.memory_space<vmem_shared>> -> memref<10112x80xf32, #tpu.memory_space<vmem_shared>>
      tpu.enqueue_indirect_dma source(%arg11 : memref<64x80xf32, #tpu.memory_space<vmem>>) target(%dma_start3A_677 : memref<10112x80xf32, #tpu.memory_space<vmem_shared>>) offsets(%dma_start3A_674 : memref<64xi32, #tpu.memory_space<vmem>>) semaphore(%arg21 : memref<!tpu.dma_semaphore, #tpu.memory_space<semaphore_mem>>) {add = true}
      %dma_wait3A_678 = arith.constant 23 : i32
      %dma_wait3A_679 = arith.constant 0 : i32
      %dma_wait3A_680 = tpu.memref_slice %arg7[%dma_wait3A_678, %dma_wait3A_679] : memref<32x64xi32, #tpu.memory_space<vmem>> -> memref<1x64xi32, #tpu.memory_space<vmem>>
      %dma_wait3A_681 = tpu.memref_squeeze %dma_wait3A_680 : memref<1x64xi32, #tpu.memory_space<vmem>> -> memref<64xi32, #tpu.memory_space<vmem>>
      %dma_wait3A_682 = arith.constant 0 : i32
      %dma_wait3A_683 = arith.constant 0 : i32
      %dma_wait3A_684 = tpu.memref_slice %arg13[%dma_wait3A_682, %dma_wait3A_683] : memref<10112x80xf32, #tpu.memory_space<vmem_shared>> -> memref<10112x80xf32, #tpu.memory_space<vmem_shared>>
      tpu.wait_indirect_dma semaphore(%arg18 : memref<!tpu.dma_semaphore, #tpu.memory_space<semaphore_mem>>) src(%dma_wait3A_684 : memref<10112x80xf32, #tpu.memory_space<vmem_shared>>) dst(%arg12 : memref<64x80xf32, #tpu.memory_space<vmem>>)
      %dma_wait3A_685 = arith.constant 22 : i32
      %dma_wait3A_686 = arith.constant 0 : i32
      %dma_wait3A_687 = tpu.memref_slice %arg8[%dma_wait3A_685, %dma_wait3A_686] : memref<32x64xi32, #tpu.memory_space<vmem>> -> memref<1x64xi32, #tpu.memory_space<vmem>>
      %dma_wait3A_688 = tpu.memref_squeeze %dma_wait3A_687 : memref<1x64xi32, #tpu.memory_space<vmem>> -> memref<64xi32, #tpu.memory_space<vmem>>
      %dma_wait3A_689 = arith.constant 0 : i32
      %dma_wait3A_690 = arith.constant 0 : i32
      %dma_wait3A_691 = tpu.memref_slice %arg14[%dma_wait3A_689, %dma_wait3A_690] : memref<10112x80xf32, #tpu.memory_space<vmem_shared>> -> memref<10112x80xf32, #tpu.memory_space<vmem_shared>>
      tpu.wait_indirect_dma semaphore(%arg21 : memref<!tpu.dma_semaphore, #tpu.memory_space<semaphore_mem>>) src(%arg11 : memref<64x80xf32, #tpu.memory_space<vmem>>) dst(%dma_wait3A_691 : memref<10112x80xf32, #tpu.memory_space<vmem_shared>>)
      %dma_start3A_692 = arith.constant 26 : i32
      %dma_start3A_693 = arith.constant 0 : i32
      %dma_start3A_694 = tpu.memref_slice %arg7[%dma_start3A_692, %dma_start3A_693] : memref<32x64xi32, #tpu.memory_space<vmem>> -> memref<1x64xi32, #tpu.memory_space<vmem>>
      %dma_start3A_695 = tpu.memref_squeeze %dma_start3A_694 : memref<1x64xi32, #tpu.memory_space<vmem>> -> memref<64xi32, #tpu.memory_space<vmem>>
      %dma_start3A_696 = arith.constant 0 : i32
      %dma_start3A_697 = arith.constant 0 : i32
      %dma_start3A_698 = tpu.memref_slice %arg13[%dma_start3A_696, %dma_start3A_697] : memref<10112x80xf32, #tpu.memory_space<vmem_shared>> -> memref<10112x80xf32, #tpu.memory_space<vmem_shared>>
      tpu.enqueue_indirect_dma source(%dma_start3A_698 : memref<10112x80xf32, #tpu.memory_space<vmem_shared>>) target(%arg11 : memref<64x80xf32, #tpu.memory_space<vmem>>) offsets(%dma_start3A_695 : memref<64xi32, #tpu.memory_space<vmem>>) semaphore(%arg17 : memref<!tpu.dma_semaphore, #tpu.memory_space<semaphore_mem>>)
      %dma_start3A_699 = arith.constant 23 : i32
      %dma_start3A_700 = arith.constant 0 : i32
      %dma_start3A_701 = tpu.memref_slice %arg8[%dma_start3A_699, %dma_start3A_700] : memref<32x64xi32, #tpu.memory_space<vmem>> -> memref<1x64xi32, #tpu.memory_space<vmem>>
      %dma_start3A_702 = tpu.memref_squeeze %dma_start3A_701 : memref<1x64xi32, #tpu.memory_space<vmem>> -> memref<64xi32, #tpu.memory_space<vmem>>
      %dma_start3A_703 = arith.constant 0 : i32
      %dma_start3A_704 = arith.constant 0 : i32
      %dma_start3A_705 = tpu.memref_slice %arg14[%dma_start3A_703, %dma_start3A_704] : memref<10112x80xf32, #tpu.memory_space<vmem_shared>> -> memref<10112x80xf32, #tpu.memory_space<vmem_shared>>
      tpu.enqueue_indirect_dma source(%arg12 : memref<64x80xf32, #tpu.memory_space<vmem>>) target(%dma_start3A_705 : memref<10112x80xf32, #tpu.memory_space<vmem_shared>>) offsets(%dma_start3A_702 : memref<64xi32, #tpu.memory_space<vmem>>) semaphore(%arg22 : memref<!tpu.dma_semaphore, #tpu.memory_space<semaphore_mem>>) {add = true}
      %dma_wait3A_706 = arith.constant 24 : i32
      %dma_wait3A_707 = arith.constant 0 : i32
      %dma_wait3A_708 = tpu.memref_slice %arg7[%dma_wait3A_706, %dma_wait3A_707] : memref<32x64xi32, #tpu.memory_space<vmem>> -> memref<1x64xi32, #tpu.memory_space<vmem>>
      %dma_wait3A_709 = tpu.memref_squeeze %dma_wait3A_708 : memref<1x64xi32, #tpu.memory_space<vmem>> -> memref<64xi32, #tpu.memory_space<vmem>>
      %dma_wait3A_710 = arith.constant 0 : i32
      %dma_wait3A_711 = arith.constant 0 : i32
      %dma_wait3A_712 = tpu.memref_slice %arg13[%dma_wait3A_710, %dma_wait3A_711] : memref<10112x80xf32, #tpu.memory_space<vmem_shared>> -> memref<10112x80xf32, #tpu.memory_space<vmem_shared>>
      tpu.wait_indirect_dma semaphore(%arg15 : memref<!tpu.dma_semaphore, #tpu.memory_space<semaphore_mem>>) src(%dma_wait3A_712 : memref<10112x80xf32, #tpu.memory_space<vmem_shared>>) dst(%arg9 : memref<64x80xf32, #tpu.memory_space<vmem>>)
      %dma_wait3A_713 = arith.constant 23 : i32
      %dma_wait3A_714 = arith.constant 0 : i32
      %dma_wait3A_715 = tpu.memref_slice %arg8[%dma_wait3A_713, %dma_wait3A_714] : memref<32x64xi32, #tpu.memory_space<vmem>> -> memref<1x64xi32, #tpu.memory_space<vmem>>
      %dma_wait3A_716 = tpu.memref_squeeze %dma_wait3A_715 : memref<1x64xi32, #tpu.memory_space<vmem>> -> memref<64xi32, #tpu.memory_space<vmem>>
      %dma_wait3A_717 = arith.constant 0 : i32
      %dma_wait3A_718 = arith.constant 0 : i32
      %dma_wait3A_719 = tpu.memref_slice %arg14[%dma_wait3A_717, %dma_wait3A_718] : memref<10112x80xf32, #tpu.memory_space<vmem_shared>> -> memref<10112x80xf32, #tpu.memory_space<vmem_shared>>
      tpu.wait_indirect_dma semaphore(%arg22 : memref<!tpu.dma_semaphore, #tpu.memory_space<semaphore_mem>>) src(%arg12 : memref<64x80xf32, #tpu.memory_space<vmem>>) dst(%dma_wait3A_719 : memref<10112x80xf32, #tpu.memory_space<vmem_shared>>)
      %dma_start3A_720 = arith.constant 27 : i32
      %dma_start3A_721 = arith.constant 0 : i32
      %dma_start3A_722 = tpu.memref_slice %arg7[%dma_start3A_720, %dma_start3A_721] : memref<32x64xi32, #tpu.memory_space<vmem>> -> memref<1x64xi32, #tpu.memory_space<vmem>>
      %dma_start3A_723 = tpu.memref_squeeze %dma_start3A_722 : memref<1x64xi32, #tpu.memory_space<vmem>> -> memref<64xi32, #tpu.memory_space<vmem>>
      %dma_start3A_724 = arith.constant 0 : i32
      %dma_start3A_725 = arith.constant 0 : i32
      %dma_start3A_726 = tpu.memref_slice %arg13[%dma_start3A_724, %dma_start3A_725] : memref<10112x80xf32, #tpu.memory_space<vmem_shared>> -> memref<10112x80xf32, #tpu.memory_space<vmem_shared>>
      tpu.enqueue_indirect_dma source(%dma_start3A_726 : memref<10112x80xf32, #tpu.memory_space<vmem_shared>>) target(%arg12 : memref<64x80xf32, #tpu.memory_space<vmem>>) offsets(%dma_start3A_723 : memref<64xi32, #tpu.memory_space<vmem>>) semaphore(%arg18 : memref<!tpu.dma_semaphore, #tpu.memory_space<semaphore_mem>>)
      %dma_start3A_727 = arith.constant 24 : i32
      %dma_start3A_728 = arith.constant 0 : i32
      %dma_start3A_729 = tpu.memref_slice %arg8[%dma_start3A_727, %dma_start3A_728] : memref<32x64xi32, #tpu.memory_space<vmem>> -> memref<1x64xi32, #tpu.memory_space<vmem>>
      %dma_start3A_730 = tpu.memref_squeeze %dma_start3A_729 : memref<1x64xi32, #tpu.memory_space<vmem>> -> memref<64xi32, #tpu.memory_space<vmem>>
      %dma_start3A_731 = arith.constant 0 : i32
      %dma_start3A_732 = arith.constant 0 : i32
      %dma_start3A_733 = tpu.memref_slice %arg14[%dma_start3A_731, %dma_start3A_732] : memref<10112x80xf32, #tpu.memory_space<vmem_shared>> -> memref<10112x80xf32, #tpu.memory_space<vmem_shared>>
      tpu.enqueue_indirect_dma source(%arg9 : memref<64x80xf32, #tpu.memory_space<vmem>>) target(%dma_start3A_733 : memref<10112x80xf32, #tpu.memory_space<vmem_shared>>) offsets(%dma_start3A_730 : memref<64xi32, #tpu.memory_space<vmem>>) semaphore(%arg19 : memref<!tpu.dma_semaphore, #tpu.memory_space<semaphore_mem>>) {add = true}
      %dma_wait3A_734 = arith.constant 25 : i32
      %dma_wait3A_735 = arith.constant 0 : i32
      %dma_wait3A_736 = tpu.memref_slice %arg7[%dma_wait3A_734, %dma_wait3A_735] : memref<32x64xi32, #tpu.memory_space<vmem>> -> memref<1x64xi32, #tpu.memory_space<vmem>>
      %dma_wait3A_737 = tpu.memref_squeeze %dma_wait3A_736 : memref<1x64xi32, #tpu.memory_space<vmem>> -> memref<64xi32, #tpu.memory_space<vmem>>
      %dma_wait3A_738 = arith.constant 0 : i32
      %dma_wait3A_739 = arith.constant 0 : i32
      %dma_wait3A_740 = tpu.memref_slice %arg13[%dma_wait3A_738, %dma_wait3A_739] : memref<10112x80xf32, #tpu.memory_space<vmem_shared>> -> memref<10112x80xf32, #tpu.memory_space<vmem_shared>>
      tpu.wait_indirect_dma semaphore(%arg16 : memref<!tpu.dma_semaphore, #tpu.memory_space<semaphore_mem>>) src(%dma_wait3A_740 : memref<10112x80xf32, #tpu.memory_space<vmem_shared>>) dst(%arg10 : memref<64x80xf32, #tpu.memory_space<vmem>>)
      %dma_wait3A_741 = arith.constant 24 : i32
      %dma_wait3A_742 = arith.constant 0 : i32
      %dma_wait3A_743 = tpu.memref_slice %arg8[%dma_wait3A_741, %dma_wait3A_742] : memref<32x64xi32, #tpu.memory_space<vmem>> -> memref<1x64xi32, #tpu.memory_space<vmem>>
      %dma_wait3A_744 = tpu.memref_squeeze %dma_wait3A_743 : memref<1x64xi32, #tpu.memory_space<vmem>> -> memref<64xi32, #tpu.memory_space<vmem>>
      %dma_wait3A_745 = arith.constant 0 : i32
      %dma_wait3A_746 = arith.constant 0 : i32
      %dma_wait3A_747 = tpu.memref_slice %arg14[%dma_wait3A_745, %dma_wait3A_746] : memref<10112x80xf32, #tpu.memory_space<vmem_shared>> -> memref<10112x80xf32, #tpu.memory_space<vmem_shared>>
      tpu.wait_indirect_dma semaphore(%arg19 : memref<!tpu.dma_semaphore, #tpu.memory_space<semaphore_mem>>) src(%arg9 : memref<64x80xf32, #tpu.memory_space<vmem>>) dst(%dma_wait3A_747 : memref<10112x80xf32, #tpu.memory_space<vmem_shared>>)
      %dma_start3A_748 = arith.constant 28 : i32
      %dma_start3A_749 = arith.constant 0 : i32
      %dma_start3A_750 = tpu.memref_slice %arg7[%dma_start3A_748, %dma_start3A_749] : memref<32x64xi32, #tpu.memory_space<vmem>> -> memref<1x64xi32, #tpu.memory_space<vmem>>
      %dma_start3A_751 = tpu.memref_squeeze %dma_start3A_750 : memref<1x64xi32, #tpu.memory_space<vmem>> -> memref<64xi32, #tpu.memory_space<vmem>>
      %dma_start3A_752 = arith.constant 0 : i32
      %dma_start3A_753 = arith.constant 0 : i32
      %dma_start3A_754 = tpu.memref_slice %arg13[%dma_start3A_752, %dma_start3A_753] : memref<10112x80xf32, #tpu.memory_space<vmem_shared>> -> memref<10112x80xf32, #tpu.memory_space<vmem_shared>>
      tpu.enqueue_indirect_dma source(%dma_start3A_754 : memref<10112x80xf32, #tpu.memory_space<vmem_shared>>) target(%arg9 : memref<64x80xf32, #tpu.memory_space<vmem>>) offsets(%dma_start3A_751 : memref<64xi32, #tpu.memory_space<vmem>>) semaphore(%arg15 : memref<!tpu.dma_semaphore, #tpu.memory_space<semaphore_mem>>)
      %dma_start3A_755 = arith.constant 25 : i32
      %dma_start3A_756 = arith.constant 0 : i32
      %dma_start3A_757 = tpu.memref_slice %arg8[%dma_start3A_755, %dma_start3A_756] : memref<32x64xi32, #tpu.memory_space<vmem>> -> memref<1x64xi32, #tpu.memory_space<vmem>>
      %dma_start3A_758 = tpu.memref_squeeze %dma_start3A_757 : memref<1x64xi32, #tpu.memory_space<vmem>> -> memref<64xi32, #tpu.memory_space<vmem>>
      %dma_start3A_759 = arith.constant 0 : i32
      %dma_start3A_760 = arith.constant 0 : i32
      %dma_start3A_761 = tpu.memref_slice %arg14[%dma_start3A_759, %dma_start3A_760] : memref<10112x80xf32, #tpu.memory_space<vmem_shared>> -> memref<10112x80xf32, #tpu.memory_space<vmem_shared>>
      tpu.enqueue_indirect_dma source(%arg10 : memref<64x80xf32, #tpu.memory_space<vmem>>) target(%dma_start3A_761 : memref<10112x80xf32, #tpu.memory_space<vmem_shared>>) offsets(%dma_start3A_758 : memref<64xi32, #tpu.memory_space<vmem>>) semaphore(%arg20 : memref<!tpu.dma_semaphore, #tpu.memory_space<semaphore_mem>>) {add = true}
      %dma_wait3A_762 = arith.constant 26 : i32
      %dma_wait3A_763 = arith.constant 0 : i32
      %dma_wait3A_764 = tpu.memref_slice %arg7[%dma_wait3A_762, %dma_wait3A_763] : memref<32x64xi32, #tpu.memory_space<vmem>> -> memref<1x64xi32, #tpu.memory_space<vmem>>
      %dma_wait3A_765 = tpu.memref_squeeze %dma_wait3A_764 : memref<1x64xi32, #tpu.memory_space<vmem>> -> memref<64xi32, #tpu.memory_space<vmem>>
      %dma_wait3A_766 = arith.constant 0 : i32
      %dma_wait3A_767 = arith.constant 0 : i32
      %dma_wait3A_768 = tpu.memref_slice %arg13[%dma_wait3A_766, %dma_wait3A_767] : memref<10112x80xf32, #tpu.memory_space<vmem_shared>> -> memref<10112x80xf32, #tpu.memory_space<vmem_shared>>
      tpu.wait_indirect_dma semaphore(%arg17 : memref<!tpu.dma_semaphore, #tpu.memory_space<semaphore_mem>>) src(%dma_wait3A_768 : memref<10112x80xf32, #tpu.memory_space<vmem_shared>>) dst(%arg11 : memref<64x80xf32, #tpu.memory_space<vmem>>)
      %dma_wait3A_769 = arith.constant 25 : i32
      %dma_wait3A_770 = arith.constant 0 : i32
      %dma_wait3A_771 = tpu.memref_slice %arg8[%dma_wait3A_769, %dma_wait3A_770] : memref<32x64xi32, #tpu.memory_space<vmem>> -> memref<1x64xi32, #tpu.memory_space<vmem>>
      %dma_wait3A_772 = tpu.memref_squeeze %dma_wait3A_771 : memref<1x64xi32, #tpu.memory_space<vmem>> -> memref<64xi32, #tpu.memory_space<vmem>>
      %dma_wait3A_773 = arith.constant 0 : i32
      %dma_wait3A_774 = arith.constant 0 : i32
      %dma_wait3A_775 = tpu.memref_slice %arg14[%dma_wait3A_773, %dma_wait3A_774] : memref<10112x80xf32, #tpu.memory_space<vmem_shared>> -> memref<10112x80xf32, #tpu.memory_space<vmem_shared>>
      tpu.wait_indirect_dma semaphore(%arg20 : memref<!tpu.dma_semaphore, #tpu.memory_space<semaphore_mem>>) src(%arg10 : memref<64x80xf32, #tpu.memory_space<vmem>>) dst(%dma_wait3A_775 : memref<10112x80xf32, #tpu.memory_space<vmem_shared>>)
      %dma_start3A_776 = arith.constant 29 : i32
      %dma_start3A_777 = arith.constant 0 : i32
      %dma_start3A_778 = tpu.memref_slice %arg7[%dma_start3A_776, %dma_start3A_777] : memref<32x64xi32, #tpu.memory_space<vmem>> -> memref<1x64xi32, #tpu.memory_space<vmem>>
      %dma_start3A_779 = tpu.memref_squeeze %dma_start3A_778 : memref<1x64xi32, #tpu.memory_space<vmem>> -> memref<64xi32, #tpu.memory_space<vmem>>
      %dma_start3A_780 = arith.constant 0 : i32
      %dma_start3A_781 = arith.constant 0 : i32
      %dma_start3A_782 = tpu.memref_slice %arg13[%dma_start3A_780, %dma_start3A_781] : memref<10112x80xf32, #tpu.memory_space<vmem_shared>> -> memref<10112x80xf32, #tpu.memory_space<vmem_shared>>
      tpu.enqueue_indirect_dma source(%dma_start3A_782 : memref<10112x80xf32, #tpu.memory_space<vmem_shared>>) target(%arg10 : memref<64x80xf32, #tpu.memory_space<vmem>>) offsets(%dma_start3A_779 : memref<64xi32, #tpu.memory_space<vmem>>) semaphore(%arg16 : memref<!tpu.dma_semaphore, #tpu.memory_space<semaphore_mem>>)
      %dma_start3A_783 = arith.constant 26 : i32
      %dma_start3A_784 = arith.constant 0 : i32
      %dma_start3A_785 = tpu.memref_slice %arg8[%dma_start3A_783, %dma_start3A_784] : memref<32x64xi32, #tpu.memory_space<vmem>> -> memref<1x64xi32, #tpu.memory_space<vmem>>
      %dma_start3A_786 = tpu.memref_squeeze %dma_start3A_785 : memref<1x64xi32, #tpu.memory_space<vmem>> -> memref<64xi32, #tpu.memory_space<vmem>>
      %dma_start3A_787 = arith.constant 0 : i32
      %dma_start3A_788 = arith.constant 0 : i32
      %dma_start3A_789 = tpu.memref_slice %arg14[%dma_start3A_787, %dma_start3A_788] : memref<10112x80xf32, #tpu.memory_space<vmem_shared>> -> memref<10112x80xf32, #tpu.memory_space<vmem_shared>>
      tpu.enqueue_indirect_dma source(%arg11 : memref<64x80xf32, #tpu.memory_space<vmem>>) target(%dma_start3A_789 : memref<10112x80xf32, #tpu.memory_space<vmem_shared>>) offsets(%dma_start3A_786 : memref<64xi32, #tpu.memory_space<vmem>>) semaphore(%arg21 : memref<!tpu.dma_semaphore, #tpu.memory_space<semaphore_mem>>) {add = true}
      %dma_wait3A_790 = arith.constant 27 : i32
      %dma_wait3A_791 = arith.constant 0 : i32
      %dma_wait3A_792 = tpu.memref_slice %arg7[%dma_wait3A_790, %dma_wait3A_791] : memref<32x64xi32, #tpu.memory_space<vmem>> -> memref<1x64xi32, #tpu.memory_space<vmem>>
      %dma_wait3A_793 = tpu.memref_squeeze %dma_wait3A_792 : memref<1x64xi32, #tpu.memory_space<vmem>> -> memref<64xi32, #tpu.memory_space<vmem>>
      %dma_wait3A_794 = arith.constant 0 : i32
      %dma_wait3A_795 = arith.constant 0 : i32
      %dma_wait3A_796 = tpu.memref_slice %arg13[%dma_wait3A_794, %dma_wait3A_795] : memref<10112x80xf32, #tpu.memory_space<vmem_shared>> -> memref<10112x80xf32, #tpu.memory_space<vmem_shared>>
      tpu.wait_indirect_dma semaphore(%arg18 : memref<!tpu.dma_semaphore, #tpu.memory_space<semaphore_mem>>) src(%dma_wait3A_796 : memref<10112x80xf32, #tpu.memory_space<vmem_shared>>) dst(%arg12 : memref<64x80xf32, #tpu.memory_space<vmem>>)
      %dma_wait3A_797 = arith.constant 26 : i32
      %dma_wait3A_798 = arith.constant 0 : i32
      %dma_wait3A_799 = tpu.memref_slice %arg8[%dma_wait3A_797, %dma_wait3A_798] : memref<32x64xi32, #tpu.memory_space<vmem>> -> memref<1x64xi32, #tpu.memory_space<vmem>>
      %dma_wait3A_800 = tpu.memref_squeeze %dma_wait3A_799 : memref<1x64xi32, #tpu.memory_space<vmem>> -> memref<64xi32, #tpu.memory_space<vmem>>
      %dma_wait3A_801 = arith.constant 0 : i32
      %dma_wait3A_802 = arith.constant 0 : i32
      %dma_wait3A_803 = tpu.memref_slice %arg14[%dma_wait3A_801, %dma_wait3A_802] : memref<10112x80xf32, #tpu.memory_space<vmem_shared>> -> memref<10112x80xf32, #tpu.memory_space<vmem_shared>>
      tpu.wait_indirect_dma semaphore(%arg21 : memref<!tpu.dma_semaphore, #tpu.memory_space<semaphore_mem>>) src(%arg11 : memref<64x80xf32, #tpu.memory_space<vmem>>) dst(%dma_wait3A_803 : memref<10112x80xf32, #tpu.memory_space<vmem_shared>>)
      %dma_start3A_804 = arith.constant 30 : i32
      %dma_start3A_805 = arith.constant 0 : i32
      %dma_start3A_806 = tpu.memref_slice %arg7[%dma_start3A_804, %dma_start3A_805] : memref<32x64xi32, #tpu.memory_space<vmem>> -> memref<1x64xi32, #tpu.memory_space<vmem>>
      %dma_start3A_807 = tpu.memref_squeeze %dma_start3A_806 : memref<1x64xi32, #tpu.memory_space<vmem>> -> memref<64xi32, #tpu.memory_space<vmem>>
      %dma_start3A_808 = arith.constant 0 : i32
      %dma_start3A_809 = arith.constant 0 : i32
      %dma_start3A_810 = tpu.memref_slice %arg13[%dma_start3A_808, %dma_start3A_809] : memref<10112x80xf32, #tpu.memory_space<vmem_shared>> -> memref<10112x80xf32, #tpu.memory_space<vmem_shared>>
      tpu.enqueue_indirect_dma source(%dma_start3A_810 : memref<10112x80xf32, #tpu.memory_space<vmem_shared>>) target(%arg11 : memref<64x80xf32, #tpu.memory_space<vmem>>) offsets(%dma_start3A_807 : memref<64xi32, #tpu.memory_space<vmem>>) semaphore(%arg17 : memref<!tpu.dma_semaphore, #tpu.memory_space<semaphore_mem>>)
      %dma_start3A_811 = arith.constant 27 : i32
      %dma_start3A_812 = arith.constant 0 : i32
      %dma_start3A_813 = tpu.memref_slice %arg8[%dma_start3A_811, %dma_start3A_812] : memref<32x64xi32, #tpu.memory_space<vmem>> -> memref<1x64xi32, #tpu.memory_space<vmem>>
      %dma_start3A_814 = tpu.memref_squeeze %dma_start3A_813 : memref<1x64xi32, #tpu.memory_space<vmem>> -> memref<64xi32, #tpu.memory_space<vmem>>
      %dma_start3A_815 = arith.constant 0 : i32
      %dma_start3A_816 = arith.constant 0 : i32
      %dma_start3A_817 = tpu.memref_slice %arg14[%dma_start3A_815, %dma_start3A_816] : memref<10112x80xf32, #tpu.memory_space<vmem_shared>> -> memref<10112x80xf32, #tpu.memory_space<vmem_shared>>
      tpu.enqueue_indirect_dma source(%arg12 : memref<64x80xf32, #tpu.memory_space<vmem>>) target(%dma_start3A_817 : memref<10112x80xf32, #tpu.memory_space<vmem_shared>>) offsets(%dma_start3A_814 : memref<64xi32, #tpu.memory_space<vmem>>) semaphore(%arg22 : memref<!tpu.dma_semaphore, #tpu.memory_space<semaphore_mem>>) {add = true}
      %dma_wait3A_818 = arith.constant 28 : i32
      %dma_wait3A_819 = arith.constant 0 : i32
      %dma_wait3A_820 = tpu.memref_slice %arg7[%dma_wait3A_818, %dma_wait3A_819] : memref<32x64xi32, #tpu.memory_space<vmem>> -> memref<1x64xi32, #tpu.memory_space<vmem>>
      %dma_wait3A_821 = tpu.memref_squeeze %dma_wait3A_820 : memref<1x64xi32, #tpu.memory_space<vmem>> -> memref<64xi32, #tpu.memory_space<vmem>>
      %dma_wait3A_822 = arith.constant 0 : i32
      %dma_wait3A_823 = arith.constant 0 : i32
      %dma_wait3A_824 = tpu.memref_slice %arg13[%dma_wait3A_822, %dma_wait3A_823] : memref<10112x80xf32, #tpu.memory_space<vmem_shared>> -> memref<10112x80xf32, #tpu.memory_space<vmem_shared>>
      tpu.wait_indirect_dma semaphore(%arg15 : memref<!tpu.dma_semaphore, #tpu.memory_space<semaphore_mem>>) src(%dma_wait3A_824 : memref<10112x80xf32, #tpu.memory_space<vmem_shared>>) dst(%arg9 : memref<64x80xf32, #tpu.memory_space<vmem>>)
      %dma_wait3A_825 = arith.constant 27 : i32
      %dma_wait3A_826 = arith.constant 0 : i32
      %dma_wait3A_827 = tpu.memref_slice %arg8[%dma_wait3A_825, %dma_wait3A_826] : memref<32x64xi32, #tpu.memory_space<vmem>> -> memref<1x64xi32, #tpu.memory_space<vmem>>
      %dma_wait3A_828 = tpu.memref_squeeze %dma_wait3A_827 : memref<1x64xi32, #tpu.memory_space<vmem>> -> memref<64xi32, #tpu.memory_space<vmem>>
      %dma_wait3A_829 = arith.constant 0 : i32
      %dma_wait3A_830 = arith.constant 0 : i32
      %dma_wait3A_831 = tpu.memref_slice %arg14[%dma_wait3A_829, %dma_wait3A_830] : memref<10112x80xf32, #tpu.memory_space<vmem_shared>> -> memref<10112x80xf32, #tpu.memory_space<vmem_shared>>
      tpu.wait_indirect_dma semaphore(%arg22 : memref<!tpu.dma_semaphore, #tpu.memory_space<semaphore_mem>>) src(%arg12 : memref<64x80xf32, #tpu.memory_space<vmem>>) dst(%dma_wait3A_831 : memref<10112x80xf32, #tpu.memory_space<vmem_shared>>)
      %dma_start3A_832 = arith.constant 31 : i32
      %dma_start3A_833 = arith.constant 0 : i32
      %dma_start3A_834 = tpu.memref_slice %arg7[%dma_start3A_832, %dma_start3A_833] : memref<32x64xi32, #tpu.memory_space<vmem>> -> memref<1x64xi32, #tpu.memory_space<vmem>>
      %dma_start3A_835 = tpu.memref_squeeze %dma_start3A_834 : memref<1x64xi32, #tpu.memory_space<vmem>> -> memref<64xi32, #tpu.memory_space<vmem>>
      %dma_start3A_836 = arith.constant 0 : i32
      %dma_start3A_837 = arith.constant 0 : i32
      %dma_start3A_838 = tpu.memref_slice %arg13[%dma_start3A_836, %dma_start3A_837] : memref<10112x80xf32, #tpu.memory_space<vmem_shared>> -> memref<10112x80xf32, #tpu.memory_space<vmem_shared>>
      tpu.enqueue_indirect_dma source(%dma_start3A_838 : memref<10112x80xf32, #tpu.memory_space<vmem_shared>>) target(%arg12 : memref<64x80xf32, #tpu.memory_space<vmem>>) offsets(%dma_start3A_835 : memref<64xi32, #tpu.memory_space<vmem>>) semaphore(%arg18 : memref<!tpu.dma_semaphore, #tpu.memory_space<semaphore_mem>>)
      %dma_start3A_839 = arith.constant 28 : i32
      %dma_start3A_840 = arith.constant 0 : i32
      %dma_start3A_841 = tpu.memref_slice %arg8[%dma_start3A_839, %dma_start3A_840] : memref<32x64xi32, #tpu.memory_space<vmem>> -> memref<1x64xi32, #tpu.memory_space<vmem>>
      %dma_start3A_842 = tpu.memref_squeeze %dma_start3A_841 : memref<1x64xi32, #tpu.memory_space<vmem>> -> memref<64xi32, #tpu.memory_space<vmem>>
      %dma_start3A_843 = arith.constant 0 : i32
      %dma_start3A_844 = arith.constant 0 : i32
      %dma_start3A_845 = tpu.memref_slice %arg14[%dma_start3A_843, %dma_start3A_844] : memref<10112x80xf32, #tpu.memory_space<vmem_shared>> -> memref<10112x80xf32, #tpu.memory_space<vmem_shared>>
      tpu.enqueue_indirect_dma source(%arg9 : memref<64x80xf32, #tpu.memory_space<vmem>>) target(%dma_start3A_845 : memref<10112x80xf32, #tpu.memory_space<vmem_shared>>) offsets(%dma_start3A_842 : memref<64xi32, #tpu.memory_space<vmem>>) semaphore(%arg19 : memref<!tpu.dma_semaphore, #tpu.memory_space<semaphore_mem>>) {add = true}
      %dma_wait3A_846 = arith.constant 29 : i32
      %dma_wait3A_847 = arith.constant 0 : i32
      %dma_wait3A_848 = tpu.memref_slice %arg7[%dma_wait3A_846, %dma_wait3A_847] : memref<32x64xi32, #tpu.memory_space<vmem>> -> memref<1x64xi32, #tpu.memory_space<vmem>>
      %dma_wait3A_849 = tpu.memref_squeeze %dma_wait3A_848 : memref<1x64xi32, #tpu.memory_space<vmem>> -> memref<64xi32, #tpu.memory_space<vmem>>
      %dma_wait3A_850 = arith.constant 0 : i32
      %dma_wait3A_851 = arith.constant 0 : i32
      %dma_wait3A_852 = tpu.memref_slice %arg13[%dma_wait3A_850, %dma_wait3A_851] : memref<10112x80xf32, #tpu.memory_space<vmem_shared>> -> memref<10112x80xf32, #tpu.memory_space<vmem_shared>>
      tpu.wait_indirect_dma semaphore(%arg16 : memref<!tpu.dma_semaphore, #tpu.memory_space<semaphore_mem>>) src(%dma_wait3A_852 : memref<10112x80xf32, #tpu.memory_space<vmem_shared>>) dst(%arg10 : memref<64x80xf32, #tpu.memory_space<vmem>>)
      %dma_start3A_853 = arith.constant 29 : i32
      %dma_start3A_854 = arith.constant 0 : i32
      %dma_start3A_855 = tpu.memref_slice %arg8[%dma_start3A_853, %dma_start3A_854] : memref<32x64xi32, #tpu.memory_space<vmem>> -> memref<1x64xi32, #tpu.memory_space<vmem>>
      %dma_start3A_856 = tpu.memref_squeeze %dma_start3A_855 : memref<1x64xi32, #tpu.memory_space<vmem>> -> memref<64xi32, #tpu.memory_space<vmem>>
      %dma_start3A_857 = arith.constant 0 : i32
      %dma_start3A_858 = arith.constant 0 : i32
      %dma_start3A_859 = tpu.memref_slice %arg14[%dma_start3A_857, %dma_start3A_858] : memref<10112x80xf32, #tpu.memory_space<vmem_shared>> -> memref<10112x80xf32, #tpu.memory_space<vmem_shared>>
      tpu.enqueue_indirect_dma source(%arg10 : memref<64x80xf32, #tpu.memory_space<vmem>>) target(%dma_start3A_859 : memref<10112x80xf32, #tpu.memory_space<vmem_shared>>) offsets(%dma_start3A_856 : memref<64xi32, #tpu.memory_space<vmem>>) semaphore(%arg20 : memref<!tpu.dma_semaphore, #tpu.memory_space<semaphore_mem>>) {add = true}
      %dma_wait3A_860 = arith.constant 30 : i32
      %dma_wait3A_861 = arith.constant 0 : i32
      %dma_wait3A_862 = tpu.memref_slice %arg7[%dma_wait3A_860, %dma_wait3A_861] : memref<32x64xi32, #tpu.memory_space<vmem>> -> memref<1x64xi32, #tpu.memory_space<vmem>>
      %dma_wait3A_863 = tpu.memref_squeeze %dma_wait3A_862 : memref<1x64xi32, #tpu.memory_space<vmem>> -> memref<64xi32, #tpu.memory_space<vmem>>
      %dma_wait3A_864 = arith.constant 0 : i32
      %dma_wait3A_865 = arith.constant 0 : i32
      %dma_wait3A_866 = tpu.memref_slice %arg13[%dma_wait3A_864, %dma_wait3A_865] : memref<10112x80xf32, #tpu.memory_space<vmem_shared>> -> memref<10112x80xf32, #tpu.memory_space<vmem_shared>>
      tpu.wait_indirect_dma semaphore(%arg17 : memref<!tpu.dma_semaphore, #tpu.memory_space<semaphore_mem>>) src(%dma_wait3A_866 : memref<10112x80xf32, #tpu.memory_space<vmem_shared>>) dst(%arg11 : memref<64x80xf32, #tpu.memory_space<vmem>>)
      %dma_start3A_867 = arith.constant 30 : i32
      %dma_start3A_868 = arith.constant 0 : i32
      %dma_start3A_869 = tpu.memref_slice %arg8[%dma_start3A_867, %dma_start3A_868] : memref<32x64xi32, #tpu.memory_space<vmem>> -> memref<1x64xi32, #tpu.memory_space<vmem>>
      %dma_start3A_870 = tpu.memref_squeeze %dma_start3A_869 : memref<1x64xi32, #tpu.memory_space<vmem>> -> memref<64xi32, #tpu.memory_space<vmem>>
      %dma_start3A_871 = arith.constant 0 : i32
      %dma_start3A_872 = arith.constant 0 : i32
      %dma_start3A_873 = tpu.memref_slice %arg14[%dma_start3A_871, %dma_start3A_872] : memref<10112x80xf32, #tpu.memory_space<vmem_shared>> -> memref<10112x80xf32, #tpu.memory_space<vmem_shared>>
      tpu.enqueue_indirect_dma source(%arg11 : memref<64x80xf32, #tpu.memory_space<vmem>>) target(%dma_start3A_873 : memref<10112x80xf32, #tpu.memory_space<vmem_shared>>) offsets(%dma_start3A_870 : memref<64xi32, #tpu.memory_space<vmem>>) semaphore(%arg21 : memref<!tpu.dma_semaphore, #tpu.memory_space<semaphore_mem>>) {add = true}
      %dma_wait3A_874 = arith.constant 31 : i32
      %dma_wait3A_875 = arith.constant 0 : i32
      %dma_wait3A_876 = tpu.memref_slice %arg7[%dma_wait3A_874, %dma_wait3A_875] : memref<32x64xi32, #tpu.memory_space<vmem>> -> memref<1x64xi32, #tpu.memory_space<vmem>>
      %dma_wait3A_877 = tpu.memref_squeeze %dma_wait3A_876 : memref<1x64xi32, #tpu.memory_space<vmem>> -> memref<64xi32, #tpu.memory_space<vmem>>
      %dma_wait3A_878 = arith.constant 0 : i32
      %dma_wait3A_879 = arith.constant 0 : i32
      %dma_wait3A_880 = tpu.memref_slice %arg13[%dma_wait3A_878, %dma_wait3A_879] : memref<10112x80xf32, #tpu.memory_space<vmem_shared>> -> memref<10112x80xf32, #tpu.memory_space<vmem_shared>>
      tpu.wait_indirect_dma semaphore(%arg18 : memref<!tpu.dma_semaphore, #tpu.memory_space<semaphore_mem>>) src(%dma_wait3A_880 : memref<10112x80xf32, #tpu.memory_space<vmem_shared>>) dst(%arg12 : memref<64x80xf32, #tpu.memory_space<vmem>>)
      %dma_start3A_881 = arith.constant 31 : i32
      %dma_start3A_882 = arith.constant 0 : i32
      %dma_start3A_883 = tpu.memref_slice %arg8[%dma_start3A_881, %dma_start3A_882] : memref<32x64xi32, #tpu.memory_space<vmem>> -> memref<1x64xi32, #tpu.memory_space<vmem>>
      %dma_start3A_884 = tpu.memref_squeeze %dma_start3A_883 : memref<1x64xi32, #tpu.memory_space<vmem>> -> memref<64xi32, #tpu.memory_space<vmem>>
      %dma_start3A_885 = arith.constant 0 : i32
      %dma_start3A_886 = arith.constant 0 : i32
      %dma_start3A_887 = tpu.memref_slice %arg14[%dma_start3A_885, %dma_start3A_886] : memref<10112x80xf32, #tpu.memory_space<vmem_shared>> -> memref<10112x80xf32, #tpu.memory_space<vmem_shared>>
      tpu.enqueue_indirect_dma source(%arg12 : memref<64x80xf32, #tpu.memory_space<vmem>>) target(%dma_start3A_887 : memref<10112x80xf32, #tpu.memory_space<vmem_shared>>) offsets(%dma_start3A_884 : memref<64xi32, #tpu.memory_space<vmem>>) semaphore(%arg22 : memref<!tpu.dma_semaphore, #tpu.memory_space<semaphore_mem>>) {add = true}
      %dma_wait3A_888 = arith.constant 28 : i32
      %dma_wait3A_889 = arith.constant 0 : i32
      %dma_wait3A_890 = tpu.memref_slice %arg8[%dma_wait3A_888, %dma_wait3A_889] : memref<32x64xi32, #tpu.memory_space<vmem>> -> memref<1x64xi32, #tpu.memory_space<vmem>>
      %dma_wait3A_891 = tpu.memref_squeeze %dma_wait3A_890 : memref<1x64xi32, #tpu.memory_space<vmem>> -> memref<64xi32, #tpu.memory_space<vmem>>
      %dma_wait3A_892 = arith.constant 0 : i32
      %dma_wait3A_893 = arith.constant 0 : i32
      %dma_wait3A_894 = tpu.memref_slice %arg14[%dma_wait3A_892, %dma_wait3A_893] : memref<10112x80xf32, #tpu.memory_space<vmem_shared>> -> memref<10112x80xf32, #tpu.memory_space<vmem_shared>>
      tpu.wait_indirect_dma semaphore(%arg19 : memref<!tpu.dma_semaphore, #tpu.memory_space<semaphore_mem>>) src(%arg9 : memref<64x80xf32, #tpu.memory_space<vmem>>) dst(%dma_wait3A_894 : memref<10112x80xf32, #tpu.memory_space<vmem_shared>>)
      %dma_wait3A_895 = arith.constant 29 : i32
      %dma_wait3A_896 = arith.constant 0 : i32
      %dma_wait3A_897 = tpu.memref_slice %arg8[%dma_wait3A_895, %dma_wait3A_896] : memref<32x64xi32, #tpu.memory_space<vmem>> -> memref<1x64xi32, #tpu.memory_space<vmem>>
      %dma_wait3A_898 = tpu.memref_squeeze %dma_wait3A_897 : memref<1x64xi32, #tpu.memory_space<vmem>> -> memref<64xi32, #tpu.memory_space<vmem>>
      %dma_wait3A_899 = arith.constant 0 : i32
      %dma_wait3A_900 = arith.constant 0 : i32
      %dma_wait3A_901 = tpu.memref_slice %arg14[%dma_wait3A_899, %dma_wait3A_900] : memref<10112x80xf32, #tpu.memory_space<vmem_shared>> -> memref<10112x80xf32, #tpu.memory_space<vmem_shared>>
      tpu.wait_indirect_dma semaphore(%arg20 : memref<!tpu.dma_semaphore, #tpu.memory_space<semaphore_mem>>) src(%arg10 : memref<64x80xf32, #tpu.memory_space<vmem>>) dst(%dma_wait3A_901 : memref<10112x80xf32, #tpu.memory_space<vmem_shared>>)
      %dma_wait3A_902 = arith.constant 30 : i32
      %dma_wait3A_903 = arith.constant 0 : i32
      %dma_wait3A_904 = tpu.memref_slice %arg8[%dma_wait3A_902, %dma_wait3A_903] : memref<32x64xi32, #tpu.memory_space<vmem>> -> memref<1x64xi32, #tpu.memory_space<vmem>>
      %dma_wait3A_905 = tpu.memref_squeeze %dma_wait3A_904 : memref<1x64xi32, #tpu.memory_space<vmem>> -> memref<64xi32, #tpu.memory_space<vmem>>
      %dma_wait3A_906 = arith.constant 0 : i32
      %dma_wait3A_907 = arith.constant 0 : i32
      %dma_wait3A_908 = tpu.memref_slice %arg14[%dma_wait3A_906, %dma_wait3A_907] : memref<10112x80xf32, #tpu.memory_space<vmem_shared>> -> memref<10112x80xf32, #tpu.memory_space<vmem_shared>>
      tpu.wait_indirect_dma semaphore(%arg21 : memref<!tpu.dma_semaphore, #tpu.memory_space<semaphore_mem>>) src(%arg11 : memref<64x80xf32, #tpu.memory_space<vmem>>) dst(%dma_wait3A_908 : memref<10112x80xf32, #tpu.memory_space<vmem_shared>>)
      %dma_wait3A_909 = arith.constant 31 : i32
      %dma_wait3A_910 = arith.constant 0 : i32
      %dma_wait3A_911 = tpu.memref_slice %arg8[%dma_wait3A_909, %dma_wait3A_910] : memref<32x64xi32, #tpu.memory_space<vmem>> -> memref<1x64xi32, #tpu.memory_space<vmem>>
      %dma_wait3A_912 = tpu.memref_squeeze %dma_wait3A_911 : memref<1x64xi32, #tpu.memory_space<vmem>> -> memref<64xi32, #tpu.memory_space<vmem>>
      %dma_wait3A_913 = arith.constant 0 : i32
      %dma_wait3A_914 = arith.constant 0 : i32
      %dma_wait3A_915 = tpu.memref_slice %arg14[%dma_wait3A_913, %dma_wait3A_914] : memref<10112x80xf32, #tpu.memory_space<vmem_shared>> -> memref<10112x80xf32, #tpu.memory_space<vmem_shared>>
      tpu.wait_indirect_dma semaphore(%arg22 : memref<!tpu.dma_semaphore, #tpu.memory_space<semaphore_mem>>) src(%arg12 : memref<64x80xf32, #tpu.memory_space<vmem>>) dst(%dma_wait3A_915 : memref<10112x80xf32, #tpu.memory_space<vmem_shared>>)
    }
    %scan3A_11 = arith.constant 20 : i32
    %barrier3A_12 = arith.constant 0 : index
    tpu.barrier barrier_id(%barrier3A_12)
    %mul3A_13 = arith.constant 632 : i32
    %mul3A_14 = arith.muli %arg1, %mul3A_13 : i32
    %mul3A_15 = arith.constant 632 : i32
    %mul3A_16 = arith.muli %arg1, %mul3A_15 : i32
    "tpu.region"() ({
      %run_scoped3A = tpu.sem_alloc : memref<!tpu.dma_semaphore, #tpu.memory_space<semaphore_mem>>
      %dma_start3A = arith.constant 0 : i32
      %dma_start3A_17 = tpu.memref_slice %arg6[%arg0, %mul3A_16, %dma_start3A] : memref<2x10112x80xf32, #tpu.memory_space<hbm>> -> memref<1x632x80xf32, #tpu.memory_space<hbm>>
      %dma_start3A_18 = tpu.memref_squeeze %dma_start3A_17 : memref<1x632x80xf32, #tpu.memory_space<hbm>> -> memref<632x80xf32, #tpu.memory_space<hbm>>
      %dma_start3A_19 = arith.constant 0 : i32
      %dma_start3A_20 = tpu.memref_slice %arg14[%mul3A_14, %dma_start3A_19] : memref<10112x80xf32, #tpu.memory_space<vmem_shared>> -> memref<632x80xf32, #tpu.memory_space<vmem_shared>>
      tpu.enqueue_dma source(%dma_start3A_20 : memref<632x80xf32, #tpu.memory_space<vmem_shared>>) target(%dma_start3A_18 : memref<632x80xf32, #tpu.memory_space<hbm>>) target_semaphore(%run_scoped3A : memref<!tpu.dma_semaphore, #tpu.memory_space<semaphore_mem>>)
      %dma_wait3A = arith.constant 0 : i32
      %dma_wait3A_21 = tpu.memref_slice %arg6[%arg0, %mul3A_16, %dma_wait3A] : memref<2x10112x80xf32, #tpu.memory_space<hbm>> -> memref<1x632x80xf32, #tpu.memory_space<hbm>>
      %dma_wait3A_22 = tpu.memref_squeeze %dma_wait3A_21 : memref<1x632x80xf32, #tpu.memory_space<hbm>> -> memref<632x80xf32, #tpu.memory_space<hbm>>
      %dma_wait3A_23 = arith.constant 0 : i32
      %dma_wait3A_24 = tpu.memref_slice %arg14[%mul3A_14, %dma_wait3A_23] : memref<10112x80xf32, #tpu.memory_space<vmem_shared>> -> memref<632x80xf32, #tpu.memory_space<vmem_shared>>
      tpu.wait_dma2 semaphore(%run_scoped3A : memref<!tpu.dma_semaphore, #tpu.memory_space<semaphore_mem>>) src(%dma_wait3A_24 : memref<632x80xf32, #tpu.memory_space<vmem_shared>>) dst(%dma_wait3A_22 : memref<632x80xf32, #tpu.memory_space<hbm>>)
      tpu.yield
    }) : () -> ()
    return
  }
}

module attributes {stable_mosaic.version = 14 : i64} {
  func.func @_enc_body(%arg0: i32, %arg1: memref<1x5000x128xf32, #tpu.memory_space<vmem>>, %arg2: memref<1x128x128xf32, #tpu.memory_space<vmem>>, %arg3: memref<1x1x128xf32, #tpu.memory_space<vmem>>, %arg4: memref<1x5000x128xf32, #tpu.memory_space<vmem>>) attributes {dimension_semantics = [#tpu.dimension_semantics<arbitrary>], iteration_bounds = array<i64: 2>, scalar_prefetch = 0 : i64, scratch_operands = 0 : i64, tpu.core_type = #tpu.core_type<tc>, window_params = [{transform_indices = @transform_0, window_bounds = array<i64: 1, 5000, 128>}, {transform_indices = @transform_1, window_bounds = array<i64: 1, 128, 128>}, {transform_indices = @transform_2, window_bounds = array<i64: 1, 1, 128>}, {transform_indices = @transform_3, window_bounds = array<i64: 1, 5000, 128>}]} {
    %get3A = arith.constant 0 : index
    %get3A_0 = arith.constant 0 : index
    %get3A_1 = arith.constant 0 : index
    %get3A_2 = vector.load %arg1[%get3A, %get3A_0, %get3A_1] : memref<1x5000x128xf32, #tpu.memory_space<vmem>>, vector<1x5000x128xf32>
    %get3A_3 = vector.shape_cast %get3A_2 : vector<1x5000x128xf32> to vector<5000x128xf32>
    %get3A_4 = arith.constant 0 : index
    %get3A_5 = arith.constant 0 : index
    %get3A_6 = arith.constant 0 : index
    %get3A_7 = vector.load %arg2[%get3A_4, %get3A_5, %get3A_6] : memref<1x128x128xf32, #tpu.memory_space<vmem>>, vector<1x128x128xf32>
    %get3A_8 = vector.shape_cast %get3A_7 : vector<1x128x128xf32> to vector<128x128xf32>
    %dot_general3A = arith.constant dense<0.000000e+00> : vector<5000x128xf32>
    %dot_general3A_9 = tpu.matmul %get3A_3, %get3A_8, %dot_general3A {dimension_numbers = #tpu.dot_dimension_numbers<[1], [0], [0], [1], [0, 0, 1, 1], [], []>, transpose_lhs_hint = false} : vector<5000x128xf32>, vector<128x128xf32>, vector<5000x128xf32> -> vector<5000x128xf32>
    %get3A_10 = arith.constant 0 : index
    %get3A_11 = arith.constant 0 : index
    %get3A_12 = arith.constant 0 : index
    %get3A_13 = vector.load %arg3[%get3A_10, %get3A_11, %get3A_12] : memref<1x1x128xf32, #tpu.memory_space<vmem>>, vector<1x1x128xf32>
    %get3A_14 = vector.shape_cast %get3A_13 : vector<1x1x128xf32> to vector<1x128xf32>
    %add3A = vector.broadcast %get3A_14 : vector<1x128xf32> to vector<5000x128xf32>
    %add3A_15 = arith.addf %dot_general3A_9, %add3A : vector<5000x128xf32>
    %max3A = arith.constant 0.000000e+00 : f32
    %max3A_16 = vector.broadcast %max3A : f32 to vector<5000x128xf32>
    %max3A_17 = arith.maximumf %add3A_15, %max3A_16 : vector<5000x128xf32>
    %broadcast_in_dim3A = vector.shape_cast %max3A_17 : vector<5000x128xf32> to vector<1x5000x128xf32>
    %swap3A = arith.constant 0 : index
    %swap3A_18 = arith.constant 0 : index
    %swap3A_19 = arith.constant 0 : index
    %swap3A_20 = vector.load %arg4[%swap3A, %swap3A_18, %swap3A_19] : memref<1x5000x128xf32, #tpu.memory_space<vmem>>, vector<1x5000x128xf32>
    tpu.vector_store %arg4[%swap3A, %swap3A_18, %swap3A_19], %broadcast_in_dim3A {strides = array<i32>} : memref<1x5000x128xf32, #tpu.memory_space<vmem>>, vector<1x5000x128xf32>,
    return
  }
  func.func @transform_0(%arg0: i32) -> (i32, i32, i32) {
    %c0_i32 = arith.constant 0 : i32
    %c0_i32_0 = arith.constant 0 : i32
    %c0_i32_1 = arith.constant 0 : i32
    return %arg0, %c0_i32, %c0_i32_0 : i32, i32, i32
  }
  func.func @transform_1(%arg0: i32) -> (i32, i32, i32) {
    %c0_i32 = arith.constant 0 : i32
    %c0_i32_0 = arith.constant 0 : i32
    %c0_i32_1 = arith.constant 0 : i32
    return %arg0, %c0_i32, %c0_i32_0 : i32, i32, i32
  }
  func.func @transform_2(%arg0: i32) -> (i32, i32, i32) {
    %c0_i32 = arith.constant 0 : i32
    %c0_i32_0 = arith.constant 0 : i32
    %c0_i32_1 = arith.constant 0 : i32
    return %arg0, %c0_i32, %c0_i32_0 : i32, i32, i32
  }
  func.func @transform_3(%arg0: i32) -> (i32, i32, i32) {
    %c0_i32 = arith.constant 0 : i32
    %c0_i32_0 = arith.constant 0 : i32
    %c0_i32_1 = arith.constant 0 : i32
    return %arg0, %c0_i32, %c0_i32_0 : i32, i32, i32
  }
}

module attributes {stable_mosaic.version = 14 : i64} {
  func.func @_mid_body(%arg0: memref<10000x128xf32, #tpu.memory_space<vmem>>, %arg1: memref<10000x16xf32, #tpu.memory_space<vmem>>, %arg2: memref<10000x128xf32, #tpu.memory_space<vmem>>, %arg3: memref<128x128xf32, #tpu.memory_space<vmem>>, %arg4: memref<1x128xf32, #tpu.memory_space<vmem>>, %arg5: memref<128x128xf32, #tpu.memory_space<vmem>>, %arg6: memref<1x128xf32, #tpu.memory_space<vmem>>, %arg7: memref<1x128xf32, #tpu.memory_space<vmem>>, %arg8: memref<10000x128xf32, #tpu.memory_space<vmem>>) attributes {dimension_semantics = [], scalar_prefetch = 0 : i64, scratch_operands = 0 : i64, tpu.core_type = #tpu.core_type<tc>} {
    %get3A = arith.constant 0 : index
    %get3A_0 = arith.constant 0 : index
    %get3A_1 = vector.load %arg1[%get3A, %get3A_0] : memref<10000x16xf32, #tpu.memory_space<vmem>>, vector<10000x1xf32>
    %get3A_2 = arith.constant 0 : index
    %get3A_3 = arith.constant 0 : index
    %get3A_4 = vector.load %arg0[%get3A_2, %get3A_3] : memref<10000x128xf32, #tpu.memory_space<vmem>>, vector<10000x128xf32>
    %max3A = arith.constant 1.000000e+00 : f32
    %max3A_5 = vector.broadcast %max3A : f32 to vector<10000x1xf32>
    %max3A_6 = arith.maximumf %get3A_1, %max3A_5 : vector<10000x1xf32>
    %div3A = vector.broadcast %max3A_6 : vector<10000x1xf32> to vector<10000x128xf32>
    %div3A_7 = arith.divf %get3A_4, %div3A : vector<10000x128xf32>
    %get3A_8 = arith.constant 0 : index
    %get3A_9 = arith.constant 0 : index
    %get3A_10 = vector.load %arg3[%get3A_8, %get3A_9] : memref<128x128xf32, #tpu.memory_space<vmem>>, vector<128x128xf32>
    %dot_general3A = arith.constant dense<0.000000e+00> : vector<10000x128xf32>
    %dot_general3A_11 = tpu.matmul %div3A_7, %get3A_10, %dot_general3A {dimension_numbers = #tpu.dot_dimension_numbers<[1], [0], [0], [1], [0, 0, 1, 1], [], []>, transpose_lhs_hint = false} : vector<10000x128xf32>, vector<128x128xf32>, vector<10000x128xf32> -> vector<10000x128xf32>
    %get3A_12 = arith.constant 0 : index
    %get3A_13 = arith.constant 0 : index
    %get3A_14 = vector.load %arg4[%get3A_12, %get3A_13] : memref<1x128xf32, #tpu.memory_space<vmem>>, vector<1x128xf32>
    %add3A = vector.broadcast %get3A_14 : vector<1x128xf32> to vector<10000x128xf32>
    %add3A_15 = arith.addf %dot_general3A_11, %add3A : vector<10000x128xf32>
    %get3A_16 = arith.constant 0 : index
    %get3A_17 = arith.constant 0 : index
    %get3A_18 = vector.load %arg2[%get3A_16, %get3A_17] : memref<10000x128xf32, #tpu.memory_space<vmem>>, vector<10000x128xf32>
    %get3A_19 = arith.constant 0 : index
    %get3A_20 = arith.constant 0 : index
    %get3A_21 = vector.load %arg5[%get3A_19, %get3A_20] : memref<128x128xf32, #tpu.memory_space<vmem>>, vector<128x128xf32>
    %dot_general3A_22 = arith.constant dense<0.000000e+00> : vector<10000x128xf32>
    %dot_general3A_23 = tpu.matmul %get3A_18, %get3A_21, %dot_general3A_22 {dimension_numbers = #tpu.dot_dimension_numbers<[1], [0], [0], [1], [0, 0, 1, 1], [], []>, transpose_lhs_hint = false} : vector<10000x128xf32>, vector<128x128xf32>, vector<10000x128xf32> -> vector<10000x128xf32>
    %add3A_24 = arith.addf %add3A_15, %dot_general3A_23 : vector<10000x128xf32>
    %get3A_25 = arith.constant 0 : index
    %get3A_26 = arith.constant 0 : index
    %get3A_27 = vector.load %arg6[%get3A_25, %get3A_26] : memref<1x128xf32, #tpu.memory_space<vmem>>, vector<1x128xf32>
    %mul3A = vector.broadcast %get3A_27 : vector<1x128xf32> to vector<10000x128xf32>
    %mul3A_28 = arith.mulf %add3A_24, %mul3A : vector<10000x128xf32>
    %get3A_29 = arith.constant 0 : index
    %get3A_30 = arith.constant 0 : index
    %get3A_31 = vector.load %arg7[%get3A_29, %get3A_30] : memref<1x128xf32, #tpu.memory_space<vmem>>, vector<1x128xf32>
    %add3A_32 = vector.broadcast %get3A_31 : vector<1x128xf32> to vector<10000x128xf32>
    %add3A_33 = arith.addf %mul3A_28, %add3A_32 : vector<10000x128xf32>
    %max3A_34 = arith.constant 0.000000e+00 : f32
    %max3A_35 = vector.broadcast %max3A_34 : f32 to vector<10000x128xf32>
    %max3A_36 = arith.maximumf %add3A_33, %max3A_35 : vector<10000x128xf32>
    %swap3A = arith.constant 0 : index
    %swap3A_37 = arith.constant 0 : index
    %swap3A_38 = vector.load %arg8[%swap3A, %swap3A_37] : memref<10000x128xf32, #tpu.memory_space<vmem>>, vector<10000x128xf32>
    tpu.vector_store %arg8[%swap3A, %swap3A_37], %max3A_36 {strides = array<i32>} : memref<10000x128xf32, #tpu.memory_space<vmem>>, vector<10000x128xf32>,
    return
  }
}

module attributes {stable_mosaic.version = 14 : i64} {
  func.func @_fin_body(%arg0: memref<5000x128xf32, #tpu.memory_space<vmem>>, %arg1: memref<5000x16xf32, #tpu.memory_space<vmem>>, %arg2: memref<5000x128xf32, #tpu.memory_space<vmem>>, %arg3: memref<5000x128xf32, #tpu.memory_space<vmem>>, %arg4: memref<128x128xf32, #tpu.memory_space<vmem>>, %arg5: memref<1x128xf32, #tpu.memory_space<vmem>>, %arg6: memref<128x128xf32, #tpu.memory_space<vmem>>, %arg7: memref<1x128xf32, #tpu.memory_space<vmem>>, %arg8: memref<1x128xf32, #tpu.memory_space<vmem>>, %arg9: memref<128x128xf32, #tpu.memory_space<vmem>>, %arg10: memref<1x128xf32, #tpu.memory_space<vmem>>, %arg11: memref<5000x128xf32, #tpu.memory_space<vmem>>) attributes {dimension_semantics = [], scalar_prefetch = 0 : i64, scratch_operands = 0 : i64, tpu.core_type = #tpu.core_type<tc>} {
    %get3A = arith.constant 0 : index
    %get3A_0 = arith.constant 0 : index
    %get3A_1 = vector.load %arg1[%get3A, %get3A_0] : memref<5000x16xf32, #tpu.memory_space<vmem>>, vector<5000x1xf32>
    %get3A_2 = arith.constant 0 : index
    %get3A_3 = arith.constant 0 : index
    %get3A_4 = vector.load %arg0[%get3A_2, %get3A_3] : memref<5000x128xf32, #tpu.memory_space<vmem>>, vector<5000x128xf32>
    %max3A = arith.constant 1.000000e+00 : f32
    %max3A_5 = vector.broadcast %max3A : f32 to vector<5000x1xf32>
    %max3A_6 = arith.maximumf %get3A_1, %max3A_5 : vector<5000x1xf32>
    %div3A = vector.broadcast %max3A_6 : vector<5000x1xf32> to vector<5000x128xf32>
    %div3A_7 = arith.divf %get3A_4, %div3A : vector<5000x128xf32>
    %get3A_8 = arith.constant 0 : index
    %get3A_9 = arith.constant 0 : index
    %get3A_10 = vector.load %arg4[%get3A_8, %get3A_9] : memref<128x128xf32, #tpu.memory_space<vmem>>, vector<128x128xf32>
    %dot_general3A = arith.constant dense<0.000000e+00> : vector<5000x128xf32>
    %dot_general3A_11 = tpu.matmul %div3A_7, %get3A_10, %dot_general3A {dimension_numbers = #tpu.dot_dimension_numbers<[1], [0], [0], [1], [0, 0, 1, 1], [], []>, transpose_lhs_hint = false} : vector<5000x128xf32>, vector<128x128xf32>, vector<5000x128xf32> -> vector<5000x128xf32>
    %get3A_12 = arith.constant 0 : index
    %get3A_13 = arith.constant 0 : index
    %get3A_14 = vector.load %arg5[%get3A_12, %get3A_13] : memref<1x128xf32, #tpu.memory_space<vmem>>, vector<1x128xf32>
    %add3A = vector.broadcast %get3A_14 : vector<1x128xf32> to vector<5000x128xf32>
    %add3A_15 = arith.addf %dot_general3A_11, %add3A : vector<5000x128xf32>
    %get3A_16 = arith.constant 0 : index
    %get3A_17 = arith.constant 0 : index
    %get3A_18 = vector.load %arg2[%get3A_16, %get3A_17] : memref<5000x128xf32, #tpu.memory_space<vmem>>, vector<5000x128xf32>
    %get3A_19 = arith.constant 0 : index
    %get3A_20 = arith.constant 0 : index
    %get3A_21 = vector.load %arg6[%get3A_19, %get3A_20] : memref<128x128xf32, #tpu.memory_space<vmem>>, vector<128x128xf32>
    %dot_general3A_22 = arith.constant dense<0.000000e+00> : vector<5000x128xf32>
    %dot_general3A_23 = tpu.matmul %get3A_18, %get3A_21, %dot_general3A_22 {dimension_numbers = #tpu.dot_dimension_numbers<[1], [0], [0], [1], [0, 0, 1, 1], [], []>, transpose_lhs_hint = false} : vector<5000x128xf32>, vector<128x128xf32>, vector<5000x128xf32> -> vector<5000x128xf32>
    %add3A_24 = arith.addf %add3A_15, %dot_general3A_23 : vector<5000x128xf32>
    %get3A_25 = arith.constant 0 : index
    %get3A_26 = arith.constant 0 : index
    %get3A_27 = vector.load %arg7[%get3A_25, %get3A_26] : memref<1x128xf32, #tpu.memory_space<vmem>>, vector<1x128xf32>
    %mul3A = vector.broadcast %get3A_27 : vector<1x128xf32> to vector<5000x128xf32>
    %mul3A_28 = arith.mulf %add3A_24, %mul3A : vector<5000x128xf32>
    %get3A_29 = arith.constant 0 : index
    %get3A_30 = arith.constant 0 : index
    %get3A_31 = vector.load %arg8[%get3A_29, %get3A_30] : memref<1x128xf32, #tpu.memory_space<vmem>>, vector<1x128xf32>
    %add3A_32 = vector.broadcast %get3A_31 : vector<1x128xf32> to vector<5000x128xf32>
    %add3A_33 = arith.addf %mul3A_28, %add3A_32 : vector<5000x128xf32>
    %max3A_34 = arith.constant 0.000000e+00 : f32
    %max3A_35 = vector.broadcast %max3A_34 : f32 to vector<5000x128xf32>
    %max3A_36 = arith.maximumf %add3A_33, %max3A_35 : vector<5000x128xf32>
    %get3A_37 = arith.constant 0 : index
    %get3A_38 = arith.constant 0 : index
    %get3A_39 = vector.load %arg3[%get3A_37, %get3A_38] : memref<5000x128xf32, #tpu.memory_space<vmem>>, vector<5000x128xf32>
    %add3A_40 = arith.addf %max3A_36, %get3A_39 : vector<5000x128xf32>
    %get3A_41 = arith.constant 0 : index
    %get3A_42 = arith.constant 0 : index
    %get3A_43 = vector.load %arg9[%get3A_41, %get3A_42] : memref<128x128xf32, #tpu.memory_space<vmem>>, vector<128x128xf32>
    %dot_general3A_44 = arith.constant dense<0.000000e+00> : vector<5000x128xf32>
    %dot_general3A_45 = tpu.matmul %add3A_40, %get3A_43, %dot_general3A_44 {dimension_numbers = #tpu.dot_dimension_numbers<[1], [0], [0], [1], [0, 0, 1, 1], [], []>, transpose_lhs_hint = false} : vector<5000x128xf32>, vector<128x128xf32>, vector<5000x128xf32> -> vector<5000x128xf32>
    %get3A_46 = arith.constant 0 : index
    %get3A_47 = arith.constant 0 : index
    %get3A_48 = vector.load %arg10[%get3A_46, %get3A_47] : memref<1x128xf32, #tpu.memory_space<vmem>>, vector<1x128xf32>
    %add3A_49 = vector.broadcast %get3A_48 : vector<1x128xf32> to vector<5000x128xf32>
    %add3A_50 = arith.addf %dot_general3A_45, %add3A_49 : vector<5000x128xf32>
    %swap3A = arith.constant 0 : index
    %swap3A_51 = arith.constant 0 : index
    %swap3A_52 = vector.load %arg11[%swap3A, %swap3A_51] : memref<5000x128xf32, #tpu.memory_space<vmem>>, vector<5000x128xf32>
    tpu.vector_store %arg11[%swap3A, %swap3A_51], %add3A_50 {strides = array<i32>} : memref<5000x128xf32, #tpu.memory_space<vmem>>, vector<5000x128xf32>,
    return
  }
}

</mosaic_0001>

<sc_bundles>
// kernel: kernel.10.cloned.1.call-start
scs
__scs_entry_jumppad:
0x0: {  	(pc) =	sbr.rel $0x88, $3  }
0x1: {  	(tag) =	ssettag $0x0;
	lr =	simm.s32 $0x1  }
0x2: {  	[smem:$0x3F8E] =	sst lr;
	_ =	strace $0xD0000000  }
0x3: {  	_ = 	snop  }
0x4: {  	_ = 	snop  }
0x5: {  	_ = 	snop  }
0x6: {  	_ = 	snop  }
0x7: {  	_ = 	snop  }
__scs_overlays_trampoline_lowered:
0x8: {  	[smem:$0x3F9D] =	sst s0  }
0x9: {  	[smem:$0x3F9E] =	sst s1  }
0xa: {  	[smem:$0x3F9F] =	sst s2  }
0xb: {  	[smem:$0x3FA0] =	sst s3  }
0xc: {  	[smem:$0x3FA1] =	sst s4  }
0xd: {  	[smem:$0x3FA2] =	sst s5  }
0xe: {  	[smem:$0x3FA3] =	sst s6  }
0xf: {  	[smem:$0x3FA4] =	sst s7  }
0x10: {  	[smem:$0x3FA5] =	sst s8  }
0x11: {  	[smem:$0x3FA6] =	sst s9;
	s0 =	simm.s32 @!p0 $0x0  }
0x12: {  	s1 =	sld [smem:$0x3F8C];
	s0 =	simm.s32 @p0 $0x1  }
0x13: {  	[smem:$0x3FA7] =	sst s0;
	s0 =	simm.s32 @!p1 $0x0  }
0x14: {  	s2 =	sld [smem:$0x3F8B];
	s0 =	simm.s32 @p1 $0x1  }
0x15: {  	[smem:$0x3FA8] =	sst s0;
	s0 =	simm.s32 @!p2 $0x0  }
0x16: {  	s3 =	sld [smem:$0x3FDB];
	s0 =	simm.s32 @p2 $0x1  }
0x17: {  	s4 =	simm.s32 $0x1BF5;
	[smem:$0x3FAA] =	sst s0  }
0x18: {  	s0 =	sld [smem:$0x3F8D];
	_ =	swait.ge [sflag:s4], $0x0  }
0x19: {  	s7 =	sld [smem:$0x3F8E]  }
0x1a: {  	s8 =	sadd.s32 $0xFFFFE003, lr  }
0x1b: {  	s9 =	sadd.s32 $0xFFFFFEF7, lr;
	s5 =	simm.s32 $0xFFFFFFFF;
	p2 =	slt.u32 s8, $0xFFFFF086  }
0x1c: {  	p1 =	slt.u32 s9, $0xF7A;
	s5 =	simm.s32 @!p2 $0x0  }
0x1d: {  	s5 =	simm.s32 @p1 $0x1;
	p0 =	seq.s32 s7, s2  }
0x1e: {  	s7 =	smul.u32 @!p0 $0xF7A, s2;
	p2 =	seq.s32 @!p0 s5, $0x0  }
0x1f: {  	s9 =	smul.u32 $0xF7A, s1;
	s8 =	simm.s32 @!p0 $0x1BF5;
	p2 =	por !p2, p0  }
0x20: {  	[sflag:s8] =	ssyncset.s32 @!p0 $0xFFFFF086;
	s6 =	sadd.s32 @!p0 s3, s7;
	s7 =	simm.s32 @!p0 $0x108  }
0x21: {  	s3 =	sadd.s32 s3, s9;
	s6 =	sadd.s32 @!p0 $0x88, s6;
	s7 =	simm.s32 @p2 $0x1082  }
0x22: {  	[simem:s7], [sflag:s8] =	dma.local @!p0 [hbm:s6], $0xF7A  }
0x23: {  	s9 =	sor.u32 $0xD0000000, s2;
	s6 =	simm.s32 $0x108;
	_ =	swait.ge @!p0 [sflag:s8], $0x0  }
0x24: {  	s3 =	sadd.s32 $0x88, s3;
	s6 =	simm.s32 @!p1 $0x1082;
	[sflag:s4] =	ssyncset.s32 $0xFFFFF086  }
0x25: {  	[simem:s6], [sflag:s4] =	dma.local [hbm:s3], $0xF7A  }
0x26: {  	[smem:$0x3F8E] =	sst s1;
	(tag) =	ssettag s2;
	_ =	strace s9  }
0x27: {  	s1 =	sld [smem:$0x3F9E]  }
0x28: {  	s2 =	sld [smem:$0x3F9F]  }
0x29: {  	s4 =	sld [smem:$0x3FA1]  }
0x2a: {  	p0 =	seq.s32 s5, $0x0;
	s5 =	sld [smem:$0x3FA2]  }
0x2b: {  	s6 =	sld [smem:$0x3FA3]  }
0x2c: {  	s7 =	sld [smem:$0x3FA4]  }
0x2d: {  	s3 =	simm.s32 $0x108;
	s8 =	sld [smem:$0x3FA5]  }
0x2e: {  	s3 =	simm.s32 @!p0 $0x1082;
	s9 =	sld [smem:$0x3FA6]  }
0x2f: {  	lr =	sadd.s32 s0, s3;
	s0 =	sld [smem:$0x3F9D]  }
0x30: {  	s3 =	sld [smem:$0x3FA0]  }
0x31: {  	[smem:$0x3FA9] =	sst s10  }
0x32: {  	s10 =	sld [smem:$0x3FA7];
	_ =	sdelay $0x3  }
0x33: {  	p0 =	seq.s32 s10, $0x1;
	s10 =	sld [smem:$0x3FA9];
	_ =	sdelay $0x3  }
0x34: {  	[smem:$0x3FA9] =	sst s10  }
0x35: {  	s10 =	sld [smem:$0x3FA8];
	_ =	sdelay $0x3  }
0x36: {  	p1 =	seq.s32 s10, $0x1;
	s10 =	sld [smem:$0x3FA9];
	_ =	sdelay $0x3  }
0x37: {  	[smem:$0x3FA9] =	sst s10  }
0x38: {  	s10 =	sld [smem:$0x3FAA]  }
0x39: {  	_ = 	snop;
	(pc) =	sbr.ind lr, $3  }
0x3a: {  	_ = 	snop  }
0x3b: {  	_ = 	snop  }
0x3c: {  	p2 =	seq.s32 s10, $0x1;
	s10 =	sld [smem:$0x3FA9]  }
0x3d: {  	_ =	shalt  }
0x3e: {  	_ =	shalt  }
0x3f: {  	_ =	shalt  }
0x40: {  	_ =	shalt  }
0x41: {  	_ =	shalt  }
0x42: {  	_ =	shalt  }
0x43: {  	_ =	shalt  }
0x44: {  	_ =	shalt  }
0x45: {  	_ =	shalt  }
0x46: {  	_ =	shalt  }
0x47: {  	_ =	shalt  }
0x48: {  	_ =	shalt  }
0x49: {  	_ =	shalt  }
0x4a: {  	_ =	shalt  }
0x4b: {  	_ =	shalt  }
0x4c: {  	_ =	shalt  }
0x4d: {  	_ =	shalt  }
0x4e: {  	_ =	shalt  }
0x4f: {  	_ =	shalt  }
0x50: {  	_ =	shalt  }
0x51: {  	_ =	shalt  }
0x52: {  	_ =	shalt  }
0x53: {  	_ =	shalt  }
0x54: {  	_ =	shalt  }
0x55: {  	_ =	shalt  }
0x56: {  	_ =	shalt  }
0x57: {  	_ =	shalt  }
0x58: {  	_ =	shalt  }
0x59: {  	_ =	shalt  }
0x5a: {  	_ =	shalt  }
0x5b: {  	_ =	shalt  }
0x5c: {  	_ =	shalt  }
0x5d: {  	_ =	shalt  }
0x5e: {  	_ =	shalt  }
0x5f: {  	_ =	shalt  }
0x60: {  	_ =	shalt  }
0x61: {  	_ =	shalt  }
0x62: {  	_ =	shalt  }
0x63: {  	_ =	shalt  }
0x64: {  	_ =	shalt  }
0x65: {  	_ =	shalt  }
0x66: {  	_ =	shalt  }
0x67: {  	_ =	shalt  }
0x68: {  	_ =	shalt  }
0x69: {  	_ =	shalt  }
0x6a: {  	_ =	shalt  }
0x6b: {  	_ =	shalt  }
0x6c: {  	_ =	shalt  }
0x6d: {  	_ =	shalt  }
0x6e: {  	_ =	shalt  }
0x6f: {  	_ =	shalt  }
0x70: {  	_ =	shalt  }
0x71: {  	_ =	shalt  }
0x72: {  	_ =	shalt  }
0x73: {  	_ =	shalt  }
0x74: {  	_ =	shalt  }
0x75: {  	_ =	shalt  }
0x76: {  	_ =	shalt  }
0x77: {  	_ =	shalt  }
0x78: {  	_ =	shalt  }
0x79: {  	_ =	shalt  }
0x7a: {  	_ =	shalt  }
0x7b: {  	_ =	shalt  }
0x7c: {  	_ =	shalt  }
0x7d: {  	_ =	shalt  }
0x7e: {  	_ =	shalt  }
0x7f: {  	_ =	shalt  }
0x80: {  	_ =	shalt  }
0x81: {  	_ =	shalt  }
0x82: {  	_ =	shalt  }
0x83: {  	_ =	shalt  }
0x84: {  	_ =	shalt  }
0x85: {  	_ =	shalt  }
0x86: {  	_ =	shalt  }
0x87: {  	_ =	shalt  }
.Lfunc_end0:
.L_simem_size_0:
called_computation.1_lowered:
.L_overlay_start_0:
0x88: {  	s2 =	sld [smem:$0x3FD9]  }
0x89: {  	s3 =	sld [smem:$0x3FFE];
	_ =	sdelay $0x1  }
0x8a: {  	s1 =	srdreg.scid  }
0x8b: {  	s0 =	sand.u32 $0x1, s1  }
0x8c: {  	s16 =	sshll.u32 s0, $0xA;
	s2 =	sadd.s32 s3, s2  }
0x8d: {  	s2 =	sadd.s32 s2, s16  }
0x8e: {  	[smem:$0x3FB5] =	sst s2  }
0x8f: {  	_ = 	snop  }
0x90: {  	(tm) =	ssettm $0x1  }
0x91: {  	s17 =	sld [smem:$0x3FFB];
	_ =	sdelay $0x3  }
0x92: {  	_ =	strace s17  }
0x93: {  	s2 =	sld [smem:$0x3FFC];
	_ =	sdelay $0x3  }
0x94: {  	_ =	strace s2  }
0x95: {  	s2 =	sld [smem:$0x3FFD];
	_ =	sdelay $0x3  }
0x96: {  	_ =	strace s2  }
0x97: {  	_ =	strace $0x8FFFFFFF  }
0x98: {  	s18 =	sld [smem:$0x3FDB];
	_ =	sdelay $0x1  }
0x99: {  	s19 =	simm.s32 $_scs_section_size  }
0x9a: {  	s4 =	simm.s32 $_size__tile_overlayer_lowered;
	s5 =	simm.s32 $_tile_overlayer_lowered  }
0x9b: {  	s22 =	simm.s32 $0x1BFF;
	s21 =	sshll.u32 s5, $0x1;
	s2 =	sadd.s32 s19, s18  }
0x9c: {  	s6 =	simm.s32 $0x0;
	s20 =	sshll.u32 s4, $0x1;
	s4 =	sadd.s32 s21, s2  }
0x9d: {  	[timem:s6], [sflag:s22] =	dma.local [hbm:s4], s20  }
0x9e: {  	_ =	swait.ge [sflag:s22], s20  }
0x9f: {  	s3 =	ssub.s32 $0x0, s20;
	[sflag:s22] =	ssyncset.done $0x0  }
0xa0: {  	[sflag:s22] =	ssyncadd.s32 s3;
	_ =	sdelay $0x1  }
0xa1: {  	s23 =	simm.s32 $0x1B8B  }
0xa2: {  	_ =	swait.ge [sflag:s23], $0x1  }
0xa3: {  	[sflag:s23] =	ssyncset.done $0x0  }
0xa4: {  	s25 =	simm.s32 $0x1B8E;
	s24 =	sld [smem:$0x3FFE];
	[sflag:s23] =	ssyncadd.s32 $0xFFFFFFFF  }
0xa5: {  	s26 =	simm.s32 $execute0_lowered;
	[smem:$0x3FD2] =	sst s25  }
0xa6: {  	s4 =	sshll.u32 s26, $0x1;
	_ =	strace $0x80000049;
	[dreg:$0x1] =	wrdreg $0xFFFFFFFF  }
0xa7: {  	s28 =	simm.s32 $_size_execute0_lowered;
	s2 =	sadd.s32 s2, s4;
	[dreg:$0x0] =	wrdreg $0x0  }
0xa8: {  	s4 =	sshll.u32 s28, $0x1;
	[dreg:$0x2] =	wrdreg s2  }
0xa9: {  	[dreg:$0x3] =	wrdreg s4  }
0xaa: {  	[dreg:$0x4] =	wrdreg $0xC0  }
0xab: {  	_ =	task [dreg:s6], $0x5FFFF  }
0xac: {  	[dreg:$0x1] =	wrdreg $0xFFFFFFFF  }
0xad: {  	[dreg:$0x0] =	wrdreg $0x60  }
0xae: {  	[dreg:$0x2] =	wrdreg s24  }
0xaf: {  	[dreg:$0x3] =	wrdreg $0x50000  }
0xb0: {  	[dreg:$0x4] =	wrdreg $0xEE000  }
0xb1: {  	[dreg:$0x5] =	wrdreg $0x9  }
0xb2: {  	_ =	task.clear_ibuf [dreg:s6], $0x6FFFF;
	_ =	strace $0x90000049  }
0xb3: {  	s29 =	simm.s32 $0x9;
	_ =	strace $0x8000004B  }
0xb4: {  	_ =	swait.ge [sflag:s29], $0x1  }
0xb5: {  	[sflag:s29] =	ssyncadd.s32 $0xFFFFFFFF  }
0xb6: {  	_ =	strace $0x9000004B  }
0xb7: {  	_ =	sfence  }
0xb8: {  	s30 =	sld [smem:$0x0];
	_ =	sdelay $0x2  }
0xb9: {  	s31 =	sshll.u32 s1, $0xD;
	s1 =	sshrl.u32 s1, $0x2  }
0xba: {  	s3 =	sand.u32 $0x4000, s31;
	s1 =	sadd.s32 s1, s30  }
0xbb: {  	s0 =	sor.u32 s3, s0;
	s1 =	sshll.u32 s1, $0x11  }
0xbc: {  	s0 =	sor.u32 s1, s0  }
0xbd: {  	s0 =	sadd.s32 $0x8F2B, s0  }
0xbe: {  	[sflag:s0] =	ssyncadd.remote.s32 $0x1  }
0xbf: {  	_ =	sfence.sel $0xFFFF  }
0xc0: {  	[dreg:$0x0] =	wrdreg $0xFFFFFFFF;
	(pc) =	sbr.abs _section_cstart, $3  }
0xc1: {  	[dreg:$0x1] =	wrdreg $0xFFFFFFFF  }
0xc2: {  	_ =	task.clear_ibuf [dreg:s6], $0x2FFFF;
	_ =	strace $0x9FFFFFFF  }
0xc3: {  	(tm) =	ssettm $0x7FFFFFFF  }
tec
execute0_lowered:
.L_overlay_start_1:
0x0: {  	(tag) =	ssettag $0x1  }
0x1: {  	s0 =	rddreg [dreg:$0x0]  }
0x2: {  	s2 =	rddreg [dreg:$0x1]  }
0x3: {  	s3 =	rddreg [dreg:$0x2];
	s4 =	simm.s32 $0x0  }
0x4: {  	s7 =	simm.s32 $0x80;
	[smem:$0x7FF] =	sst s4  }
0x5: {  	s8 =	simm.s32 $0xC0;
	_ =	strace $0x8000004A;
	[dreg:$0x6] =	wrdreg s7  }
0x6: {  	s10 =	simm.s32 $0x100;
	[dreg:$0x7] =	wrdreg s8  }
0x7: {  	s11 =	simm.s32 $0x840;
	[dreg:$0x8] =	wrdreg s10  }
0x8: {  	s12 =	simm.s32 $0x140;
	[dreg:$0x9] =	wrdreg s11  }
0x9: {  	s13 =	simm.s32 $0x880;
	[dreg:$0xa] =	wrdreg s12  }
0xa: {  	s14 =	simm.s32 $0x180;
	[dreg:$0xb] =	wrdreg s13  }
0xb: {  	s15 =	simm.s32 $0x8C0;
	[dreg:$0xc] =	wrdreg s14  }
0xc: {  	s16 =	simm.s32 $0x1C0;
	[dreg:$0xd] =	wrdreg s15  }
0xd: {  	s17 =	simm.s32 $0x900;
	[dreg:$0xe] =	wrdreg s16  }
0xe: {  	s18 =	simm.s32 $0x200;
	[dreg:$0xf] =	wrdreg s17  }
0xf: {  	s19 =	simm.s32 $0x940;
	[dreg:$0x10] =	wrdreg s18  }
0x10: {  	s20 =	simm.s32 $0x240;
	[dreg:$0x11] =	wrdreg s19  }
0x11: {  	s21 =	simm.s32 $0x980;
	[dreg:$0x12] =	wrdreg s20  }
0x12: {  	s22 =	simm.s32 $0x280;
	[dreg:$0x13] =	wrdreg s21  }
0x13: {  	s23 =	simm.s32 $0x9C0;
	[dreg:$0x14] =	wrdreg s22  }
0x14: {  	s24 =	simm.s32 $0x2C0;
	[dreg:$0x15] =	wrdreg s23  }
0x15: {  	s25 =	simm.s32 $0xA00;
	[dreg:$0x16] =	wrdreg s24  }
0x16: {  	s6 =	simm.s32 $0x300;
	[dreg:$0x17] =	wrdreg s25  }
0x17: {  	[dreg:$0x18] =	wrdreg s6;
	s7 =	simm.s32 $0xA40  }
0x18: {  	s8 =	simm.s32 $0x340;
	[dreg:$0x19] =	wrdreg s7  }
0x19: {  	s10 =	simm.s32 $0xA80;
	[dreg:$0x1a] =	wrdreg s8  }
0x1a: {  	s11 =	simm.s32 $0x380;
	[dreg:$0x1b] =	wrdreg s10  }
0x1b: {  	s9 =	stileid.u32;
	s12 =	simm.s32 $0xAC0;
	[dreg:$0x1c] =	wrdreg s11  }
0x1c: {  	s28 =	simm.s32 $0x740;
	s13 =	simm.s32 $0x3C0;
	[dreg:$0x1d] =	wrdreg s12  }
0x1d: {  	s29 =	simm.s32 $0xE80;
	s14 =	simm.s32 $0xB00;
	[dreg:$0x1e] =	wrdreg s13  }
0x1e: {  	s30 =	simm.s32 $0x780;
	s15 =	simm.s32 $0x400;
	[dreg:$0x1f] =	wrdreg s14  }
0x1f: {  	s31 =	simm.s32 $0xEC0;
	s16 =	simm.s32 $0xB40;
	[smem:$0x7DD] =	sst s15  }
0x20: {  	s1 =	smul.u32 $0x1400, s9;
	s17 =	simm.s32 $0x440;
	[smem:$0x7DE] =	sst s16  }
0x21: {  	s26 =	smul.u32 $0x9E00, s9;
	s19 =	simm.s32 $0xB80;
	[smem:$0x7DF] =	sst s17  }
0x22: {  	s9 =	sshll.u32 s9, $0x6;
	s20 =	simm.s32 $0x480;
	[smem:$0x7E0] =	sst s19  }
0x23: {  	s22 =	simm.s32 $0xBC0;
	s23 =	simm.s32 $0x4C0;
	[smem:$0x7E1] =	sst s20  }
0x24: {  	s24 =	simm.s32 $0xC00;
	s9 =	sor.u32 $0x1C09, s9;
	[smem:$0x7E3] =	sst s22  }
0x25: {  	s25 =	simm.s32 $0x500;
	s1 =	sadd.s32 s1, s0;
	[smem:$0x7E4] =	sst s23  }
0x26: {  	s6 =	sshrl.u32 s26, $0x3;
	s7 =	srdreg.scid;
	[smem:$0x7E5] =	sst s24  }
0x27: {  	s21 =	sadd.s32 s26, s2;
	[smem:$0x7E6] =	sst s25;
	s12 =	simm.s32 $0x580  }
0x28: {  	s14 =	simm.s32 $0xCC0;
	s15 =	simm.s32 $0x5C0;
	[smem:$0x7FC] =	sst s9  }
0x29: {  	s16 =	simm.s32 $0xD00;
	s17 =	simm.s32 $0x600;
	[smem:$0x7EE] =	sst s12  }
0x2a: {  	s19 =	simm.s32 $0x640;
	s20 =	simm.s32 $0xD80;
	[smem:$0x7EF] =	sst s14  }
0x2b: {  	s22 =	simm.s32 $0xDC0;
	s23 =	simm.s32 $0x6C0;
	[smem:$0x7F0] =	sst s15  }
0x2c: {  	s24 =	simm.s32 $0xE00;
	s25 =	simm.s32 $0x700;
	[smem:$0x7F1] =	sst s16  }
0x2d: {  	s5 =	sadd.s32 $0x1C00, s1;
	s1 =	sadd.s32 $0x15C00, s1;
	[smem:$0x7F2] =	sst s17  }
0x2e: {  	s7 =	sand.u32 $0x1, s7;
	s6 =	sadd.s32 s6, s0;
	[smem:$0x7F4] =	sst s19  }
0x2f: {  	s13 =	sshrl.u32 s21, $0x3;
	s14 =	simm.s32 $0x40;
	[smem:$0x7F5] =	sst s20  }
0x30: {  	s15 =	simm.s32 $0x1000;
	s16 =	simm.s32 $0x2000;
	[smem:$0x7F7] =	sst s22  }
0x31: {  	s17 =	simm.s32 $0x3000;
	s21 =	simm.s32 $0x680;
	[smem:$0x7F8] =	sst s23  }
0x32: {  	s19 =	simm.s32 $0x4000;
	s20 =	simm.s32 $0x2;
	[smem:$0x7F9] =	sst s24  }
0x33: {  	s22 =	simm.s32 $0x3;
	[smem:$0x7FA] =	sst s25;
	s23 =	simm.s32 $0x6  }
0x34: {  	s24 =	simm.s32 $0x4;
	s25 =	simm.s32 $0x7;
	[dreg:$0x4] =	wrdreg s5  }
0x35: {  	[dreg:$0x5] =	wrdreg s1;
	s8 =	smul.u32 $0x9E000, s7;
	s7 =	ssub.s32 $0x2, s7  }
0x36: {  	s5 =	sadd.s32 s26, s3;
	s6 =	sadd.s32 $0x51400, s6;
	[smem:$0x7ED] =	sst s13  }
0x37: {  	s13 =	simm.s32 $0x800;
	[smem:$0x7F6] =	sst s21;
	s21 =	simm.s32 $0x5  }
0x38: {  	s1 =	simm.s32 $0x7C0;
	s18 =	sshrl.u32 s7, $0x1;
	[smem:$0x7E7] =	sst s6  }
0x39: {  	s6 =	simm.s32 $0x540;
	s12 =	sshrl.u32 s5, $0x3;
	s5 =	simm.s32 $0xF40  }
0x3a: {  	s8 =	sadd.s32 s26, s8;
	s7 =	ssub.s32 s7, s18;
	[smem:$0x7EA] =	sst s6  }
0x3b: {  	s26 =	simm.s32 $0xC40;
	s18 =	simm.s32 $0xD40;
	[smem:$0x7FD] =	sst s12  }
0x3c: {  	s8 =	sshrl.u32 s8, $0x3;
	[smem:$0x7E8] =	sst s26;
	s11 =	smax.u32 s7, $0x1  }
0x3d: {  	[smem:$0x7F3] =	sst s18;
	s18 =	simm.s32 $0x1;
	s26 =	simm.s32 $0xE40  }
0x3e: {  	s7 =	simm.s32 $0xF80;
	s0 =	sadd.s32 s8, s0;
	[smem:$0x7EB] =	sst s11  }
0x3f: {  	s11 =	simm.s32 $0x9;
	[smem:$0x7FB] =	sst s26;
	s10 =	sadd.s32 $0x29C00, s0  }
0x40: {  	s26 =	simm.s32 $0x8;
	s0 =	sadd.s32 $0x65000, s0;
	[smem:$0x7E2] =	sst s10  }
0x41: {  	s8 =	simm.s32 $0xFC0;
	[smem:$0x7E9] =	sst s0;
	s10 =	simm.s32 $0xC80  }
0x42: {  	s0 =	simm.s32 $0xF00;
	[smem:$0x7EC] =	sst s10;
	s10 =	simm.s32 $0x0  }
.LBB2_1:
0x43: {  	[smem:$0x7DC] =	sst s10  }
0x44: {  	s6 =	sld [smem:$0x7E2]  }
0x45: {  	s10 =	sld [smem:$0x7ED];
	_ =	sdelay $0x2  }
0x46: {  	[spmem:s10], [sflag:s9] =	dma.local [hbm:s6], $0x13C0  }
0x47: {  	_ =	swait.ge [sflag:s11], $0x13C0  }
0x48: {  	s10 =	sld [smem:$0x7E7]  }
0x49: {  	[sflag:s11] =	ssyncset.done $0x0  }
0x4a: {  	[sflag:s11] =	ssyncadd.s32 $0xFFFFEC40  }
0x4b: {  	[spmem:s12], [sflag:s9] =	dma.local [hbm:s10], $0x13C0  }
0x4c: {  	_ =	swait.ge [sflag:s11], $0x13C0  }
0x4d: {  	[sflag:s11] =	ssyncset.done $0x0  }
0x4e: {  	[sflag:s11] =	ssyncadd.s32 $0xFFFFEC40  }
0x4f: {  	[bflag:$0x0] =	sbarrier.arrive $0xFFFF  }
0x50: {  	s10 =	rddreg [dreg:$0x5]  }
0x51: {  	s6 =	sadd.s32 $0x0, s10  }
0x52: {  	[tilespmem:s4], [sflag:$0x9] =	stream.linear.gather [hbm4b:s6+s4], $0x800, $0x38;
	[tilespmem:$0x18C00] =	vst v63  }
0x53: {  	_ =	swait.ge [sflag:s11], $0x800  }
0x54: {  	s12 =	rddreg [dreg:$0x4];
	[sflag:s11] =	ssyncset.done $0x0  }
0x55: {  	[sflag:s11] =	ssyncadd.s32 $0xFFFFF800;
	s6 =	sadd.s32 $0x0, s12  }
0x56: {  	[tilespmem:s13], [sflag:$0x9] =	stream.linear.gather [hbm4b:s6+s4], $0x800, $0x38;
	[tilespmem:$0x18C00] =	vst v63  }
0x57: {  	_ =	swait.ge [sflag:s11], $0x800  }
0x58: {  	[sflag:s11] =	ssyncset.done $0x0  }
0x59: {  	[sflag:s11] =	ssyncadd.s32 $0xFFFFF800  }
0x5a: {  	[tilespmem:s15], [sflag:$0x1] =	stream.indirect.gather [spmem:s2], $0x40, s4, s14, $0xb8;
	[tilespmem:$0x18C00] =	vst v63  }
0x5b: {  	_ = 	snop  }
0x5c: {  	[tilespmem:s16], [sflag:$0x2] =	stream.indirect.gather [spmem:s2], $0x40, s14, s14, $0xb8;
	[tilespmem:$0x18C00] =	vst v63  }
0x5d: {  	s9 =	rddreg [dreg:$0x6]  }
0x5e: {  	[tilespmem:s17], [sflag:$0x3] =	stream.indirect.gather [spmem:s2], $0x40, s9, s14, $0xb8;
	[tilespmem:$0x18C00] =	vst v63  }
0x5f: {  	_ =	swait.ge [sflag:s18], $0x1000  }
0x60: {  	[sflag:s18] =	ssyncset.done $0x0  }
0x61: {  	s10 =	rddreg [dreg:$0x7];
	[sflag:s18] =	ssyncadd.s32 $0xFFFFF000  }
0x62: {  	[tilespmem:s19], [sflag:$0x4] =	stream.indirect.gather [spmem:s2], $0x40, s10, s14, $0xb8;
	[tilespmem:$0x18C00] =	vst v63  }
0x63: {  	_ = 	snop  }
0x64: {  	[spmem:s3] =	stream.indirect.scatter.add.f32 [tilespmem:s15], [sflag:$0x5], $0x40, s13, s14, $0xb8;
	[tilespmem:$0x18C00] =	vst v63  }
0x65: {  	_ =	swait.ge [sflag:s20], $0x1000  }
0x66: {  	[sflag:s20] =	ssyncset.done $0x0  }
0x67: {  	[sflag:s20] =	ssyncadd.s32 $0xFFFFF000  }
0x68: {  	_ =	swait.ge [sflag:s21], $0x1000  }
0x69: {  	[sflag:s21] =	ssyncset.done $0x0  }
0x6a: {  	s12 =	rddreg [dreg:$0x8];
	[sflag:s21] =	ssyncadd.s32 $0xFFFFF000  }
0x6b: {  	[tilespmem:s15], [sflag:$0x1] =	stream.indirect.gather [spmem:s2], $0x40, s12, s14, $0xb8;
	[tilespmem:$0x18C00] =	vst v63  }
0x6c: {  	s9 =	rddreg [dreg:$0x9]  }
0x6d: {  	[spmem:s3] =	stream.indirect.scatter.add.f32 [tilespmem:s16], [sflag:$0x6], $0x40, s9, s14, $0xb8;
	[tilespmem:$0x18C00] =	vst v63  }
0x6e: {  	_ =	swait.ge [sflag:s22], $0x1000  }
0x6f: {  	[sflag:s22] =	ssyncset.done $0x0  }
0x70: {  	[sflag:s22] =	ssyncadd.s32 $0xFFFFF000  }
0x71: {  	_ =	swait.ge [sflag:s23], $0x1000  }
0x72: {  	[sflag:s23] =	ssyncset.done $0x0  }
0x73: {  	s12 =	rddreg [dreg:$0xa];
	[sflag:s23] =	ssyncadd.s32 $0xFFFFF000  }
0x74: {  	[tilespmem:s16], [sflag:$0x2] =	stream.indirect.gather [spmem:s2], $0x40, s12, s14, $0xb8;
	[tilespmem:$0x18C00] =	vst v63  }
0x75: {  	s9 =	rddreg [dreg:$0xb]  }
0x76: {  	[spmem:s3] =	stream.indirect.scatter.add.f32 [tilespmem:s17], [sflag:$0x7], $0x40, s9, s14, $0xb8;
	[tilespmem:$0x18C00] =	vst v63  }
0x77: {  	_ =	swait.ge [sflag:s24], $0x1000  }
0x78: {  	[sflag:s24] =	ssyncset.done $0x0  }
0x79: {  	[sflag:s24] =	ssyncadd.s32 $0xFFFFF000  }
0x7a: {  	_ =	swait.ge [sflag:s25], $0x1000  }
0x7b: {  	[sflag:s25] =	ssyncset.done $0x0  }
0x7c: {  	s12 =	rddreg [dreg:$0xc];
	[sflag:s25] =	ssyncadd.s32 $0xFFFFF000  }
0x7d: {  	[tilespmem:s17], [sflag:$0x3] =	stream.indirect.gather [spmem:s2], $0x40, s12, s14, $0xb8;
	[tilespmem:$0x18C00] =	vst v63  }
0x7e: {  	s9 =	rddreg [dreg:$0xd]  }
0x7f: {  	[spmem:s3] =	stream.indirect.scatter.add.f32 [tilespmem:s19], [sflag:$0x8], $0x40, s9, s14, $0xb8;
	[tilespmem:$0x18C00] =	vst v63  }
0x80: {  	_ =	swait.ge [sflag:s18], $0x1000  }
0x81: {  	[sflag:s18] =	ssyncset.done $0x0  }
0x82: {  	[sflag:s18] =	ssyncadd.s32 $0xFFFFF000  }
0x83: {  	_ =	swait.ge [sflag:s26], $0x1000  }
0x84: {  	[sflag:s26] =	ssyncset.done $0x0  }
0x85: {  	s12 =	rddreg [dreg:$0xe];
	[sflag:s26] =	ssyncadd.s32 $0xFFFFF000  }
0x86: {  	[tilespmem:s19], [sflag:$0x4] =	stream.indirect.gather [spmem:s2], $0x40, s12, s14, $0xb8;
	[tilespmem:$0x18C00] =	vst v63  }
0x87: {  	s9 =	rddreg [dreg:$0xf]  }
0x88: {  	[spmem:s3] =	stream.indirect.scatter.add.f32 [tilespmem:s15], [sflag:$0x5], $0x40, s9, s14, $0xb8;
	[tilespmem:$0x18C00] =	vst v63  }
0x89: {  	_ =	swait.ge [sflag:s20], $0x1000  }
0x8a: {  	[sflag:s20] =	ssyncset.done $0x0  }
0x8b: {  	[sflag:s20] =	ssyncadd.s32 $0xFFFFF000  }
0x8c: {  	_ =	swait.ge [sflag:s21], $0x1000  }
0x8d: {  	[sflag:s21] =	ssyncset.done $0x0  }
0x8e: {  	s12 =	rddreg [dreg:$0x10];
	[sflag:s21] =	ssyncadd.s32 $0xFFFFF000  }
0x8f: {  	[tilespmem:s15], [sflag:$0x1] =	stream.indirect.gather [spmem:s2], $0x40, s12, s14, $0xb8;
	[tilespmem:$0x18C00] =	vst v63  }
0x90: {  	s9 =	rddreg [dreg:$0x11]  }
0x91: {  	[spmem:s3] =	stream.indirect.scatter.add.f32 [tilespmem:s16], [sflag:$0x6], $0x40, s9, s14, $0xb8;
	[tilespmem:$0x18C00] =	vst v63  }
0x92: {  	_ =	swait.ge [sflag:s22], $0x1000  }
0x93: {  	[sflag:s22] =	ssyncset.done $0x0  }
0x94: {  	[sflag:s22] =	ssyncadd.s32 $0xFFFFF000  }
0x95: {  	_ =	swait.ge [sflag:s23], $0x1000  }
0x96: {  	[sflag:s23] =	ssyncset.done $0x0  }
0x97: {  	s12 =	rddreg [dreg:$0x12];
	[sflag:s23] =	ssyncadd.s32 $0xFFFFF000  }
0x98: {  	[tilespmem:s16], [sflag:$0x2] =	stream.indirect.gather [spmem:s2], $0x40, s12, s14, $0xb8;
	[tilespmem:$0x18C00] =	vst v63  }
0x99: {  	s9 =	rddreg [dreg:$0x13]  }
0x9a: {  	[spmem:s3] =	stream.indirect.scatter.add.f32 [tilespmem:s17], [sflag:$0x7], $0x40, s9, s14, $0xb8;
	[tilespmem:$0x18C00] =	vst v63  }
0x9b: {  	_ =	swait.ge [sflag:s24], $0x1000  }
0x9c: {  	[sflag:s24] =	ssyncset.done $0x0  }
0x9d: {  	[sflag:s24] =	ssyncadd.s32 $0xFFFFF000  }
0x9e: {  	_ =	swait.ge [sflag:s25], $0x1000  }
0x9f: {  	[sflag:s25] =	ssyncset.done $0x0  }
0xa0: {  	s12 =	rddreg [dreg:$0x14];
	[sflag:s25] =	ssyncadd.s32 $0xFFFFF000  }
0xa1: {  	[tilespmem:s17], [sflag:$0x3] =	stream.indirect.gather [spmem:s2], $0x40, s12, s14, $0xb8;
	[tilespmem:$0x18C00] =	vst v63  }
0xa2: {  	s9 =	rddreg [dreg:$0x15]  }
0xa3: {  	[spmem:s3] =	stream.indirect.scatter.add.f32 [tilespmem:s19], [sflag:$0x8], $0x40, s9, s14, $0xb8;
	[tilespmem:$0x18C00] =	vst v63  }
0xa4: {  	_ =	swait.ge [sflag:s18], $0x1000  }
0xa5: {  	[sflag:s18] =	ssyncset.done $0x0  }
0xa6: {  	[sflag:s18] =	ssyncadd.s32 $0xFFFFF000  }
0xa7: {  	_ =	swait.ge [sflag:s26], $0x1000  }
0xa8: {  	[sflag:s26] =	ssyncset.done $0x0  }
0xa9: {  	s12 =	rddreg [dreg:$0x16];
	[sflag:s26] =	ssyncadd.s32 $0xFFFFF000  }
0xaa: {  	[tilespmem:s19], [sflag:$0x4] =	stream.indirect.gather [spmem:s2], $0x40, s12, s14, $0xb8;
	[tilespmem:$0x18C00] =	vst v63  }
0xab: {  	s9 =	rddreg [dreg:$0x17]  }
0xac: {  	[spmem:s3] =	stream.indirect.scatter.add.f32 [tilespmem:s15], [sflag:$0x5], $0x40, s9, s14, $0xb8;
	[tilespmem:$0x18C00] =	vst v63  }
0xad: {  	_ =	swait.ge [sflag:s20], $0x1000  }
0xae: {  	[sflag:s20] =	ssyncset.done $0x0  }
0xaf: {  	[sflag:s20] =	ssyncadd.s32 $0xFFFFF000  }
0xb0: {  	_ =	swait.ge [sflag:s21], $0x1000  }
0xb1: {  	[sflag:s21] =	ssyncset.done $0x0  }
0xb2: {  	s12 =	rddreg [dreg:$0x18];
	[sflag:s21] =	ssyncadd.s32 $0xFFFFF000  }
0xb3: {  	[tilespmem:s15], [sflag:$0x1] =	stream.indirect.gather [spmem:s2], $0x40, s12, s14, $0xb8;
	[tilespmem:$0x18C00] =	vst v63  }
0xb4: {  	s9 =	rddreg [dreg:$0x19]  }
0xb5: {  	[spmem:s3] =	stream.indirect.scatter.add.f32 [tilespmem:s16], [sflag:$0x6], $0x40, s9, s14, $0xb8;
	[tilespmem:$0x18C00] =	vst v63  }
0xb6: {  	_ =	swait.ge [sflag:s22], $0x1000  }
0xb7: {  	[sflag:s22] =	ssyncset.done $0x0  }
0xb8: {  	[sflag:s22] =	ssyncadd.s32 $0xFFFFF000  }
0xb9: {  	_ =	swait.ge [sflag:s23], $0x1000  }
0xba: {  	[sflag:s23] =	ssyncset.done $0x0  }
0xbb: {  	s12 =	rddreg [dreg:$0x1a];
	[sflag:s23] =	ssyncadd.s32 $0xFFFFF000  }
0xbc: {  	[tilespmem:s16], [sflag:$0x2] =	stream.indirect.gather [spmem:s2], $0x40, s12, s14, $0xb8;
	[tilespmem:$0x18C00] =	vst v63  }
0xbd: {  	s9 =	rddreg [dreg:$0x1b]  }
0xbe: {  	[spmem:s3] =	stream.indirect.scatter.add.f32 [tilespmem:s17], [sflag:$0x7], $0x40, s9, s14, $0xb8;
	[tilespmem:$0x18C00] =	vst v63  }
0xbf: {  	_ =	swait.ge [sflag:s24], $0x1000  }
0xc0: {  	[sflag:s24] =	ssyncset.done $0x0  }
0xc1: {  	[sflag:s24] =	ssyncadd.s32 $0xFFFFF000  }
0xc2: {  	_ =	swait.ge [sflag:s25], $0x1000  }
0xc3: {  	[sflag:s25] =	ssyncset.done $0x0  }
0xc4: {  	s12 =	rddreg [dreg:$0x1c];
	[sflag:s25] =	ssyncadd.s32 $0xFFFFF000  }
0xc5: {  	[tilespmem:s17], [sflag:$0x3] =	stream.indirect.gather [spmem:s2], $0x40, s12, s14, $0xb8;
	[tilespmem:$0x18C00] =	vst v63  }
0xc6: {  	s9 =	rddreg [dreg:$0x1d]  }
0xc7: {  	[spmem:s3] =	stream.indirect.scatter.add.f32 [tilespmem:s19], [sflag:$0x8], $0x40, s9, s14, $0xb8;
	[tilespmem:$0x18C00] =	vst v63  }
0xc8: {  	_ =	swait.ge [sflag:s18], $0x1000  }
0xc9: {  	[sflag:s18] =	ssyncset.done $0x0  }
0xca: {  	[sflag:s18] =	ssyncadd.s32 $0xFFFFF000  }
0xcb: {  	_ =	swait.ge [sflag:s26], $0x1000  }
0xcc: {  	[sflag:s26] =	ssyncset.done $0x0  }
0xcd: {  	s12 =	rddreg [dreg:$0x1e];
	[sflag:s26] =	ssyncadd.s32 $0xFFFFF000  }
0xce: {  	[tilespmem:s19], [sflag:$0x4] =	stream.indirect.gather [spmem:s2], $0x40, s12, s14, $0xb8;
	[tilespmem:$0x18C00] =	vst v63  }
0xcf: {  	s9 =	rddreg [dreg:$0x1f]  }
0xd0: {  	[spmem:s3] =	stream.indirect.scatter.add.f32 [tilespmem:s15], [sflag:$0x5], $0x40, s9, s14, $0xb8;
	[tilespmem:$0x18C00] =	vst v63  }
0xd1: {  	_ =	swait.ge [sflag:s20], $0x1000  }
0xd2: {  	[sflag:s20] =	ssyncset.done $0x0  }
0xd3: {  	[sflag:s20] =	ssyncadd.s32 $0xFFFFF000  }
0xd4: {  	_ =	swait.ge [sflag:s21], $0x1000  }
0xd5: {  	s12 =	sld [smem:$0x7DD]  }
0xd6: {  	[sflag:s21] =	ssyncset.done $0x0  }
0xd7: {  	s9 =	sld [smem:$0x7DE];
	[sflag:s21] =	ssyncadd.s32 $0xFFFFF000  }
0xd8: {  	[tilespmem:s15], [sflag:$0x1] =	stream.indirect.gather [spmem:s2], $0x40, s12, s14, $0xb8;
	[tilespmem:$0x18C00] =	vst v63  }
0xd9: {  	_ = 	snop  }
0xda: {  	[spmem:s3] =	stream.indirect.scatter.add.f32 [tilespmem:s16], [sflag:$0x6], $0x40, s9, s14, $0xb8;
	[tilespmem:$0x18C00] =	vst v63  }
0xdb: {  	_ =	swait.ge [sflag:s22], $0x1000  }
0xdc: {  	[sflag:s22] =	ssyncset.done $0x0  }
0xdd: {  	[sflag:s22] =	ssyncadd.s32 $0xFFFFF000  }
0xde: {  	_ =	swait.ge [sflag:s23], $0x1000  }
0xdf: {  	s12 =	sld [smem:$0x7DF]  }
0xe0: {  	[sflag:s23] =	ssyncset.done $0x0  }
0xe1: {  	s9 =	sld [smem:$0x7E0];
	[sflag:s23] =	ssyncadd.s32 $0xFFFFF000  }
0xe2: {  	[tilespmem:s16], [sflag:$0x2] =	stream.indirect.gather [spmem:s2], $0x40, s12, s14, $0xb8;
	[tilespmem:$0x18C00] =	vst v63  }
0xe3: {  	_ = 	snop  }
0xe4: {  	[spmem:s3] =	stream.indirect.scatter.add.f32 [tilespmem:s17], [sflag:$0x7], $0x40, s9, s14, $0xb8;
	[tilespmem:$0x18C00] =	vst v63  }
0xe5: {  	_ =	swait.ge [sflag:s24], $0x1000  }
0xe6: {  	[sflag:s24] =	ssyncset.done $0x0  }
0xe7: {  	[sflag:s24] =	ssyncadd.s32 $0xFFFFF000  }
0xe8: {  	_ =	swait.ge [sflag:s25], $0x1000  }
0xe9: {  	s12 =	sld [smem:$0x7E1]  }
0xea: {  	[sflag:s25] =	ssyncset.done $0x0  }
0xeb: {  	s9 =	sld [smem:$0x7E3];
	[sflag:s25] =	ssyncadd.s32 $0xFFFFF000  }
0xec: {  	[tilespmem:s17], [sflag:$0x3] =	stream.indirect.gather [spmem:s2], $0x40, s12, s14, $0xb8;
	[tilespmem:$0x18C00] =	vst v63  }
0xed: {  	_ = 	snop  }
0xee: {  	[spmem:s3] =	stream.indirect.scatter.add.f32 [tilespmem:s19], [sflag:$0x8], $0x40, s9, s14, $0xb8;
	[tilespmem:$0x18C00] =	vst v63  }
0xef: {  	_ =	swait.ge [sflag:s18], $0x1000  }
0xf0: {  	[sflag:s18] =	ssyncset.done $0x0  }
0xf1: {  	[sflag:s18] =	ssyncadd.s32 $0xFFFFF000  }
0xf2: {  	_ =	swait.ge [sflag:s26], $0x1000  }
0xf3: {  	s12 =	sld [smem:$0x7E4]  }
0xf4: {  	[sflag:s26] =	ssyncset.done $0x0  }
0xf5: {  	s9 =	sld [smem:$0x7E5];
	[sflag:s26] =	ssyncadd.s32 $0xFFFFF000  }
0xf6: {  	[tilespmem:s19], [sflag:$0x4] =	stream.indirect.gather [spmem:s2], $0x40, s12, s14, $0xb8;
	[tilespmem:$0x18C00] =	vst v63  }
0xf7: {  	_ = 	snop  }
0xf8: {  	[spmem:s3] =	stream.indirect.scatter.add.f32 [tilespmem:s15], [sflag:$0x5], $0x40, s9, s14, $0xb8;
	[tilespmem:$0x18C00] =	vst v63  }
0xf9: {  	_ =	swait.ge [sflag:s20], $0x1000  }
0xfa: {  	[sflag:s20] =	ssyncset.done $0x0  }
0xfb: {  	[sflag:s20] =	ssyncadd.s32 $0xFFFFF000  }
0xfc: {  	_ =	swait.ge [sflag:s21], $0x1000  }
0xfd: {  	s12 =	sld [smem:$0x7E6]  }
0xfe: {  	[sflag:s21] =	ssyncset.done $0x0  }
0xff: {  	s9 =	sld [smem:$0x7E8];
	[sflag:s21] =	ssyncadd.s32 $0xFFFFF000  }
0x100: {  	[tilespmem:s15], [sflag:$0x1] =	stream.indirect.gather [spmem:s2], $0x40, s12, s14, $0xb8;
	[tilespmem:$0x18C00] =	vst v63  }
0x101: {  	_ = 	snop  }
0x102: {  	[spmem:s3] =	stream.indirect.scatter.add.f32 [tilespmem:s16], [sflag:$0x6], $0x40, s9, s14, $0xb8;
	[tilespmem:$0x18C00] =	vst v63  }
0x103: {  	_ =	swait.ge [sflag:s22], $0x1000  }
0x104: {  	[sflag:s22] =	ssyncset.done $0x0  }
0x105: {  	[sflag:s22] =	ssyncadd.s32 $0xFFFFF000  }
0x106: {  	_ =	swait.ge [sflag:s23], $0x1000  }
0x107: {  	s12 =	sld [smem:$0x7EA]  }
0x108: {  	[sflag:s23] =	ssyncset.done $0x0  }
0x109: {  	s9 =	sld [smem:$0x7EC];
	[sflag:s23] =	ssyncadd.s32 $0xFFFFF000  }
0x10a: {  	[tilespmem:s16], [sflag:$0x2] =	stream.indirect.gather [spmem:s2], $0x40, s12, s14, $0xb8;
	[tilespmem:$0x18C00] =	vst v63  }
0x10b: {  	_ = 	snop  }
0x10c: {  	[spmem:s3] =	stream.indirect.scatter.add.f32 [tilespmem:s17], [sflag:$0x7], $0x40, s9, s14, $0xb8;
	[tilespmem:$0x18C00] =	vst v63  }
0x10d: {  	_ =	swait.ge [sflag:s24], $0x1000  }
0x10e: {  	[sflag:s24] =	ssyncset.done $0x0  }
0x10f: {  	[sflag:s24] =	ssyncadd.s32 $0xFFFFF000  }
0x110: {  	_ =	swait.ge [sflag:s25], $0x1000  }
0x111: {  	s12 =	sld [smem:$0x7EE]  }
0x112: {  	[sflag:s25] =	ssyncset.done $0x0  }
0x113: {  	s9 =	sld [smem:$0x7EF];
	[sflag:s25] =	ssyncadd.s32 $0xFFFFF000  }
0x114: {  	[tilespmem:s17], [sflag:$0x3] =	stream.indirect.gather [spmem:s2], $0x40, s12, s14, $0xb8;
	[tilespmem:$0x18C00] =	vst v63  }
0x115: {  	_ = 	snop  }
0x116: {  	[spmem:s3] =	stream.indirect.scatter.add.f32 [tilespmem:s19], [sflag:$0x8], $0x40, s9, s14, $0xb8;
	[tilespmem:$0x18C00] =	vst v63  }
0x117: {  	_ =	swait.ge [sflag:s18], $0x1000  }
0x118: {  	[sflag:s18] =	ssyncset.done $0x0  }
0x119: {  	[sflag:s18] =	ssyncadd.s32 $0xFFFFF000  }
0x11a: {  	_ =	swait.ge [sflag:s26], $0x1000  }
0x11b: {  	s12 =	sld [smem:$0x7F0]  }
0x11c: {  	[sflag:s26] =	ssyncset.done $0x0  }
0x11d: {  	s9 =	sld [smem:$0x7F1];
	[sflag:s26] =	ssyncadd.s32 $0xFFFFF000  }
0x11e: {  	[tilespmem:s19], [sflag:$0x4] =	stream.indirect.gather [spmem:s2], $0x40, s12, s14, $0xb8;
	[tilespmem:$0x18C00] =	vst v63  }
0x11f: {  	_ = 	snop  }
0x120: {  	[spmem:s3] =	stream.indirect.scatter.add.f32 [tilespmem:s15], [sflag:$0x5], $0x40, s9, s14, $0xb8;
	[tilespmem:$0x18C00] =	vst v63  }
0x121: {  	_ =	swait.ge [sflag:s20], $0x1000  }
0x122: {  	[sflag:s20] =	ssyncset.done $0x0  }
0x123: {  	[sflag:s20] =	ssyncadd.s32 $0xFFFFF000  }
0x124: {  	_ =	swait.ge [sflag:s21], $0x1000  }
0x125: {  	s12 =	sld [smem:$0x7F2]  }
0x126: {  	[sflag:s21] =	ssyncset.done $0x0  }
0x127: {  	s9 =	sld [smem:$0x7F3];
	[sflag:s21] =	ssyncadd.s32 $0xFFFFF000  }
0x128: {  	[tilespmem:s15], [sflag:$0x1] =	stream.indirect.gather [spmem:s2], $0x40, s12, s14, $0xb8;
	[tilespmem:$0x18C00] =	vst v63  }
0x129: {  	_ = 	snop  }
0x12a: {  	[spmem:s3] =	stream.indirect.scatter.add.f32 [tilespmem:s16], [sflag:$0x6], $0x40, s9, s14, $0xb8;
	[tilespmem:$0x18C00] =	vst v63  }
0x12b: {  	_ =	swait.ge [sflag:s22], $0x1000  }
0x12c: {  	[sflag:s22] =	ssyncset.done $0x0  }
0x12d: {  	[sflag:s22] =	ssyncadd.s32 $0xFFFFF000  }
0x12e: {  	_ =	swait.ge [sflag:s23], $0x1000  }
0x12f: {  	s12 =	sld [smem:$0x7F4]  }
0x130: {  	[sflag:s23] =	ssyncset.done $0x0  }
0x131: {  	s9 =	sld [smem:$0x7F5];
	[sflag:s23] =	ssyncadd.s32 $0xFFFFF000  }
0x132: {  	[tilespmem:s16], [sflag:$0x2] =	stream.indirect.gather [spmem:s2], $0x40, s12, s14, $0xb8;
	[tilespmem:$0x18C00] =	vst v63  }
0x133: {  	_ = 	snop  }
0x134: {  	[spmem:s3] =	stream.indirect.scatter.add.f32 [tilespmem:s17], [sflag:$0x7], $0x40, s9, s14, $0xb8;
	[tilespmem:$0x18C00] =	vst v63  }
0x135: {  	_ =	swait.ge [sflag:s24], $0x1000  }
0x136: {  	[sflag:s24] =	ssyncset.done $0x0  }
0x137: {  	[sflag:s24] =	ssyncadd.s32 $0xFFFFF000  }
0x138: {  	_ =	swait.ge [sflag:s25], $0x1000  }
0x139: {  	s12 =	sld [smem:$0x7F6]  }
0x13a: {  	[sflag:s25] =	ssyncset.done $0x0  }
0x13b: {  	s9 =	sld [smem:$0x7F7];
	[sflag:s25] =	ssyncadd.s32 $0xFFFFF000  }
0x13c: {  	[tilespmem:s17], [sflag:$0x3] =	stream.indirect.gather [spmem:s2], $0x40, s12, s14, $0xb8;
	[tilespmem:$0x18C00] =	vst v63  }
0x13d: {  	_ = 	snop  }
0x13e: {  	[spmem:s3] =	stream.indirect.scatter.add.f32 [tilespmem:s19], [sflag:$0x8], $0x40, s9, s14, $0xb8;
	[tilespmem:$0x18C00] =	vst v63  }
0x13f: {  	_ =	swait.ge [sflag:s18], $0x1000  }
0x140: {  	[sflag:s18] =	ssyncset.done $0x0  }
0x141: {  	[sflag:s18] =	ssyncadd.s32 $0xFFFFF000  }
0x142: {  	_ =	swait.ge [sflag:s26], $0x1000  }
0x143: {  	s12 =	sld [smem:$0x7F8]  }
0x144: {  	[sflag:s26] =	ssyncset.done $0x0  }
0x145: {  	s9 =	sld [smem:$0x7F9];
	[sflag:s26] =	ssyncadd.s32 $0xFFFFF000  }
0x146: {  	[tilespmem:s19], [sflag:$0x4] =	stream.indirect.gather [spmem:s2], $0x40, s12, s14, $0xb8;
	[tilespmem:$0x18C00] =	vst v63  }
0x147: {  	_ = 	snop  }
0x148: {  	[spmem:s3] =	stream.indirect.scatter.add.f32 [tilespmem:s15], [sflag:$0x5], $0x40, s9, s14, $0xb8;
	[tilespmem:$0x18C00] =	vst v63  }
0x149: {  	_ =	swait.ge [sflag:s20], $0x1000  }
0x14a: {  	[sflag:s20] =	ssyncset.done $0x0  }
0x14b: {  	[sflag:s20] =	ssyncadd.s32 $0xFFFFF000  }
0x14c: {  	_ =	swait.ge [sflag:s21], $0x1000  }
0x14d: {  	s10 =	sld [smem:$0x7FA]  }
0x14e: {  	[sflag:s21] =	ssyncset.done $0x0  }
0x14f: {  	s12 =	sld [smem:$0x7FB];
	[sflag:s21] =	ssyncadd.s32 $0xFFFFF000  }
0x150: {  	[tilespmem:s15], [sflag:$0x1] =	stream.indirect.gather [spmem:s2], $0x40, s10, s14, $0xb8;
	[tilespmem:$0x18C00] =	vst v63  }
0x151: {  	_ = 	snop  }
0x152: {  	[spmem:s3] =	stream.indirect.scatter.add.f32 [tilespmem:s16], [sflag:$0x6], $0x40, s12, s14, $0xb8;
	[tilespmem:$0x18C00] =	vst v63  }
0x153: {  	_ =	swait.ge [sflag:s22], $0x1000  }
0x154: {  	[sflag:s22] =	ssyncset.done $0x0  }
0x155: {  	[sflag:s22] =	ssyncadd.s32 $0xFFFFF000  }
0x156: {  	_ =	swait.ge [sflag:s23], $0x1000  }
0x157: {  	[sflag:s23] =	ssyncset.done $0x0  }
0x158: {  	[sflag:s23] =	ssyncadd.s32 $0xFFFFF000  }
0x159: {  	[tilespmem:s16], [sflag:$0x2] =	stream.indirect.gather [spmem:s2], $0x40, s28, s14, $0xb8;
	[tilespmem:$0x18C00] =	vst v63  }
0x15a: {  	_ = 	snop  }
0x15b: {  	[spmem:s3] =	stream.indirect.scatter.add.f32 [tilespmem:s17], [sflag:$0x7], $0x40, s29, s14, $0xb8;
	[tilespmem:$0x18C00] =	vst v63  }
0x15c: {  	_ =	swait.ge [sflag:s24], $0x1000  }
0x15d: {  	[sflag:s24] =	ssyncset.done $0x0  }
0x15e: {  	[sflag:s24] =	ssyncadd.s32 $0xFFFFF000  }
0x15f: {  	_ =	swait.ge [sflag:s25], $0x1000  }
0x160: {  	[sflag:s25] =	ssyncset.done $0x0  }
0x161: {  	[sflag:s25] =	ssyncadd.s32 $0xFFFFF000  }
0x162: {  	[tilespmem:s17], [sflag:$0x3] =	stream.indirect.gather [spmem:s2], $0x40, s30, s14, $0xb8;
	[tilespmem:$0x18C00] =	vst v63  }
0x163: {  	_ = 	snop  }
0x164: {  	[spmem:s3] =	stream.indirect.scatter.add.f32 [tilespmem:s19], [sflag:$0x8], $0x40, s31, s14, $0xb8;
	[tilespmem:$0x18C00] =	vst v63  }
0x165: {  	_ =	swait.ge [sflag:s18], $0x1000  }
0x166: {  	[sflag:s18] =	ssyncset.done $0x0  }
0x167: {  	[sflag:s18] =	ssyncadd.s32 $0xFFFFF000  }
0x168: {  	_ =	swait.ge [sflag:s26], $0x1000  }
0x169: {  	[sflag:s26] =	ssyncset.done $0x0  }
0x16a: {  	[sflag:s26] =	ssyncadd.s32 $0xFFFFF000  }
0x16b: {  	[tilespmem:s19], [sflag:$0x4] =	stream.indirect.gather [spmem:s2], $0x40, s1, s14, $0xb8;
	[tilespmem:$0x18C00] =	vst v63  }
0x16c: {  	_ = 	snop  }
0x16d: {  	[spmem:s3] =	stream.indirect.scatter.add.f32 [tilespmem:s15], [sflag:$0x5], $0x40, s0, s14, $0xb8;
	[tilespmem:$0x18C00] =	vst v63  }
0x16e: {  	_ =	swait.ge [sflag:s20], $0x1000  }
0x16f: {  	[sflag:s20] =	ssyncset.done $0x0  }
0x170: {  	[sflag:s20] =	ssyncadd.s32 $0xFFFFF000  }
0x171: {  	[spmem:s3] =	stream.indirect.scatter.add.f32 [tilespmem:s16], [sflag:$0x6], $0x40, s5, s14, $0xb8;
	[tilespmem:$0x18C00] =	vst v63  }
0x172: {  	_ =	swait.ge [sflag:s22], $0x1000  }
0x173: {  	[sflag:s22] =	ssyncset.done $0x0  }
0x174: {  	[sflag:s22] =	ssyncadd.s32 $0xFFFFF000  }
0x175: {  	[spmem:s3] =	stream.indirect.scatter.add.f32 [tilespmem:s17], [sflag:$0x7], $0x40, s7, s14, $0xb8;
	[tilespmem:$0x18C00] =	vst v63  }
0x176: {  	_ =	swait.ge [sflag:s24], $0x1000  }
0x177: {  	[sflag:s24] =	ssyncset.done $0x0  }
0x178: {  	[sflag:s24] =	ssyncadd.s32 $0xFFFFF000  }
0x179: {  	[spmem:s3] =	stream.indirect.scatter.add.f32 [tilespmem:s19], [sflag:$0x8], $0x40, s8, s14, $0xb8;
	[tilespmem:$0x18C00] =	vst v63  }
0x17a: {  	_ =	swait.ge [sflag:s21], $0x1000  }
0x17b: {  	[sflag:s21] =	ssyncset.done $0x0  }
0x17c: {  	[sflag:s21] =	ssyncadd.s32 $0xFFFFF000  }
0x17d: {  	_ =	swait.ge [sflag:s23], $0x1000  }
0x17e: {  	[sflag:s23] =	ssyncset.done $0x0  }
0x17f: {  	[sflag:s23] =	ssyncadd.s32 $0xFFFFF000  }
0x180: {  	_ =	swait.ge [sflag:s25], $0x1000  }
0x181: {  	[sflag:s25] =	ssyncset.done $0x0  }
0x182: {  	[sflag:s25] =	ssyncadd.s32 $0xFFFFF000  }
0x183: {  	s10 =	simm.s32 $0x100;
	_ =	swait.ge [sflag:s26], $0x1000  }
0x184: {  	s12 =	simm.s32 $0x200;
	s6 =	rddreg [dreg:$0x5];
	[sflag:s26] =	ssyncset.done $0x0  }
.LBB2_2:
0x185: {  	[sflag:s26] =	ssyncadd.s32 $0xFFFFF000;
	s6 =	sadd.s32 s10, s6  }
0x186: {  	[tilespmem:s4], [sflag:$0x9] =	stream.linear.gather [hbm4b:s6+s4], $0x800, $0x38;
	[tilespmem:$0x18C00] =	vst v63  }
0x187: {  	_ =	swait.ge [sflag:s11], $0x800  }
0x188: {  	s6 =	rddreg [dreg:$0x4];
	[sflag:s11] =	ssyncset.done $0x0  }
0x189: {  	[sflag:s11] =	ssyncadd.s32 $0xFFFFF800;
	s6 =	sadd.s32 s10, s6  }
0x18a: {  	[tilespmem:s13], [sflag:$0x9] =	stream.linear.gather [hbm4b:s6+s4], $0x800, $0x38;
	[tilespmem:$0x18C00] =	vst v63  }
0x18b: {  	_ =	swait.ge [sflag:s11], $0x800  }
0x18c: {  	[sflag:s11] =	ssyncset.done $0x0  }
0x18d: {  	[sflag:s11] =	ssyncadd.s32 $0xFFFFF800  }
0x18e: {  	[tilespmem:s15], [sflag:$0x1] =	stream.indirect.gather [spmem:s2], $0x40, s4, s14, $0xb8;
	[tilespmem:$0x18C00] =	vst v63  }
0x18f: {  	s9 =	smov.u32 s12  }
0x190: {  	[tilespmem:s16], [sflag:$0x2] =	stream.indirect.gather [spmem:s2], $0x40, s14, s14, $0xb8;
	[tilespmem:$0x18C00] =	vst v63  }
0x191: {  	s10 =	smov.u32 s9;
	s9 =	rddreg [dreg:$0x6]  }
0x192: {  	[tilespmem:s17], [sflag:$0x3] =	stream.indirect.gather [spmem:s2], $0x40, s9, s14, $0xb8;
	[tilespmem:$0x18C00] =	vst v63  }
0x193: {  	_ =	swait.ge [sflag:s18], $0x1000  }
0x194: {  	[sflag:s18] =	ssyncset.done $0x0  }
0x195: {  	s9 =	rddreg [dreg:$0x7];
	[sflag:s18] =	ssyncadd.s32 $0xFFFFF000  }
0x196: {  	[tilespmem:s19], [sflag:$0x4] =	stream.indirect.gather [spmem:s2], $0x40, s9, s14, $0xb8;
	[tilespmem:$0x18C00] =	vst v63  }
0x197: {  	_ = 	snop  }
0x198: {  	[spmem:s3] =	stream.indirect.scatter.add.f32 [tilespmem:s15], [sflag:$0x5], $0x40, s13, s14, $0xb8;
	[tilespmem:$0x18C00] =	vst v63  }
0x199: {  	_ =	swait.ge [sflag:s20], $0x1000  }
0x19a: {  	[sflag:s20] =	ssyncset.done $0x0  }
0x19b: {  	[sflag:s20] =	ssyncadd.s32 $0xFFFFF000  }
0x19c: {  	_ =	swait.ge [sflag:s21], $0x1000  }
0x19d: {  	[sflag:s21] =	ssyncset.done $0x0  }
0x19e: {  	s6 =	rddreg [dreg:$0x8];
	[sflag:s21] =	ssyncadd.s32 $0xFFFFF000  }
0x19f: {  	[tilespmem:s15], [sflag:$0x1] =	stream.indirect.gather [spmem:s2], $0x40, s6, s14, $0xb8;
	[tilespmem:$0x18C00] =	vst v63  }
0x1a0: {  	s9 =	rddreg [dreg:$0x9]  }
0x1a1: {  	[spmem:s3] =	stream.indirect.scatter.add.f32 [tilespmem:s16], [sflag:$0x6], $0x40, s9, s14, $0xb8;
	[tilespmem:$0x18C00] =	vst v63  }
0x1a2: {  	_ =	swait.ge [sflag:s22], $0x1000  }
0x1a3: {  	[sflag:s22] =	ssyncset.done $0x0  }
0x1a4: {  	[sflag:s22] =	ssyncadd.s32 $0xFFFFF000  }
0x1a5: {  	_ =	swait.ge [sflag:s23], $0x1000  }
0x1a6: {  	[sflag:s23] =	ssyncset.done $0x0  }
0x1a7: {  	s6 =	rddreg [dreg:$0xa];
	[sflag:s23] =	ssyncadd.s32 $0xFFFFF000  }
0x1a8: {  	[tilespmem:s16], [sflag:$0x2] =	stream.indirect.gather [spmem:s2], $0x40, s6, s14, $0xb8;
	[tilespmem:$0x18C00] =	vst v63  }
0x1a9: {  	s9 =	rddreg [dreg:$0xb]  }
0x1aa: {  	[spmem:s3] =	stream.indirect.scatter.add.f32 [tilespmem:s17], [sflag:$0x7], $0x40, s9, s14, $0xb8;
	[tilespmem:$0x18C00] =	vst v63  }
0x1ab: {  	_ =	swait.ge [sflag:s24], $0x1000  }
0x1ac: {  	[sflag:s24] =	ssyncset.done $0x0  }
0x1ad: {  	[sflag:s24] =	ssyncadd.s32 $0xFFFFF000  }
0x1ae: {  	_ =	swait.ge [sflag:s25], $0x1000  }
0x1af: {  	[sflag:s25] =	ssyncset.done $0x0  }
0x1b0: {  	s6 =	rddreg [dreg:$0xc];
	[sflag:s25] =	ssyncadd.s32 $0xFFFFF000  }
0x1b1: {  	[tilespmem:s17], [sflag:$0x3] =	stream.indirect.gather [spmem:s2], $0x40, s6, s14, $0xb8;
	[tilespmem:$0x18C00] =	vst v63  }
0x1b2: {  	s9 =	rddreg [dreg:$0xd]  }
0x1b3: {  	[spmem:s3] =	stream.indirect.scatter.add.f32 [tilespmem:s19], [sflag:$0x8], $0x40, s9, s14, $0xb8;
	[tilespmem:$0x18C00] =	vst v63  }
0x1b4: {  	_ =	swait.ge [sflag:s18], $0x1000  }
0x1b5: {  	[sflag:s18] =	ssyncset.done $0x0  }
0x1b6: {  	[sflag:s18] =	ssyncadd.s32 $0xFFFFF000  }
0x1b7: {  	_ =	swait.ge [sflag:s26], $0x1000  }
0x1b8: {  	[sflag:s26] =	ssyncset.done $0x0  }
0x1b9: {  	s6 =	rddreg [dreg:$0xe];
	[sflag:s26] =	ssyncadd.s32 $0xFFFFF000  }
0x1ba: {  	[tilespmem:s19], [sflag:$0x4] =	stream.indirect.gather [spmem:s2], $0x40, s6, s14, $0xb8;
	[tilespmem:$0x18C00] =	vst v63  }
0x1bb: {  	s9 =	rddreg [dreg:$0xf]  }
0x1bc: {  	[spmem:s3] =	stream.indirect.scatter.add.f32 [tilespmem:s15], [sflag:$0x5], $0x40, s9, s14, $0xb8;
	[tilespmem:$0x18C00] =	vst v63  }
0x1bd: {  	_ =	swait.ge [sflag:s20], $0x1000  }
0x1be: {  	[sflag:s20] =	ssyncset.done $0x0  }
0x1bf: {  	[sflag:s20] =	ssyncadd.s32 $0xFFFFF000  }
0x1c0: {  	_ =	swait.ge [sflag:s21], $0x1000  }
0x1c1: {  	[sflag:s21] =	ssyncset.done $0x0  }
0x1c2: {  	s6 =	rddreg [dreg:$0x10];
	[sflag:s21] =	ssyncadd.s32 $0xFFFFF000  }
0x1c3: {  	[tilespmem:s15], [sflag:$0x1] =	stream.indirect.gather [spmem:s2], $0x40, s6, s14, $0xb8;
	[tilespmem:$0x18C00] =	vst v63  }
0x1c4: {  	s9 =	rddreg [dreg:$0x11]  }
0x1c5: {  	[spmem:s3] =	stream.indirect.scatter.add.f32 [tilespmem:s16], [sflag:$0x6], $0x40, s9, s14, $0xb8;
	[tilespmem:$0x18C00] =	vst v63  }
0x1c6: {  	_ =	swait.ge [sflag:s22], $0x1000  }
0x1c7: {  	[sflag:s22] =	ssyncset.done $0x0  }
0x1c8: {  	[sflag:s22] =	ssyncadd.s32 $0xFFFFF000  }
0x1c9: {  	_ =	swait.ge [sflag:s23], $0x1000  }
0x1ca: {  	[sflag:s23] =	ssyncset.done $0x0  }
0x1cb: {  	s6 =	rddreg [dreg:$0x12];
	[sflag:s23] =	ssyncadd.s32 $0xFFFFF000  }
0x1cc: {  	[tilespmem:s16], [sflag:$0x2] =	stream.indirect.gather [spmem:s2], $0x40, s6, s14, $0xb8;
	[tilespmem:$0x18C00] =	vst v63  }
0x1cd: {  	s9 =	rddreg [dreg:$0x13]  }
0x1ce: {  	[spmem:s3] =	stream.indirect.scatter.add.f32 [tilespmem:s17], [sflag:$0x7], $0x40, s9, s14, $0xb8;
	[tilespmem:$0x18C00] =	vst v63  }
0x1cf: {  	_ =	swait.ge [sflag:s24], $0x1000  }
0x1d0: {  	[sflag:s24] =	ssyncset.done $0x0  }
0x1d1: {  	[sflag:s24] =	ssyncadd.s32 $0xFFFFF000  }
0x1d2: {  	_ =	swait.ge [sflag:s25], $0x1000  }
0x1d3: {  	[sflag:s25] =	ssyncset.done $0x0  }
0x1d4: {  	s6 =	rddreg [dreg:$0x14];
	[sflag:s25] =	ssyncadd.s32 $0xFFFFF000  }
0x1d5: {  	[tilespmem:s17], [sflag:$0x3] =	stream.indirect.gather [spmem:s2], $0x40, s6, s14, $0xb8;
	[tilespmem:$0x18C00] =	vst v63  }
0x1d6: {  	s9 =	rddreg [dreg:$0x15]  }
0x1d7: {  	[spmem:s3] =	stream.indirect.scatter.add.f32 [tilespmem:s19], [sflag:$0x8], $0x40, s9, s14, $0xb8;
	[tilespmem:$0x18C00] =	vst v63  }
0x1d8: {  	_ =	swait.ge [sflag:s18], $0x1000  }
0x1d9: {  	[sflag:s18] =	ssyncset.done $0x0  }
0x1da: {  	[sflag:s18] =	ssyncadd.s32 $0xFFFFF000  }
0x1db: {  	_ =	swait.ge [sflag:s26], $0x1000  }
0x1dc: {  	[sflag:s26] =	ssyncset.done $0x0  }
0x1dd: {  	s6 =	rddreg [dreg:$0x16];
	[sflag:s26] =	ssyncadd.s32 $0xFFFFF000  }
0x1de: {  	[tilespmem:s19], [sflag:$0x4] =	stream.indirect.gather [spmem:s2], $0x40, s6, s14, $0xb8;
	[tilespmem:$0x18C00] =	vst v63  }
0x1df: {  	s9 =	rddreg [dreg:$0x17]  }
0x1e0: {  	[spmem:s3] =	stream.indirect.scatter.add.f32 [tilespmem:s15], [sflag:$0x5], $0x40, s9, s14, $0xb8;
	[tilespmem:$0x18C00] =	vst v63  }
0x1e1: {  	_ =	swait.ge [sflag:s20], $0x1000  }
0x1e2: {  	[sflag:s20] =	ssyncset.done $0x0  }
0x1e3: {  	[sflag:s20] =	ssyncadd.s32 $0xFFFFF000  }
0x1e4: {  	_ =	swait.ge [sflag:s21], $0x1000  }
0x1e5: {  	[sflag:s21] =	ssyncset.done $0x0  }
0x1e6: {  	s6 =	rddreg [dreg:$0x18];
	[sflag:s21] =	ssyncadd.s32 $0xFFFFF000  }
0x1e7: {  	[tilespmem:s15], [sflag:$0x1] =	stream.indirect.gather [spmem:s2], $0x40, s6, s14, $0xb8;
	[tilespmem:$0x18C00] =	vst v63  }
0x1e8: {  	s9 =	rddreg [dreg:$0x19]  }
0x1e9: {  	[spmem:s3] =	stream.indirect.scatter.add.f32 [tilespmem:s16], [sflag:$0x6], $0x40, s9, s14, $0xb8;
	[tilespmem:$0x18C00] =	vst v63  }
0x1ea: {  	_ =	swait.ge [sflag:s22], $0x1000  }
0x1eb: {  	[sflag:s22] =	ssyncset.done $0x0  }
0x1ec: {  	[sflag:s22] =	ssyncadd.s32 $0xFFFFF000  }
0x1ed: {  	_ =	swait.ge [sflag:s23], $0x1000  }
0x1ee: {  	[sflag:s23] =	ssyncset.done $0x0  }
0x1ef: {  	s6 =	rddreg [dreg:$0x1a];
	[sflag:s23] =	ssyncadd.s32 $0xFFFFF000  }
0x1f0: {  	[tilespmem:s16], [sflag:$0x2] =	stream.indirect.gather [spmem:s2], $0x40, s6, s14, $0xb8;
	[tilespmem:$0x18C00] =	vst v63  }
0x1f1: {  	s9 =	rddreg [dreg:$0x1b]  }
0x1f2: {  	[spmem:s3] =	stream.indirect.scatter.add.f32 [tilespmem:s17], [sflag:$0x7], $0x40, s9, s14, $0xb8;
	[tilespmem:$0x18C00] =	vst v63  }
0x1f3: {  	_ =	swait.ge [sflag:s24], $0x1000  }
0x1f4: {  	[sflag:s24] =	ssyncset.done $0x0  }
0x1f5: {  	[sflag:s24] =	ssyncadd.s32 $0xFFFFF000  }
0x1f6: {  	_ =	swait.ge [sflag:s25], $0x1000  }
0x1f7: {  	[sflag:s25] =	ssyncset.done $0x0  }
0x1f8: {  	s6 =	rddreg [dreg:$0x1c];
	[sflag:s25] =	ssyncadd.s32 $0xFFFFF000  }
0x1f9: {  	[tilespmem:s17], [sflag:$0x3] =	stream.indirect.gather [spmem:s2], $0x40, s6, s14, $0xb8;
	[tilespmem:$0x18C00] =	vst v63  }
0x1fa: {  	s9 =	rddreg [dreg:$0x1d]  }
0x1fb: {  	[spmem:s3] =	stream.indirect.scatter.add.f32 [tilespmem:s19], [sflag:$0x8], $0x40, s9, s14, $0xb8;
	[tilespmem:$0x18C00] =	vst v63  }
0x1fc: {  	_ =	swait.ge [sflag:s18], $0x1000  }
0x1fd: {  	[sflag:s18] =	ssyncset.done $0x0  }
0x1fe: {  	[sflag:s18] =	ssyncadd.s32 $0xFFFFF000  }
0x1ff: {  	_ =	swait.ge [sflag:s26], $0x1000  }
0x200: {  	[sflag:s26] =	ssyncset.done $0x0  }
0x201: {  	s6 =	rddreg [dreg:$0x1e];
	[sflag:s26] =	ssyncadd.s32 $0xFFFFF000  }
0x202: {  	[tilespmem:s19], [sflag:$0x4] =	stream.indirect.gather [spmem:s2], $0x40, s6, s14, $0xb8;
	[tilespmem:$0x18C00] =	vst v63  }
0x203: {  	s9 =	rddreg [dreg:$0x1f]  }
0x204: {  	[spmem:s3] =	stream.indirect.scatter.add.f32 [tilespmem:s15], [sflag:$0x5], $0x40, s9, s14, $0xb8;
	[tilespmem:$0x18C00] =	vst v63  }
0x205: {  	_ =	swait.ge [sflag:s20], $0x1000  }
0x206: {  	[sflag:s20] =	ssyncset.done $0x0  }
0x207: {  	[sflag:s20] =	ssyncadd.s32 $0xFFFFF000  }
0x208: {  	_ =	swait.ge [sflag:s21], $0x1000  }
0x209: {  	s6 =	sld [smem:$0x7DD]  }
0x20a: {  	[sflag:s21] =	ssyncset.done $0x0  }
0x20b: {  	s9 =	sld [smem:$0x7DE];
	[sflag:s21] =	ssyncadd.s32 $0xFFFFF000  }
0x20c: {  	[tilespmem:s15], [sflag:$0x1] =	stream.indirect.gather [spmem:s2], $0x40, s6, s14, $0xb8;
	[tilespmem:$0x18C00] =	vst v63  }
0x20d: {  	_ = 	snop  }
0x20e: {  	[spmem:s3] =	stream.indirect.scatter.add.f32 [tilespmem:s16], [sflag:$0x6], $0x40, s9, s14, $0xb8;
	[tilespmem:$0x18C00] =	vst v63  }
0x20f: {  	_ =	swait.ge [sflag:s22], $0x1000  }
0x210: {  	[sflag:s22] =	ssyncset.done $0x0  }
0x211: {  	[sflag:s22] =	ssyncadd.s32 $0xFFFFF000  }
0x212: {  	_ =	swait.ge [sflag:s23], $0x1000  }
0x213: {  	s6 =	sld [smem:$0x7DF]  }
0x214: {  	[sflag:s23] =	ssyncset.done $0x0  }
0x215: {  	s9 =	sld [smem:$0x7E0];
	[sflag:s23] =	ssyncadd.s32 $0xFFFFF000  }
0x216: {  	[tilespmem:s16], [sflag:$0x2] =	stream.indirect.gather [spmem:s2], $0x40, s6, s14, $0xb8;
	[tilespmem:$0x18C00] =	vst v63  }
0x217: {  	_ = 	snop  }
0x218: {  	[spmem:s3] =	stream.indirect.scatter.add.f32 [tilespmem:s17], [sflag:$0x7], $0x40, s9, s14, $0xb8;
	[tilespmem:$0x18C00] =	vst v63  }
0x219: {  	_ =	swait.ge [sflag:s24], $0x1000  }
0x21a: {  	[sflag:s24] =	ssyncset.done $0x0  }
0x21b: {  	[sflag:s24] =	ssyncadd.s32 $0xFFFFF000  }
0x21c: {  	_ =	swait.ge [sflag:s25], $0x1000  }
0x21d: {  	s6 =	sld [smem:$0x7E1]  }
0x21e: {  	[sflag:s25] =	ssyncset.done $0x0  }
0x21f: {  	s9 =	sld [smem:$0x7E3];
	[sflag:s25] =	ssyncadd.s32 $0xFFFFF000  }
0x220: {  	[tilespmem:s17], [sflag:$0x3] =	stream.indirect.gather [spmem:s2], $0x40, s6, s14, $0xb8;
	[tilespmem:$0x18C00] =	vst v63  }
0x221: {  	_ = 	snop  }
0x222: {  	[spmem:s3] =	stream.indirect.scatter.add.f32 [tilespmem:s19], [sflag:$0x8], $0x40, s9, s14, $0xb8;
	[tilespmem:$0x18C00] =	vst v63  }
0x223: {  	_ =	swait.ge [sflag:s18], $0x1000  }
0x224: {  	[sflag:s18] =	ssyncset.done $0x0  }
0x225: {  	[sflag:s18] =	ssyncadd.s32 $0xFFFFF000  }
0x226: {  	_ =	swait.ge [sflag:s26], $0x1000  }
0x227: {  	s6 =	sld [smem:$0x7E4]  }
0x228: {  	[sflag:s26] =	ssyncset.done $0x0  }
0x229: {  	s9 =	sld [smem:$0x7E5];
	[sflag:s26] =	ssyncadd.s32 $0xFFFFF000  }
0x22a: {  	[tilespmem:s19], [sflag:$0x4] =	stream.indirect.gather [spmem:s2], $0x40, s6, s14, $0xb8;
	[tilespmem:$0x18C00] =	vst v63  }
0x22b: {  	_ = 	snop  }
0x22c: {  	[spmem:s3] =	stream.indirect.scatter.add.f32 [tilespmem:s15], [sflag:$0x5], $0x40, s9, s14, $0xb8;
	[tilespmem:$0x18C00] =	vst v63  }
0x22d: {  	_ =	swait.ge [sflag:s20], $0x1000  }
0x22e: {  	[sflag:s20] =	ssyncset.done $0x0  }
0x22f: {  	[sflag:s20] =	ssyncadd.s32 $0xFFFFF000  }
0x230: {  	_ =	swait.ge [sflag:s21], $0x1000  }
0x231: {  	s6 =	sld [smem:$0x7E6]  }
0x232: {  	[sflag:s21] =	ssyncset.done $0x0  }
0x233: {  	s9 =	sld [smem:$0x7E8];
	[sflag:s21] =	ssyncadd.s32 $0xFFFFF000  }
0x234: {  	[tilespmem:s15], [sflag:$0x1] =	stream.indirect.gather [spmem:s2], $0x40, s6, s14, $0xb8;
	[tilespmem:$0x18C00] =	vst v63  }
0x235: {  	_ = 	snop  }
0x236: {  	[spmem:s3] =	stream.indirect.scatter.add.f32 [tilespmem:s16], [sflag:$0x6], $0x40, s9, s14, $0xb8;
	[tilespmem:$0x18C00] =	vst v63  }
0x237: {  	_ =	swait.ge [sflag:s22], $0x1000  }
0x238: {  	[sflag:s22] =	ssyncset.done $0x0  }
0x239: {  	[sflag:s22] =	ssyncadd.s32 $0xFFFFF000  }
0x23a: {  	_ =	swait.ge [sflag:s23], $0x1000  }
0x23b: {  	s6 =	sld [smem:$0x7EA]  }
0x23c: {  	[sflag:s23] =	ssyncset.done $0x0  }
0x23d: {  	s9 =	sld [smem:$0x7EC];
	[sflag:s23] =	ssyncadd.s32 $0xFFFFF000  }
0x23e: {  	[tilespmem:s16], [sflag:$0x2] =	stream.indirect.gather [spmem:s2], $0x40, s6, s14, $0xb8;
	[tilespmem:$0x18C00] =	vst v63  }
0x23f: {  	_ = 	snop  }
0x240: {  	[spmem:s3] =	stream.indirect.scatter.add.f32 [tilespmem:s17], [sflag:$0x7], $0x40, s9, s14, $0xb8;
	[tilespmem:$0x18C00] =	vst v63  }
0x241: {  	_ =	swait.ge [sflag:s24], $0x1000  }
0x242: {  	[sflag:s24] =	ssyncset.done $0x0  }
0x243: {  	[sflag:s24] =	ssyncadd.s32 $0xFFFFF000  }
0x244: {  	_ =	swait.ge [sflag:s25], $0x1000  }
0x245: {  	s6 =	sld [smem:$0x7EE]  }
0x246: {  	[sflag:s25] =	ssyncset.done $0x0  }
0x247: {  	s9 =	sld [smem:$0x7EF];
	[sflag:s25] =	ssyncadd.s32 $0xFFFFF000  }
0x248: {  	[tilespmem:s17], [sflag:$0x3] =	stream.indirect.gather [spmem:s2], $0x40, s6, s14, $0xb8;
	[tilespmem:$0x18C00] =	vst v63  }
0x249: {  	_ = 	snop  }
0x24a: {  	[spmem:s3] =	stream.indirect.scatter.add.f32 [tilespmem:s19], [sflag:$0x8], $0x40, s9, s14, $0xb8;
	[tilespmem:$0x18C00] =	vst v63  }
0x24b: {  	_ =	swait.ge [sflag:s18], $0x1000  }
0x24c: {  	[sflag:s18] =	ssyncset.done $0x0  }
0x24d: {  	[sflag:s18] =	ssyncadd.s32 $0xFFFFF000  }
0x24e: {  	_ =	swait.ge [sflag:s26], $0x1000  }
0x24f: {  	s6 =	sld [smem:$0x7F0]  }
0x250: {  	[sflag:s26] =	ssyncset.done $0x0  }
0x251: {  	s9 =	sld [smem:$0x7F1];
	[sflag:s26] =	ssyncadd.s32 $0xFFFFF000  }
0x252: {  	[tilespmem:s19], [sflag:$0x4] =	stream.indirect.gather [spmem:s2], $0x40, s6, s14, $0xb8;
	[tilespmem:$0x18C00] =	vst v63  }
0x253: {  	_ = 	snop  }
0x254: {  	[spmem:s3] =	stream.indirect.scatter.add.f32 [tilespmem:s15], [sflag:$0x5], $0x40, s9, s14, $0xb8;
	[tilespmem:$0x18C00] =	vst v63  }
0x255: {  	_ =	swait.ge [sflag:s20], $0x1000  }
0x256: {  	[sflag:s20] =	ssyncset.done $0x0  }
0x257: {  	[sflag:s20] =	ssyncadd.s32 $0xFFFFF000  }
0x258: {  	_ =	swait.ge [sflag:s21], $0x1000  }
0x259: {  	s6 =	sld [smem:$0x7F2]  }
0x25a: {  	[sflag:s21] =	ssyncset.done $0x0  }
0x25b: {  	s9 =	sld [smem:$0x7F3];
	[sflag:s21] =	ssyncadd.s32 $0xFFFFF000  }
0x25c: {  	[tilespmem:s15], [sflag:$0x1] =	stream.indirect.gather [spmem:s2], $0x40, s6, s14, $0xb8;
	[tilespmem:$0x18C00] =	vst v63  }
0x25d: {  	_ = 	snop  }
0x25e: {  	[spmem:s3] =	stream.indirect.scatter.add.f32 [tilespmem:s16], [sflag:$0x6], $0x40, s9, s14, $0xb8;
	[tilespmem:$0x18C00] =	vst v63  }
0x25f: {  	_ =	swait.ge [sflag:s22], $0x1000  }
0x260: {  	[sflag:s22] =	ssyncset.done $0x0  }
0x261: {  	[sflag:s22] =	ssyncadd.s32 $0xFFFFF000  }
0x262: {  	_ =	swait.ge [sflag:s23], $0x1000  }
0x263: {  	s6 =	sld [smem:$0x7F4]  }
0x264: {  	[sflag:s23] =	ssyncset.done $0x0  }
0x265: {  	s9 =	sld [smem:$0x7F5];
	[sflag:s23] =	ssyncadd.s32 $0xFFFFF000  }
0x266: {  	[tilespmem:s16], [sflag:$0x2] =	stream.indirect.gather [spmem:s2], $0x40, s6, s14, $0xb8;
	[tilespmem:$0x18C00] =	vst v63  }
0x267: {  	_ = 	snop  }
0x268: {  	[spmem:s3] =	stream.indirect.scatter.add.f32 [tilespmem:s17], [sflag:$0x7], $0x40, s9, s14, $0xb8;
	[tilespmem:$0x18C00] =	vst v63  }
0x269: {  	_ =	swait.ge [sflag:s24], $0x1000  }
0x26a: {  	[sflag:s24] =	ssyncset.done $0x0  }
0x26b: {  	[sflag:s24] =	ssyncadd.s32 $0xFFFFF000  }
0x26c: {  	_ =	swait.ge [sflag:s25], $0x1000  }
0x26d: {  	s6 =	sld [smem:$0x7F6]  }
0x26e: {  	[sflag:s25] =	ssyncset.done $0x0  }
0x26f: {  	s9 =	sld [smem:$0x7F7];
	[sflag:s25] =	ssyncadd.s32 $0xFFFFF000  }
0x270: {  	[tilespmem:s17], [sflag:$0x3] =	stream.indirect.gather [spmem:s2], $0x40, s6, s14, $0xb8;
	[tilespmem:$0x18C00] =	vst v63  }
0x271: {  	_ = 	snop  }
0x272: {  	[spmem:s3] =	stream.indirect.scatter.add.f32 [tilespmem:s19], [sflag:$0x8], $0x40, s9, s14, $0xb8;
	[tilespmem:$0x18C00] =	vst v63  }
0x273: {  	_ =	swait.ge [sflag:s18], $0x1000  }
0x274: {  	[sflag:s18] =	ssyncset.done $0x0  }
0x275: {  	[sflag:s18] =	ssyncadd.s32 $0xFFFFF000  }
0x276: {  	_ =	swait.ge [sflag:s26], $0x1000  }
0x277: {  	s6 =	sld [smem:$0x7F8]  }
0x278: {  	[sflag:s26] =	ssyncset.done $0x0  }
0x279: {  	s9 =	sld [smem:$0x7F9];
	[sflag:s26] =	ssyncadd.s32 $0xFFFFF000  }
0x27a: {  	[tilespmem:s19], [sflag:$0x4] =	stream.indirect.gather [spmem:s2], $0x40, s6, s14, $0xb8;
	[tilespmem:$0x18C00] =	vst v63  }
0x27b: {  	_ = 	snop  }
0x27c: {  	[spmem:s3] =	stream.indirect.scatter.add.f32 [tilespmem:s15], [sflag:$0x5], $0x40, s9, s14, $0xb8;
	[tilespmem:$0x18C00] =	vst v63  }
0x27d: {  	_ =	swait.ge [sflag:s20], $0x1000  }
0x27e: {  	[sflag:s20] =	ssyncset.done $0x0  }
0x27f: {  	[sflag:s20] =	ssyncadd.s32 $0xFFFFF000  }
0x280: {  	_ =	swait.ge [sflag:s21], $0x1000  }
0x281: {  	s6 =	sld [smem:$0x7FA]  }
0x282: {  	[sflag:s21] =	ssyncset.done $0x0  }
0x283: {  	s9 =	sld [smem:$0x7FB];
	[sflag:s21] =	ssyncadd.s32 $0xFFFFF000  }
0x284: {  	[tilespmem:s15], [sflag:$0x1] =	stream.indirect.gather [spmem:s2], $0x40, s6, s14, $0xb8;
	[tilespmem:$0x18C00] =	vst v63  }
0x285: {  	_ = 	snop  }
0x286: {  	[spmem:s3] =	stream.indirect.scatter.add.f32 [tilespmem:s16], [sflag:$0x6], $0x40, s9, s14, $0xb8;
	[tilespmem:$0x18C00] =	vst v63  }
0x287: {  	_ =	swait.ge [sflag:s22], $0x1000  }
0x288: {  	[sflag:s22] =	ssyncset.done $0x0  }
0x289: {  	[sflag:s22] =	ssyncadd.s32 $0xFFFFF000  }
0x28a: {  	_ =	swait.ge [sflag:s23], $0x1000  }
0x28b: {  	[sflag:s23] =	ssyncset.done $0x0  }
0x28c: {  	[sflag:s23] =	ssyncadd.s32 $0xFFFFF000  }
0x28d: {  	[tilespmem:s16], [sflag:$0x2] =	stream.indirect.gather [spmem:s2], $0x40, s28, s14, $0xb8;
	[tilespmem:$0x18C00] =	vst v63  }
0x28e: {  	_ = 	snop  }
0x28f: {  	[spmem:s3] =	stream.indirect.scatter.add.f32 [tilespmem:s17], [sflag:$0x7], $0x40, s29, s14, $0xb8;
	[tilespmem:$0x18C00] =	vst v63  }
0x290: {  	_ =	swait.ge [sflag:s24], $0x1000  }
0x291: {  	[sflag:s24] =	ssyncset.done $0x0  }
0x292: {  	[sflag:s24] =	ssyncadd.s32 $0xFFFFF000  }
0x293: {  	_ =	swait.ge [sflag:s25], $0x1000  }
0x294: {  	[sflag:s25] =	ssyncset.done $0x0  }
0x295: {  	[sflag:s25] =	ssyncadd.s32 $0xFFFFF000  }
0x296: {  	[tilespmem:s17], [sflag:$0x3] =	stream.indirect.gather [spmem:s2], $0x40, s30, s14, $0xb8;
	[tilespmem:$0x18C00] =	vst v63  }
0x297: {  	_ = 	snop  }
0x298: {  	[spmem:s3] =	stream.indirect.scatter.add.f32 [tilespmem:s19], [sflag:$0x8], $0x40, s31, s14, $0xb8;
	[tilespmem:$0x18C00] =	vst v63  }
0x299: {  	_ =	swait.ge [sflag:s18], $0x1000  }
0x29a: {  	[sflag:s18] =	ssyncset.done $0x0  }
0x29b: {  	[sflag:s18] =	ssyncadd.s32 $0xFFFFF000  }
0x29c: {  	_ =	swait.ge [sflag:s26], $0x1000  }
0x29d: {  	[sflag:s26] =	ssyncset.done $0x0  }
0x29e: {  	[sflag:s26] =	ssyncadd.s32 $0xFFFFF000  }
0x29f: {  	[tilespmem:s19], [sflag:$0x4] =	stream.indirect.gather [spmem:s2], $0x40, s1, s14, $0xb8;
	[tilespmem:$0x18C00] =	vst v63  }
0x2a0: {  	_ = 	snop  }
0x2a1: {  	[spmem:s3] =	stream.indirect.scatter.add.f32 [tilespmem:s15], [sflag:$0x5], $0x40, s0, s14, $0xb8;
	[tilespmem:$0x18C00] =	vst v63  }
0x2a2: {  	_ =	swait.ge [sflag:s20], $0x1000  }
0x2a3: {  	[sflag:s20] =	ssyncset.done $0x0  }
0x2a4: {  	[sflag:s20] =	ssyncadd.s32 $0xFFFFF000  }
0x2a5: {  	[spmem:s3] =	stream.indirect.scatter.add.f32 [tilespmem:s16], [sflag:$0x6], $0x40, s5, s14, $0xb8;
	[tilespmem:$0x18C00] =	vst v63  }
0x2a6: {  	_ =	swait.ge [sflag:s22], $0x1000  }
0x2a7: {  	[sflag:s22] =	ssyncset.done $0x0  }
0x2a8: {  	[sflag:s22] =	ssyncadd.s32 $0xFFFFF000  }
0x2a9: {  	[spmem:s3] =	stream.indirect.scatter.add.f32 [tilespmem:s17], [sflag:$0x7], $0x40, s7, s14, $0xb8;
	[tilespmem:$0x18C00] =	vst v63  }
0x2aa: {  	_ =	swait.ge [sflag:s24], $0x1000  }
0x2ab: {  	[sflag:s24] =	ssyncset.done $0x0  }
0x2ac: {  	[sflag:s24] =	ssyncadd.s32 $0xFFFFF000  }
0x2ad: {  	[spmem:s3] =	stream.indirect.scatter.add.f32 [tilespmem:s19], [sflag:$0x8], $0x40, s8, s14, $0xb8;
	[tilespmem:$0x18C00] =	vst v63  }
0x2ae: {  	_ =	swait.ge [sflag:s21], $0x1000  }
0x2af: {  	[sflag:s21] =	ssyncset.done $0x0  }
0x2b0: {  	[sflag:s21] =	ssyncadd.s32 $0xFFFFF000  }
0x2b1: {  	_ =	swait.ge [sflag:s23], $0x1000  }
0x2b2: {  	[sflag:s23] =	ssyncset.done $0x0  }
0x2b3: {  	p0 =	sne.s32 s12, $0x1300;
	[sflag:s23] =	ssyncadd.s32 $0xFFFFF000  }
.Ltmp0:
0x2b4: {  	_ =	swait.ge [sflag:s25], $0x1000;
	(pc) =	sbr.rel @p0 .LBB2_2-.Ltmp0, $4  }
0x2b5: {  	[sflag:s25] =	ssyncset.done $0x0  }
0x2b6: {  	[sflag:s25] =	ssyncadd.s32 $0xFFFFF000  }
0x2b7: {  	_ =	swait.ge [sflag:s26], $0x1000  }
0x2b8: {  	s12 =	sadd.s32 $0x100, s12;
	s6 =	rddreg [dreg:$0x5];
	[sflag:s26] =	ssyncset.done $0x0  }
0x2b9: {  	[sflag:s26] =	ssyncadd.s32 $0xFFFFF000;
	s6 =	sadd.s32 s10, s6  }
0x2ba: {  	[tilespmem:s4], [sflag:$0x9] =	stream.linear.gather [hbm4b:s6+s4], $0x800, $0x38;
	[tilespmem:$0x18C00] =	vst v63  }
0x2bb: {  	_ =	swait.ge [sflag:s11], $0x800  }
0x2bc: {  	s12 =	rddreg [dreg:$0x4];
	[sflag:s11] =	ssyncset.done $0x0  }
0x2bd: {  	[sflag:s11] =	ssyncadd.s32 $0xFFFFF800;
	s6 =	sadd.s32 s10, s12  }
0x2be: {  	[tilespmem:s13], [sflag:$0x9] =	stream.linear.gather [hbm4b:s6+s4], $0x800, $0x38;
	[tilespmem:$0x18C00] =	vst v63  }
0x2bf: {  	_ =	swait.ge [sflag:s11], $0x800  }
0x2c0: {  	[sflag:s11] =	ssyncset.done $0x0  }
0x2c1: {  	[sflag:s11] =	ssyncadd.s32 $0xFFFFF800  }
0x2c2: {  	[tilespmem:s15], [sflag:$0x1] =	stream.indirect.gather [spmem:s2], $0x40, s4, s14, $0xb8;
	[tilespmem:$0x18C00] =	vst v63  }
0x2c3: {  	_ = 	snop  }
0x2c4: {  	[tilespmem:s16], [sflag:$0x2] =	stream.indirect.gather [spmem:s2], $0x40, s14, s14, $0xb8;
	[tilespmem:$0x18C00] =	vst v63  }
0x2c5: {  	s9 =	rddreg [dreg:$0x6]  }
0x2c6: {  	[tilespmem:s17], [sflag:$0x3] =	stream.indirect.gather [spmem:s2], $0x40, s9, s14, $0xb8;
	[tilespmem:$0x18C00] =	vst v63  }
0x2c7: {  	_ =	swait.ge [sflag:s18], $0x1000  }
0x2c8: {  	[sflag:s18] =	ssyncset.done $0x0  }
0x2c9: {  	s10 =	rddreg [dreg:$0x7];
	[sflag:s18] =	ssyncadd.s32 $0xFFFFF000  }
0x2ca: {  	[tilespmem:s19], [sflag:$0x4] =	stream.indirect.gather [spmem:s2], $0x40, s10, s14, $0xb8;
	[tilespmem:$0x18C00] =	vst v63  }
0x2cb: {  	_ = 	snop  }
0x2cc: {  	[spmem:s3] =	stream.indirect.scatter.add.f32 [tilespmem:s15], [sflag:$0x5], $0x40, s13, s14, $0xb8;
	[tilespmem:$0x18C00] =	vst v63  }
0x2cd: {  	_ =	swait.ge [sflag:s20], $0x1000  }
0x2ce: {  	[sflag:s20] =	ssyncset.done $0x0  }
0x2cf: {  	[sflag:s20] =	ssyncadd.s32 $0xFFFFF000  }
0x2d0: {  	_ =	swait.ge [sflag:s21], $0x1000  }
0x2d1: {  	[sflag:s21] =	ssyncset.done $0x0  }
0x2d2: {  	s12 =	rddreg [dreg:$0x8];
	[sflag:s21] =	ssyncadd.s32 $0xFFFFF000  }
0x2d3: {  	[tilespmem:s15], [sflag:$0x1] =	stream.indirect.gather [spmem:s2], $0x40, s12, s14, $0xb8;
	[tilespmem:$0x18C00] =	vst v63  }
0x2d4: {  	s9 =	rddreg [dreg:$0x9]  }
0x2d5: {  	[spmem:s3] =	stream.indirect.scatter.add.f32 [tilespmem:s16], [sflag:$0x6], $0x40, s9, s14, $0xb8;
	[tilespmem:$0x18C00] =	vst v63  }
0x2d6: {  	_ =	swait.ge [sflag:s22], $0x1000  }
0x2d7: {  	[sflag:s22] =	ssyncset.done $0x0  }
0x2d8: {  	[sflag:s22] =	ssyncadd.s32 $0xFFFFF000  }
0x2d9: {  	_ =	swait.ge [sflag:s23], $0x1000  }
0x2da: {  	[sflag:s23] =	ssyncset.done $0x0  }
0x2db: {  	s10 =	rddreg [dreg:$0xa];
	[sflag:s23] =	ssyncadd.s32 $0xFFFFF000  }
0x2dc: {  	[tilespmem:s16], [sflag:$0x2] =	stream.indirect.gather [spmem:s2], $0x40, s10, s14, $0xb8;
	[tilespmem:$0x18C00] =	vst v63  }
0x2dd: {  	s12 =	rddreg [dreg:$0xb]  }
0x2de: {  	[spmem:s3] =	stream.indirect.scatter.add.f32 [tilespmem:s17], [sflag:$0x7], $0x40, s12, s14, $0xb8;
	[tilespmem:$0x18C00] =	vst v63  }
0x2df: {  	_ =	swait.ge [sflag:s24], $0x1000  }
0x2e0: {  	[sflag:s24] =	ssyncset.done $0x0  }
0x2e1: {  	[sflag:s24] =	ssyncadd.s32 $0xFFFFF000  }
0x2e2: {  	_ =	swait.ge [sflag:s25], $0x1000  }
0x2e3: {  	[sflag:s25] =	ssyncset.done $0x0  }
0x2e4: {  	s10 =	rddreg [dreg:$0xc];
	[sflag:s25] =	ssyncadd.s32 $0xFFFFF000  }
0x2e5: {  	[tilespmem:s17], [sflag:$0x3] =	stream.indirect.gather [spmem:s2], $0x40, s10, s14, $0xb8;
	[tilespmem:$0x18C00] =	vst v63  }
0x2e6: {  	s12 =	rddreg [dreg:$0xd]  }
0x2e7: {  	[spmem:s3] =	stream.indirect.scatter.add.f32 [tilespmem:s19], [sflag:$0x8], $0x40, s12, s14, $0xb8;
	[tilespmem:$0x18C00] =	vst v63  }
0x2e8: {  	_ =	swait.ge [sflag:s18], $0x1000  }
0x2e9: {  	[sflag:s18] =	ssyncset.done $0x0  }
0x2ea: {  	[sflag:s18] =	ssyncadd.s32 $0xFFFFF000  }
0x2eb: {  	_ =	swait.ge [sflag:s26], $0x1000  }
0x2ec: {  	[sflag:s26] =	ssyncset.done $0x0  }
0x2ed: {  	s10 =	rddreg [dreg:$0xe];
	[sflag:s26] =	ssyncadd.s32 $0xFFFFF000  }
0x2ee: {  	[tilespmem:s19], [sflag:$0x4] =	stream.indirect.gather [spmem:s2], $0x40, s10, s14, $0xb8;
	[tilespmem:$0x18C00] =	vst v63  }
0x2ef: {  	s12 =	rddreg [dreg:$0xf]  }
0x2f0: {  	[spmem:s3] =	stream.indirect.scatter.add.f32 [tilespmem:s15], [sflag:$0x5], $0x40, s12, s14, $0xb8;
	[tilespmem:$0x18C00] =	vst v63  }
0x2f1: {  	_ =	swait.ge [sflag:s20], $0x1000  }
0x2f2: {  	[sflag:s20] =	ssyncset.done $0x0  }
0x2f3: {  	[sflag:s20] =	ssyncadd.s32 $0xFFFFF000  }
0x2f4: {  	_ =	swait.ge [sflag:s21], $0x1000  }
0x2f5: {  	[sflag:s21] =	ssyncset.done $0x0  }
0x2f6: {  	s10 =	rddreg [dreg:$0x10];
	[sflag:s21] =	ssyncadd.s32 $0xFFFFF000  }
0x2f7: {  	[tilespmem:s15], [sflag:$0x1] =	stream.indirect.gather [spmem:s2], $0x40, s10, s14, $0xb8;
	[tilespmem:$0x18C00] =	vst v63  }
0x2f8: {  	s12 =	rddreg [dreg:$0x11]  }
0x2f9: {  	[spmem:s3] =	stream.indirect.scatter.add.f32 [tilespmem:s16], [sflag:$0x6], $0x40, s12, s14, $0xb8;
	[tilespmem:$0x18C00] =	vst v63  }
0x2fa: {  	_ =	swait.ge [sflag:s22], $0x1000  }
0x2fb: {  	[sflag:s22] =	ssyncset.done $0x0  }
0x2fc: {  	[sflag:s22] =	ssyncadd.s32 $0xFFFFF000  }
0x2fd: {  	_ =	swait.ge [sflag:s23], $0x1000  }
0x2fe: {  	[sflag:s23] =	ssyncset.done $0x0  }
0x2ff: {  	s10 =	rddreg [dreg:$0x12];
	[sflag:s23] =	ssyncadd.s32 $0xFFFFF000  }
0x300: {  	[tilespmem:s16], [sflag:$0x2] =	stream.indirect.gather [spmem:s2], $0x40, s10, s14, $0xb8;
	[tilespmem:$0x18C00] =	vst v63  }
0x301: {  	s12 =	rddreg [dreg:$0x13]  }
0x302: {  	[spmem:s3] =	stream.indirect.scatter.add.f32 [tilespmem:s17], [sflag:$0x7], $0x40, s12, s14, $0xb8;
	[tilespmem:$0x18C00] =	vst v63  }
0x303: {  	_ =	swait.ge [sflag:s24], $0x1000  }
0x304: {  	[sflag:s24] =	ssyncset.done $0x0  }
0x305: {  	[sflag:s24] =	ssyncadd.s32 $0xFFFFF000  }
0x306: {  	_ =	swait.ge [sflag:s25], $0x1000  }
0x307: {  	[sflag:s25] =	ssyncset.done $0x0  }
0x308: {  	s10 =	rddreg [dreg:$0x14];
	[sflag:s25] =	ssyncadd.s32 $0xFFFFF000  }
0x309: {  	[tilespmem:s17], [sflag:$0x3] =	stream.indirect.gather [spmem:s2], $0x40, s10, s14, $0xb8;
	[tilespmem:$0x18C00] =	vst v63  }
0x30a: {  	s12 =	rddreg [dreg:$0x15]  }
0x30b: {  	[spmem:s3] =	stream.indirect.scatter.add.f32 [tilespmem:s19], [sflag:$0x8], $0x40, s12, s14, $0xb8;
	[tilespmem:$0x18C00] =	vst v63  }
0x30c: {  	_ =	swait.ge [sflag:s18], $0x1000  }
0x30d: {  	[sflag:s18] =	ssyncset.done $0x0  }
0x30e: {  	[sflag:s18] =	ssyncadd.s32 $0xFFFFF000  }
0x30f: {  	_ =	swait.ge [sflag:s26], $0x1000  }
0x310: {  	[sflag:s26] =	ssyncset.done $0x0  }
0x311: {  	s10 =	rddreg [dreg:$0x16];
	[sflag:s26] =	ssyncadd.s32 $0xFFFFF000  }
0x312: {  	[tilespmem:s19], [sflag:$0x4] =	stream.indirect.gather [spmem:s2], $0x40, s10, s14, $0xb8;
	[tilespmem:$0x18C00] =	vst v63  }
0x313: {  	s12 =	rddreg [dreg:$0x17]  }
0x314: {  	[spmem:s3] =	stream.indirect.scatter.add.f32 [tilespmem:s15], [sflag:$0x5], $0x40, s12, s14, $0xb8;
	[tilespmem:$0x18C00] =	vst v63  }
0x315: {  	_ =	swait.ge [sflag:s20], $0x1000  }
0x316: {  	[sflag:s20] =	ssyncset.done $0x0  }
0x317: {  	[sflag:s20] =	ssyncadd.s32 $0xFFFFF000  }
0x318: {  	_ =	swait.ge [sflag:s21], $0x1000  }
0x319: {  	[sflag:s21] =	ssyncset.done $0x0  }
0x31a: {  	s10 =	rddreg [dreg:$0x18];
	[sflag:s21] =	ssyncadd.s32 $0xFFFFF000  }
0x31b: {  	[tilespmem:s15], [sflag:$0x1] =	stream.indirect.gather [spmem:s2], $0x40, s10, s14, $0xb8;
	[tilespmem:$0x18C00] =	vst v63  }
0x31c: {  	s12 =	rddreg [dreg:$0x19]  }
0x31d: {  	[spmem:s3] =	stream.indirect.scatter.add.f32 [tilespmem:s16], [sflag:$0x6], $0x40, s12, s14, $0xb8;
	[tilespmem:$0x18C00] =	vst v63  }
0x31e: {  	_ =	swait.ge [sflag:s22], $0x1000  }
0x31f: {  	[sflag:s22] =	ssyncset.done $0x0  }
0x320: {  	[sflag:s22] =	ssyncadd.s32 $0xFFFFF000  }
0x321: {  	_ =	swait.ge [sflag:s23], $0x1000  }
0x322: {  	[sflag:s23] =	ssyncset.done $0x0  }
0x323: {  	s10 =	rddreg [dreg:$0x1a];
	[sflag:s23] =	ssyncadd.s32 $0xFFFFF000  }
0x324: {  	[tilespmem:s16], [sflag:$0x2] =	stream.indirect.gather [spmem:s2], $0x40, s10, s14, $0xb8;
	[tilespmem:$0x18C00] =	vst v63  }
0x325: {  	s12 =	rddreg [dreg:$0x1b]  }
0x326: {  	[spmem:s3] =	stream.indirect.scatter.add.f32 [tilespmem:s17], [sflag:$0x7], $0x40, s12, s14, $0xb8;
	[tilespmem:$0x18C00] =	vst v63  }
0x327: {  	_ =	swait.ge [sflag:s24], $0x1000  }
0x328: {  	[sflag:s24] =	ssyncset.done $0x0  }
0x329: {  	[sflag:s24] =	ssyncadd.s32 $0xFFFFF000  }
0x32a: {  	_ =	swait.ge [sflag:s25], $0x1000  }
0x32b: {  	[sflag:s25] =	ssyncset.done $0x0  }
0x32c: {  	s10 =	rddreg [dreg:$0x1c];
	[sflag:s25] =	ssyncadd.s32 $0xFFFFF000  }
0x32d: {  	[tilespmem:s17], [sflag:$0x3] =	stream.indirect.gather [spmem:s2], $0x40, s10, s14, $0xb8;
	[tilespmem:$0x18C00] =	vst v63  }
0x32e: {  	s12 =	rddreg [dreg:$0x1d]  }
0x32f: {  	[spmem:s3] =	stream.indirect.scatter.add.f32 [tilespmem:s19], [sflag:$0x8], $0x40, s12, s14, $0xb8;
	[tilespmem:$0x18C00] =	vst v63  }
0x330: {  	_ =	swait.ge [sflag:s18], $0x1000  }
0x331: {  	[sflag:s18] =	ssyncset.done $0x0  }
0x332: {  	[sflag:s18] =	ssyncadd.s32 $0xFFFFF000  }
0x333: {  	_ =	swait.ge [sflag:s26], $0x1000  }
0x334: {  	[sflag:s26] =	ssyncset.done $0x0  }
0x335: {  	s10 =	rddreg [dreg:$0x1e];
	[sflag:s26] =	ssyncadd.s32 $0xFFFFF000  }
0x336: {  	[tilespmem:s19], [sflag:$0x4] =	stream.indirect.gather [spmem:s2], $0x40, s10, s14, $0xb8;
	[tilespmem:$0x18C00] =	vst v63  }
0x337: {  	s12 =	rddreg [dreg:$0x1f]  }
0x338: {  	[spmem:s3] =	stream.indirect.scatter.add.f32 [tilespmem:s15], [sflag:$0x5], $0x40, s12, s14, $0xb8;
	[tilespmem:$0x18C00] =	vst v63  }
0x339: {  	_ =	swait.ge [sflag:s20], $0x1000  }
0x33a: {  	[sflag:s20] =	ssyncset.done $0x0  }
0x33b: {  	[sflag:s20] =	ssyncadd.s32 $0xFFFFF000  }
0x33c: {  	_ =	swait.ge [sflag:s21], $0x1000  }
0x33d: {  	s10 =	sld [smem:$0x7DD]  }
0x33e: {  	[sflag:s21] =	ssyncset.done $0x0  }
0x33f: {  	s12 =	sld [smem:$0x7DE];
	[sflag:s21] =	ssyncadd.s32 $0xFFFFF000  }
0x340: {  	[tilespmem:s15], [sflag:$0x1] =	stream.indirect.gather [spmem:s2], $0x40, s10, s14, $0xb8;
	[tilespmem:$0x18C00] =	vst v63  }
0x341: {  	_ = 	snop  }
0x342: {  	[spmem:s3] =	stream.indirect.scatter.add.f32 [tilespmem:s16], [sflag:$0x6], $0x40, s12, s14, $0xb8;
	[tilespmem:$0x18C00] =	vst v63  }
0x343: {  	_ =	swait.ge [sflag:s22], $0x1000  }
0x344: {  	[sflag:s22] =	ssyncset.done $0x0  }
0x345: {  	[sflag:s22] =	ssyncadd.s32 $0xFFFFF000  }
0x346: {  	_ =	swait.ge [sflag:s23], $0x1000  }
0x347: {  	s10 =	sld [smem:$0x7DF]  }
0x348: {  	[sflag:s23] =	ssyncset.done $0x0  }
0x349: {  	s12 =	sld [smem:$0x7E0];
	[sflag:s23] =	ssyncadd.s32 $0xFFFFF000  }
0x34a: {  	[tilespmem:s16], [sflag:$0x2] =	stream.indirect.gather [spmem:s2], $0x40, s10, s14, $0xb8;
	[tilespmem:$0x18C00] =	vst v63  }
0x34b: {  	_ = 	snop  }
0x34c: {  	[spmem:s3] =	stream.indirect.scatter.add.f32 [tilespmem:s17], [sflag:$0x7], $0x40, s12, s14, $0xb8;
	[tilespmem:$0x18C00] =	vst v63  }
0x34d: {  	_ =	swait.ge [sflag:s24], $0x1000  }
0x34e: {  	[sflag:s24] =	ssyncset.done $0x0  }
0x34f: {  	[sflag:s24] =	ssyncadd.s32 $0xFFFFF000  }
0x350: {  	_ =	swait.ge [sflag:s25], $0x1000  }
0x351: {  	s10 =	sld [smem:$0x7E1]  }
0x352: {  	[sflag:s25] =	ssyncset.done $0x0  }
0x353: {  	s12 =	sld [smem:$0x7E3];
	[sflag:s25] =	ssyncadd.s32 $0xFFFFF000  }
0x354: {  	[tilespmem:s17], [sflag:$0x3] =	stream.indirect.gather [spmem:s2], $0x40, s10, s14, $0xb8;
	[tilespmem:$0x18C00] =	vst v63  }
0x355: {  	_ = 	snop  }
0x356: {  	[spmem:s3] =	stream.indirect.scatter.add.f32 [tilespmem:s19], [sflag:$0x8], $0x40, s12, s14, $0xb8;
	[tilespmem:$0x18C00] =	vst v63  }
0x357: {  	_ =	swait.ge [sflag:s18], $0x1000  }
0x358: {  	[sflag:s18] =	ssyncset.done $0x0  }
0x359: {  	[sflag:s18] =	ssyncadd.s32 $0xFFFFF000  }
0x35a: {  	_ =	swait.ge [sflag:s26], $0x1000  }
0x35b: {  	s10 =	sld [smem:$0x7E4]  }
0x35c: {  	[sflag:s26] =	ssyncset.done $0x0  }
0x35d: {  	s12 =	sld [smem:$0x7E5];
	[sflag:s26] =	ssyncadd.s32 $0xFFFFF000  }
0x35e: {  	[tilespmem:s19], [sflag:$0x4] =	stream.indirect.gather [spmem:s2], $0x40, s10, s14, $0xb8;
	[tilespmem:$0x18C00] =	vst v63  }
0x35f: {  	_ = 	snop  }
0x360: {  	[spmem:s3] =	stream.indirect.scatter.add.f32 [tilespmem:s15], [sflag:$0x5], $0x40, s12, s14, $0xb8;
	[tilespmem:$0x18C00] =	vst v63  }
0x361: {  	_ =	swait.ge [sflag:s20], $0x1000  }
0x362: {  	[sflag:s20] =	ssyncset.done $0x0  }
0x363: {  	[sflag:s20] =	ssyncadd.s32 $0xFFFFF000  }
0x364: {  	_ =	swait.ge [sflag:s21], $0x1000  }
0x365: {  	s10 =	sld [smem:$0x7E6]  }
0x366: {  	[sflag:s21] =	ssyncset.done $0x0  }
0x367: {  	s12 =	sld [smem:$0x7E8];
	[sflag:s21] =	ssyncadd.s32 $0xFFFFF000  }
0x368: {  	[tilespmem:s15], [sflag:$0x1] =	stream.indirect.gather [spmem:s2], $0x40, s10, s14, $0xb8;
	[tilespmem:$0x18C00] =	vst v63  }
0x369: {  	_ = 	snop  }
0x36a: {  	[spmem:s3] =	stream.indirect.scatter.add.f32 [tilespmem:s16], [sflag:$0x6], $0x40, s12, s14, $0xb8;
	[tilespmem:$0x18C00] =	vst v63  }
0x36b: {  	_ =	swait.ge [sflag:s22], $0x1000  }
0x36c: {  	[sflag:s22] =	ssyncset.done $0x0  }
0x36d: {  	[sflag:s22] =	ssyncadd.s32 $0xFFFFF000  }
0x36e: {  	_ =	swait.ge [sflag:s23], $0x1000  }
0x36f: {  	s10 =	sld [smem:$0x7EA]  }
0x370: {  	[sflag:s23] =	ssyncset.done $0x0  }
0x371: {  	s12 =	sld [smem:$0x7EC];
	[sflag:s23] =	ssyncadd.s32 $0xFFFFF000  }
0x372: {  	[tilespmem:s16], [sflag:$0x2] =	stream.indirect.gather [spmem:s2], $0x40, s10, s14, $0xb8;
	[tilespmem:$0x18C00] =	vst v63  }
0x373: {  	_ = 	snop  }
0x374: {  	[spmem:s3] =	stream.indirect.scatter.add.f32 [tilespmem:s17], [sflag:$0x7], $0x40, s12, s14, $0xb8;
	[tilespmem:$0x18C00] =	vst v63  }
0x375: {  	_ =	swait.ge [sflag:s24], $0x1000  }
0x376: {  	[sflag:s24] =	ssyncset.done $0x0  }
0x377: {  	[sflag:s24] =	ssyncadd.s32 $0xFFFFF000  }
0x378: {  	_ =	swait.ge [sflag:s25], $0x1000  }
0x379: {  	s10 =	sld [smem:$0x7EE]  }
0x37a: {  	[sflag:s25] =	ssyncset.done $0x0  }
0x37b: {  	s12 =	sld [smem:$0x7EF];
	[sflag:s25] =	ssyncadd.s32 $0xFFFFF000  }
0x37c: {  	[tilespmem:s17], [sflag:$0x3] =	stream.indirect.gather [spmem:s2], $0x40, s10, s14, $0xb8;
	[tilespmem:$0x18C00] =	vst v63  }
0x37d: {  	_ = 	snop  }
0x37e: {  	[spmem:s3] =	stream.indirect.scatter.add.f32 [tilespmem:s19], [sflag:$0x8], $0x40, s12, s14, $0xb8;
	[tilespmem:$0x18C00] =	vst v63  }
0x37f: {  	_ =	swait.ge [sflag:s18], $0x1000  }
0x380: {  	[sflag:s18] =	ssyncset.done $0x0  }
0x381: {  	[sflag:s18] =	ssyncadd.s32 $0xFFFFF000  }
0x382: {  	_ =	swait.ge [sflag:s26], $0x1000  }
0x383: {  	s10 =	sld [smem:$0x7F0]  }
0x384: {  	[sflag:s26] =	ssyncset.done $0x0  }
0x385: {  	s12 =	sld [smem:$0x7F1];
	[sflag:s26] =	ssyncadd.s32 $0xFFFFF000  }
0x386: {  	[tilespmem:s19], [sflag:$0x4] =	stream.indirect.gather [spmem:s2], $0x40, s10, s14, $0xb8;
	[tilespmem:$0x18C00] =	vst v63  }
0x387: {  	_ = 	snop  }
0x388: {  	[spmem:s3] =	stream.indirect.scatter.add.f32 [tilespmem:s15], [sflag:$0x5], $0x40, s12, s14, $0xb8;
	[tilespmem:$0x18C00] =	vst v63  }
0x389: {  	_ =	swait.ge [sflag:s20], $0x1000  }
0x38a: {  	[sflag:s20] =	ssyncset.done $0x0  }
0x38b: {  	[sflag:s20] =	ssyncadd.s32 $0xFFFFF000  }
0x38c: {  	_ =	swait.ge [sflag:s21], $0x1000  }
0x38d: {  	s10 =	sld [smem:$0x7F2]  }
0x38e: {  	[sflag:s21] =	ssyncset.done $0x0  }
0x38f: {  	s12 =	sld [smem:$0x7F3];
	[sflag:s21] =	ssyncadd.s32 $0xFFFFF000  }
0x390: {  	[tilespmem:s15], [sflag:$0x1] =	stream.indirect.gather [spmem:s2], $0x40, s10, s14, $0xb8;
	[tilespmem:$0x18C00] =	vst v63  }
0x391: {  	_ = 	snop  }
0x392: {  	[spmem:s3] =	stream.indirect.scatter.add.f32 [tilespmem:s16], [sflag:$0x6], $0x40, s12, s14, $0xb8;
	[tilespmem:$0x18C00] =	vst v63  }
0x393: {  	_ =	swait.ge [sflag:s22], $0x1000  }
0x394: {  	[sflag:s22] =	ssyncset.done $0x0  }
0x395: {  	[sflag:s22] =	ssyncadd.s32 $0xFFFFF000  }
0x396: {  	_ =	swait.ge [sflag:s23], $0x1000  }
0x397: {  	s10 =	sld [smem:$0x7F4]  }
0x398: {  	[sflag:s23] =	ssyncset.done $0x0  }
0x399: {  	s12 =	sld [smem:$0x7F5];
	[sflag:s23] =	ssyncadd.s32 $0xFFFFF000  }
0x39a: {  	[tilespmem:s16], [sflag:$0x2] =	stream.indirect.gather [spmem:s2], $0x40, s10, s14, $0xb8;
	[tilespmem:$0x18C00] =	vst v63  }
0x39b: {  	_ = 	snop  }
0x39c: {  	[spmem:s3] =	stream.indirect.scatter.add.f32 [tilespmem:s17], [sflag:$0x7], $0x40, s12, s14, $0xb8;
	[tilespmem:$0x18C00] =	vst v63  }
0x39d: {  	_ =	swait.ge [sflag:s24], $0x1000  }
0x39e: {  	[sflag:s24] =	ssyncset.done $0x0  }
0x39f: {  	[sflag:s24] =	ssyncadd.s32 $0xFFFFF000  }
0x3a0: {  	_ =	swait.ge [sflag:s25], $0x1000  }
0x3a1: {  	s10 =	sld [smem:$0x7F6]  }
0x3a2: {  	[sflag:s25] =	ssyncset.done $0x0  }
0x3a3: {  	s12 =	sld [smem:$0x7F7];
	[sflag:s25] =	ssyncadd.s32 $0xFFFFF000  }
0x3a4: {  	[tilespmem:s17], [sflag:$0x3] =	stream.indirect.gather [spmem:s2], $0x40, s10, s14, $0xb8;
	[tilespmem:$0x18C00] =	vst v63  }
0x3a5: {  	_ = 	snop  }
0x3a6: {  	[spmem:s3] =	stream.indirect.scatter.add.f32 [tilespmem:s19], [sflag:$0x8], $0x40, s12, s14, $0xb8;
	[tilespmem:$0x18C00] =	vst v63  }
0x3a7: {  	_ =	swait.ge [sflag:s18], $0x1000  }
0x3a8: {  	[sflag:s18] =	ssyncset.done $0x0  }
0x3a9: {  	[sflag:s18] =	ssyncadd.s32 $0xFFFFF000  }
0x3aa: {  	_ =	swait.ge [sflag:s26], $0x1000  }
0x3ab: {  	s10 =	sld [smem:$0x7F8]  }
0x3ac: {  	[sflag:s26] =	ssyncset.done $0x0  }
0x3ad: {  	s12 =	sld [smem:$0x7F9];
	[sflag:s26] =	ssyncadd.s32 $0xFFFFF000  }
0x3ae: {  	[tilespmem:s19], [sflag:$0x4] =	stream.indirect.gather [spmem:s2], $0x40, s10, s14, $0xb8;
	[tilespmem:$0x18C00] =	vst v63  }
0x3af: {  	_ = 	snop  }
0x3b0: {  	[spmem:s3] =	stream.indirect.scatter.add.f32 [tilespmem:s15], [sflag:$0x5], $0x40, s12, s14, $0xb8;
	[tilespmem:$0x18C00] =	vst v63  }
0x3b1: {  	_ =	swait.ge [sflag:s20], $0x1000  }
0x3b2: {  	[sflag:s20] =	ssyncset.done $0x0  }
0x3b3: {  	[sflag:s20] =	ssyncadd.s32 $0xFFFFF000  }
0x3b4: {  	_ =	swait.ge [sflag:s21], $0x1000  }
0x3b5: {  	s10 =	sld [smem:$0x7FA]  }
0x3b6: {  	[sflag:s21] =	ssyncset.done $0x0  }
0x3b7: {  	s12 =	sld [smem:$0x7FB];
	[sflag:s21] =	ssyncadd.s32 $0xFFFFF000  }
0x3b8: {  	[tilespmem:s15], [sflag:$0x1] =	stream.indirect.gather [spmem:s2], $0x40, s10, s14, $0xb8;
	[tilespmem:$0x18C00] =	vst v63  }
0x3b9: {  	_ = 	snop  }
0x3ba: {  	[spmem:s3] =	stream.indirect.scatter.add.f32 [tilespmem:s16], [sflag:$0x6], $0x40, s12, s14, $0xb8;
	[tilespmem:$0x18C00] =	vst v63  }
0x3bb: {  	_ =	swait.ge [sflag:s22], $0x1000  }
0x3bc: {  	[sflag:s22] =	ssyncset.done $0x0  }
0x3bd: {  	[sflag:s22] =	ssyncadd.s32 $0xFFFFF000  }
0x3be: {  	_ =	swait.ge [sflag:s23], $0x1000  }
0x3bf: {  	[sflag:s23] =	ssyncset.done $0x0  }
0x3c0: {  	[sflag:s23] =	ssyncadd.s32 $0xFFFFF000  }
0x3c1: {  	[tilespmem:s16], [sflag:$0x2] =	stream.indirect.gather [spmem:s2], $0x40, s28, s14, $0xb8;
	[tilespmem:$0x18C00] =	vst v63  }
0x3c2: {  	_ = 	snop  }
0x3c3: {  	[spmem:s3] =	stream.indirect.scatter.add.f32 [tilespmem:s17], [sflag:$0x7], $0x40, s29, s14, $0xb8;
	[tilespmem:$0x18C00] =	vst v63  }
0x3c4: {  	_ =	swait.ge [sflag:s24], $0x1000  }
0x3c5: {  	[sflag:s24] =	ssyncset.done $0x0  }
0x3c6: {  	[sflag:s24] =	ssyncadd.s32 $0xFFFFF000  }
0x3c7: {  	_ =	swait.ge [sflag:s25], $0x1000  }
0x3c8: {  	[sflag:s25] =	ssyncset.done $0x0  }
0x3c9: {  	[sflag:s25] =	ssyncadd.s32 $0xFFFFF000  }
0x3ca: {  	[tilespmem:s17], [sflag:$0x3] =	stream.indirect.gather [spmem:s2], $0x40, s30, s14, $0xb8;
	[tilespmem:$0x18C00] =	vst v63  }
0x3cb: {  	_ = 	snop  }
0x3cc: {  	[spmem:s3] =	stream.indirect.scatter.add.f32 [tilespmem:s19], [sflag:$0x8], $0x40, s31, s14, $0xb8;
	[tilespmem:$0x18C00] =	vst v63  }
0x3cd: {  	_ =	swait.ge [sflag:s18], $0x1000  }
0x3ce: {  	[sflag:s18] =	ssyncset.done $0x0  }
0x3cf: {  	[sflag:s18] =	ssyncadd.s32 $0xFFFFF000  }
0x3d0: {  	_ =	swait.ge [sflag:s26], $0x1000  }
0x3d1: {  	[sflag:s26] =	ssyncset.done $0x0  }
0x3d2: {  	[sflag:s26] =	ssyncadd.s32 $0xFFFFF000  }
0x3d3: {  	[tilespmem:s19], [sflag:$0x4] =	stream.indirect.gather [spmem:s2], $0x40, s1, s14, $0xb8;
	[tilespmem:$0x18C00] =	vst v63  }
0x3d4: {  	_ = 	snop  }
0x3d5: {  	[spmem:s3] =	stream.indirect.scatter.add.f32 [tilespmem:s15], [sflag:$0x5], $0x40, s0, s14, $0xb8;
	[tilespmem:$0x18C00] =	vst v63  }
0x3d6: {  	_ =	swait.ge [sflag:s20], $0x1000  }
0x3d7: {  	[sflag:s20] =	ssyncset.done $0x0  }
0x3d8: {  	[sflag:s20] =	ssyncadd.s32 $0xFFFFF000  }
0x3d9: {  	[spmem:s3] =	stream.indirect.scatter.add.f32 [tilespmem:s16], [sflag:$0x6], $0x40, s5, s14, $0xb8;
	[tilespmem:$0x18C00] =	vst v63  }
0x3da: {  	_ =	swait.ge [sflag:s22], $0x1000  }
0x3db: {  	[sflag:s22] =	ssyncset.done $0x0  }
0x3dc: {  	[sflag:s22] =	ssyncadd.s32 $0xFFFFF000  }
0x3dd: {  	[spmem:s3] =	stream.indirect.scatter.add.f32 [tilespmem:s17], [sflag:$0x7], $0x40, s7, s14, $0xb8;
	[tilespmem:$0x18C00] =	vst v63  }
0x3de: {  	_ =	swait.ge [sflag:s24], $0x1000  }
0x3df: {  	[sflag:s24] =	ssyncset.done $0x0  }
0x3e0: {  	[sflag:s24] =	ssyncadd.s32 $0xFFFFF000  }
0x3e1: {  	[spmem:s3] =	stream.indirect.scatter.add.f32 [tilespmem:s19], [sflag:$0x8], $0x40, s8, s14, $0xb8;
	[tilespmem:$0x18C00] =	vst v63  }
0x3e2: {  	_ =	swait.ge [sflag:s21], $0x1000  }
0x3e3: {  	[sflag:s21] =	ssyncset.done $0x0  }
0x3e4: {  	[sflag:s21] =	ssyncadd.s32 $0xFFFFF000  }
0x3e5: {  	_ =	swait.ge [sflag:s23], $0x1000  }
0x3e6: {  	[sflag:s23] =	ssyncset.done $0x0  }
0x3e7: {  	[sflag:s23] =	ssyncadd.s32 $0xFFFFF000  }
0x3e8: {  	_ =	swait.ge [sflag:s25], $0x1000  }
0x3e9: {  	[sflag:s25] =	ssyncset.done $0x0  }
0x3ea: {  	[sflag:s25] =	ssyncadd.s32 $0xFFFFF000  }
0x3eb: {  	_ =	swait.ge [sflag:s26], $0x1000  }
0x3ec: {  	[sflag:s26] =	ssyncset.done $0x0  }
0x3ed: {  	[sflag:s26] =	ssyncadd.s32 $0xFFFFF000  }
0x3ee: {  	[bflag:$0x0] =	sbarrier.arrive $0xFFFF  }
0x3ef: {  	s9 =	sld [smem:$0x7FC]  }
0x3f0: {  	s10 =	sld [smem:$0x7E9]  }
0x3f1: {  	s12 =	sld [smem:$0x7FD];
	_ =	sdelay $0x2  }
0x3f2: {  	[hbm:s10], [sflag:s9] =	dma.local [spmem:s12], $0x13C0  }
0x3f3: {  	_ =	swait.ge [sflag:s11], $0x13C0  }
0x3f4: {  	s6 =	sld [smem:$0x7DC];
	_ =	sdelay $0x2  }
0x3f5: {  	s10 =	sadd.s32 $0x1, s6;
	s6 =	sld [smem:$0x7EB];
	_ =	sdelay $0x2  }
0x3f6: {  	p0 =	sne.s32 s10, s6  }
.Ltmp1:
0x3f7: {  	_ = 	snop;
	(pc) =	sbr.rel @p0 .LBB2_1-.Ltmp1, $3  }
0x3f8: {  	_ =	sdelay $0x1  }
0x3f9: {  	[sflag:s11] =	ssyncset.done $0x0  }
0x3fa: {  	[sflag:s11] =	ssyncadd.s32 $0xFFFFEC40  }
0x3fb: {  	_ =	sfence.sel $0x180000  }
0x3fc: {  	[bflag:$0x0] =	sbarrier.arrive $0xFFFF  }
0x3fd: {  	_ =	strace $0x9000004A  }
0x3fe: {  	s0 =	stileid.u32;
	[bflag:$0x2] =	sbarrier.arrive $0xFFFF  }
0x3ff: {  	p0 =	sne.s32 s0, $0x0;
	s0 =	rddreg [dreg:$0x3]  }
0x400: {  	s0 =	sadd.s32 @!p0 $0x100000, s0  }
0x401: {  	[sflag:s0] =	ssyncadd.tile.s32 @!p0 $0x1;
	_ =	shalt  }
.Lfunc_end2:
_tile_overlayer_lowered:
.L_overlay_start_2:
0x402: {  	(tag) =	ssettag $0x2  }
0x403: {  	s0 =	rddreg [dreg:$0x0];
	s2 =	stileid.u32  }
0x404: {  	s1 =	rddreg [dreg:$0x1];
	p0 =	sne.s32 s2, $0x0  }
0x405: {  	s3 =	rddreg [dreg:$0x2];
	[bflag:$0x3] =	sbarrier.arrive $0xFFFF;
	s2 =	simm.s32 @!p0 $0x1C09  }
0x406: {  	[timem:s3], [sflag:s2] =	dma.local @!p0 [hbm:s0], s1  }
0x407: {  	s0 =	simm.s32 @!p0 $0x9  }
0x408: {  	_ =	swait.ge @!p0 [sflag:s0], s1  }
0x409: {  	s1 =	ssub.s32 @!p0 $0x0, s1;
	[sflag:s0] =	ssyncset.done @!p0 $0x0  }
0x40a: {  	[sflag:s0] =	ssyncadd.s32 @!p0 s1  }
0x40b: {  	[bflag:$0x3] =	sbarrier.arrive $0xFFFF  }
0x40c: {  	_ =	shalt  }

// kernel: kernel.7.cloned.1.call-start
scs
__scs_entry_jumppad:
0x0: {  	(pc) =	sbr.rel $0x88, $3  }
0x1: {  	(tag) =	ssettag $0x0;
	lr =	simm.s32 $0x1  }
0x2: {  	[smem:$0x3F8E] =	sst lr;
	_ =	strace $0xD0000000  }
0x3: {  	_ = 	snop  }
0x4: {  	_ = 	snop  }
0x5: {  	_ = 	snop  }
0x6: {  	_ = 	snop  }
0x7: {  	_ = 	snop  }
__scs_overlays_trampoline_lowered:
0x8: {  	[smem:$0x3F9D] =	sst s0  }
0x9: {  	[smem:$0x3F9E] =	sst s1  }
0xa: {  	[smem:$0x3F9F] =	sst s2  }
0xb: {  	[smem:$0x3FA0] =	sst s3  }
0xc: {  	[smem:$0x3FA1] =	sst s4  }
0xd: {  	[smem:$0x3FA2] =	sst s5  }
0xe: {  	[smem:$0x3FA3] =	sst s6  }
0xf: {  	[smem:$0x3FA4] =	sst s7  }
0x10: {  	[smem:$0x3FA5] =	sst s8  }
0x11: {  	[smem:$0x3FA6] =	sst s9;
	s0 =	simm.s32 @!p0 $0x0  }
0x12: {  	s1 =	sld [smem:$0x3F8C];
	s0 =	simm.s32 @p0 $0x1  }
0x13: {  	[smem:$0x3FA7] =	sst s0;
	s0 =	simm.s32 @!p1 $0x0  }
0x14: {  	s2 =	sld [smem:$0x3F8B];
	s0 =	simm.s32 @p1 $0x1  }
0x15: {  	[smem:$0x3FA8] =	sst s0;
	s0 =	simm.s32 @!p2 $0x0  }
0x16: {  	s3 =	sld [smem:$0x3FDB];
	s0 =	simm.s32 @p2 $0x1  }
0x17: {  	s4 =	simm.s32 $0x1BF5;
	[smem:$0x3FAA] =	sst s0  }
0x18: {  	s0 =	sld [smem:$0x3F8D];
	_ =	swait.ge [sflag:s4], $0x0  }
0x19: {  	s7 =	sld [smem:$0x3F8E]  }
0x1a: {  	s8 =	sadd.s32 $0xFFFFE003, lr  }
0x1b: {  	s9 =	sadd.s32 $0xFFFFFEF7, lr;
	s5 =	simm.s32 $0xFFFFFFFF;
	p2 =	slt.u32 s8, $0xFFFFF086  }
0x1c: {  	p1 =	slt.u32 s9, $0xF7A;
	s5 =	simm.s32 @!p2 $0x0  }
0x1d: {  	s5 =	simm.s32 @p1 $0x1;
	p0 =	seq.s32 s7, s2  }
0x1e: {  	s7 =	smul.u32 @!p0 $0xF7A, s2;
	p2 =	seq.s32 @!p0 s5, $0x0  }
0x1f: {  	s9 =	smul.u32 $0xF7A, s1;
	s8 =	simm.s32 @!p0 $0x1BF5;
	p2 =	por !p2, p0  }
0x20: {  	[sflag:s8] =	ssyncset.s32 @!p0 $0xFFFFF086;
	s6 =	sadd.s32 @!p0 s3, s7;
	s7 =	simm.s32 @!p0 $0x108  }
0x21: {  	s3 =	sadd.s32 s3, s9;
	s6 =	sadd.s32 @!p0 $0x88, s6;
	s7 =	simm.s32 @p2 $0x1082  }
0x22: {  	[simem:s7], [sflag:s8] =	dma.local @!p0 [hbm:s6], $0xF7A  }
0x23: {  	s9 =	sor.u32 $0xD0000000, s2;
	s6 =	simm.s32 $0x108;
	_ =	swait.ge @!p0 [sflag:s8], $0x0  }
0x24: {  	s3 =	sadd.s32 $0x88, s3;
	s6 =	simm.s32 @!p1 $0x1082;
	[sflag:s4] =	ssyncset.s32 $0xFFFFF086  }
0x25: {  	[simem:s6], [sflag:s4] =	dma.local [hbm:s3], $0xF7A  }
0x26: {  	[smem:$0x3F8E] =	sst s1;
	(tag) =	ssettag s2;
	_ =	strace s9  }
0x27: {  	s1 =	sld [smem:$0x3F9E]  }
0x28: {  	s2 =	sld [smem:$0x3F9F]  }
0x29: {  	s4 =	sld [smem:$0x3FA1]  }
0x2a: {  	p0 =	seq.s32 s5, $0x0;
	s5 =	sld [smem:$0x3FA2]  }
0x2b: {  	s6 =	sld [smem:$0x3FA3]  }
0x2c: {  	s7 =	sld [smem:$0x3FA4]  }
0x2d: {  	s3 =	simm.s32 $0x108;
	s8 =	sld [smem:$0x3FA5]  }
0x2e: {  	s3 =	simm.s32 @!p0 $0x1082;
	s9 =	sld [smem:$0x3FA6]  }
0x2f: {  	lr =	sadd.s32 s0, s3;
	s0 =	sld [smem:$0x3F9D]  }
0x30: {  	s3 =	sld [smem:$0x3FA0]  }
0x31: {  	[smem:$0x3FA9] =	sst s10  }
0x32: {  	s10 =	sld [smem:$0x3FA7];
	_ =	sdelay $0x3  }
0x33: {  	p0 =	seq.s32 s10, $0x1;
	s10 =	sld [smem:$0x3FA9];
	_ =	sdelay $0x3  }
0x34: {  	[smem:$0x3FA9] =	sst s10  }
0x35: {  	s10 =	sld [smem:$0x3FA8];
	_ =	sdelay $0x3  }
0x36: {  	p1 =	seq.s32 s10, $0x1;
	s10 =	sld [smem:$0x3FA9];
	_ =	sdelay $0x3  }
0x37: {  	[smem:$0x3FA9] =	sst s10  }
0x38: {  	s10 =	sld [smem:$0x3FAA]  }
0x39: {  	_ = 	snop;
	(pc) =	sbr.ind lr, $3  }
0x3a: {  	_ = 	snop  }
0x3b: {  	_ = 	snop  }
0x3c: {  	p2 =	seq.s32 s10, $0x1;
	s10 =	sld [smem:$0x3FA9]  }
0x3d: {  	_ =	shalt  }
0x3e: {  	_ =	shalt  }
0x3f: {  	_ =	shalt  }
0x40: {  	_ =	shalt  }
0x41: {  	_ =	shalt  }
0x42: {  	_ =	shalt  }
0x43: {  	_ =	shalt  }
0x44: {  	_ =	shalt  }
0x45: {  	_ =	shalt  }
0x46: {  	_ =	shalt  }
0x47: {  	_ =	shalt  }
0x48: {  	_ =	shalt  }
0x49: {  	_ =	shalt  }
0x4a: {  	_ =	shalt  }
0x4b: {  	_ =	shalt  }
0x4c: {  	_ =	shalt  }
0x4d: {  	_ =	shalt  }
0x4e: {  	_ =	shalt  }
0x4f: {  	_ =	shalt  }
0x50: {  	_ =	shalt  }
0x51: {  	_ =	shalt  }
0x52: {  	_ =	shalt  }
0x53: {  	_ =	shalt  }
0x54: {  	_ =	shalt  }
0x55: {  	_ =	shalt  }
0x56: {  	_ =	shalt  }
0x57: {  	_ =	shalt  }
0x58: {  	_ =	shalt  }
0x59: {  	_ =	shalt  }
0x5a: {  	_ =	shalt  }
0x5b: {  	_ =	shalt  }
0x5c: {  	_ =	shalt  }
0x5d: {  	_ =	shalt  }
0x5e: {  	_ =	shalt  }
0x5f: {  	_ =	shalt  }
0x60: {  	_ =	shalt  }
0x61: {  	_ =	shalt  }
0x62: {  	_ =	shalt  }
0x63: {  	_ =	shalt  }
0x64: {  	_ =	shalt  }
0x65: {  	_ =	shalt  }
0x66: {  	_ =	shalt  }
0x67: {  	_ =	shalt  }
0x68: {  	_ =	shalt  }
0x69: {  	_ =	shalt  }
0x6a: {  	_ =	shalt  }
0x6b: {  	_ =	shalt  }
0x6c: {  	_ =	shalt  }
0x6d: {  	_ =	shalt  }
0x6e: {  	_ =	shalt  }
0x6f: {  	_ =	shalt  }
0x70: {  	_ =	shalt  }
0x71: {  	_ =	shalt  }
0x72: {  	_ =	shalt  }
0x73: {  	_ =	shalt  }
0x74: {  	_ =	shalt  }
0x75: {  	_ =	shalt  }
0x76: {  	_ =	shalt  }
0x77: {  	_ =	shalt  }
0x78: {  	_ =	shalt  }
0x79: {  	_ =	shalt  }
0x7a: {  	_ =	shalt  }
0x7b: {  	_ =	shalt  }
0x7c: {  	_ =	shalt  }
0x7d: {  	_ =	shalt  }
0x7e: {  	_ =	shalt  }
0x7f: {  	_ =	shalt  }
0x80: {  	_ =	shalt  }
0x81: {  	_ =	shalt  }
0x82: {  	_ =	shalt  }
0x83: {  	_ =	shalt  }
0x84: {  	_ =	shalt  }
0x85: {  	_ =	shalt  }
0x86: {  	_ =	shalt  }
0x87: {  	_ =	shalt  }
.Lfunc_end0:
.L_simem_size_0:
called_computation_lowered:
.L_overlay_start_0:
0x88: {  	s2 =	sld [smem:$0x3FD9]  }
0x89: {  	s3 =	sld [smem:$0x3FFE];
	_ =	sdelay $0x1  }
0x8a: {  	s1 =	srdreg.scid  }
0x8b: {  	s0 =	sand.u32 $0x1, s1  }
0x8c: {  	s16 =	sshll.u32 s0, $0xA;
	s2 =	sadd.s32 s3, s2  }
0x8d: {  	s2 =	sadd.s32 s2, s16  }
0x8e: {  	[smem:$0x3FB5] =	sst s2  }
0x8f: {  	_ = 	snop  }
0x90: {  	(tm) =	ssettm $0x1  }
0x91: {  	s17 =	sld [smem:$0x3FFB];
	_ =	sdelay $0x3  }
0x92: {  	_ =	strace s17  }
0x93: {  	s2 =	sld [smem:$0x3FFC];
	_ =	sdelay $0x3  }
0x94: {  	_ =	strace s2  }
0x95: {  	s2 =	sld [smem:$0x3FFD];
	_ =	sdelay $0x3  }
0x96: {  	_ =	strace s2  }
0x97: {  	_ =	strace $0x8FFFFFFF  }
0x98: {  	s18 =	sld [smem:$0x3FDB];
	_ =	sdelay $0x1  }
0x99: {  	s19 =	simm.s32 $_scs_section_size  }
0x9a: {  	s4 =	simm.s32 $_size__tile_overlayer_lowered;
	s5 =	simm.s32 $_tile_overlayer_lowered  }
0x9b: {  	s22 =	simm.s32 $0x1BFF;
	s21 =	sshll.u32 s5, $0x1;
	s2 =	sadd.s32 s19, s18  }
0x9c: {  	s6 =	simm.s32 $0x0;
	s20 =	sshll.u32 s4, $0x1;
	s4 =	sadd.s32 s21, s2  }
0x9d: {  	[timem:s6], [sflag:s22] =	dma.local [hbm:s4], s20  }
0x9e: {  	_ =	swait.ge [sflag:s22], s20  }
0x9f: {  	s3 =	ssub.s32 $0x0, s20;
	[sflag:s22] =	ssyncset.done $0x0  }
0xa0: {  	[sflag:s22] =	ssyncadd.s32 s3;
	_ =	sdelay $0x1  }
0xa1: {  	s23 =	simm.s32 $0x1B8B  }
0xa2: {  	_ =	swait.ge [sflag:s23], $0x1  }
0xa3: {  	[sflag:s23] =	ssyncset.done $0x0  }
0xa4: {  	s25 =	simm.s32 $0x1B8E;
	s24 =	sld [smem:$0x3FFE];
	[sflag:s23] =	ssyncadd.s32 $0xFFFFFFFF  }
0xa5: {  	s26 =	simm.s32 $execute0_lowered;
	[smem:$0x3FD2] =	sst s25  }
0xa6: {  	s4 =	sshll.u32 s26, $0x1;
	_ =	strace $0x80000046;
	[dreg:$0x1] =	wrdreg $0xFFFFFFFF  }
0xa7: {  	s28 =	simm.s32 $_size_execute0_lowered;
	s2 =	sadd.s32 s2, s4;
	[dreg:$0x0] =	wrdreg $0x0  }
0xa8: {  	s4 =	sshll.u32 s28, $0x1;
	[dreg:$0x2] =	wrdreg s2  }
0xa9: {  	[dreg:$0x3] =	wrdreg s4  }
0xaa: {  	[dreg:$0x4] =	wrdreg $0xC0  }
0xab: {  	_ =	task [dreg:s6], $0x5FFFF  }
0xac: {  	[dreg:$0x1] =	wrdreg $0xFFFFFFFF  }
0xad: {  	[dreg:$0x0] =	wrdreg $0x60  }
0xae: {  	[dreg:$0x2] =	wrdreg s24  }
0xaf: {  	[dreg:$0x3] =	wrdreg $0x60000  }
0xb0: {  	[dreg:$0x4] =	wrdreg $0x125800  }
0xb1: {  	[dreg:$0x5] =	wrdreg $0x9  }
0xb2: {  	_ =	task.clear_ibuf [dreg:s6], $0x6FFFF;
	_ =	strace $0x90000046  }
0xb3: {  	s29 =	simm.s32 $0x9;
	_ =	strace $0x80000048  }
0xb4: {  	_ =	swait.ge [sflag:s29], $0x1  }
0xb5: {  	[sflag:s29] =	ssyncadd.s32 $0xFFFFFFFF  }
0xb6: {  	_ =	strace $0x90000048  }
0xb7: {  	_ =	sfence  }
0xb8: {  	s30 =	sld [smem:$0x0];
	_ =	sdelay $0x2  }
0xb9: {  	s31 =	sshll.u32 s1, $0xD;
	s1 =	sshrl.u32 s1, $0x2  }
0xba: {  	s3 =	sand.u32 $0x4000, s31;
	s1 =	sadd.s32 s1, s30  }
0xbb: {  	s0 =	sor.u32 s3, s0;
	s1 =	sshll.u32 s1, $0x11  }
0xbc: {  	s0 =	sor.u32 s1, s0  }
0xbd: {  	s0 =	sadd.s32 $0x8F2B, s0  }
0xbe: {  	[sflag:s0] =	ssyncadd.remote.s32 $0x1  }
0xbf: {  	_ =	sfence.sel $0xFFFF  }
0xc0: {  	[dreg:$0x0] =	wrdreg $0xFFFFFFFF;
	(pc) =	sbr.abs _section_cstart, $3  }
0xc1: {  	[dreg:$0x1] =	wrdreg $0xFFFFFFFF  }
0xc2: {  	_ =	task.clear_ibuf [dreg:s6], $0x2FFFF;
	_ =	strace $0x9FFFFFFF  }
0xc3: {  	(tm) =	ssettm $0x7FFFFFFF  }
tec
execute0_lowered:
.L_overlay_start_1:
0x0: {  	(tag) =	ssettag $0x1  }
0x1: {  	s0 =	rddreg [dreg:$0x0]  }
0x2: {  	s2 =	rddreg [dreg:$0x1]  }
0x3: {  	s3 =	rddreg [dreg:$0x2];
	s4 =	simm.s32 $0x0  }
0x4: {  	s7 =	simm.s32 $0x80;
	[smem:$0x7FF] =	sst s4  }
0x5: {  	s8 =	simm.s32 $0xC0;
	_ =	strace $0x80000047;
	[dreg:$0x6] =	wrdreg s7  }
0x6: {  	s10 =	simm.s32 $0x100;
	[dreg:$0x7] =	wrdreg s8  }
0x7: {  	s11 =	simm.s32 $0x840;
	[dreg:$0x8] =	wrdreg s10  }
0x8: {  	s12 =	simm.s32 $0x140;
	[dreg:$0x9] =	wrdreg s11  }
0x9: {  	s13 =	simm.s32 $0x880;
	[dreg:$0xa] =	wrdreg s12  }
0xa: {  	s14 =	simm.s32 $0x180;
	[dreg:$0xb] =	wrdreg s13  }
0xb: {  	s15 =	simm.s32 $0x8C0;
	[dreg:$0xc] =	wrdreg s14  }
0xc: {  	s16 =	simm.s32 $0x1C0;
	[dreg:$0xd] =	wrdreg s15  }
0xd: {  	s17 =	simm.s32 $0x900;
	[dreg:$0xe] =	wrdreg s16  }
0xe: {  	s18 =	simm.s32 $0x200;
	[dreg:$0xf] =	wrdreg s17  }
0xf: {  	s19 =	simm.s32 $0x940;
	[dreg:$0x10] =	wrdreg s18  }
0x10: {  	s20 =	simm.s32 $0x240;
	[dreg:$0x11] =	wrdreg s19  }
0x11: {  	s21 =	simm.s32 $0x980;
	[dreg:$0x12] =	wrdreg s20  }
0x12: {  	s22 =	simm.s32 $0x280;
	[dreg:$0x13] =	wrdreg s21  }
0x13: {  	s23 =	simm.s32 $0x9C0;
	[dreg:$0x14] =	wrdreg s22  }
0x14: {  	s24 =	simm.s32 $0x2C0;
	[dreg:$0x15] =	wrdreg s23  }
0x15: {  	s25 =	simm.s32 $0xA00;
	[dreg:$0x16] =	wrdreg s24  }
0x16: {  	s6 =	simm.s32 $0x300;
	[dreg:$0x17] =	wrdreg s25  }
0x17: {  	[dreg:$0x18] =	wrdreg s6;
	s7 =	simm.s32 $0xA40  }
0x18: {  	s8 =	simm.s32 $0x340;
	[dreg:$0x19] =	wrdreg s7  }
0x19: {  	s10 =	simm.s32 $0xA80;
	[dreg:$0x1a] =	wrdreg s8  }
0x1a: {  	s11 =	simm.s32 $0x380;
	[dreg:$0x1b] =	wrdreg s10  }
0x1b: {  	s9 =	stileid.u32;
	s12 =	simm.s32 $0xAC0;
	[dreg:$0x1c] =	wrdreg s11  }
0x1c: {  	s28 =	simm.s32 $0x740;
	s13 =	simm.s32 $0x3C0;
	[dreg:$0x1d] =	wrdreg s12  }
0x1d: {  	s29 =	simm.s32 $0xE80;
	s14 =	simm.s32 $0xB00;
	[dreg:$0x1e] =	wrdreg s13  }
0x1e: {  	s30 =	simm.s32 $0x780;
	s15 =	simm.s32 $0x400;
	[dreg:$0x1f] =	wrdreg s14  }
0x1f: {  	s31 =	simm.s32 $0xEC0;
	s16 =	simm.s32 $0xB40;
	[smem:$0x7DD] =	sst s15  }
0x20: {  	s1 =	smul.u32 $0x1400, s9;
	s17 =	simm.s32 $0x440;
	[smem:$0x7DE] =	sst s16  }
0x21: {  	s26 =	smul.u32 $0xC580, s9;
	s19 =	simm.s32 $0xB80;
	[smem:$0x7DF] =	sst s17  }
0x22: {  	s9 =	sshll.u32 s9, $0x6;
	s20 =	simm.s32 $0x480;
	[smem:$0x7E0] =	sst s19  }
0x23: {  	s22 =	simm.s32 $0xBC0;
	s23 =	simm.s32 $0x4C0;
	[smem:$0x7E1] =	sst s20  }
0x24: {  	s24 =	simm.s32 $0xC00;
	s9 =	sor.u32 $0x1C09, s9;
	[smem:$0x7E3] =	sst s22  }
0x25: {  	s25 =	simm.s32 $0x500;
	s1 =	sadd.s32 s1, s0;
	[smem:$0x7E4] =	sst s23  }
0x26: {  	s6 =	sshrl.u32 s26, $0x3;
	s7 =	srdreg.scid;
	[smem:$0x7E5] =	sst s24  }
0x27: {  	s21 =	sadd.s32 s26, s2;
	[smem:$0x7E6] =	sst s25;
	s12 =	simm.s32 $0x580  }
0x28: {  	s14 =	simm.s32 $0xCC0;
	s15 =	simm.s32 $0x5C0;
	[smem:$0x7FC] =	sst s9  }
0x29: {  	s16 =	simm.s32 $0xD00;
	s17 =	simm.s32 $0x600;
	[smem:$0x7EE] =	sst s12  }
0x2a: {  	s19 =	simm.s32 $0x640;
	s20 =	simm.s32 $0xD80;
	[smem:$0x7EF] =	sst s14  }
0x2b: {  	s22 =	simm.s32 $0xDC0;
	s23 =	simm.s32 $0x6C0;
	[smem:$0x7F0] =	sst s15  }
0x2c: {  	s24 =	simm.s32 $0xE00;
	s25 =	simm.s32 $0x700;
	[smem:$0x7F1] =	sst s16  }
0x2d: {  	s5 =	sadd.s32 $0x1C00, s1;
	s1 =	sadd.s32 $0x15C00, s1;
	[smem:$0x7F2] =	sst s17  }
0x2e: {  	s7 =	sand.u32 $0x1, s7;
	s6 =	sadd.s32 s6, s0;
	[smem:$0x7F4] =	sst s19  }
0x2f: {  	s13 =	sshrl.u32 s21, $0x3;
	s14 =	simm.s32 $0x40;
	[smem:$0x7F5] =	sst s20  }
0x30: {  	s15 =	simm.s32 $0x1000;
	s16 =	simm.s32 $0x2400;
	[smem:$0x7F7] =	sst s22  }
0x31: {  	s17 =	simm.s32 $0x3800;
	s21 =	simm.s32 $0x680;
	[smem:$0x7F8] =	sst s23  }
0x32: {  	s19 =	simm.s32 $0x4C00;
	s20 =	simm.s32 $0x2;
	[smem:$0x7F9] =	sst s24  }
0x33: {  	s22 =	simm.s32 $0x3;
	[smem:$0x7FA] =	sst s25;
	s23 =	simm.s32 $0x6  }
0x34: {  	s24 =	simm.s32 $0x4;
	s25 =	simm.s32 $0x7;
	[dreg:$0x4] =	wrdreg s5  }
0x35: {  	[dreg:$0x5] =	wrdreg s1;
	s8 =	smul.u32 $0xC5800, s7;
	s7 =	ssub.s32 $0x2, s7  }
0x36: {  	s5 =	sadd.s32 s26, s3;
	s6 =	sadd.s32 $0x29C00, s6;
	[smem:$0x7ED] =	sst s13  }
0x37: {  	s13 =	simm.s32 $0x800;
	[smem:$0x7F6] =	sst s21;
	s21 =	simm.s32 $0x5  }
0x38: {  	s1 =	simm.s32 $0x7C0;
	s18 =	sshrl.u32 s7, $0x1;
	[smem:$0x7E7] =	sst s6  }
0x39: {  	s6 =	simm.s32 $0x540;
	s12 =	sshrl.u32 s5, $0x3;
	s5 =	simm.s32 $0xF40  }
0x3a: {  	s8 =	sadd.s32 s26, s8;
	s7 =	ssub.s32 s7, s18;
	[smem:$0x7EA] =	sst s6  }
0x3b: {  	s26 =	simm.s32 $0xC40;
	s18 =	simm.s32 $0xD40;
	[smem:$0x7FD] =	sst s12  }
0x3c: {  	s8 =	sshrl.u32 s8, $0x3;
	[smem:$0x7E8] =	sst s26;
	s11 =	smax.u32 s7, $0x1  }
0x3d: {  	[smem:$0x7F3] =	sst s18;
	s18 =	simm.s32 $0x1;
	s26 =	simm.s32 $0xE40  }
0x3e: {  	s7 =	simm.s32 $0xF80;
	s0 =	sadd.s32 s8, s0;
	[smem:$0x7EB] =	sst s11  }
0x3f: {  	s11 =	simm.s32 $0x9;
	[smem:$0x7FB] =	sst s26;
	s10 =	sadd.s32 $0x50C00, s0  }
0x40: {  	s26 =	simm.s32 $0x8;
	s0 =	sadd.s32 $0x82200, s0;
	[smem:$0x7E2] =	sst s10  }
0x41: {  	s8 =	simm.s32 $0xFC0;
	[smem:$0x7E9] =	sst s0;
	s10 =	simm.s32 $0xC80  }
0x42: {  	s0 =	simm.s32 $0xF00;
	[smem:$0x7EC] =	sst s10;
	s10 =	simm.s32 $0x0  }
.LBB2_1:
0x43: {  	[smem:$0x7DC] =	sst s10  }
0x44: {  	s6 =	sld [smem:$0x7E2]  }
0x45: {  	s10 =	sld [smem:$0x7ED];
	_ =	sdelay $0x2  }
0x46: {  	[spmem:s10], [sflag:s9] =	dma.local [hbm:s6], $0x18B0  }
0x47: {  	_ =	swait.ge [sflag:s11], $0x18B0  }
0x48: {  	s10 =	sld [smem:$0x7E7]  }
0x49: {  	[sflag:s11] =	ssyncset.done $0x0  }
0x4a: {  	[sflag:s11] =	ssyncadd.s32 $0xFFFFE750  }
0x4b: {  	[spmem:s12], [sflag:s9] =	dma.local [hbm:s10], $0x18B0  }
0x4c: {  	_ =	swait.ge [sflag:s11], $0x18B0  }
0x4d: {  	[sflag:s11] =	ssyncset.done $0x0  }
0x4e: {  	[sflag:s11] =	ssyncadd.s32 $0xFFFFE750  }
0x4f: {  	[bflag:$0x0] =	sbarrier.arrive $0xFFFF  }
0x50: {  	s10 =	rddreg [dreg:$0x5]  }
0x51: {  	s6 =	sadd.s32 $0x0, s10  }
0x52: {  	[tilespmem:s4], [sflag:$0x9] =	stream.linear.gather [hbm4b:s6+s4], $0x800, $0x38;
	[tilespmem:$0x1EB00] =	vst v63  }
0x53: {  	_ =	swait.ge [sflag:s11], $0x800  }
0x54: {  	s12 =	rddreg [dreg:$0x4];
	[sflag:s11] =	ssyncset.done $0x0  }
0x55: {  	[sflag:s11] =	ssyncadd.s32 $0xFFFFF800;
	s6 =	sadd.s32 $0x0, s12  }
0x56: {  	[tilespmem:s13], [sflag:$0x9] =	stream.linear.gather [hbm4b:s6+s4], $0x800, $0x38;
	[tilespmem:$0x1EB00] =	vst v63  }
0x57: {  	_ =	swait.ge [sflag:s11], $0x800  }
0x58: {  	[sflag:s11] =	ssyncset.done $0x0  }
0x59: {  	[sflag:s11] =	ssyncadd.s32 $0xFFFFF800  }
0x5a: {  	[tilespmem:s15], [sflag:$0x1] =	stream.indirect.gather [spmem:s2], $0x50, s4, s14, $0xb8;
	[tilespmem:$0x1EB00] =	vst v63  }
0x5b: {  	_ = 	snop  }
0x5c: {  	[tilespmem:s16], [sflag:$0x2] =	stream.indirect.gather [spmem:s2], $0x50, s14, s14, $0xb8;
	[tilespmem:$0x1EB00] =	vst v63  }
0x5d: {  	s9 =	rddreg [dreg:$0x6]  }
0x5e: {  	[tilespmem:s17], [sflag:$0x3] =	stream.indirect.gather [spmem:s2], $0x50, s9, s14, $0xb8;
	[tilespmem:$0x1EB00] =	vst v63  }
0x5f: {  	_ =	swait.ge [sflag:s18], $0x1400  }
0x60: {  	[sflag:s18] =	ssyncset.done $0x0  }
0x61: {  	s10 =	rddreg [dreg:$0x7];
	[sflag:s18] =	ssyncadd.s32 $0xFFFFEC00  }
0x62: {  	[tilespmem:s19], [sflag:$0x4] =	stream.indirect.gather [spmem:s2], $0x50, s10, s14, $0xb8;
	[tilespmem:$0x1EB00] =	vst v63  }
0x63: {  	_ = 	snop  }
0x64: {  	[spmem:s3] =	stream.indirect.scatter.add.f32 [tilespmem:s15], [sflag:$0x5], $0x50, s13, s14, $0xb8;
	[tilespmem:$0x1EB00] =	vst v63  }
0x65: {  	_ =	swait.ge [sflag:s20], $0x1400  }
0x66: {  	[sflag:s20] =	ssyncset.done $0x0  }
0x67: {  	[sflag:s20] =	ssyncadd.s32 $0xFFFFEC00  }
0x68: {  	_ =	swait.ge [sflag:s21], $0x1400  }
0x69: {  	[sflag:s21] =	ssyncset.done $0x0  }
0x6a: {  	s12 =	rddreg [dreg:$0x8];
	[sflag:s21] =	ssyncadd.s32 $0xFFFFEC00  }
0x6b: {  	[tilespmem:s15], [sflag:$0x1] =	stream.indirect.gather [spmem:s2], $0x50, s12, s14, $0xb8;
	[tilespmem:$0x1EB00] =	vst v63  }
0x6c: {  	s9 =	rddreg [dreg:$0x9]  }
0x6d: {  	[spmem:s3] =	stream.indirect.scatter.add.f32 [tilespmem:s16], [sflag:$0x6], $0x50, s9, s14, $0xb8;
	[tilespmem:$0x1EB00] =	vst v63  }
0x6e: {  	_ =	swait.ge [sflag:s22], $0x1400  }
0x6f: {  	[sflag:s22] =	ssyncset.done $0x0  }
0x70: {  	[sflag:s22] =	ssyncadd.s32 $0xFFFFEC00  }
0x71: {  	_ =	swait.ge [sflag:s23], $0x1400  }
0x72: {  	[sflag:s23] =	ssyncset.done $0x0  }
0x73: {  	s12 =	rddreg [dreg:$0xa];
	[sflag:s23] =	ssyncadd.s32 $0xFFFFEC00  }
0x74: {  	[tilespmem:s16], [sflag:$0x2] =	stream.indirect.gather [spmem:s2], $0x50, s12, s14, $0xb8;
	[tilespmem:$0x1EB00] =	vst v63  }
0x75: {  	s9 =	rddreg [dreg:$0xb]  }
0x76: {  	[spmem:s3] =	stream.indirect.scatter.add.f32 [tilespmem:s17], [sflag:$0x7], $0x50, s9, s14, $0xb8;
	[tilespmem:$0x1EB00] =	vst v63  }
0x77: {  	_ =	swait.ge [sflag:s24], $0x1400  }
0x78: {  	[sflag:s24] =	ssyncset.done $0x0  }
0x79: {  	[sflag:s24] =	ssyncadd.s32 $0xFFFFEC00  }
0x7a: {  	_ =	swait.ge [sflag:s25], $0x1400  }
0x7b: {  	[sflag:s25] =	ssyncset.done $0x0  }
0x7c: {  	s12 =	rddreg [dreg:$0xc];
	[sflag:s25] =	ssyncadd.s32 $0xFFFFEC00  }
0x7d: {  	[tilespmem:s17], [sflag:$0x3] =	stream.indirect.gather [spmem:s2], $0x50, s12, s14, $0xb8;
	[tilespmem:$0x1EB00] =	vst v63  }
0x7e: {  	s9 =	rddreg [dreg:$0xd]  }
0x7f: {  	[spmem:s3] =	stream.indirect.scatter.add.f32 [tilespmem:s19], [sflag:$0x8], $0x50, s9, s14, $0xb8;
	[tilespmem:$0x1EB00] =	vst v63  }
0x80: {  	_ =	swait.ge [sflag:s18], $0x1400  }
0x81: {  	[sflag:s18] =	ssyncset.done $0x0  }
0x82: {  	[sflag:s18] =	ssyncadd.s32 $0xFFFFEC00  }
0x83: {  	_ =	swait.ge [sflag:s26], $0x1400  }
0x84: {  	[sflag:s26] =	ssyncset.done $0x0  }
0x85: {  	s12 =	rddreg [dreg:$0xe];
	[sflag:s26] =	ssyncadd.s32 $0xFFFFEC00  }
0x86: {  	[tilespmem:s19], [sflag:$0x4] =	stream.indirect.gather [spmem:s2], $0x50, s12, s14, $0xb8;
	[tilespmem:$0x1EB00] =	vst v63  }
0x87: {  	s9 =	rddreg [dreg:$0xf]  }
0x88: {  	[spmem:s3] =	stream.indirect.scatter.add.f32 [tilespmem:s15], [sflag:$0x5], $0x50, s9, s14, $0xb8;
	[tilespmem:$0x1EB00] =	vst v63  }
0x89: {  	_ =	swait.ge [sflag:s20], $0x1400  }
0x8a: {  	[sflag:s20] =	ssyncset.done $0x0  }
0x8b: {  	[sflag:s20] =	ssyncadd.s32 $0xFFFFEC00  }
0x8c: {  	_ =	swait.ge [sflag:s21], $0x1400  }
0x8d: {  	[sflag:s21] =	ssyncset.done $0x0  }
0x8e: {  	s12 =	rddreg [dreg:$0x10];
	[sflag:s21] =	ssyncadd.s32 $0xFFFFEC00  }
0x8f: {  	[tilespmem:s15], [sflag:$0x1] =	stream.indirect.gather [spmem:s2], $0x50, s12, s14, $0xb8;
	[tilespmem:$0x1EB00] =	vst v63  }
0x90: {  	s9 =	rddreg [dreg:$0x11]  }
0x91: {  	[spmem:s3] =	stream.indirect.scatter.add.f32 [tilespmem:s16], [sflag:$0x6], $0x50, s9, s14, $0xb8;
	[tilespmem:$0x1EB00] =	vst v63  }
0x92: {  	_ =	swait.ge [sflag:s22], $0x1400  }
0x93: {  	[sflag:s22] =	ssyncset.done $0x0  }
0x94: {  	[sflag:s22] =	ssyncadd.s32 $0xFFFFEC00  }
0x95: {  	_ =	swait.ge [sflag:s23], $0x1400  }
0x96: {  	[sflag:s23] =	ssyncset.done $0x0  }
0x97: {  	s12 =	rddreg [dreg:$0x12];
	[sflag:s23] =	ssyncadd.s32 $0xFFFFEC00  }
0x98: {  	[tilespmem:s16], [sflag:$0x2] =	stream.indirect.gather [spmem:s2], $0x50, s12, s14, $0xb8;
	[tilespmem:$0x1EB00] =	vst v63  }
0x99: {  	s9 =	rddreg [dreg:$0x13]  }
0x9a: {  	[spmem:s3] =	stream.indirect.scatter.add.f32 [tilespmem:s17], [sflag:$0x7], $0x50, s9, s14, $0xb8;
	[tilespmem:$0x1EB00] =	vst v63  }
0x9b: {  	_ =	swait.ge [sflag:s24], $0x1400  }
0x9c: {  	[sflag:s24] =	ssyncset.done $0x0  }
0x9d: {  	[sflag:s24] =	ssyncadd.s32 $0xFFFFEC00  }
0x9e: {  	_ =	swait.ge [sflag:s25], $0x1400  }
0x9f: {  	[sflag:s25] =	ssyncset.done $0x0  }
0xa0: {  	s12 =	rddreg [dreg:$0x14];
	[sflag:s25] =	ssyncadd.s32 $0xFFFFEC00  }
0xa1: {  	[tilespmem:s17], [sflag:$0x3] =	stream.indirect.gather [spmem:s2], $0x50, s12, s14, $0xb8;
	[tilespmem:$0x1EB00] =	vst v63  }
0xa2: {  	s9 =	rddreg [dreg:$0x15]  }
0xa3: {  	[spmem:s3] =	stream.indirect.scatter.add.f32 [tilespmem:s19], [sflag:$0x8], $0x50, s9, s14, $0xb8;
	[tilespmem:$0x1EB00] =	vst v63  }
0xa4: {  	_ =	swait.ge [sflag:s18], $0x1400  }
0xa5: {  	[sflag:s18] =	ssyncset.done $0x0  }
0xa6: {  	[sflag:s18] =	ssyncadd.s32 $0xFFFFEC00  }
0xa7: {  	_ =	swait.ge [sflag:s26], $0x1400  }
0xa8: {  	[sflag:s26] =	ssyncset.done $0x0  }
0xa9: {  	s12 =	rddreg [dreg:$0x16];
	[sflag:s26] =	ssyncadd.s32 $0xFFFFEC00  }
0xaa: {  	[tilespmem:s19], [sflag:$0x4] =	stream.indirect.gather [spmem:s2], $0x50, s12, s14, $0xb8;
	[tilespmem:$0x1EB00] =	vst v63  }
0xab: {  	s9 =	rddreg [dreg:$0x17]  }
0xac: {  	[spmem:s3] =	stream.indirect.scatter.add.f32 [tilespmem:s15], [sflag:$0x5], $0x50, s9, s14, $0xb8;
	[tilespmem:$0x1EB00] =	vst v63  }
0xad: {  	_ =	swait.ge [sflag:s20], $0x1400  }
0xae: {  	[sflag:s20] =	ssyncset.done $0x0  }
0xaf: {  	[sflag:s20] =	ssyncadd.s32 $0xFFFFEC00  }
0xb0: {  	_ =	swait.ge [sflag:s21], $0x1400  }
0xb1: {  	[sflag:s21] =	ssyncset.done $0x0  }
0xb2: {  	s12 =	rddreg [dreg:$0x18];
	[sflag:s21] =	ssyncadd.s32 $0xFFFFEC00  }
0xb3: {  	[tilespmem:s15], [sflag:$0x1] =	stream.indirect.gather [spmem:s2], $0x50, s12, s14, $0xb8;
	[tilespmem:$0x1EB00] =	vst v63  }
0xb4: {  	s9 =	rddreg [dreg:$0x19]  }
0xb5: {  	[spmem:s3] =	stream.indirect.scatter.add.f32 [tilespmem:s16], [sflag:$0x6], $0x50, s9, s14, $0xb8;
	[tilespmem:$0x1EB00] =	vst v63  }
0xb6: {  	_ =	swait.ge [sflag:s22], $0x1400  }
0xb7: {  	[sflag:s22] =	ssyncset.done $0x0  }
0xb8: {  	[sflag:s22] =	ssyncadd.s32 $0xFFFFEC00  }
0xb9: {  	_ =	swait.ge [sflag:s23], $0x1400  }
0xba: {  	[sflag:s23] =	ssyncset.done $0x0  }
0xbb: {  	s12 =	rddreg [dreg:$0x1a];
	[sflag:s23] =	ssyncadd.s32 $0xFFFFEC00  }
0xbc: {  	[tilespmem:s16], [sflag:$0x2] =	stream.indirect.gather [spmem:s2], $0x50, s12, s14, $0xb8;
	[tilespmem:$0x1EB00] =	vst v63  }
0xbd: {  	s9 =	rddreg [dreg:$0x1b]  }
0xbe: {  	[spmem:s3] =	stream.indirect.scatter.add.f32 [tilespmem:s17], [sflag:$0x7], $0x50, s9, s14, $0xb8;
	[tilespmem:$0x1EB00] =	vst v63  }
0xbf: {  	_ =	swait.ge [sflag:s24], $0x1400  }
0xc0: {  	[sflag:s24] =	ssyncset.done $0x0  }
0xc1: {  	[sflag:s24] =	ssyncadd.s32 $0xFFFFEC00  }
0xc2: {  	_ =	swait.ge [sflag:s25], $0x1400  }
0xc3: {  	[sflag:s25] =	ssyncset.done $0x0  }
0xc4: {  	s12 =	rddreg [dreg:$0x1c];
	[sflag:s25] =	ssyncadd.s32 $0xFFFFEC00  }
0xc5: {  	[tilespmem:s17], [sflag:$0x3] =	stream.indirect.gather [spmem:s2], $0x50, s12, s14, $0xb8;
	[tilespmem:$0x1EB00] =	vst v63  }
0xc6: {  	s9 =	rddreg [dreg:$0x1d]  }
0xc7: {  	[spmem:s3] =	stream.indirect.scatter.add.f32 [tilespmem:s19], [sflag:$0x8], $0x50, s9, s14, $0xb8;
	[tilespmem:$0x1EB00] =	vst v63  }
0xc8: {  	_ =	swait.ge [sflag:s18], $0x1400  }
0xc9: {  	[sflag:s18] =	ssyncset.done $0x0  }
0xca: {  	[sflag:s18] =	ssyncadd.s32 $0xFFFFEC00  }
0xcb: {  	_ =	swait.ge [sflag:s26], $0x1400  }
0xcc: {  	[sflag:s26] =	ssyncset.done $0x0  }
0xcd: {  	s12 =	rddreg [dreg:$0x1e];
	[sflag:s26] =	ssyncadd.s32 $0xFFFFEC00  }
0xce: {  	[tilespmem:s19], [sflag:$0x4] =	stream.indirect.gather [spmem:s2], $0x50, s12, s14, $0xb8;
	[tilespmem:$0x1EB00] =	vst v63  }
0xcf: {  	s9 =	rddreg [dreg:$0x1f]  }
0xd0: {  	[spmem:s3] =	stream.indirect.scatter.add.f32 [tilespmem:s15], [sflag:$0x5], $0x50, s9, s14, $0xb8;
	[tilespmem:$0x1EB00] =	vst v63  }
0xd1: {  	_ =	swait.ge [sflag:s20], $0x1400  }
0xd2: {  	[sflag:s20] =	ssyncset.done $0x0  }
0xd3: {  	[sflag:s20] =	ssyncadd.s32 $0xFFFFEC00  }
0xd4: {  	_ =	swait.ge [sflag:s21], $0x1400  }
0xd5: {  	s12 =	sld [smem:$0x7DD]  }
0xd6: {  	[sflag:s21] =	ssyncset.done $0x0  }
0xd7: {  	s9 =	sld [smem:$0x7DE];
	[sflag:s21] =	ssyncadd.s32 $0xFFFFEC00  }
0xd8: {  	[tilespmem:s15], [sflag:$0x1] =	stream.indirect.gather [spmem:s2], $0x50, s12, s14, $0xb8;
	[tilespmem:$0x1EB00] =	vst v63  }
0xd9: {  	_ = 	snop  }
0xda: {  	[spmem:s3] =	stream.indirect.scatter.add.f32 [tilespmem:s16], [sflag:$0x6], $0x50, s9, s14, $0xb8;
	[tilespmem:$0x1EB00] =	vst v63  }
0xdb: {  	_ =	swait.ge [sflag:s22], $0x1400  }
0xdc: {  	[sflag:s22] =	ssyncset.done $0x0  }
0xdd: {  	[sflag:s22] =	ssyncadd.s32 $0xFFFFEC00  }
0xde: {  	_ =	swait.ge [sflag:s23], $0x1400  }
0xdf: {  	s12 =	sld [smem:$0x7DF]  }
0xe0: {  	[sflag:s23] =	ssyncset.done $0x0  }
0xe1: {  	s9 =	sld [smem:$0x7E0];
	[sflag:s23] =	ssyncadd.s32 $0xFFFFEC00  }
0xe2: {  	[tilespmem:s16], [sflag:$0x2] =	stream.indirect.gather [spmem:s2], $0x50, s12, s14, $0xb8;
	[tilespmem:$0x1EB00] =	vst v63  }
0xe3: {  	_ = 	snop  }
0xe4: {  	[spmem:s3] =	stream.indirect.scatter.add.f32 [tilespmem:s17], [sflag:$0x7], $0x50, s9, s14, $0xb8;
	[tilespmem:$0x1EB00] =	vst v63  }
0xe5: {  	_ =	swait.ge [sflag:s24], $0x1400  }
0xe6: {  	[sflag:s24] =	ssyncset.done $0x0  }
0xe7: {  	[sflag:s24] =	ssyncadd.s32 $0xFFFFEC00  }
0xe8: {  	_ =	swait.ge [sflag:s25], $0x1400  }
0xe9: {  	s12 =	sld [smem:$0x7E1]  }
0xea: {  	[sflag:s25] =	ssyncset.done $0x0  }
0xeb: {  	s9 =	sld [smem:$0x7E3];
	[sflag:s25] =	ssyncadd.s32 $0xFFFFEC00  }
0xec: {  	[tilespmem:s17], [sflag:$0x3] =	stream.indirect.gather [spmem:s2], $0x50, s12, s14, $0xb8;
	[tilespmem:$0x1EB00] =	vst v63  }
0xed: {  	_ = 	snop  }
0xee: {  	[spmem:s3] =	stream.indirect.scatter.add.f32 [tilespmem:s19], [sflag:$0x8], $0x50, s9, s14, $0xb8;
	[tilespmem:$0x1EB00] =	vst v63  }
0xef: {  	_ =	swait.ge [sflag:s18], $0x1400  }
0xf0: {  	[sflag:s18] =	ssyncset.done $0x0  }
0xf1: {  	[sflag:s18] =	ssyncadd.s32 $0xFFFFEC00  }
0xf2: {  	_ =	swait.ge [sflag:s26], $0x1400  }
0xf3: {  	s12 =	sld [smem:$0x7E4]  }
0xf4: {  	[sflag:s26] =	ssyncset.done $0x0  }
0xf5: {  	s9 =	sld [smem:$0x7E5];
	[sflag:s26] =	ssyncadd.s32 $0xFFFFEC00  }
0xf6: {  	[tilespmem:s19], [sflag:$0x4] =	stream.indirect.gather [spmem:s2], $0x50, s12, s14, $0xb8;
	[tilespmem:$0x1EB00] =	vst v63  }
0xf7: {  	_ = 	snop  }
0xf8: {  	[spmem:s3] =	stream.indirect.scatter.add.f32 [tilespmem:s15], [sflag:$0x5], $0x50, s9, s14, $0xb8;
	[tilespmem:$0x1EB00] =	vst v63  }
0xf9: {  	_ =	swait.ge [sflag:s20], $0x1400  }
0xfa: {  	[sflag:s20] =	ssyncset.done $0x0  }
0xfb: {  	[sflag:s20] =	ssyncadd.s32 $0xFFFFEC00  }
0xfc: {  	_ =	swait.ge [sflag:s21], $0x1400  }
0xfd: {  	s12 =	sld [smem:$0x7E6]  }
0xfe: {  	[sflag:s21] =	ssyncset.done $0x0  }
0xff: {  	s9 =	sld [smem:$0x7E8];
	[sflag:s21] =	ssyncadd.s32 $0xFFFFEC00  }
0x100: {  	[tilespmem:s15], [sflag:$0x1] =	stream.indirect.gather [spmem:s2], $0x50, s12, s14, $0xb8;
	[tilespmem:$0x1EB00] =	vst v63  }
0x101: {  	_ = 	snop  }
0x102: {  	[spmem:s3] =	stream.indirect.scatter.add.f32 [tilespmem:s16], [sflag:$0x6], $0x50, s9, s14, $0xb8;
	[tilespmem:$0x1EB00] =	vst v63  }
0x103: {  	_ =	swait.ge [sflag:s22], $0x1400  }
0x104: {  	[sflag:s22] =	ssyncset.done $0x0  }
0x105: {  	[sflag:s22] =	ssyncadd.s32 $0xFFFFEC00  }
0x106: {  	_ =	swait.ge [sflag:s23], $0x1400  }
0x107: {  	s12 =	sld [smem:$0x7EA]  }
0x108: {  	[sflag:s23] =	ssyncset.done $0x0  }
0x109: {  	s9 =	sld [smem:$0x7EC];
	[sflag:s23] =	ssyncadd.s32 $0xFFFFEC00  }
0x10a: {  	[tilespmem:s16], [sflag:$0x2] =	stream.indirect.gather [spmem:s2], $0x50, s12, s14, $0xb8;
	[tilespmem:$0x1EB00] =	vst v63  }
0x10b: {  	_ = 	snop  }
0x10c: {  	[spmem:s3] =	stream.indirect.scatter.add.f32 [tilespmem:s17], [sflag:$0x7], $0x50, s9, s14, $0xb8;
	[tilespmem:$0x1EB00] =	vst v63  }
0x10d: {  	_ =	swait.ge [sflag:s24], $0x1400  }
0x10e: {  	[sflag:s24] =	ssyncset.done $0x0  }
0x10f: {  	[sflag:s24] =	ssyncadd.s32 $0xFFFFEC00  }
0x110: {  	_ =	swait.ge [sflag:s25], $0x1400  }
0x111: {  	s12 =	sld [smem:$0x7EE]  }
0x112: {  	[sflag:s25] =	ssyncset.done $0x0  }
0x113: {  	s9 =	sld [smem:$0x7EF];
	[sflag:s25] =	ssyncadd.s32 $0xFFFFEC00  }
0x114: {  	[tilespmem:s17], [sflag:$0x3] =	stream.indirect.gather [spmem:s2], $0x50, s12, s14, $0xb8;
	[tilespmem:$0x1EB00] =	vst v63  }
0x115: {  	_ = 	snop  }
0x116: {  	[spmem:s3] =	stream.indirect.scatter.add.f32 [tilespmem:s19], [sflag:$0x8], $0x50, s9, s14, $0xb8;
	[tilespmem:$0x1EB00] =	vst v63  }
0x117: {  	_ =	swait.ge [sflag:s18], $0x1400  }
0x118: {  	[sflag:s18] =	ssyncset.done $0x0  }
0x119: {  	[sflag:s18] =	ssyncadd.s32 $0xFFFFEC00  }
0x11a: {  	_ =	swait.ge [sflag:s26], $0x1400  }
0x11b: {  	s12 =	sld [smem:$0x7F0]  }
0x11c: {  	[sflag:s26] =	ssyncset.done $0x0  }
0x11d: {  	s9 =	sld [smem:$0x7F1];
	[sflag:s26] =	ssyncadd.s32 $0xFFFFEC00  }
0x11e: {  	[tilespmem:s19], [sflag:$0x4] =	stream.indirect.gather [spmem:s2], $0x50, s12, s14, $0xb8;
	[tilespmem:$0x1EB00] =	vst v63  }
0x11f: {  	_ = 	snop  }
0x120: {  	[spmem:s3] =	stream.indirect.scatter.add.f32 [tilespmem:s15], [sflag:$0x5], $0x50, s9, s14, $0xb8;
	[tilespmem:$0x1EB00] =	vst v63  }
0x121: {  	_ =	swait.ge [sflag:s20], $0x1400  }
0x122: {  	[sflag:s20] =	ssyncset.done $0x0  }
0x123: {  	[sflag:s20] =	ssyncadd.s32 $0xFFFFEC00  }
0x124: {  	_ =	swait.ge [sflag:s21], $0x1400  }
0x125: {  	s12 =	sld [smem:$0x7F2]  }
0x126: {  	[sflag:s21] =	ssyncset.done $0x0  }
0x127: {  	s9 =	sld [smem:$0x7F3];
	[sflag:s21] =	ssyncadd.s32 $0xFFFFEC00  }
0x128: {  	[tilespmem:s15], [sflag:$0x1] =	stream.indirect.gather [spmem:s2], $0x50, s12, s14, $0xb8;
	[tilespmem:$0x1EB00] =	vst v63  }
0x129: {  	_ = 	snop  }
0x12a: {  	[spmem:s3] =	stream.indirect.scatter.add.f32 [tilespmem:s16], [sflag:$0x6], $0x50, s9, s14, $0xb8;
	[tilespmem:$0x1EB00] =	vst v63  }
0x12b: {  	_ =	swait.ge [sflag:s22], $0x1400  }
0x12c: {  	[sflag:s22] =	ssyncset.done $0x0  }
0x12d: {  	[sflag:s22] =	ssyncadd.s32 $0xFFFFEC00  }
0x12e: {  	_ =	swait.ge [sflag:s23], $0x1400  }
0x12f: {  	s12 =	sld [smem:$0x7F4]  }
0x130: {  	[sflag:s23] =	ssyncset.done $0x0  }
0x131: {  	s9 =	sld [smem:$0x7F5];
	[sflag:s23] =	ssyncadd.s32 $0xFFFFEC00  }
0x132: {  	[tilespmem:s16], [sflag:$0x2] =	stream.indirect.gather [spmem:s2], $0x50, s12, s14, $0xb8;
	[tilespmem:$0x1EB00] =	vst v63  }
0x133: {  	_ = 	snop  }
0x134: {  	[spmem:s3] =	stream.indirect.scatter.add.f32 [tilespmem:s17], [sflag:$0x7], $0x50, s9, s14, $0xb8;
	[tilespmem:$0x1EB00] =	vst v63  }
0x135: {  	_ =	swait.ge [sflag:s24], $0x1400  }
0x136: {  	[sflag:s24] =	ssyncset.done $0x0  }
0x137: {  	[sflag:s24] =	ssyncadd.s32 $0xFFFFEC00  }
0x138: {  	_ =	swait.ge [sflag:s25], $0x1400  }
0x139: {  	s12 =	sld [smem:$0x7F6]  }
0x13a: {  	[sflag:s25] =	ssyncset.done $0x0  }
0x13b: {  	s9 =	sld [smem:$0x7F7];
	[sflag:s25] =	ssyncadd.s32 $0xFFFFEC00  }
0x13c: {  	[tilespmem:s17], [sflag:$0x3] =	stream.indirect.gather [spmem:s2], $0x50, s12, s14, $0xb8;
	[tilespmem:$0x1EB00] =	vst v63  }
0x13d: {  	_ = 	snop  }
0x13e: {  	[spmem:s3] =	stream.indirect.scatter.add.f32 [tilespmem:s19], [sflag:$0x8], $0x50, s9, s14, $0xb8;
	[tilespmem:$0x1EB00] =	vst v63  }
0x13f: {  	_ =	swait.ge [sflag:s18], $0x1400  }
0x140: {  	[sflag:s18] =	ssyncset.done $0x0  }
0x141: {  	[sflag:s18] =	ssyncadd.s32 $0xFFFFEC00  }
0x142: {  	_ =	swait.ge [sflag:s26], $0x1400  }
0x143: {  	s12 =	sld [smem:$0x7F8]  }
0x144: {  	[sflag:s26] =	ssyncset.done $0x0  }
0x145: {  	s9 =	sld [smem:$0x7F9];
	[sflag:s26] =	ssyncadd.s32 $0xFFFFEC00  }
0x146: {  	[tilespmem:s19], [sflag:$0x4] =	stream.indirect.gather [spmem:s2], $0x50, s12, s14, $0xb8;
	[tilespmem:$0x1EB00] =	vst v63  }
0x147: {  	_ = 	snop  }
0x148: {  	[spmem:s3] =	stream.indirect.scatter.add.f32 [tilespmem:s15], [sflag:$0x5], $0x50, s9, s14, $0xb8;
	[tilespmem:$0x1EB00] =	vst v63  }
0x149: {  	_ =	swait.ge [sflag:s20], $0x1400  }
0x14a: {  	[sflag:s20] =	ssyncset.done $0x0  }
0x14b: {  	[sflag:s20] =	ssyncadd.s32 $0xFFFFEC00  }
0x14c: {  	_ =	swait.ge [sflag:s21], $0x1400  }
0x14d: {  	s10 =	sld [smem:$0x7FA]  }
0x14e: {  	[sflag:s21] =	ssyncset.done $0x0  }
0x14f: {  	s12 =	sld [smem:$0x7FB];
	[sflag:s21] =	ssyncadd.s32 $0xFFFFEC00  }
0x150: {  	[tilespmem:s15], [sflag:$0x1] =	stream.indirect.gather [spmem:s2], $0x50, s10, s14, $0xb8;
	[tilespmem:$0x1EB00] =	vst v63  }
0x151: {  	_ = 	snop  }
0x152: {  	[spmem:s3] =	stream.indirect.scatter.add.f32 [tilespmem:s16], [sflag:$0x6], $0x50, s12, s14, $0xb8;
	[tilespmem:$0x1EB00] =	vst v63  }
0x153: {  	_ =	swait.ge [sflag:s22], $0x1400  }
0x154: {  	[sflag:s22] =	ssyncset.done $0x0  }
0x155: {  	[sflag:s22] =	ssyncadd.s32 $0xFFFFEC00  }
0x156: {  	_ =	swait.ge [sflag:s23], $0x1400  }
0x157: {  	[sflag:s23] =	ssyncset.done $0x0  }
0x158: {  	[sflag:s23] =	ssyncadd.s32 $0xFFFFEC00  }
0x159: {  	[tilespmem:s16], [sflag:$0x2] =	stream.indirect.gather [spmem:s2], $0x50, s28, s14, $0xb8;
	[tilespmem:$0x1EB00] =	vst v63  }
0x15a: {  	_ = 	snop  }
0x15b: {  	[spmem:s3] =	stream.indirect.scatter.add.f32 [tilespmem:s17], [sflag:$0x7], $0x50, s29, s14, $0xb8;
	[tilespmem:$0x1EB00] =	vst v63  }
0x15c: {  	_ =	swait.ge [sflag:s24], $0x1400  }
0x15d: {  	[sflag:s24] =	ssyncset.done $0x0  }
0x15e: {  	[sflag:s24] =	ssyncadd.s32 $0xFFFFEC00  }
0x15f: {  	_ =	swait.ge [sflag:s25], $0x1400  }
0x160: {  	[sflag:s25] =	ssyncset.done $0x0  }
0x161: {  	[sflag:s25] =	ssyncadd.s32 $0xFFFFEC00  }
0x162: {  	[tilespmem:s17], [sflag:$0x3] =	stream.indirect.gather [spmem:s2], $0x50, s30, s14, $0xb8;
	[tilespmem:$0x1EB00] =	vst v63  }
0x163: {  	_ = 	snop  }
0x164: {  	[spmem:s3] =	stream.indirect.scatter.add.f32 [tilespmem:s19], [sflag:$0x8], $0x50, s31, s14, $0xb8;
	[tilespmem:$0x1EB00] =	vst v63  }
0x165: {  	_ =	swait.ge [sflag:s18], $0x1400  }
0x166: {  	[sflag:s18] =	ssyncset.done $0x0  }
0x167: {  	[sflag:s18] =	ssyncadd.s32 $0xFFFFEC00  }
0x168: {  	_ =	swait.ge [sflag:s26], $0x1400  }
0x169: {  	[sflag:s26] =	ssyncset.done $0x0  }
0x16a: {  	[sflag:s26] =	ssyncadd.s32 $0xFFFFEC00  }
0x16b: {  	[tilespmem:s19], [sflag:$0x4] =	stream.indirect.gather [spmem:s2], $0x50, s1, s14, $0xb8;
	[tilespmem:$0x1EB00] =	vst v63  }
0x16c: {  	_ = 	snop  }
0x16d: {  	[spmem:s3] =	stream.indirect.scatter.add.f32 [tilespmem:s15], [sflag:$0x5], $0x50, s0, s14, $0xb8;
	[tilespmem:$0x1EB00] =	vst v63  }
0x16e: {  	_ =	swait.ge [sflag:s20], $0x1400  }
0x16f: {  	[sflag:s20] =	ssyncset.done $0x0  }
0x170: {  	[sflag:s20] =	ssyncadd.s32 $0xFFFFEC00  }
0x171: {  	[spmem:s3] =	stream.indirect.scatter.add.f32 [tilespmem:s16], [sflag:$0x6], $0x50, s5, s14, $0xb8;
	[tilespmem:$0x1EB00] =	vst v63  }
0x172: {  	_ =	swait.ge [sflag:s22], $0x1400  }
0x173: {  	[sflag:s22] =	ssyncset.done $0x0  }
0x174: {  	[sflag:s22] =	ssyncadd.s32 $0xFFFFEC00  }
0x175: {  	[spmem:s3] =	stream.indirect.scatter.add.f32 [tilespmem:s17], [sflag:$0x7], $0x50, s7, s14, $0xb8;
	[tilespmem:$0x1EB00] =	vst v63  }
0x176: {  	_ =	swait.ge [sflag:s24], $0x1400  }
0x177: {  	[sflag:s24] =	ssyncset.done $0x0  }
0x178: {  	[sflag:s24] =	ssyncadd.s32 $0xFFFFEC00  }
0x179: {  	[spmem:s3] =	stream.indirect.scatter.add.f32 [tilespmem:s19], [sflag:$0x8], $0x50, s8, s14, $0xb8;
	[tilespmem:$0x1EB00] =	vst v63  }
0x17a: {  	_ =	swait.ge [sflag:s21], $0x1400  }
0x17b: {  	[sflag:s21] =	ssyncset.done $0x0  }
0x17c: {  	[sflag:s21] =	ssyncadd.s32 $0xFFFFEC00  }
0x17d: {  	_ =	swait.ge [sflag:s23], $0x1400  }
0x17e: {  	[sflag:s23] =	ssyncset.done $0x0  }
0x17f: {  	[sflag:s23] =	ssyncadd.s32 $0xFFFFEC00  }
0x180: {  	_ =	swait.ge [sflag:s25], $0x1400  }
0x181: {  	[sflag:s25] =	ssyncset.done $0x0  }
0x182: {  	[sflag:s25] =	ssyncadd.s32 $0xFFFFEC00  }
0x183: {  	s10 =	simm.s32 $0x100;
	_ =	swait.ge [sflag:s26], $0x1400  }
0x184: {  	s12 =	simm.s32 $0x200;
	s6 =	rddreg [dreg:$0x5];
	[sflag:s26] =	ssyncset.done $0x0  }
.LBB2_2:
0x185: {  	[sflag:s26] =	ssyncadd.s32 $0xFFFFEC00;
	s6 =	sadd.s32 s10, s6  }
0x186: {  	[tilespmem:s4], [sflag:$0x9] =	stream.linear.gather [hbm4b:s6+s4], $0x800, $0x38;
	[tilespmem:$0x1EB00] =	vst v63  }
0x187: {  	_ =	swait.ge [sflag:s11], $0x800  }
0x188: {  	s6 =	rddreg [dreg:$0x4];
	[sflag:s11] =	ssyncset.done $0x0  }
0x189: {  	[sflag:s11] =	ssyncadd.s32 $0xFFFFF800;
	s6 =	sadd.s32 s10, s6  }
0x18a: {  	[tilespmem:s13], [sflag:$0x9] =	stream.linear.gather [hbm4b:s6+s4], $0x800, $0x38;
	[tilespmem:$0x1EB00] =	vst v63  }
0x18b: {  	_ =	swait.ge [sflag:s11], $0x800  }
0x18c: {  	[sflag:s11] =	ssyncset.done $0x0  }
0x18d: {  	[sflag:s11] =	ssyncadd.s32 $0xFFFFF800  }
0x18e: {  	[tilespmem:s15], [sflag:$0x1] =	stream.indirect.gather [spmem:s2], $0x50, s4, s14, $0xb8;
	[tilespmem:$0x1EB00] =	vst v63  }
0x18f: {  	s9 =	smov.u32 s12  }
0x190: {  	[tilespmem:s16], [sflag:$0x2] =	stream.indirect.gather [spmem:s2], $0x50, s14, s14, $0xb8;
	[tilespmem:$0x1EB00] =	vst v63  }
0x191: {  	s10 =	smov.u32 s9;
	s9 =	rddreg [dreg:$0x6]  }
0x192: {  	[tilespmem:s17], [sflag:$0x3] =	stream.indirect.gather [spmem:s2], $0x50, s9, s14, $0xb8;
	[tilespmem:$0x1EB00] =	vst v63  }
0x193: {  	_ =	swait.ge [sflag:s18], $0x1400  }
0x194: {  	[sflag:s18] =	ssyncset.done $0x0  }
0x195: {  	s9 =	rddreg [dreg:$0x7];
	[sflag:s18] =	ssyncadd.s32 $0xFFFFEC00  }
0x196: {  	[tilespmem:s19], [sflag:$0x4] =	stream.indirect.gather [spmem:s2], $0x50, s9, s14, $0xb8;
	[tilespmem:$0x1EB00] =	vst v63  }
0x197: {  	_ = 	snop  }
0x198: {  	[spmem:s3] =	stream.indirect.scatter.add.f32 [tilespmem:s15], [sflag:$0x5], $0x50, s13, s14, $0xb8;
	[tilespmem:$0x1EB00] =	vst v63  }
0x199: {  	_ =	swait.ge [sflag:s20], $0x1400  }
0x19a: {  	[sflag:s20] =	ssyncset.done $0x0  }
0x19b: {  	[sflag:s20] =	ssyncadd.s32 $0xFFFFEC00  }
0x19c: {  	_ =	swait.ge [sflag:s21], $0x1400  }
0x19d: {  	[sflag:s21] =	ssyncset.done $0x0  }
0x19e: {  	s6 =	rddreg [dreg:$0x8];
	[sflag:s21] =	ssyncadd.s32 $0xFFFFEC00  }
0x19f: {  	[tilespmem:s15], [sflag:$0x1] =	stream.indirect.gather [spmem:s2], $0x50, s6, s14, $0xb8;
	[tilespmem:$0x1EB00] =	vst v63  }
0x1a0: {  	s9 =	rddreg [dreg:$0x9]  }
0x1a1: {  	[spmem:s3] =	stream.indirect.scatter.add.f32 [tilespmem:s16], [sflag:$0x6], $0x50, s9, s14, $0xb8;
	[tilespmem:$0x1EB00] =	vst v63  }
0x1a2: {  	_ =	swait.ge [sflag:s22], $0x1400  }
0x1a3: {  	[sflag:s22] =	ssyncset.done $0x0  }
0x1a4: {  	[sflag:s22] =	ssyncadd.s32 $0xFFFFEC00  }
0x1a5: {  	_ =	swait.ge [sflag:s23], $0x1400  }
0x1a6: {  	[sflag:s23] =	ssyncset.done $0x0  }
0x1a7: {  	s6 =	rddreg [dreg:$0xa];
	[sflag:s23] =	ssyncadd.s32 $0xFFFFEC00  }
0x1a8: {  	[tilespmem:s16], [sflag:$0x2] =	stream.indirect.gather [spmem:s2], $0x50, s6, s14, $0xb8;
	[tilespmem:$0x1EB00] =	vst v63  }
0x1a9: {  	s9 =	rddreg [dreg:$0xb]  }
0x1aa: {  	[spmem:s3] =	stream.indirect.scatter.add.f32 [tilespmem:s17], [sflag:$0x7], $0x50, s9, s14, $0xb8;
	[tilespmem:$0x1EB00] =	vst v63  }
0x1ab: {  	_ =	swait.ge [sflag:s24], $0x1400  }
0x1ac: {  	[sflag:s24] =	ssyncset.done $0x0  }
0x1ad: {  	[sflag:s24] =	ssyncadd.s32 $0xFFFFEC00  }
0x1ae: {  	_ =	swait.ge [sflag:s25], $0x1400  }
0x1af: {  	[sflag:s25] =	ssyncset.done $0x0  }
0x1b0: {  	s6 =	rddreg [dreg:$0xc];
	[sflag:s25] =	ssyncadd.s32 $0xFFFFEC00  }
0x1b1: {  	[tilespmem:s17], [sflag:$0x3] =	stream.indirect.gather [spmem:s2], $0x50, s6, s14, $0xb8;
	[tilespmem:$0x1EB00] =	vst v63  }
0x1b2: {  	s9 =	rddreg [dreg:$0xd]  }
0x1b3: {  	[spmem:s3] =	stream.indirect.scatter.add.f32 [tilespmem:s19], [sflag:$0x8], $0x50, s9, s14, $0xb8;
	[tilespmem:$0x1EB00] =	vst v63  }
0x1b4: {  	_ =	swait.ge [sflag:s18], $0x1400  }
0x1b5: {  	[sflag:s18] =	ssyncset.done $0x0  }
0x1b6: {  	[sflag:s18] =	ssyncadd.s32 $0xFFFFEC00  }
0x1b7: {  	_ =	swait.ge [sflag:s26], $0x1400  }
0x1b8: {  	[sflag:s26] =	ssyncset.done $0x0  }
0x1b9: {  	s6 =	rddreg [dreg:$0xe];
	[sflag:s26] =	ssyncadd.s32 $0xFFFFEC00  }
0x1ba: {  	[tilespmem:s19], [sflag:$0x4] =	stream.indirect.gather [spmem:s2], $0x50, s6, s14, $0xb8;
	[tilespmem:$0x1EB00] =	vst v63  }
0x1bb: {  	s9 =	rddreg [dreg:$0xf]  }
0x1bc: {  	[spmem:s3] =	stream.indirect.scatter.add.f32 [tilespmem:s15], [sflag:$0x5], $0x50, s9, s14, $0xb8;
	[tilespmem:$0x1EB00] =	vst v63  }
0x1bd: {  	_ =	swait.ge [sflag:s20], $0x1400  }
0x1be: {  	[sflag:s20] =	ssyncset.done $0x0  }
0x1bf: {  	[sflag:s20] =	ssyncadd.s32 $0xFFFFEC00  }
0x1c0: {  	_ =	swait.ge [sflag:s21], $0x1400  }
0x1c1: {  	[sflag:s21] =	ssyncset.done $0x0  }
0x1c2: {  	s6 =	rddreg [dreg:$0x10];
	[sflag:s21] =	ssyncadd.s32 $0xFFFFEC00  }
0x1c3: {  	[tilespmem:s15], [sflag:$0x1] =	stream.indirect.gather [spmem:s2], $0x50, s6, s14, $0xb8;
	[tilespmem:$0x1EB00] =	vst v63  }
0x1c4: {  	s9 =	rddreg [dreg:$0x11]  }
0x1c5: {  	[spmem:s3] =	stream.indirect.scatter.add.f32 [tilespmem:s16], [sflag:$0x6], $0x50, s9, s14, $0xb8;
	[tilespmem:$0x1EB00] =	vst v63  }
0x1c6: {  	_ =	swait.ge [sflag:s22], $0x1400  }
0x1c7: {  	[sflag:s22] =	ssyncset.done $0x0  }
0x1c8: {  	[sflag:s22] =	ssyncadd.s32 $0xFFFFEC00  }
0x1c9: {  	_ =	swait.ge [sflag:s23], $0x1400  }
0x1ca: {  	[sflag:s23] =	ssyncset.done $0x0  }
0x1cb: {  	s6 =	rddreg [dreg:$0x12];
	[sflag:s23] =	ssyncadd.s32 $0xFFFFEC00  }
0x1cc: {  	[tilespmem:s16], [sflag:$0x2] =	stream.indirect.gather [spmem:s2], $0x50, s6, s14, $0xb8;
	[tilespmem:$0x1EB00] =	vst v63  }
0x1cd: {  	s9 =	rddreg [dreg:$0x13]  }
0x1ce: {  	[spmem:s3] =	stream.indirect.scatter.add.f32 [tilespmem:s17], [sflag:$0x7], $0x50, s9, s14, $0xb8;
	[tilespmem:$0x1EB00] =	vst v63  }
0x1cf: {  	_ =	swait.ge [sflag:s24], $0x1400  }
0x1d0: {  	[sflag:s24] =	ssyncset.done $0x0  }
0x1d1: {  	[sflag:s24] =	ssyncadd.s32 $0xFFFFEC00  }
0x1d2: {  	_ =	swait.ge [sflag:s25], $0x1400  }
0x1d3: {  	[sflag:s25] =	ssyncset.done $0x0  }
0x1d4: {  	s6 =	rddreg [dreg:$0x14];
	[sflag:s25] =	ssyncadd.s32 $0xFFFFEC00  }
0x1d5: {  	[tilespmem:s17], [sflag:$0x3] =	stream.indirect.gather [spmem:s2], $0x50, s6, s14, $0xb8;
	[tilespmem:$0x1EB00] =	vst v63  }
0x1d6: {  	s9 =	rddreg [dreg:$0x15]  }
0x1d7: {  	[spmem:s3] =	stream.indirect.scatter.add.f32 [tilespmem:s19], [sflag:$0x8], $0x50, s9, s14, $0xb8;
	[tilespmem:$0x1EB00] =	vst v63  }
0x1d8: {  	_ =	swait.ge [sflag:s18], $0x1400  }
0x1d9: {  	[sflag:s18] =	ssyncset.done $0x0  }
0x1da: {  	[sflag:s18] =	ssyncadd.s32 $0xFFFFEC00  }
0x1db: {  	_ =	swait.ge [sflag:s26], $0x1400  }
0x1dc: {  	[sflag:s26] =	ssyncset.done $0x0  }
0x1dd: {  	s6 =	rddreg [dreg:$0x16];
	[sflag:s26] =	ssyncadd.s32 $0xFFFFEC00  }
0x1de: {  	[tilespmem:s19], [sflag:$0x4] =	stream.indirect.gather [spmem:s2], $0x50, s6, s14, $0xb8;
	[tilespmem:$0x1EB00] =	vst v63  }
0x1df: {  	s9 =	rddreg [dreg:$0x17]  }
0x1e0: {  	[spmem:s3] =	stream.indirect.scatter.add.f32 [tilespmem:s15], [sflag:$0x5], $0x50, s9, s14, $0xb8;
	[tilespmem:$0x1EB00] =	vst v63  }
0x1e1: {  	_ =	swait.ge [sflag:s20], $0x1400  }
0x1e2: {  	[sflag:s20] =	ssyncset.done $0x0  }
0x1e3: {  	[sflag:s20] =	ssyncadd.s32 $0xFFFFEC00  }
0x1e4: {  	_ =	swait.ge [sflag:s21], $0x1400  }
0x1e5: {  	[sflag:s21] =	ssyncset.done $0x0  }
0x1e6: {  	s6 =	rddreg [dreg:$0x18];
	[sflag:s21] =	ssyncadd.s32 $0xFFFFEC00  }
0x1e7: {  	[tilespmem:s15], [sflag:$0x1] =	stream.indirect.gather [spmem:s2], $0x50, s6, s14, $0xb8;
	[tilespmem:$0x1EB00] =	vst v63  }
0x1e8: {  	s9 =	rddreg [dreg:$0x19]  }
0x1e9: {  	[spmem:s3] =	stream.indirect.scatter.add.f32 [tilespmem:s16], [sflag:$0x6], $0x50, s9, s14, $0xb8;
	[tilespmem:$0x1EB00] =	vst v63  }
0x1ea: {  	_ =	swait.ge [sflag:s22], $0x1400  }
0x1eb: {  	[sflag:s22] =	ssyncset.done $0x0  }
0x1ec: {  	[sflag:s22] =	ssyncadd.s32 $0xFFFFEC00  }
0x1ed: {  	_ =	swait.ge [sflag:s23], $0x1400  }
0x1ee: {  	[sflag:s23] =	ssyncset.done $0x0  }
0x1ef: {  	s6 =	rddreg [dreg:$0x1a];
	[sflag:s23] =	ssyncadd.s32 $0xFFFFEC00  }
0x1f0: {  	[tilespmem:s16], [sflag:$0x2] =	stream.indirect.gather [spmem:s2], $0x50, s6, s14, $0xb8;
	[tilespmem:$0x1EB00] =	vst v63  }
0x1f1: {  	s9 =	rddreg [dreg:$0x1b]  }
0x1f2: {  	[spmem:s3] =	stream.indirect.scatter.add.f32 [tilespmem:s17], [sflag:$0x7], $0x50, s9, s14, $0xb8;
	[tilespmem:$0x1EB00] =	vst v63  }
0x1f3: {  	_ =	swait.ge [sflag:s24], $0x1400  }
0x1f4: {  	[sflag:s24] =	ssyncset.done $0x0  }
0x1f5: {  	[sflag:s24] =	ssyncadd.s32 $0xFFFFEC00  }
0x1f6: {  	_ =	swait.ge [sflag:s25], $0x1400  }
0x1f7: {  	[sflag:s25] =	ssyncset.done $0x0  }
0x1f8: {  	s6 =	rddreg [dreg:$0x1c];
	[sflag:s25] =	ssyncadd.s32 $0xFFFFEC00  }
0x1f9: {  	[tilespmem:s17], [sflag:$0x3] =	stream.indirect.gather [spmem:s2], $0x50, s6, s14, $0xb8;
	[tilespmem:$0x1EB00] =	vst v63  }
0x1fa: {  	s9 =	rddreg [dreg:$0x1d]  }
0x1fb: {  	[spmem:s3] =	stream.indirect.scatter.add.f32 [tilespmem:s19], [sflag:$0x8], $0x50, s9, s14, $0xb8;
	[tilespmem:$0x1EB00] =	vst v63  }
0x1fc: {  	_ =	swait.ge [sflag:s18], $0x1400  }
0x1fd: {  	[sflag:s18] =	ssyncset.done $0x0  }
0x1fe: {  	[sflag:s18] =	ssyncadd.s32 $0xFFFFEC00  }
0x1ff: {  	_ =	swait.ge [sflag:s26], $0x1400  }
0x200: {  	[sflag:s26] =	ssyncset.done $0x0  }
0x201: {  	s6 =	rddreg [dreg:$0x1e];
	[sflag:s26] =	ssyncadd.s32 $0xFFFFEC00  }
0x202: {  	[tilespmem:s19], [sflag:$0x4] =	stream.indirect.gather [spmem:s2], $0x50, s6, s14, $0xb8;
	[tilespmem:$0x1EB00] =	vst v63  }
0x203: {  	s9 =	rddreg [dreg:$0x1f]  }
0x204: {  	[spmem:s3] =	stream.indirect.scatter.add.f32 [tilespmem:s15], [sflag:$0x5], $0x50, s9, s14, $0xb8;
	[tilespmem:$0x1EB00] =	vst v63  }
0x205: {  	_ =	swait.ge [sflag:s20], $0x1400  }
0x206: {  	[sflag:s20] =	ssyncset.done $0x0  }
0x207: {  	[sflag:s20] =	ssyncadd.s32 $0xFFFFEC00  }
0x208: {  	_ =	swait.ge [sflag:s21], $0x1400  }
0x209: {  	s6 =	sld [smem:$0x7DD]  }
0x20a: {  	[sflag:s21] =	ssyncset.done $0x0  }
0x20b: {  	s9 =	sld [smem:$0x7DE];
	[sflag:s21] =	ssyncadd.s32 $0xFFFFEC00  }
0x20c: {  	[tilespmem:s15], [sflag:$0x1] =	stream.indirect.gather [spmem:s2], $0x50, s6, s14, $0xb8;
	[tilespmem:$0x1EB00] =	vst v63  }
0x20d: {  	_ = 	snop  }
0x20e: {  	[spmem:s3] =	stream.indirect.scatter.add.f32 [tilespmem:s16], [sflag:$0x6], $0x50, s9, s14, $0xb8;
	[tilespmem:$0x1EB00] =	vst v63  }
0x20f: {  	_ =	swait.ge [sflag:s22], $0x1400  }
0x210: {  	[sflag:s22] =	ssyncset.done $0x0  }
0x211: {  	[sflag:s22] =	ssyncadd.s32 $0xFFFFEC00  }
0x212: {  	_ =	swait.ge [sflag:s23], $0x1400  }
0x213: {  	s6 =	sld [smem:$0x7DF]  }
0x214: {  	[sflag:s23] =	ssyncset.done $0x0  }
0x215: {  	s9 =	sld [smem:$0x7E0];
	[sflag:s23] =	ssyncadd.s32 $0xFFFFEC00  }
0x216: {  	[tilespmem:s16], [sflag:$0x2] =	stream.indirect.gather [spmem:s2], $0x50, s6, s14, $0xb8;
	[tilespmem:$0x1EB00] =	vst v63  }
0x217: {  	_ = 	snop  }
0x218: {  	[spmem:s3] =	stream.indirect.scatter.add.f32 [tilespmem:s17], [sflag:$0x7], $0x50, s9, s14, $0xb8;
	[tilespmem:$0x1EB00] =	vst v63  }
0x219: {  	_ =	swait.ge [sflag:s24], $0x1400  }
0x21a: {  	[sflag:s24] =	ssyncset.done $0x0  }
0x21b: {  	[sflag:s24] =	ssyncadd.s32 $0xFFFFEC00  }
0x21c: {  	_ =	swait.ge [sflag:s25], $0x1400  }
0x21d: {  	s6 =	sld [smem:$0x7E1]  }
0x21e: {  	[sflag:s25] =	ssyncset.done $0x0  }
0x21f: {  	s9 =	sld [smem:$0x7E3];
	[sflag:s25] =	ssyncadd.s32 $0xFFFFEC00  }
0x220: {  	[tilespmem:s17], [sflag:$0x3] =	stream.indirect.gather [spmem:s2], $0x50, s6, s14, $0xb8;
	[tilespmem:$0x1EB00] =	vst v63  }
0x221: {  	_ = 	snop  }
0x222: {  	[spmem:s3] =	stream.indirect.scatter.add.f32 [tilespmem:s19], [sflag:$0x8], $0x50, s9, s14, $0xb8;
	[tilespmem:$0x1EB00] =	vst v63  }
0x223: {  	_ =	swait.ge [sflag:s18], $0x1400  }
0x224: {  	[sflag:s18] =	ssyncset.done $0x0  }
0x225: {  	[sflag:s18] =	ssyncadd.s32 $0xFFFFEC00  }
0x226: {  	_ =	swait.ge [sflag:s26], $0x1400  }
0x227: {  	s6 =	sld [smem:$0x7E4]  }
0x228: {  	[sflag:s26] =	ssyncset.done $0x0  }
0x229: {  	s9 =	sld [smem:$0x7E5];
	[sflag:s26] =	ssyncadd.s32 $0xFFFFEC00  }
0x22a: {  	[tilespmem:s19], [sflag:$0x4] =	stream.indirect.gather [spmem:s2], $0x50, s6, s14, $0xb8;
	[tilespmem:$0x1EB00] =	vst v63  }
0x22b: {  	_ = 	snop  }
0x22c: {  	[spmem:s3] =	stream.indirect.scatter.add.f32 [tilespmem:s15], [sflag:$0x5], $0x50, s9, s14, $0xb8;
	[tilespmem:$0x1EB00] =	vst v63  }
0x22d: {  	_ =	swait.ge [sflag:s20], $0x1400  }
0x22e: {  	[sflag:s20] =	ssyncset.done $0x0  }
0x22f: {  	[sflag:s20] =	ssyncadd.s32 $0xFFFFEC00  }
0x230: {  	_ =	swait.ge [sflag:s21], $0x1400  }
0x231: {  	s6 =	sld [smem:$0x7E6]  }
0x232: {  	[sflag:s21] =	ssyncset.done $0x0  }
0x233: {  	s9 =	sld [smem:$0x7E8];
	[sflag:s21] =	ssyncadd.s32 $0xFFFFEC00  }
0x234: {  	[tilespmem:s15], [sflag:$0x1] =	stream.indirect.gather [spmem:s2], $0x50, s6, s14, $0xb8;
	[tilespmem:$0x1EB00] =	vst v63  }
0x235: {  	_ = 	snop  }
0x236: {  	[spmem:s3] =	stream.indirect.scatter.add.f32 [tilespmem:s16], [sflag:$0x6], $0x50, s9, s14, $0xb8;
	[tilespmem:$0x1EB00] =	vst v63  }
0x237: {  	_ =	swait.ge [sflag:s22], $0x1400  }
0x238: {  	[sflag:s22] =	ssyncset.done $0x0  }
0x239: {  	[sflag:s22] =	ssyncadd.s32 $0xFFFFEC00  }
0x23a: {  	_ =	swait.ge [sflag:s23], $0x1400  }
0x23b: {  	s6 =	sld [smem:$0x7EA]  }
0x23c: {  	[sflag:s23] =	ssyncset.done $0x0  }
0x23d: {  	s9 =	sld [smem:$0x7EC];
	[sflag:s23] =	ssyncadd.s32 $0xFFFFEC00  }
0x23e: {  	[tilespmem:s16], [sflag:$0x2] =	stream.indirect.gather [spmem:s2], $0x50, s6, s14, $0xb8;
	[tilespmem:$0x1EB00] =	vst v63  }
0x23f: {  	_ = 	snop  }
0x240: {  	[spmem:s3] =	stream.indirect.scatter.add.f32 [tilespmem:s17], [sflag:$0x7], $0x50, s9, s14, $0xb8;
	[tilespmem:$0x1EB00] =	vst v63  }
0x241: {  	_ =	swait.ge [sflag:s24], $0x1400  }
0x242: {  	[sflag:s24] =	ssyncset.done $0x0  }
0x243: {  	[sflag:s24] =	ssyncadd.s32 $0xFFFFEC00  }
0x244: {  	_ =	swait.ge [sflag:s25], $0x1400  }
0x245: {  	s6 =	sld [smem:$0x7EE]  }
0x246: {  	[sflag:s25] =	ssyncset.done $0x0  }
0x247: {  	s9 =	sld [smem:$0x7EF];
	[sflag:s25] =	ssyncadd.s32 $0xFFFFEC00  }
0x248: {  	[tilespmem:s17], [sflag:$0x3] =	stream.indirect.gather [spmem:s2], $0x50, s6, s14, $0xb8;
	[tilespmem:$0x1EB00] =	vst v63  }
0x249: {  	_ = 	snop  }
0x24a: {  	[spmem:s3] =	stream.indirect.scatter.add.f32 [tilespmem:s19], [sflag:$0x8], $0x50, s9, s14, $0xb8;
	[tilespmem:$0x1EB00] =	vst v63  }
0x24b: {  	_ =	swait.ge [sflag:s18], $0x1400  }
0x24c: {  	[sflag:s18] =	ssyncset.done $0x0  }
0x24d: {  	[sflag:s18] =	ssyncadd.s32 $0xFFFFEC00  }
0x24e: {  	_ =	swait.ge [sflag:s26], $0x1400  }
0x24f: {  	s6 =	sld [smem:$0x7F0]  }
0x250: {  	[sflag:s26] =	ssyncset.done $0x0  }
0x251: {  	s9 =	sld [smem:$0x7F1];
	[sflag:s26] =	ssyncadd.s32 $0xFFFFEC00  }
0x252: {  	[tilespmem:s19], [sflag:$0x4] =	stream.indirect.gather [spmem:s2], $0x50, s6, s14, $0xb8;
	[tilespmem:$0x1EB00] =	vst v63  }
0x253: {  	_ = 	snop  }
0x254: {  	[spmem:s3] =	stream.indirect.scatter.add.f32 [tilespmem:s15], [sflag:$0x5], $0x50, s9, s14, $0xb8;
	[tilespmem:$0x1EB00] =	vst v63  }
0x255: {  	_ =	swait.ge [sflag:s20], $0x1400  }
0x256: {  	[sflag:s20] =	ssyncset.done $0x0  }
0x257: {  	[sflag:s20] =	ssyncadd.s32 $0xFFFFEC00  }
0x258: {  	_ =	swait.ge [sflag:s21], $0x1400  }
0x259: {  	s6 =	sld [smem:$0x7F2]  }
0x25a: {  	[sflag:s21] =	ssyncset.done $0x0  }
0x25b: {  	s9 =	sld [smem:$0x7F3];
	[sflag:s21] =	ssyncadd.s32 $0xFFFFEC00  }
0x25c: {  	[tilespmem:s15], [sflag:$0x1] =	stream.indirect.gather [spmem:s2], $0x50, s6, s14, $0xb8;
	[tilespmem:$0x1EB00] =	vst v63  }
0x25d: {  	_ = 	snop  }
0x25e: {  	[spmem:s3] =	stream.indirect.scatter.add.f32 [tilespmem:s16], [sflag:$0x6], $0x50, s9, s14, $0xb8;
	[tilespmem:$0x1EB00] =	vst v63  }
0x25f: {  	_ =	swait.ge [sflag:s22], $0x1400  }
0x260: {  	[sflag:s22] =	ssyncset.done $0x0  }
0x261: {  	[sflag:s22] =	ssyncadd.s32 $0xFFFFEC00  }
0x262: {  	_ =	swait.ge [sflag:s23], $0x1400  }
0x263: {  	s6 =	sld [smem:$0x7F4]  }
0x264: {  	[sflag:s23] =	ssyncset.done $0x0  }
0x265: {  	s9 =	sld [smem:$0x7F5];
	[sflag:s23] =	ssyncadd.s32 $0xFFFFEC00  }
0x266: {  	[tilespmem:s16], [sflag:$0x2] =	stream.indirect.gather [spmem:s2], $0x50, s6, s14, $0xb8;
	[tilespmem:$0x1EB00] =	vst v63  }
0x267: {  	_ = 	snop  }
0x268: {  	[spmem:s3] =	stream.indirect.scatter.add.f32 [tilespmem:s17], [sflag:$0x7], $0x50, s9, s14, $0xb8;
	[tilespmem:$0x1EB00] =	vst v63  }
0x269: {  	_ =	swait.ge [sflag:s24], $0x1400  }
0x26a: {  	[sflag:s24] =	ssyncset.done $0x0  }
0x26b: {  	[sflag:s24] =	ssyncadd.s32 $0xFFFFEC00  }
0x26c: {  	_ =	swait.ge [sflag:s25], $0x1400  }
0x26d: {  	s6 =	sld [smem:$0x7F6]  }
0x26e: {  	[sflag:s25] =	ssyncset.done $0x0  }
0x26f: {  	s9 =	sld [smem:$0x7F7];
	[sflag:s25] =	ssyncadd.s32 $0xFFFFEC00  }
0x270: {  	[tilespmem:s17], [sflag:$0x3] =	stream.indirect.gather [spmem:s2], $0x50, s6, s14, $0xb8;
	[tilespmem:$0x1EB00] =	vst v63  }
0x271: {  	_ = 	snop  }
0x272: {  	[spmem:s3] =	stream.indirect.scatter.add.f32 [tilespmem:s19], [sflag:$0x8], $0x50, s9, s14, $0xb8;
	[tilespmem:$0x1EB00] =	vst v63  }
0x273: {  	_ =	swait.ge [sflag:s18], $0x1400  }
0x274: {  	[sflag:s18] =	ssyncset.done $0x0  }
0x275: {  	[sflag:s18] =	ssyncadd.s32 $0xFFFFEC00  }
0x276: {  	_ =	swait.ge [sflag:s26], $0x1400  }
0x277: {  	s6 =	sld [smem:$0x7F8]  }
0x278: {  	[sflag:s26] =	ssyncset.done $0x0  }
0x279: {  	s9 =	sld [smem:$0x7F9];
	[sflag:s26] =	ssyncadd.s32 $0xFFFFEC00  }
0x27a: {  	[tilespmem:s19], [sflag:$0x4] =	stream.indirect.gather [spmem:s2], $0x50, s6, s14, $0xb8;
	[tilespmem:$0x1EB00] =	vst v63  }
0x27b: {  	_ = 	snop  }
0x27c: {  	[spmem:s3] =	stream.indirect.scatter.add.f32 [tilespmem:s15], [sflag:$0x5], $0x50, s9, s14, $0xb8;
	[tilespmem:$0x1EB00] =	vst v63  }
0x27d: {  	_ =	swait.ge [sflag:s20], $0x1400  }
0x27e: {  	[sflag:s20] =	ssyncset.done $0x0  }
0x27f: {  	[sflag:s20] =	ssyncadd.s32 $0xFFFFEC00  }
0x280: {  	_ =	swait.ge [sflag:s21], $0x1400  }
0x281: {  	s6 =	sld [smem:$0x7FA]  }
0x282: {  	[sflag:s21] =	ssyncset.done $0x0  }
0x283: {  	s9 =	sld [smem:$0x7FB];
	[sflag:s21] =	ssyncadd.s32 $0xFFFFEC00  }
0x284: {  	[tilespmem:s15], [sflag:$0x1] =	stream.indirect.gather [spmem:s2], $0x50, s6, s14, $0xb8;
	[tilespmem:$0x1EB00] =	vst v63  }
0x285: {  	_ = 	snop  }
0x286: {  	[spmem:s3] =	stream.indirect.scatter.add.f32 [tilespmem:s16], [sflag:$0x6], $0x50, s9, s14, $0xb8;
	[tilespmem:$0x1EB00] =	vst v63  }
0x287: {  	_ =	swait.ge [sflag:s22], $0x1400  }
0x288: {  	[sflag:s22] =	ssyncset.done $0x0  }
0x289: {  	[sflag:s22] =	ssyncadd.s32 $0xFFFFEC00  }
0x28a: {  	_ =	swait.ge [sflag:s23], $0x1400  }
0x28b: {  	[sflag:s23] =	ssyncset.done $0x0  }
0x28c: {  	[sflag:s23] =	ssyncadd.s32 $0xFFFFEC00  }
0x28d: {  	[tilespmem:s16], [sflag:$0x2] =	stream.indirect.gather [spmem:s2], $0x50, s28, s14, $0xb8;
	[tilespmem:$0x1EB00] =	vst v63  }
0x28e: {  	_ = 	snop  }
0x28f: {  	[spmem:s3] =	stream.indirect.scatter.add.f32 [tilespmem:s17], [sflag:$0x7], $0x50, s29, s14, $0xb8;
	[tilespmem:$0x1EB00] =	vst v63  }
0x290: {  	_ =	swait.ge [sflag:s24], $0x1400  }
0x291: {  	[sflag:s24] =	ssyncset.done $0x0  }
0x292: {  	[sflag:s24] =	ssyncadd.s32 $0xFFFFEC00  }
0x293: {  	_ =	swait.ge [sflag:s25], $0x1400  }
0x294: {  	[sflag:s25] =	ssyncset.done $0x0  }
0x295: {  	[sflag:s25] =	ssyncadd.s32 $0xFFFFEC00  }
0x296: {  	[tilespmem:s17], [sflag:$0x3] =	stream.indirect.gather [spmem:s2], $0x50, s30, s14, $0xb8;
	[tilespmem:$0x1EB00] =	vst v63  }
0x297: {  	_ = 	snop  }
0x298: {  	[spmem:s3] =	stream.indirect.scatter.add.f32 [tilespmem:s19], [sflag:$0x8], $0x50, s31, s14, $0xb8;
	[tilespmem:$0x1EB00] =	vst v63  }
0x299: {  	_ =	swait.ge [sflag:s18], $0x1400  }
0x29a: {  	[sflag:s18] =	ssyncset.done $0x0  }
0x29b: {  	[sflag:s18] =	ssyncadd.s32 $0xFFFFEC00  }
0x29c: {  	_ =	swait.ge [sflag:s26], $0x1400  }
0x29d: {  	[sflag:s26] =	ssyncset.done $0x0  }
0x29e: {  	[sflag:s26] =	ssyncadd.s32 $0xFFFFEC00  }
0x29f: {  	[tilespmem:s19], [sflag:$0x4] =	stream.indirect.gather [spmem:s2], $0x50, s1, s14, $0xb8;
	[tilespmem:$0x1EB00] =	vst v63  }
0x2a0: {  	_ = 	snop  }
0x2a1: {  	[spmem:s3] =	stream.indirect.scatter.add.f32 [tilespmem:s15], [sflag:$0x5], $0x50, s0, s14, $0xb8;
	[tilespmem:$0x1EB00] =	vst v63  }
0x2a2: {  	_ =	swait.ge [sflag:s20], $0x1400  }
0x2a3: {  	[sflag:s20] =	ssyncset.done $0x0  }
0x2a4: {  	[sflag:s20] =	ssyncadd.s32 $0xFFFFEC00  }
0x2a5: {  	[spmem:s3] =	stream.indirect.scatter.add.f32 [tilespmem:s16], [sflag:$0x6], $0x50, s5, s14, $0xb8;
	[tilespmem:$0x1EB00] =	vst v63  }
0x2a6: {  	_ =	swait.ge [sflag:s22], $0x1400  }
0x2a7: {  	[sflag:s22] =	ssyncset.done $0x0  }
0x2a8: {  	[sflag:s22] =	ssyncadd.s32 $0xFFFFEC00  }
0x2a9: {  	[spmem:s3] =	stream.indirect.scatter.add.f32 [tilespmem:s17], [sflag:$0x7], $0x50, s7, s14, $0xb8;
	[tilespmem:$0x1EB00] =	vst v63  }
0x2aa: {  	_ =	swait.ge [sflag:s24], $0x1400  }
0x2ab: {  	[sflag:s24] =	ssyncset.done $0x0  }
0x2ac: {  	[sflag:s24] =	ssyncadd.s32 $0xFFFFEC00  }
0x2ad: {  	[spmem:s3] =	stream.indirect.scatter.add.f32 [tilespmem:s19], [sflag:$0x8], $0x50, s8, s14, $0xb8;
	[tilespmem:$0x1EB00] =	vst v63  }
0x2ae: {  	_ =	swait.ge [sflag:s21], $0x1400  }
0x2af: {  	[sflag:s21] =	ssyncset.done $0x0  }
0x2b0: {  	[sflag:s21] =	ssyncadd.s32 $0xFFFFEC00  }
0x2b1: {  	_ =	swait.ge [sflag:s23], $0x1400  }
0x2b2: {  	[sflag:s23] =	ssyncset.done $0x0  }
0x2b3: {  	p0 =	sne.s32 s12, $0x1300;
	[sflag:s23] =	ssyncadd.s32 $0xFFFFEC00  }
.Ltmp0:
0x2b4: {  	_ =	swait.ge [sflag:s25], $0x1400;
	(pc) =	sbr.rel @p0 .LBB2_2-.Ltmp0, $4  }
0x2b5: {  	[sflag:s25] =	ssyncset.done $0x0  }
0x2b6: {  	[sflag:s25] =	ssyncadd.s32 $0xFFFFEC00  }
0x2b7: {  	_ =	swait.ge [sflag:s26], $0x1400  }
0x2b8: {  	s12 =	sadd.s32 $0x100, s12;
	s6 =	rddreg [dreg:$0x5];
	[sflag:s26] =	ssyncset.done $0x0  }
0x2b9: {  	[sflag:s26] =	ssyncadd.s32 $0xFFFFEC00;
	s6 =	sadd.s32 s10, s6  }
0x2ba: {  	[tilespmem:s4], [sflag:$0x9] =	stream.linear.gather [hbm4b:s6+s4], $0x800, $0x38;
	[tilespmem:$0x1EB00] =	vst v63  }
0x2bb: {  	_ =	swait.ge [sflag:s11], $0x800  }
0x2bc: {  	s12 =	rddreg [dreg:$0x4];
	[sflag:s11] =	ssyncset.done $0x0  }
0x2bd: {  	[sflag:s11] =	ssyncadd.s32 $0xFFFFF800;
	s6 =	sadd.s32 s10, s12  }
0x2be: {  	[tilespmem:s13], [sflag:$0x9] =	stream.linear.gather [hbm4b:s6+s4], $0x800, $0x38;
	[tilespmem:$0x1EB00] =	vst v63  }
0x2bf: {  	_ =	swait.ge [sflag:s11], $0x800  }
0x2c0: {  	[sflag:s11] =	ssyncset.done $0x0  }
0x2c1: {  	[sflag:s11] =	ssyncadd.s32 $0xFFFFF800  }
0x2c2: {  	[tilespmem:s15], [sflag:$0x1] =	stream.indirect.gather [spmem:s2], $0x50, s4, s14, $0xb8;
	[tilespmem:$0x1EB00] =	vst v63  }
0x2c3: {  	_ = 	snop  }
0x2c4: {  	[tilespmem:s16], [sflag:$0x2] =	stream.indirect.gather [spmem:s2], $0x50, s14, s14, $0xb8;
	[tilespmem:$0x1EB00] =	vst v63  }
0x2c5: {  	s9 =	rddreg [dreg:$0x6]  }
0x2c6: {  	[tilespmem:s17], [sflag:$0x3] =	stream.indirect.gather [spmem:s2], $0x50, s9, s14, $0xb8;
	[tilespmem:$0x1EB00] =	vst v63  }
0x2c7: {  	_ =	swait.ge [sflag:s18], $0x1400  }
0x2c8: {  	[sflag:s18] =	ssyncset.done $0x0  }
0x2c9: {  	s10 =	rddreg [dreg:$0x7];
	[sflag:s18] =	ssyncadd.s32 $0xFFFFEC00  }
0x2ca: {  	[tilespmem:s19], [sflag:$0x4] =	stream.indirect.gather [spmem:s2], $0x50, s10, s14, $0xb8;
	[tilespmem:$0x1EB00] =	vst v63  }
0x2cb: {  	_ = 	snop  }
0x2cc: {  	[spmem:s3] =	stream.indirect.scatter.add.f32 [tilespmem:s15], [sflag:$0x5], $0x50, s13, s14, $0xb8;
	[tilespmem:$0x1EB00] =	vst v63  }
0x2cd: {  	_ =	swait.ge [sflag:s20], $0x1400  }
0x2ce: {  	[sflag:s20] =	ssyncset.done $0x0  }
0x2cf: {  	[sflag:s20] =	ssyncadd.s32 $0xFFFFEC00  }
0x2d0: {  	_ =	swait.ge [sflag:s21], $0x1400  }
0x2d1: {  	[sflag:s21] =	ssyncset.done $0x0  }
0x2d2: {  	s12 =	rddreg [dreg:$0x8];
	[sflag:s21] =	ssyncadd.s32 $0xFFFFEC00  }
0x2d3: {  	[tilespmem:s15], [sflag:$0x1] =	stream.indirect.gather [spmem:s2], $0x50, s12, s14, $0xb8;
	[tilespmem:$0x1EB00] =	vst v63  }
0x2d4: {  	s9 =	rddreg [dreg:$0x9]  }
0x2d5: {  	[spmem:s3] =	stream.indirect.scatter.add.f32 [tilespmem:s16], [sflag:$0x6], $0x50, s9, s14, $0xb8;
	[tilespmem:$0x1EB00] =	vst v63  }
0x2d6: {  	_ =	swait.ge [sflag:s22], $0x1400  }
0x2d7: {  	[sflag:s22] =	ssyncset.done $0x0  }
0x2d8: {  	[sflag:s22] =	ssyncadd.s32 $0xFFFFEC00  }
0x2d9: {  	_ =	swait.ge [sflag:s23], $0x1400  }
0x2da: {  	[sflag:s23] =	ssyncset.done $0x0  }
0x2db: {  	s10 =	rddreg [dreg:$0xa];
	[sflag:s23] =	ssyncadd.s32 $0xFFFFEC00  }
0x2dc: {  	[tilespmem:s16], [sflag:$0x2] =	stream.indirect.gather [spmem:s2], $0x50, s10, s14, $0xb8;
	[tilespmem:$0x1EB00] =	vst v63  }
0x2dd: {  	s12 =	rddreg [dreg:$0xb]  }
0x2de: {  	[spmem:s3] =	stream.indirect.scatter.add.f32 [tilespmem:s17], [sflag:$0x7], $0x50, s12, s14, $0xb8;
	[tilespmem:$0x1EB00] =	vst v63  }
0x2df: {  	_ =	swait.ge [sflag:s24], $0x1400  }
0x2e0: {  	[sflag:s24] =	ssyncset.done $0x0  }
0x2e1: {  	[sflag:s24] =	ssyncadd.s32 $0xFFFFEC00  }
0x2e2: {  	_ =	swait.ge [sflag:s25], $0x1400  }
0x2e3: {  	[sflag:s25] =	ssyncset.done $0x0  }
0x2e4: {  	s10 =	rddreg [dreg:$0xc];
	[sflag:s25] =	ssyncadd.s32 $0xFFFFEC00  }
0x2e5: {  	[tilespmem:s17], [sflag:$0x3] =	stream.indirect.gather [spmem:s2], $0x50, s10, s14, $0xb8;
	[tilespmem:$0x1EB00] =	vst v63  }
0x2e6: {  	s12 =	rddreg [dreg:$0xd]  }
0x2e7: {  	[spmem:s3] =	stream.indirect.scatter.add.f32 [tilespmem:s19], [sflag:$0x8], $0x50, s12, s14, $0xb8;
	[tilespmem:$0x1EB00] =	vst v63  }
0x2e8: {  	_ =	swait.ge [sflag:s18], $0x1400  }
0x2e9: {  	[sflag:s18] =	ssyncset.done $0x0  }
0x2ea: {  	[sflag:s18] =	ssyncadd.s32 $0xFFFFEC00  }
0x2eb: {  	_ =	swait.ge [sflag:s26], $0x1400  }
0x2ec: {  	[sflag:s26] =	ssyncset.done $0x0  }
0x2ed: {  	s10 =	rddreg [dreg:$0xe];
	[sflag:s26] =	ssyncadd.s32 $0xFFFFEC00  }
0x2ee: {  	[tilespmem:s19], [sflag:$0x4] =	stream.indirect.gather [spmem:s2], $0x50, s10, s14, $0xb8;
	[tilespmem:$0x1EB00] =	vst v63  }
0x2ef: {  	s12 =	rddreg [dreg:$0xf]  }
0x2f0: {  	[spmem:s3] =	stream.indirect.scatter.add.f32 [tilespmem:s15], [sflag:$0x5], $0x50, s12, s14, $0xb8;
	[tilespmem:$0x1EB00] =	vst v63  }
0x2f1: {  	_ =	swait.ge [sflag:s20], $0x1400  }
0x2f2: {  	[sflag:s20] =	ssyncset.done $0x0  }
0x2f3: {  	[sflag:s20] =	ssyncadd.s32 $0xFFFFEC00  }
0x2f4: {  	_ =	swait.ge [sflag:s21], $0x1400  }
0x2f5: {  	[sflag:s21] =	ssyncset.done $0x0  }
0x2f6: {  	s10 =	rddreg [dreg:$0x10];
	[sflag:s21] =	ssyncadd.s32 $0xFFFFEC00  }
0x2f7: {  	[tilespmem:s15], [sflag:$0x1] =	stream.indirect.gather [spmem:s2], $0x50, s10, s14, $0xb8;
	[tilespmem:$0x1EB00] =	vst v63  }
0x2f8: {  	s12 =	rddreg [dreg:$0x11]  }
0x2f9: {  	[spmem:s3] =	stream.indirect.scatter.add.f32 [tilespmem:s16], [sflag:$0x6], $0x50, s12, s14, $0xb8;
	[tilespmem:$0x1EB00] =	vst v63  }
0x2fa: {  	_ =	swait.ge [sflag:s22], $0x1400  }
0x2fb: {  	[sflag:s22] =	ssyncset.done $0x0  }
0x2fc: {  	[sflag:s22] =	ssyncadd.s32 $0xFFFFEC00  }
0x2fd: {  	_ =	swait.ge [sflag:s23], $0x1400  }
0x2fe: {  	[sflag:s23] =	ssyncset.done $0x0  }
0x2ff: {  	s10 =	rddreg [dreg:$0x12];
	[sflag:s23] =	ssyncadd.s32 $0xFFFFEC00  }
0x300: {  	[tilespmem:s16], [sflag:$0x2] =	stream.indirect.gather [spmem:s2], $0x50, s10, s14, $0xb8;
	[tilespmem:$0x1EB00] =	vst v63  }
0x301: {  	s12 =	rddreg [dreg:$0x13]  }
0x302: {  	[spmem:s3] =	stream.indirect.scatter.add.f32 [tilespmem:s17], [sflag:$0x7], $0x50, s12, s14, $0xb8;
	[tilespmem:$0x1EB00] =	vst v63  }
0x303: {  	_ =	swait.ge [sflag:s24], $0x1400  }
0x304: {  	[sflag:s24] =	ssyncset.done $0x0  }
0x305: {  	[sflag:s24] =	ssyncadd.s32 $0xFFFFEC00  }
0x306: {  	_ =	swait.ge [sflag:s25], $0x1400  }
0x307: {  	[sflag:s25] =	ssyncset.done $0x0  }
0x308: {  	s10 =	rddreg [dreg:$0x14];
	[sflag:s25] =	ssyncadd.s32 $0xFFFFEC00  }
0x309: {  	[tilespmem:s17], [sflag:$0x3] =	stream.indirect.gather [spmem:s2], $0x50, s10, s14, $0xb8;
	[tilespmem:$0x1EB00] =	vst v63  }
0x30a: {  	s12 =	rddreg [dreg:$0x15]  }
0x30b: {  	[spmem:s3] =	stream.indirect.scatter.add.f32 [tilespmem:s19], [sflag:$0x8], $0x50, s12, s14, $0xb8;
	[tilespmem:$0x1EB00] =	vst v63  }
0x30c: {  	_ =	swait.ge [sflag:s18], $0x1400  }
0x30d: {  	[sflag:s18] =	ssyncset.done $0x0  }
0x30e: {  	[sflag:s18] =	ssyncadd.s32 $0xFFFFEC00  }
0x30f: {  	_ =	swait.ge [sflag:s26], $0x1400  }
0x310: {  	[sflag:s26] =	ssyncset.done $0x0  }
0x311: {  	s10 =	rddreg [dreg:$0x16];
	[sflag:s26] =	ssyncadd.s32 $0xFFFFEC00  }
0x312: {  	[tilespmem:s19], [sflag:$0x4] =	stream.indirect.gather [spmem:s2], $0x50, s10, s14, $0xb8;
	[tilespmem:$0x1EB00] =	vst v63  }
0x313: {  	s12 =	rddreg [dreg:$0x17]  }
0x314: {  	[spmem:s3] =	stream.indirect.scatter.add.f32 [tilespmem:s15], [sflag:$0x5], $0x50, s12, s14, $0xb8;
	[tilespmem:$0x1EB00] =	vst v63  }
0x315: {  	_ =	swait.ge [sflag:s20], $0x1400  }
0x316: {  	[sflag:s20] =	ssyncset.done $0x0  }
0x317: {  	[sflag:s20] =	ssyncadd.s32 $0xFFFFEC00  }
0x318: {  	_ =	swait.ge [sflag:s21], $0x1400  }
0x319: {  	[sflag:s21] =	ssyncset.done $0x0  }
0x31a: {  	s10 =	rddreg [dreg:$0x18];
	[sflag:s21] =	ssyncadd.s32 $0xFFFFEC00  }
0x31b: {  	[tilespmem:s15], [sflag:$0x1] =	stream.indirect.gather [spmem:s2], $0x50, s10, s14, $0xb8;
	[tilespmem:$0x1EB00] =	vst v63  }
0x31c: {  	s12 =	rddreg [dreg:$0x19]  }
0x31d: {  	[spmem:s3] =	stream.indirect.scatter.add.f32 [tilespmem:s16], [sflag:$0x6], $0x50, s12, s14, $0xb8;
	[tilespmem:$0x1EB00] =	vst v63  }
0x31e: {  	_ =	swait.ge [sflag:s22], $0x1400  }
0x31f: {  	[sflag:s22] =	ssyncset.done $0x0  }
0x320: {  	[sflag:s22] =	ssyncadd.s32 $0xFFFFEC00  }
0x321: {  	_ =	swait.ge [sflag:s23], $0x1400  }
0x322: {  	[sflag:s23] =	ssyncset.done $0x0  }
0x323: {  	s10 =	rddreg [dreg:$0x1a];
	[sflag:s23] =	ssyncadd.s32 $0xFFFFEC00  }
0x324: {  	[tilespmem:s16], [sflag:$0x2] =	stream.indirect.gather [spmem:s2], $0x50, s10, s14, $0xb8;
	[tilespmem:$0x1EB00] =	vst v63  }
0x325: {  	s12 =	rddreg [dreg:$0x1b]  }
0x326: {  	[spmem:s3] =	stream.indirect.scatter.add.f32 [tilespmem:s17], [sflag:$0x7], $0x50, s12, s14, $0xb8;
	[tilespmem:$0x1EB00] =	vst v63  }
0x327: {  	_ =	swait.ge [sflag:s24], $0x1400  }
0x328: {  	[sflag:s24] =	ssyncset.done $0x0  }
0x329: {  	[sflag:s24] =	ssyncadd.s32 $0xFFFFEC00  }
0x32a: {  	_ =	swait.ge [sflag:s25], $0x1400  }
0x32b: {  	[sflag:s25] =	ssyncset.done $0x0  }
0x32c: {  	s10 =	rddreg [dreg:$0x1c];
	[sflag:s25] =	ssyncadd.s32 $0xFFFFEC00  }
0x32d: {  	[tilespmem:s17], [sflag:$0x3] =	stream.indirect.gather [spmem:s2], $0x50, s10, s14, $0xb8;
	[tilespmem:$0x1EB00] =	vst v63  }
0x32e: {  	s12 =	rddreg [dreg:$0x1d]  }
0x32f: {  	[spmem:s3] =	stream.indirect.scatter.add.f32 [tilespmem:s19], [sflag:$0x8], $0x50, s12, s14, $0xb8;
	[tilespmem:$0x1EB00] =	vst v63  }
0x330: {  	_ =	swait.ge [sflag:s18], $0x1400  }
0x331: {  	[sflag:s18] =	ssyncset.done $0x0  }
0x332: {  	[sflag:s18] =	ssyncadd.s32 $0xFFFFEC00  }
0x333: {  	_ =	swait.ge [sflag:s26], $0x1400  }
0x334: {  	[sflag:s26] =	ssyncset.done $0x0  }
0x335: {  	s10 =	rddreg [dreg:$0x1e];
	[sflag:s26] =	ssyncadd.s32 $0xFFFFEC00  }
0x336: {  	[tilespmem:s19], [sflag:$0x4] =	stream.indirect.gather [spmem:s2], $0x50, s10, s14, $0xb8;
	[tilespmem:$0x1EB00] =	vst v63  }
0x337: {  	s12 =	rddreg [dreg:$0x1f]  }
0x338: {  	[spmem:s3] =	stream.indirect.scatter.add.f32 [tilespmem:s15], [sflag:$0x5], $0x50, s12, s14, $0xb8;
	[tilespmem:$0x1EB00] =	vst v63  }
0x339: {  	_ =	swait.ge [sflag:s20], $0x1400  }
0x33a: {  	[sflag:s20] =	ssyncset.done $0x0  }
0x33b: {  	[sflag:s20] =	ssyncadd.s32 $0xFFFFEC00  }
0x33c: {  	_ =	swait.ge [sflag:s21], $0x1400  }
0x33d: {  	s10 =	sld [smem:$0x7DD]  }
0x33e: {  	[sflag:s21] =	ssyncset.done $0x0  }
0x33f: {  	s12 =	sld [smem:$0x7DE];
	[sflag:s21] =	ssyncadd.s32 $0xFFFFEC00  }
0x340: {  	[tilespmem:s15], [sflag:$0x1] =	stream.indirect.gather [spmem:s2], $0x50, s10, s14, $0xb8;
	[tilespmem:$0x1EB00] =	vst v63  }
0x341: {  	_ = 	snop  }
0x342: {  	[spmem:s3] =	stream.indirect.scatter.add.f32 [tilespmem:s16], [sflag:$0x6], $0x50, s12, s14, $0xb8;
	[tilespmem:$0x1EB00] =	vst v63  }
0x343: {  	_ =	swait.ge [sflag:s22], $0x1400  }
0x344: {  	[sflag:s22] =	ssyncset.done $0x0  }
0x345: {  	[sflag:s22] =	ssyncadd.s32 $0xFFFFEC00  }
0x346: {  	_ =	swait.ge [sflag:s23], $0x1400  }
0x347: {  	s10 =	sld [smem:$0x7DF]  }
0x348: {  	[sflag:s23] =	ssyncset.done $0x0  }
0x349: {  	s12 =	sld [smem:$0x7E0];
	[sflag:s23] =	ssyncadd.s32 $0xFFFFEC00  }
0x34a: {  	[tilespmem:s16], [sflag:$0x2] =	stream.indirect.gather [spmem:s2], $0x50, s10, s14, $0xb8;
	[tilespmem:$0x1EB00] =	vst v63  }
0x34b: {  	_ = 	snop  }
0x34c: {  	[spmem:s3] =	stream.indirect.scatter.add.f32 [tilespmem:s17], [sflag:$0x7], $0x50, s12, s14, $0xb8;
	[tilespmem:$0x1EB00] =	vst v63  }
0x34d: {  	_ =	swait.ge [sflag:s24], $0x1400  }
0x34e: {  	[sflag:s24] =	ssyncset.done $0x0  }
0x34f: {  	[sflag:s24] =	ssyncadd.s32 $0xFFFFEC00  }
0x350: {  	_ =	swait.ge [sflag:s25], $0x1400  }
0x351: {  	s10 =	sld [smem:$0x7E1]  }
0x352: {  	[sflag:s25] =	ssyncset.done $0x0  }
0x353: {  	s12 =	sld [smem:$0x7E3];
	[sflag:s25] =	ssyncadd.s32 $0xFFFFEC00  }
0x354: {  	[tilespmem:s17], [sflag:$0x3] =	stream.indirect.gather [spmem:s2], $0x50, s10, s14, $0xb8;
	[tilespmem:$0x1EB00] =	vst v63  }
0x355: {  	_ = 	snop  }
0x356: {  	[spmem:s3] =	stream.indirect.scatter.add.f32 [tilespmem:s19], [sflag:$0x8], $0x50, s12, s14, $0xb8;
	[tilespmem:$0x1EB00] =	vst v63  }
0x357: {  	_ =	swait.ge [sflag:s18], $0x1400  }
0x358: {  	[sflag:s18] =	ssyncset.done $0x0  }
0x359: {  	[sflag:s18] =	ssyncadd.s32 $0xFFFFEC00  }
0x35a: {  	_ =	swait.ge [sflag:s26], $0x1400  }
0x35b: {  	s10 =	sld [smem:$0x7E4]  }
0x35c: {  	[sflag:s26] =	ssyncset.done $0x0  }
0x35d: {  	s12 =	sld [smem:$0x7E5];
	[sflag:s26] =	ssyncadd.s32 $0xFFFFEC00  }
0x35e: {  	[tilespmem:s19], [sflag:$0x4] =	stream.indirect.gather [spmem:s2], $0x50, s10, s14, $0xb8;
	[tilespmem:$0x1EB00] =	vst v63  }
0x35f: {  	_ = 	snop  }
0x360: {  	[spmem:s3] =	stream.indirect.scatter.add.f32 [tilespmem:s15], [sflag:$0x5], $0x50, s12, s14, $0xb8;
	[tilespmem:$0x1EB00] =	vst v63  }
0x361: {  	_ =	swait.ge [sflag:s20], $0x1400  }
0x362: {  	[sflag:s20] =	ssyncset.done $0x0  }
0x363: {  	[sflag:s20] =	ssyncadd.s32 $0xFFFFEC00  }
0x364: {  	_ =	swait.ge [sflag:s21], $0x1400  }
0x365: {  	s10 =	sld [smem:$0x7E6]  }
0x366: {  	[sflag:s21] =	ssyncset.done $0x0  }
0x367: {  	s12 =	sld [smem:$0x7E8];
	[sflag:s21] =	ssyncadd.s32 $0xFFFFEC00  }
0x368: {  	[tilespmem:s15], [sflag:$0x1] =	stream.indirect.gather [spmem:s2], $0x50, s10, s14, $0xb8;
	[tilespmem:$0x1EB00] =	vst v63  }
0x369: {  	_ = 	snop  }
0x36a: {  	[spmem:s3] =	stream.indirect.scatter.add.f32 [tilespmem:s16], [sflag:$0x6], $0x50, s12, s14, $0xb8;
	[tilespmem:$0x1EB00] =	vst v63  }
0x36b: {  	_ =	swait.ge [sflag:s22], $0x1400  }
0x36c: {  	[sflag:s22] =	ssyncset.done $0x0  }
0x36d: {  	[sflag:s22] =	ssyncadd.s32 $0xFFFFEC00  }
0x36e: {  	_ =	swait.ge [sflag:s23], $0x1400  }
0x36f: {  	s10 =	sld [smem:$0x7EA]  }
0x370: {  	[sflag:s23] =	ssyncset.done $0x0  }
0x371: {  	s12 =	sld [smem:$0x7EC];
	[sflag:s23] =	ssyncadd.s32 $0xFFFFEC00  }
0x372: {  	[tilespmem:s16], [sflag:$0x2] =	stream.indirect.gather [spmem:s2], $0x50, s10, s14, $0xb8;
	[tilespmem:$0x1EB00] =	vst v63  }
0x373: {  	_ = 	snop  }
0x374: {  	[spmem:s3] =	stream.indirect.scatter.add.f32 [tilespmem:s17], [sflag:$0x7], $0x50, s12, s14, $0xb8;
	[tilespmem:$0x1EB00] =	vst v63  }
0x375: {  	_ =	swait.ge [sflag:s24], $0x1400  }
0x376: {  	[sflag:s24] =	ssyncset.done $0x0  }
0x377: {  	[sflag:s24] =	ssyncadd.s32 $0xFFFFEC00  }
0x378: {  	_ =	swait.ge [sflag:s25], $0x1400  }
0x379: {  	s10 =	sld [smem:$0x7EE]  }
0x37a: {  	[sflag:s25] =	ssyncset.done $0x0  }
0x37b: {  	s12 =	sld [smem:$0x7EF];
	[sflag:s25] =	ssyncadd.s32 $0xFFFFEC00  }
0x37c: {  	[tilespmem:s17], [sflag:$0x3] =	stream.indirect.gather [spmem:s2], $0x50, s10, s14, $0xb8;
	[tilespmem:$0x1EB00] =	vst v63  }
0x37d: {  	_ = 	snop  }
0x37e: {  	[spmem:s3] =	stream.indirect.scatter.add.f32 [tilespmem:s19], [sflag:$0x8], $0x50, s12, s14, $0xb8;
	[tilespmem:$0x1EB00] =	vst v63  }
0x37f: {  	_ =	swait.ge [sflag:s18], $0x1400  }
0x380: {  	[sflag:s18] =	ssyncset.done $0x0  }
0x381: {  	[sflag:s18] =	ssyncadd.s32 $0xFFFFEC00  }
0x382: {  	_ =	swait.ge [sflag:s26], $0x1400  }
0x383: {  	s10 =	sld [smem:$0x7F0]  }
0x384: {  	[sflag:s26] =	ssyncset.done $0x0  }
0x385: {  	s12 =	sld [smem:$0x7F1];
	[sflag:s26] =	ssyncadd.s32 $0xFFFFEC00  }
0x386: {  	[tilespmem:s19], [sflag:$0x4] =	stream.indirect.gather [spmem:s2], $0x50, s10, s14, $0xb8;
	[tilespmem:$0x1EB00] =	vst v63  }
0x387: {  	_ = 	snop  }
0x388: {  	[spmem:s3] =	stream.indirect.scatter.add.f32 [tilespmem:s15], [sflag:$0x5], $0x50, s12, s14, $0xb8;
	[tilespmem:$0x1EB00] =	vst v63  }
0x389: {  	_ =	swait.ge [sflag:s20], $0x1400  }
0x38a: {  	[sflag:s20] =	ssyncset.done $0x0  }
0x38b: {  	[sflag:s20] =	ssyncadd.s32 $0xFFFFEC00  }
0x38c: {  	_ =	swait.ge [sflag:s21], $0x1400  }
0x38d: {  	s10 =	sld [smem:$0x7F2]  }
0x38e: {  	[sflag:s21] =	ssyncset.done $0x0  }
0x38f: {  	s12 =	sld [smem:$0x7F3];
	[sflag:s21] =	ssyncadd.s32 $0xFFFFEC00  }
0x390: {  	[tilespmem:s15], [sflag:$0x1] =	stream.indirect.gather [spmem:s2], $0x50, s10, s14, $0xb8;
	[tilespmem:$0x1EB00] =	vst v63  }
0x391: {  	_ = 	snop  }
0x392: {  	[spmem:s3] =	stream.indirect.scatter.add.f32 [tilespmem:s16], [sflag:$0x6], $0x50, s12, s14, $0xb8;
	[tilespmem:$0x1EB00] =	vst v63  }
0x393: {  	_ =	swait.ge [sflag:s22], $0x1400  }
0x394: {  	[sflag:s22] =	ssyncset.done $0x0  }
0x395: {  	[sflag:s22] =	ssyncadd.s32 $0xFFFFEC00  }
0x396: {  	_ =	swait.ge [sflag:s23], $0x1400  }
0x397: {  	s10 =	sld [smem:$0x7F4]  }
0x398: {  	[sflag:s23] =	ssyncset.done $0x0  }
0x399: {  	s12 =	sld [smem:$0x7F5];
	[sflag:s23] =	ssyncadd.s32 $0xFFFFEC00  }
0x39a: {  	[tilespmem:s16], [sflag:$0x2] =	stream.indirect.gather [spmem:s2], $0x50, s10, s14, $0xb8;
	[tilespmem:$0x1EB00] =	vst v63  }
0x39b: {  	_ = 	snop  }
0x39c: {  	[spmem:s3] =	stream.indirect.scatter.add.f32 [tilespmem:s17], [sflag:$0x7], $0x50, s12, s14, $0xb8;
	[tilespmem:$0x1EB00] =	vst v63  }
0x39d: {  	_ =	swait.ge [sflag:s24], $0x1400  }
0x39e: {  	[sflag:s24] =	ssyncset.done $0x0  }
0x39f: {  	[sflag:s24] =	ssyncadd.s32 $0xFFFFEC00  }
0x3a0: {  	_ =	swait.ge [sflag:s25], $0x1400  }
0x3a1: {  	s10 =	sld [smem:$0x7F6]  }
0x3a2: {  	[sflag:s25] =	ssyncset.done $0x0  }
0x3a3: {  	s12 =	sld [smem:$0x7F7];
	[sflag:s25] =	ssyncadd.s32 $0xFFFFEC00  }
0x3a4: {  	[tilespmem:s17], [sflag:$0x3] =	stream.indirect.gather [spmem:s2], $0x50, s10, s14, $0xb8;
	[tilespmem:$0x1EB00] =	vst v63  }
0x3a5: {  	_ = 	snop  }
0x3a6: {  	[spmem:s3] =	stream.indirect.scatter.add.f32 [tilespmem:s19], [sflag:$0x8], $0x50, s12, s14, $0xb8;
	[tilespmem:$0x1EB00] =	vst v63  }
0x3a7: {  	_ =	swait.ge [sflag:s18], $0x1400  }
0x3a8: {  	[sflag:s18] =	ssyncset.done $0x0  }
0x3a9: {  	[sflag:s18] =	ssyncadd.s32 $0xFFFFEC00  }
0x3aa: {  	_ =	swait.ge [sflag:s26], $0x1400  }
0x3ab: {  	s10 =	sld [smem:$0x7F8]  }
0x3ac: {  	[sflag:s26] =	ssyncset.done $0x0  }
0x3ad: {  	s12 =	sld [smem:$0x7F9];
	[sflag:s26] =	ssyncadd.s32 $0xFFFFEC00  }
0x3ae: {  	[tilespmem:s19], [sflag:$0x4] =	stream.indirect.gather [spmem:s2], $0x50, s10, s14, $0xb8;
	[tilespmem:$0x1EB00] =	vst v63  }
0x3af: {  	_ = 	snop  }
0x3b0: {  	[spmem:s3] =	stream.indirect.scatter.add.f32 [tilespmem:s15], [sflag:$0x5], $0x50, s12, s14, $0xb8;
	[tilespmem:$0x1EB00] =	vst v63  }
0x3b1: {  	_ =	swait.ge [sflag:s20], $0x1400  }
0x3b2: {  	[sflag:s20] =	ssyncset.done $0x0  }
0x3b3: {  	[sflag:s20] =	ssyncadd.s32 $0xFFFFEC00  }
0x3b4: {  	_ =	swait.ge [sflag:s21], $0x1400  }
0x3b5: {  	s10 =	sld [smem:$0x7FA]  }
0x3b6: {  	[sflag:s21] =	ssyncset.done $0x0  }
0x3b7: {  	s12 =	sld [smem:$0x7FB];
	[sflag:s21] =	ssyncadd.s32 $0xFFFFEC00  }
0x3b8: {  	[tilespmem:s15], [sflag:$0x1] =	stream.indirect.gather [spmem:s2], $0x50, s10, s14, $0xb8;
	[tilespmem:$0x1EB00] =	vst v63  }
0x3b9: {  	_ = 	snop  }
0x3ba: {  	[spmem:s3] =	stream.indirect.scatter.add.f32 [tilespmem:s16], [sflag:$0x6], $0x50, s12, s14, $0xb8;
	[tilespmem:$0x1EB00] =	vst v63  }
0x3bb: {  	_ =	swait.ge [sflag:s22], $0x1400  }
0x3bc: {  	[sflag:s22] =	ssyncset.done $0x0  }
0x3bd: {  	[sflag:s22] =	ssyncadd.s32 $0xFFFFEC00  }
0x3be: {  	_ =	swait.ge [sflag:s23], $0x1400  }
0x3bf: {  	[sflag:s23] =	ssyncset.done $0x0  }
0x3c0: {  	[sflag:s23] =	ssyncadd.s32 $0xFFFFEC00  }
0x3c1: {  	[tilespmem:s16], [sflag:$0x2] =	stream.indirect.gather [spmem:s2], $0x50, s28, s14, $0xb8;
	[tilespmem:$0x1EB00] =	vst v63  }
0x3c2: {  	_ = 	snop  }
0x3c3: {  	[spmem:s3] =	stream.indirect.scatter.add.f32 [tilespmem:s17], [sflag:$0x7], $0x50, s29, s14, $0xb8;
	[tilespmem:$0x1EB00] =	vst v63  }
0x3c4: {  	_ =	swait.ge [sflag:s24], $0x1400  }
0x3c5: {  	[sflag:s24] =	ssyncset.done $0x0  }
0x3c6: {  	[sflag:s24] =	ssyncadd.s32 $0xFFFFEC00  }
0x3c7: {  	_ =	swait.ge [sflag:s25], $0x1400  }
0x3c8: {  	[sflag:s25] =	ssyncset.done $0x0  }
0x3c9: {  	[sflag:s25] =	ssyncadd.s32 $0xFFFFEC00  }
0x3ca: {  	[tilespmem:s17], [sflag:$0x3] =	stream.indirect.gather [spmem:s2], $0x50, s30, s14, $0xb8;
	[tilespmem:$0x1EB00] =	vst v63  }
0x3cb: {  	_ = 	snop  }
0x3cc: {  	[spmem:s3] =	stream.indirect.scatter.add.f32 [tilespmem:s19], [sflag:$0x8], $0x50, s31, s14, $0xb8;
	[tilespmem:$0x1EB00] =	vst v63  }
0x3cd: {  	_ =	swait.ge [sflag:s18], $0x1400  }
0x3ce: {  	[sflag:s18] =	ssyncset.done $0x0  }
0x3cf: {  	[sflag:s18] =	ssyncadd.s32 $0xFFFFEC00  }
0x3d0: {  	_ =	swait.ge [sflag:s26], $0x1400  }
0x3d1: {  	[sflag:s26] =	ssyncset.done $0x0  }
0x3d2: {  	[sflag:s26] =	ssyncadd.s32 $0xFFFFEC00  }
0x3d3: {  	[tilespmem:s19], [sflag:$0x4] =	stream.indirect.gather [spmem:s2], $0x50, s1, s14, $0xb8;
	[tilespmem:$0x1EB00] =	vst v63  }
0x3d4: {  	_ = 	snop  }
0x3d5: {  	[spmem:s3] =	stream.indirect.scatter.add.f32 [tilespmem:s15], [sflag:$0x5], $0x50, s0, s14, $0xb8;
	[tilespmem:$0x1EB00] =	vst v63  }
0x3d6: {  	_ =	swait.ge [sflag:s20], $0x1400  }
0x3d7: {  	[sflag:s20] =	ssyncset.done $0x0  }
0x3d8: {  	[sflag:s20] =	ssyncadd.s32 $0xFFFFEC00  }
0x3d9: {  	[spmem:s3] =	stream.indirect.scatter.add.f32 [tilespmem:s16], [sflag:$0x6], $0x50, s5, s14, $0xb8;
	[tilespmem:$0x1EB00] =	vst v63  }
0x3da: {  	_ =	swait.ge [sflag:s22], $0x1400  }
0x3db: {  	[sflag:s22] =	ssyncset.done $0x0  }
0x3dc: {  	[sflag:s22] =	ssyncadd.s32 $0xFFFFEC00  }
0x3dd: {  	[spmem:s3] =	stream.indirect.scatter.add.f32 [tilespmem:s17], [sflag:$0x7], $0x50, s7, s14, $0xb8;
	[tilespmem:$0x1EB00] =	vst v63  }
0x3de: {  	_ =	swait.ge [sflag:s24], $0x1400  }
0x3df: {  	[sflag:s24] =	ssyncset.done $0x0  }
0x3e0: {  	[sflag:s24] =	ssyncadd.s32 $0xFFFFEC00  }
0x3e1: {  	[spmem:s3] =	stream.indirect.scatter.add.f32 [tilespmem:s19], [sflag:$0x8], $0x50, s8, s14, $0xb8;
	[tilespmem:$0x1EB00] =	vst v63  }
0x3e2: {  	_ =	swait.ge [sflag:s21], $0x1400  }
0x3e3: {  	[sflag:s21] =	ssyncset.done $0x0  }
0x3e4: {  	[sflag:s21] =	ssyncadd.s32 $0xFFFFEC00  }
0x3e5: {  	_ =	swait.ge [sflag:s23], $0x1400  }
0x3e6: {  	[sflag:s23] =	ssyncset.done $0x0  }
0x3e7: {  	[sflag:s23] =	ssyncadd.s32 $0xFFFFEC00  }
0x3e8: {  	_ =	swait.ge [sflag:s25], $0x1400  }
0x3e9: {  	[sflag:s25] =	ssyncset.done $0x0  }
0x3ea: {  	[sflag:s25] =	ssyncadd.s32 $0xFFFFEC00  }
0x3eb: {  	_ =	swait.ge [sflag:s26], $0x1400  }
0x3ec: {  	[sflag:s26] =	ssyncset.done $0x0  }
0x3ed: {  	[sflag:s26] =	ssyncadd.s32 $0xFFFFEC00  }
0x3ee: {  	[bflag:$0x0] =	sbarrier.arrive $0xFFFF  }
0x3ef: {  	s9 =	sld [smem:$0x7FC]  }
0x3f0: {  	s10 =	sld [smem:$0x7E9]  }
0x3f1: {  	s12 =	sld [smem:$0x7FD];
	_ =	sdelay $0x2  }
0x3f2: {  	[hbm:s10], [sflag:s9] =	dma.local [spmem:s12], $0x18B0  }
0x3f3: {  	_ =	swait.ge [sflag:s11], $0x18B0  }
0x3f4: {  	s6 =	sld [smem:$0x7DC];
	_ =	sdelay $0x2  }
0x3f5: {  	s10 =	sadd.s32 $0x1, s6;
	s6 =	sld [smem:$0x7EB];
	_ =	sdelay $0x2  }
0x3f6: {  	p0 =	sne.s32 s10, s6  }
.Ltmp1:
0x3f7: {  	_ = 	snop;
	(pc) =	sbr.rel @p0 .LBB2_1-.Ltmp1, $3  }
0x3f8: {  	_ =	sdelay $0x1  }
0x3f9: {  	[sflag:s11] =	ssyncset.done $0x0  }
0x3fa: {  	[sflag:s11] =	ssyncadd.s32 $0xFFFFE750  }
0x3fb: {  	_ =	sfence.sel $0x180000  }
0x3fc: {  	[bflag:$0x0] =	sbarrier.arrive $0xFFFF  }
0x3fd: {  	_ =	strace $0x90000047  }
0x3fe: {  	s0 =	stileid.u32;
	[bflag:$0x2] =	sbarrier.arrive $0xFFFF  }
0x3ff: {  	p0 =	sne.s32 s0, $0x0;
	s0 =	rddreg [dreg:$0x3]  }
0x400: {  	s0 =	sadd.s32 @!p0 $0x100000, s0  }
0x401: {  	[sflag:s0] =	ssyncadd.tile.s32 @!p0 $0x1;
	_ =	shalt  }
.Lfunc_end2:
_tile_overlayer_lowered:
.L_overlay_start_2:
0x402: {  	(tag) =	ssettag $0x2  }
0x403: {  	s0 =	rddreg [dreg:$0x0];
	s2 =	stileid.u32  }
0x404: {  	s1 =	rddreg [dreg:$0x1];
	p0 =	sne.s32 s2, $0x0  }
0x405: {  	s3 =	rddreg [dreg:$0x2];
	[bflag:$0x3] =	sbarrier.arrive $0xFFFF;
	s2 =	simm.s32 @!p0 $0x1C09  }
0x406: {  	[timem:s3], [sflag:s2] =	dma.local @!p0 [hbm:s0], s1  }
0x407: {  	s0 =	simm.s32 @!p0 $0x9  }
0x408: {  	_ =	swait.ge @!p0 [sflag:s0], s1  }
0x409: {  	s1 =	ssub.s32 @!p0 $0x0, s1;
	[sflag:s0] =	ssyncset.done @!p0 $0x0  }
0x40a: {  	[sflag:s0] =	ssyncadd.s32 @!p0 s1  }
0x40b: {  	[bflag:$0x3] =	sbarrier.arrive $0xFFFF  }
0x40c: {  	_ =	shalt  }

</sc_bundles>
